<compile_context>
chip_gen: v7x
topology: tpu7x:2x2x1
jax: 0.10.2.dev20260603
libtpu: 0.0.44.dev20260713+nightly
codegen_flags: <defaults>
</compile_context>

<pallas_src>
import functools

import jax
import jax.numpy as jnp
from jax import lax
from jax.experimental import pallas as pl
from jax.experimental.pallas import tpu as pltpu
from jax.experimental.pallas import tpu_sc as plsc

NUM_SPECIES = 4
B, A, AEV = 1024, 32, 384
N = B * A
D1, D2, D3 = 160, 128, 96
TOK_BLK = 2048
NBLK = N // TOK_BLK + NUM_SPECIES
C = NBLK * TOK_BLK
RR, RC = 256, 128

NCORE, NSUB = 2, 16
NW = NCORE * NSUB
TPW = N // NW
CHUNK = 128
NCH = TPW // CHUNK
TPC = N // NSUB
NCC = TPC // CHUNK


def _celu(x):
    return jnp.where(x > 0, x, jnp.exp(x) - 1.0)


def _route_kernel(s_ref, dst_ref, blk_ref):
    sp = s_ref[...]
    ci = lax.broadcasted_iota(jnp.int32, (RC, RC), 0)
    cj = lax.broadcasted_iota(jnp.int32, (RC, RC), 1)
    tri_col = (ci < cj).astype(jnp.float32)
    ri = lax.broadcasted_iota(jnp.int32, (RR, RR), 0)
    rj = lax.broadcasted_iota(jnp.int32, (RR, RR), 1)
    tri_row = (rj < ri).astype(jnp.float32)
    kb = lax.broadcasted_iota(jnp.int32, (1, RC), 1)
    dst = jnp.zeros((RR, RC), jnp.int32)
    sblk = jnp.zeros((1, RC), jnp.int32)
    vcnt = jnp.zeros((1, RC), jnp.int32)
    off = jnp.int32(0)
    cumblk = jnp.int32(0)
    for s in range(NUM_SPECIES):
        m = sp == s
        mf = m.astype(jnp.float32)
        prior = jnp.dot(mf, tri_col, preferred_element_type=jnp.float32)
        rowcnt = jnp.sum(mf, axis=1, keepdims=True)
        rowoff = jnp.dot(tri_row, rowcnt, preferred_element_type=jnp.float32)
        rank = (prior + rowoff).astype(jnp.int32)
        total = jnp.sum(mf).astype(jnp.int32)
        dst = jnp.where(m, off + rank, dst)
        nb = (total + TOK_BLK - 1) // TOK_BLK
        new_cumblk = cumblk + nb
        sblk = sblk + (kb >= new_cumblk).astype(jnp.int32)
        in_seg = (kb >= cumblk) & (kb < new_cumblk)
        v = jnp.clip(total - (kb - cumblk) * TOK_BLK, 0, TOK_BLK)
        vcnt = jnp.where(in_seg, v, vcnt)
        off = off + nb * TOK_BLK
        cumblk = new_cumblk
    dst_ref[...] = dst
    blk_ref[0, :] = jnp.minimum(sblk, NUM_SPECIES - 1)[0]
    blk_ref[1, :] = vcnt[0]


def _route(species_2d):
    return pl.pallas_call(
        _route_kernel,
        in_specs=[pl.BlockSpec((RR, RC), lambda: (0, 0))],
        out_specs=[pl.BlockSpec((RR, RC), lambda: (0, 0)),
                   pl.BlockSpec((2, RC), lambda: (0, 0))],
        out_shape=[jax.ShapeDtypeStruct((RR, RC), jnp.int32),
                   jax.ShapeDtypeStruct((2, RC), jnp.int32)],
    )(species_2d)


@functools.cache
def _mesh():
    return plsc.VectorSubcoreMesh(core_axis_name="c", subcore_axis_name="s",
                                  num_cores=NCORE, num_subcores=NSUB)


@functools.cache
def _sc_scatter_built():
    return functools.partial(
        pl.kernel,
        mesh=_mesh(),
        out_type=jax.ShapeDtypeStruct((C, AEV), jnp.float32),
        scratch_types=[
            pltpu.VMEM((NCH, CHUNK), jnp.int32),
            pltpu.VMEM((CHUNK, AEV), jnp.float32),
            pltpu.VMEM((CHUNK, AEV), jnp.float32),
            pltpu.SemaphoreType.DMA,
            pltpu.SemaphoreType.DMA,
        ],
    )(_sc_scatter_body)


def _sc_scatter_body(aev_hbm, dst_hbm, xs_hbm, idx_v, rows_a, rows_b,
                     rsem, wsem):
    cid = lax.axis_index("c")
    sid = lax.axis_index("s")
    wid = sid * NCORE + cid
    base = wid * TPW
    pltpu.sync_copy(dst_hbm.at[wid], idx_v)
    bufs = (rows_a, rows_b)
    reads = [None] * NCH
    writes = [None] * NCH
    for ch in range(2):
        reads[ch] = pltpu.make_async_copy(
            aev_hbm.at[pl.ds(base + ch * CHUNK, CHUNK)], bufs[ch], rsem)
        reads[ch].start()
    for ch in range(NCH):
        reads[ch].wait()
        writes[ch] = pltpu.make_async_copy(bufs[ch % 2],
                                           xs_hbm.at[idx_v.at[ch]], wsem)
        writes[ch].start()
        if ch + 2 < NCH:
            writes[ch].wait()
            reads[ch + 2] = pltpu.make_async_copy(
                aev_hbm.at[pl.ds(base + (ch + 2) * CHUNK, CHUNK)],
                bufs[ch % 2], rsem)
            reads[ch + 2].start()
    writes[NCH - 2].wait()
    writes[NCH - 1].wait()


def _mlp_kernel(sblk_ref, vcnt_ref, x_ref, w1_ref, b1_ref, w2_ref, b2_ref,
                w3_ref, b3_ref, w4_ref, b4_ref, o_ref):
    del sblk_ref
    x = x_ref[...]
    h = _celu(jnp.dot(x, w1_ref[0], preferred_element_type=jnp.float32)
              + b1_ref[0])
    h = _celu(jnp.dot(h, w2_ref[0], preferred_element_type=jnp.float32)
              + b2_ref[0])
    h = _celu(jnp.dot(h, w3_ref[0], preferred_element_type=jnp.float32)
              + b3_ref[0])
    e = (jnp.dot(h, w4_ref[0], preferred_element_type=jnp.float32)
         + b4_ref[0])
    valid = (lax.broadcasted_iota(jnp.int32, (TOK_BLK, 1), 0)
             < vcnt_ref[pl.program_id(0)])
    o_ref[...] = jnp.where(valid, e, 0.0)


def _mlp(sblk, vcnt, x_sorted, W1, b1, W2, b2, W3, b3, W4, b4):
    grid_spec = pltpu.PrefetchScalarGridSpec(
        num_scalar_prefetch=2,
        grid=(NBLK,),
        in_specs=[
            pl.BlockSpec((TOK_BLK, AEV), lambda b, sb, vc: (b, 0)),
            pl.BlockSpec((1, AEV, D1), lambda b, sb, vc: (sb[b], 0, 0)),
            pl.BlockSpec((1, 1, D1), lambda b, sb, vc: (sb[b], 0, 0)),
            pl.BlockSpec((1, D1, D2), lambda b, sb, vc: (sb[b], 0, 0)),
            pl.BlockSpec((1, 1, D2), lambda b, sb, vc: (sb[b], 0, 0)),
            pl.BlockSpec((1, D2, D3), lambda b, sb, vc: (sb[b], 0, 0)),
            pl.BlockSpec((1, 1, D3), lambda b, sb, vc: (sb[b], 0, 0)),
            pl.BlockSpec((1, D3, 1), lambda b, sb, vc: (sb[b], 0, 0)),
            pl.BlockSpec((1, 1, 1), lambda b, sb, vc: (sb[b], 0, 0)),
        ],
        out_specs=pl.BlockSpec((TOK_BLK, 1), lambda b, sb, vc: (b, 0)),
    )
    return pl.pallas_call(
        _mlp_kernel,
        grid_spec=grid_spec,
        out_shape=jax.ShapeDtypeStruct((C, 1), jnp.float32),
    )(sblk, vcnt, x_sorted,
      W1, b1.reshape(NUM_SPECIES, 1, D1),
      W2, b2.reshape(NUM_SPECIES, 1, D2),
      W3, b3.reshape(NUM_SPECIES, 1, D3),
      W4, b4.reshape(NUM_SPECIES, 1, 1))


@functools.cache
def _sc_combine_built():
    return functools.partial(
        pl.kernel,
        mesh=_mesh(),
        out_type=jax.ShapeDtypeStruct((B,), jnp.float32),
        scratch_types=[
            pltpu.VMEM((NCC, CHUNK), jnp.int32),
            pltpu.VMEM((NCC, CHUNK), jnp.int32),
            pltpu.VMEM((NCC, CHUNK), jnp.float32),
            pltpu.VMEM((B,), jnp.float32),
            pltpu.VMEM_SHARED((B,), jnp.float32),
            pltpu.SemaphoreType.DMA,
        ],
    )(_sc_combine_body)


def _sc_combine_body(e_hbm, dst_hbm, out_hbm, idx_v, mol_v, e_v, zero_v,
                     acc_sh, gsem):
    cid = lax.axis_index("c")
    sid = lax.axis_index("s")

    @pl.when(cid == 0)
    def _core0():
        base = sid * TPC
        pltpu.sync_copy(dst_hbm.at[sid], idx_v)
        gets = []
        for ch in range(NCC):
            cp = pltpu.make_async_copy(e_hbm.at[idx_v.at[ch]], e_v.at[ch],
                                       gsem)
            cp.start()
            gets.append(cp)
        for ch in range(NCC):
            for q in range(CHUNK // 16):
                t = lax.iota(jnp.int32, 16) + (base + ch * CHUNK + q * 16)
                mol_v[ch, pl.ds(q * 16, 16)] = jnp.right_shift(t, 5)

        @pl.when(sid == 0)
        def _init():
            for q in range(B // 16):
                zero_v[pl.ds(q * 16, 16)] = jnp.zeros((16,), jnp.float32)
            pltpu.sync_copy(zero_v, acc_sh)

        for cp in gets:
            cp.wait()
        plsc.subcore_barrier()
        for ch in range(NCC):
            pltpu.sync_copy(e_v.at[ch], acc_sh.at[mol_v.at[ch]], add=True)
        plsc.subcore_barrier()

        @pl.when(sid == 0)
        def _emit():
            pltpu.sync_copy(acc_sh, out_hbm)


def kernel(species, aev, W1, b1, W2, b2, W3, b3, W4, b4):
    species_2d = species.reshape(RR, RC)
    aev_flat = aev.reshape(N, AEV)
    dst, blk = _route(species_2d)
    sblk = blk[0, :NBLK]
    vcnt = blk[1, :NBLK]
    x_sorted = _sc_scatter_built()(aev_flat, dst.reshape(NW, NCH, CHUNK))
    e_pad = _mlp(sblk, vcnt, x_sorted, W1, b1, W2, b2, W3, b3, W4, b4)
    return _sc_combine_built()(e_pad.reshape(C),
                               dst.reshape(NSUB, NCC, CHUNK))

# --- scband reference (transcript-rebuilt; emitter-appended) ---
"""Pipeline reference for scband-aninetwork-47880295416070 (READ-ONLY COPY).

The authoritative reference and input builder live on the scoring server;
editing this copy changes nothing except your own understanding.
"""

import jax, jax.numpy as jnp
import numpy as np

NUM_SPECIES = 4
AEV_LEN = 384
B, A = 1024, 32
DIMS = [AEV_LEN, 160, 128, 96, 1]


def setup_inputs(seed: int = 0) -> dict:
    key = jax.random.key(seed)
    ks = jax.random.split(key, 2 + 2 * 4)
    species = jax.random.randint(ks[0], (B, A), 0, NUM_SPECIES)
    aev = jax.random.normal(ks[1], (B, A, AEV_LEN), dtype=jnp.float32)
    inp = {"species": species, "aev": aev}
    for li in range(4):
        din, dout = DIMS[li], DIMS[li + 1]
        inp[f"W{li + 1}"] = jax.random.normal(ks[2 + 2 * li], (NUM_SPECIES, din, dout), dtype=jnp.float32) * (1.0 / np.sqrt(din))
        inp[f"b{li + 1}"] = jnp.zeros((NUM_SPECIES, dout), dtype=jnp.float32)
    return inp


def reference(species, aev, W1, b1, W2, b2, W3, b3, W4, b4):
    # Faithful to ANINetwork.forward_potential_part: flatten (mol, atom) -> tokens,
    # route each token to the MLP expert matching its species id, scatter energies
    # back, then sum per molecule. Masked dense form is mathematically identical to
    # the index_select + masked_scatter_ in the torch code.
    species_flat = species.reshape(-1)
    aev_flat = aev.reshape(-1, aev.shape[-1])
    out = jnp.zeros(species_flat.shape, dtype=aev_flat.dtype)
    for i in range(NUM_SPECIES):
        h = jax.nn.celu(aev_flat @ W1[i] + b1[i])
        h = jax.nn.celu(h @ W2[i] + b2[i])
        h = jax.nn.celu(h @ W3[i] + b3[i])
        e = (h @ W4[i] + b4[i])[:, 0]
        out = out + jnp.where(species_flat == i, e, jnp.zeros_like(e))
    energies = out.reshape(species.shape).sum(axis=-1)
    return energies

if __name__ == "__main__":
    import jax
    _d = setup_inputs()
    print(jax.jit(kernel)(*tuple(_d.values())))

</pallas_src>

<mosaic_0001>
#map = affine_map<(d0, d1) -> (0)>
#map1 = affine_map<(d0, d1) -> (0, 0, 0)>
module attributes {stable_mosaic.version = 14 : i64} {
  func.func @_sc_combine_body(%arg0: i32, %arg1: i32, %arg2: memref<40960xf32, #tpu.memory_space<hbm>>, %arg3: memref<16x16x128xi32, #tpu.memory_space<hbm>>, %arg4: memref<1024xf32, #tpu.memory_space<hbm>>, %arg5: memref<16x128xi32, #tpu.memory_space<vmem>>, %arg6: memref<16x128xi32, #tpu.memory_space<vmem>>, %arg7: memref<16x128xf32, #tpu.memory_space<vmem>>, %arg8: memref<1024xf32, #tpu.memory_space<vmem>>, %arg9: memref<1024xf32, #tpu.memory_space<vmem_shared>>, %arg10: memref<!tpu.dma_semaphore, #tpu.memory_space<semaphore_mem>>) attributes {dimension_semantics = [#tpu.dimension_semantics<core_parallel>, #tpu.dimension_semantics<subcore_parallel>], iteration_bounds = array<i64: 2, 16>, scalar_prefetch = 0 : i64, scratch_operands = 6 : i64, tpu.core_type = #tpu.core_type<sc_vector_subcore>, window_params = [{transform_indices = #map}, {transform_indices = #map1}, {transform_indices = #map}]} {
    %eq3A = arith.constant 0 : i32
    %eq3A_0 = arith.cmpi eq, %arg0, %eq3A : i32
    %convert_element_type3A = arith.extui %eq3A_0 : i1 to i32
    %cond3A = arith.constant 0 : i32
    %cond3A_1 = arith.cmpi ne, %convert_element_type3A, %cond3A : i32
    scf.if %cond3A_1 {
      %mul3A = arith.constant 2048 : i32
      %mul3A_2 = arith.muli %arg1, %mul3A : i32
      "tpu.region"() ({
        %run_scoped3A_2407 = tpu.sem_alloc : memref<!tpu.dma_semaphore, #tpu.memory_space<semaphore_mem>>
        %dma_start3A_2408 = arith.constant 0 : i32
        %dma_start3A_2409 = arith.constant 0 : i32
        %dma_start3A_2410 = tpu.memref_slice %arg3[%arg1, %dma_start3A_2408, %dma_start3A_2409] : memref<16x16x128xi32, #tpu.memory_space<hbm>> -> memref<1x16x128xi32, #tpu.memory_space<hbm>>
        %dma_start3A_2411 = tpu.memref_squeeze %dma_start3A_2410 : memref<1x16x128xi32, #tpu.memory_space<hbm>> -> memref<16x128xi32, #tpu.memory_space<hbm>>
        %dma_start3A_2412 = arith.constant 0 : i32
        %dma_start3A_2413 = arith.constant 0 : i32
        %dma_start3A_2414 = tpu.memref_slice %arg3[%arg1, %dma_start3A_2412, %dma_start3A_2413] : memref<16x16x128xi32, #tpu.memory_space<hbm>> -> memref<1x16x128xi32, #tpu.memory_space<hbm>>
        %dma_start3A_2415 = tpu.memref_squeeze %dma_start3A_2414 : memref<1x16x128xi32, #tpu.memory_space<hbm>> -> memref<16x128xi32, #tpu.memory_space<hbm>>
        tpu.enqueue_dma source(%dma_start3A_2415 : memref<16x128xi32, #tpu.memory_space<hbm>>) target(%arg5 : memref<16x128xi32, #tpu.memory_space<vmem>>) target_semaphore(%run_scoped3A_2407 : memref<!tpu.dma_semaphore, #tpu.memory_space<semaphore_mem>>)
        %dma_wait3A_2416 = arith.constant 0 : i32
        %dma_wait3A_2417 = arith.constant 0 : i32
        %dma_wait3A_2418 = tpu.memref_slice %arg3[%arg1, %dma_wait3A_2416, %dma_wait3A_2417] : memref<16x16x128xi32, #tpu.memory_space<hbm>> -> memref<1x16x128xi32, #tpu.memory_space<hbm>>
        %dma_wait3A_2419 = tpu.memref_squeeze %dma_wait3A_2418 : memref<1x16x128xi32, #tpu.memory_space<hbm>> -> memref<16x128xi32, #tpu.memory_space<hbm>>
        %dma_wait3A_2420 = arith.constant 0 : i32
        %dma_wait3A_2421 = arith.constant 0 : i32
        %dma_wait3A_2422 = tpu.memref_slice %arg3[%arg1, %dma_wait3A_2420, %dma_wait3A_2421] : memref<16x16x128xi32, #tpu.memory_space<hbm>> -> memref<1x16x128xi32, #tpu.memory_space<hbm>>
        %dma_wait3A_2423 = tpu.memref_squeeze %dma_wait3A_2422 : memref<1x16x128xi32, #tpu.memory_space<hbm>> -> memref<16x128xi32, #tpu.memory_space<hbm>>
        tpu.wait_dma2 semaphore(%run_scoped3A_2407 : memref<!tpu.dma_semaphore, #tpu.memory_space<semaphore_mem>>) src(%dma_wait3A_2423 : memref<16x128xi32, #tpu.memory_space<hbm>>) dst(%arg5 : memref<16x128xi32, #tpu.memory_space<vmem>>)
        tpu.yield
      }) : () -> ()
      %dma_start3A = arith.constant 0 : i32
      %dma_start3A_3 = arith.constant 0 : i32
      %dma_start3A_4 = arith.constant 0 : i32
      %dma_start3A_5 = tpu.memref_slice %arg7[%dma_start3A_3, %dma_start3A_4] : memref<16x128xf32, #tpu.memory_space<vmem>> -> memref<1x128xf32, #tpu.memory_space<vmem>>
      %dma_start3A_6 = tpu.memref_squeeze %dma_start3A_5 : memref<1x128xf32, #tpu.memory_space<vmem>> -> memref<128xf32, #tpu.memory_space<vmem>>
      %dma_start3A_7 = arith.constant 0 : i32
      %dma_start3A_8 = tpu.memref_slice %arg5[%dma_start3A, %dma_start3A_7] : memref<16x128xi32, #tpu.memory_space<vmem>> -> memref<1x128xi32, #tpu.memory_space<vmem>>
      %dma_start3A_9 = tpu.memref_squeeze %dma_start3A_8 : memref<1x128xi32, #tpu.memory_space<vmem>> -> memref<128xi32, #tpu.memory_space<vmem>>
      %dma_start3A_10 = arith.constant 0 : i32
      %dma_start3A_11 = tpu.memref_slice %arg2[%dma_start3A_10] : memref<40960xf32, #tpu.memory_space<hbm>> -> memref<40960xf32, #tpu.memory_space<hbm>>
      tpu.enqueue_indirect_dma source(%dma_start3A_11 : memref<40960xf32, #tpu.memory_space<hbm>>) target(%dma_start3A_6 : memref<128xf32, #tpu.memory_space<vmem>>) offsets(%dma_start3A_9 : memref<128xi32, #tpu.memory_space<vmem>>) semaphore(%arg10 : memref<!tpu.dma_semaphore, #tpu.memory_space<semaphore_mem>>)
      %dma_start3A_12 = arith.constant 1 : i32
      %dma_start3A_13 = arith.constant 1 : i32
      %dma_start3A_14 = arith.constant 0 : i32
      %dma_start3A_15 = tpu.memref_slice %arg7[%dma_start3A_13, %dma_start3A_14] : memref<16x128xf32, #tpu.memory_space<vmem>> -> memref<1x128xf32, #tpu.memory_space<vmem>>
      %dma_start3A_16 = tpu.memref_squeeze %dma_start3A_15 : memref<1x128xf32, #tpu.memory_space<vmem>> -> memref<128xf32, #tpu.memory_space<vmem>>
      %dma_start3A_17 = arith.constant 0 : i32
      %dma_start3A_18 = tpu.memref_slice %arg5[%dma_start3A_12, %dma_start3A_17] : memref<16x128xi32, #tpu.memory_space<vmem>> -> memref<1x128xi32, #tpu.memory_space<vmem>>
      %dma_start3A_19 = tpu.memref_squeeze %dma_start3A_18 : memref<1x128xi32, #tpu.memory_space<vmem>> -> memref<128xi32, #tpu.memory_space<vmem>>
      %dma_start3A_20 = arith.constant 0 : i32
      %dma_start3A_21 = tpu.memref_slice %arg2[%dma_start3A_20] : memref<40960xf32, #tpu.memory_space<hbm>> -> memref<40960xf32, #tpu.memory_space<hbm>>
      tpu.enqueue_indirect_dma source(%dma_start3A_21 : memref<40960xf32, #tpu.memory_space<hbm>>) target(%dma_start3A_16 : memref<128xf32, #tpu.memory_space<vmem>>) offsets(%dma_start3A_19 : memref<128xi32, #tpu.memory_space<vmem>>) semaphore(%arg10 : memref<!tpu.dma_semaphore, #tpu.memory_space<semaphore_mem>>)
      %dma_start3A_22 = arith.constant 2 : i32
      %dma_start3A_23 = arith.constant 2 : i32
      %dma_start3A_24 = arith.constant 0 : i32
      %dma_start3A_25 = tpu.memref_slice %arg7[%dma_start3A_23, %dma_start3A_24] : memref<16x128xf32, #tpu.memory_space<vmem>> -> memref<1x128xf32, #tpu.memory_space<vmem>>
      %dma_start3A_26 = tpu.memref_squeeze %dma_start3A_25 : memref<1x128xf32, #tpu.memory_space<vmem>> -> memref<128xf32, #tpu.memory_space<vmem>>
      %dma_start3A_27 = arith.constant 0 : i32
      %dma_start3A_28 = tpu.memref_slice %arg5[%dma_start3A_22, %dma_start3A_27] : memref<16x128xi32, #tpu.memory_space<vmem>> -> memref<1x128xi32, #tpu.memory_space<vmem>>
      %dma_start3A_29 = tpu.memref_squeeze %dma_start3A_28 : memref<1x128xi32, #tpu.memory_space<vmem>> -> memref<128xi32, #tpu.memory_space<vmem>>
      %dma_start3A_30 = arith.constant 0 : i32
      %dma_start3A_31 = tpu.memref_slice %arg2[%dma_start3A_30] : memref<40960xf32, #tpu.memory_space<hbm>> -> memref<40960xf32, #tpu.memory_space<hbm>>
      tpu.enqueue_indirect_dma source(%dma_start3A_31 : memref<40960xf32, #tpu.memory_space<hbm>>) target(%dma_start3A_26 : memref<128xf32, #tpu.memory_space<vmem>>) offsets(%dma_start3A_29 : memref<128xi32, #tpu.memory_space<vmem>>) semaphore(%arg10 : memref<!tpu.dma_semaphore, #tpu.memory_space<semaphore_mem>>)
      %dma_start3A_32 = arith.constant 3 : i32
      %dma_start3A_33 = arith.constant 3 : i32
      %dma_start3A_34 = arith.constant 0 : i32
      %dma_start3A_35 = tpu.memref_slice %arg7[%dma_start3A_33, %dma_start3A_34] : memref<16x128xf32, #tpu.memory_space<vmem>> -> memref<1x128xf32, #tpu.memory_space<vmem>>
      %dma_start3A_36 = tpu.memref_squeeze %dma_start3A_35 : memref<1x128xf32, #tpu.memory_space<vmem>> -> memref<128xf32, #tpu.memory_space<vmem>>
      %dma_start3A_37 = arith.constant 0 : i32
      %dma_start3A_38 = tpu.memref_slice %arg5[%dma_start3A_32, %dma_start3A_37] : memref<16x128xi32, #tpu.memory_space<vmem>> -> memref<1x128xi32, #tpu.memory_space<vmem>>
      %dma_start3A_39 = tpu.memref_squeeze %dma_start3A_38 : memref<1x128xi32, #tpu.memory_space<vmem>> -> memref<128xi32, #tpu.memory_space<vmem>>
      %dma_start3A_40 = arith.constant 0 : i32
      %dma_start3A_41 = tpu.memref_slice %arg2[%dma_start3A_40] : memref<40960xf32, #tpu.memory_space<hbm>> -> memref<40960xf32, #tpu.memory_space<hbm>>
      tpu.enqueue_indirect_dma source(%dma_start3A_41 : memref<40960xf32, #tpu.memory_space<hbm>>) target(%dma_start3A_36 : memref<128xf32, #tpu.memory_space<vmem>>) offsets(%dma_start3A_39 : memref<128xi32, #tpu.memory_space<vmem>>) semaphore(%arg10 : memref<!tpu.dma_semaphore, #tpu.memory_space<semaphore_mem>>)
      %dma_start3A_42 = arith.constant 4 : i32
      %dma_start3A_43 = arith.constant 4 : i32
      %dma_start3A_44 = arith.constant 0 : i32
      %dma_start3A_45 = tpu.memref_slice %arg7[%dma_start3A_43, %dma_start3A_44] : memref<16x128xf32, #tpu.memory_space<vmem>> -> memref<1x128xf32, #tpu.memory_space<vmem>>
      %dma_start3A_46 = tpu.memref_squeeze %dma_start3A_45 : memref<1x128xf32, #tpu.memory_space<vmem>> -> memref<128xf32, #tpu.memory_space<vmem>>
      %dma_start3A_47 = arith.constant 0 : i32
      %dma_start3A_48 = tpu.memref_slice %arg5[%dma_start3A_42, %dma_start3A_47] : memref<16x128xi32, #tpu.memory_space<vmem>> -> memref<1x128xi32, #tpu.memory_space<vmem>>
      %dma_start3A_49 = tpu.memref_squeeze %dma_start3A_48 : memref<1x128xi32, #tpu.memory_space<vmem>> -> memref<128xi32, #tpu.memory_space<vmem>>
      %dma_start3A_50 = arith.constant 0 : i32
      %dma_start3A_51 = tpu.memref_slice %arg2[%dma_start3A_50] : memref<40960xf32, #tpu.memory_space<hbm>> -> memref<40960xf32, #tpu.memory_space<hbm>>
      tpu.enqueue_indirect_dma source(%dma_start3A_51 : memref<40960xf32, #tpu.memory_space<hbm>>) target(%dma_start3A_46 : memref<128xf32, #tpu.memory_space<vmem>>) offsets(%dma_start3A_49 : memref<128xi32, #tpu.memory_space<vmem>>) semaphore(%arg10 : memref<!tpu.dma_semaphore, #tpu.memory_space<semaphore_mem>>)
      %dma_start3A_52 = arith.constant 5 : i32
      %dma_start3A_53 = arith.constant 5 : i32
      %dma_start3A_54 = arith.constant 0 : i32
      %dma_start3A_55 = tpu.memref_slice %arg7[%dma_start3A_53, %dma_start3A_54] : memref<16x128xf32, #tpu.memory_space<vmem>> -> memref<1x128xf32, #tpu.memory_space<vmem>>
      %dma_start3A_56 = tpu.memref_squeeze %dma_start3A_55 : memref<1x128xf32, #tpu.memory_space<vmem>> -> memref<128xf32, #tpu.memory_space<vmem>>
      %dma_start3A_57 = arith.constant 0 : i32
      %dma_start3A_58 = tpu.memref_slice %arg5[%dma_start3A_52, %dma_start3A_57] : memref<16x128xi32, #tpu.memory_space<vmem>> -> memref<1x128xi32, #tpu.memory_space<vmem>>
      %dma_start3A_59 = tpu.memref_squeeze %dma_start3A_58 : memref<1x128xi32, #tpu.memory_space<vmem>> -> memref<128xi32, #tpu.memory_space<vmem>>
      %dma_start3A_60 = arith.constant 0 : i32
      %dma_start3A_61 = tpu.memref_slice %arg2[%dma_start3A_60] : memref<40960xf32, #tpu.memory_space<hbm>> -> memref<40960xf32, #tpu.memory_space<hbm>>
      tpu.enqueue_indirect_dma source(%dma_start3A_61 : memref<40960xf32, #tpu.memory_space<hbm>>) target(%dma_start3A_56 : memref<128xf32, #tpu.memory_space<vmem>>) offsets(%dma_start3A_59 : memref<128xi32, #tpu.memory_space<vmem>>) semaphore(%arg10 : memref<!tpu.dma_semaphore, #tpu.memory_space<semaphore_mem>>)
      %dma_start3A_62 = arith.constant 6 : i32
      %dma_start3A_63 = arith.constant 6 : i32
      %dma_start3A_64 = arith.constant 0 : i32
      %dma_start3A_65 = tpu.memref_slice %arg7[%dma_start3A_63, %dma_start3A_64] : memref<16x128xf32, #tpu.memory_space<vmem>> -> memref<1x128xf32, #tpu.memory_space<vmem>>
      %dma_start3A_66 = tpu.memref_squeeze %dma_start3A_65 : memref<1x128xf32, #tpu.memory_space<vmem>> -> memref<128xf32, #tpu.memory_space<vmem>>
      %dma_start3A_67 = arith.constant 0 : i32
      %dma_start3A_68 = tpu.memref_slice %arg5[%dma_start3A_62, %dma_start3A_67] : memref<16x128xi32, #tpu.memory_space<vmem>> -> memref<1x128xi32, #tpu.memory_space<vmem>>
      %dma_start3A_69 = tpu.memref_squeeze %dma_start3A_68 : memref<1x128xi32, #tpu.memory_space<vmem>> -> memref<128xi32, #tpu.memory_space<vmem>>
      %dma_start3A_70 = arith.constant 0 : i32
      %dma_start3A_71 = tpu.memref_slice %arg2[%dma_start3A_70] : memref<40960xf32, #tpu.memory_space<hbm>> -> memref<40960xf32, #tpu.memory_space<hbm>>
      tpu.enqueue_indirect_dma source(%dma_start3A_71 : memref<40960xf32, #tpu.memory_space<hbm>>) target(%dma_start3A_66 : memref<128xf32, #tpu.memory_space<vmem>>) offsets(%dma_start3A_69 : memref<128xi32, #tpu.memory_space<vmem>>) semaphore(%arg10 : memref<!tpu.dma_semaphore, #tpu.memory_space<semaphore_mem>>)
      %dma_start3A_72 = arith.constant 7 : i32
      %dma_start3A_73 = arith.constant 7 : i32
      %dma_start3A_74 = arith.constant 0 : i32
      %dma_start3A_75 = tpu.memref_slice %arg7[%dma_start3A_73, %dma_start3A_74] : memref<16x128xf32, #tpu.memory_space<vmem>> -> memref<1x128xf32, #tpu.memory_space<vmem>>
      %dma_start3A_76 = tpu.memref_squeeze %dma_start3A_75 : memref<1x128xf32, #tpu.memory_space<vmem>> -> memref<128xf32, #tpu.memory_space<vmem>>
      %dma_start3A_77 = arith.constant 0 : i32
      %dma_start3A_78 = tpu.memref_slice %arg5[%dma_start3A_72, %dma_start3A_77] : memref<16x128xi32, #tpu.memory_space<vmem>> -> memref<1x128xi32, #tpu.memory_space<vmem>>
      %dma_start3A_79 = tpu.memref_squeeze %dma_start3A_78 : memref<1x128xi32, #tpu.memory_space<vmem>> -> memref<128xi32, #tpu.memory_space<vmem>>
      %dma_start3A_80 = arith.constant 0 : i32
      %dma_start3A_81 = tpu.memref_slice %arg2[%dma_start3A_80] : memref<40960xf32, #tpu.memory_space<hbm>> -> memref<40960xf32, #tpu.memory_space<hbm>>
      tpu.enqueue_indirect_dma source(%dma_start3A_81 : memref<40960xf32, #tpu.memory_space<hbm>>) target(%dma_start3A_76 : memref<128xf32, #tpu.memory_space<vmem>>) offsets(%dma_start3A_79 : memref<128xi32, #tpu.memory_space<vmem>>) semaphore(%arg10 : memref<!tpu.dma_semaphore, #tpu.memory_space<semaphore_mem>>)
      %dma_start3A_82 = arith.constant 8 : i32
      %dma_start3A_83 = arith.constant 8 : i32
      %dma_start3A_84 = arith.constant 0 : i32
      %dma_start3A_85 = tpu.memref_slice %arg7[%dma_start3A_83, %dma_start3A_84] : memref<16x128xf32, #tpu.memory_space<vmem>> -> memref<1x128xf32, #tpu.memory_space<vmem>>
      %dma_start3A_86 = tpu.memref_squeeze %dma_start3A_85 : memref<1x128xf32, #tpu.memory_space<vmem>> -> memref<128xf32, #tpu.memory_space<vmem>>
      %dma_start3A_87 = arith.constant 0 : i32
      %dma_start3A_88 = tpu.memref_slice %arg5[%dma_start3A_82, %dma_start3A_87] : memref<16x128xi32, #tpu.memory_space<vmem>> -> memref<1x128xi32, #tpu.memory_space<vmem>>
      %dma_start3A_89 = tpu.memref_squeeze %dma_start3A_88 : memref<1x128xi32, #tpu.memory_space<vmem>> -> memref<128xi32, #tpu.memory_space<vmem>>
      %dma_start3A_90 = arith.constant 0 : i32
      %dma_start3A_91 = tpu.memref_slice %arg2[%dma_start3A_90] : memref<40960xf32, #tpu.memory_space<hbm>> -> memref<40960xf32, #tpu.memory_space<hbm>>
      tpu.enqueue_indirect_dma source(%dma_start3A_91 : memref<40960xf32, #tpu.memory_space<hbm>>) target(%dma_start3A_86 : memref<128xf32, #tpu.memory_space<vmem>>) offsets(%dma_start3A_89 : memref<128xi32, #tpu.memory_space<vmem>>) semaphore(%arg10 : memref<!tpu.dma_semaphore, #tpu.memory_space<semaphore_mem>>)
      %dma_start3A_92 = arith.constant 9 : i32
      %dma_start3A_93 = arith.constant 9 : i32
      %dma_start3A_94 = arith.constant 0 : i32
      %dma_start3A_95 = tpu.memref_slice %arg7[%dma_start3A_93, %dma_start3A_94] : memref<16x128xf32, #tpu.memory_space<vmem>> -> memref<1x128xf32, #tpu.memory_space<vmem>>
      %dma_start3A_96 = tpu.memref_squeeze %dma_start3A_95 : memref<1x128xf32, #tpu.memory_space<vmem>> -> memref<128xf32, #tpu.memory_space<vmem>>
      %dma_start3A_97 = arith.constant 0 : i32
      %dma_start3A_98 = tpu.memref_slice %arg5[%dma_start3A_92, %dma_start3A_97] : memref<16x128xi32, #tpu.memory_space<vmem>> -> memref<1x128xi32, #tpu.memory_space<vmem>>
      %dma_start3A_99 = tpu.memref_squeeze %dma_start3A_98 : memref<1x128xi32, #tpu.memory_space<vmem>> -> memref<128xi32, #tpu.memory_space<vmem>>
      %dma_start3A_100 = arith.constant 0 : i32
      %dma_start3A_101 = tpu.memref_slice %arg2[%dma_start3A_100] : memref<40960xf32, #tpu.memory_space<hbm>> -> memref<40960xf32, #tpu.memory_space<hbm>>
      tpu.enqueue_indirect_dma source(%dma_start3A_101 : memref<40960xf32, #tpu.memory_space<hbm>>) target(%dma_start3A_96 : memref<128xf32, #tpu.memory_space<vmem>>) offsets(%dma_start3A_99 : memref<128xi32, #tpu.memory_space<vmem>>) semaphore(%arg10 : memref<!tpu.dma_semaphore, #tpu.memory_space<semaphore_mem>>)
      %dma_start3A_102 = arith.constant 10 : i32
      %dma_start3A_103 = arith.constant 10 : i32
      %dma_start3A_104 = arith.constant 0 : i32
      %dma_start3A_105 = tpu.memref_slice %arg7[%dma_start3A_103, %dma_start3A_104] : memref<16x128xf32, #tpu.memory_space<vmem>> -> memref<1x128xf32, #tpu.memory_space<vmem>>
      %dma_start3A_106 = tpu.memref_squeeze %dma_start3A_105 : memref<1x128xf32, #tpu.memory_space<vmem>> -> memref<128xf32, #tpu.memory_space<vmem>>
      %dma_start3A_107 = arith.constant 0 : i32
      %dma_start3A_108 = tpu.memref_slice %arg5[%dma_start3A_102, %dma_start3A_107] : memref<16x128xi32, #tpu.memory_space<vmem>> -> memref<1x128xi32, #tpu.memory_space<vmem>>
      %dma_start3A_109 = tpu.memref_squeeze %dma_start3A_108 : memref<1x128xi32, #tpu.memory_space<vmem>> -> memref<128xi32, #tpu.memory_space<vmem>>
      %dma_start3A_110 = arith.constant 0 : i32
      %dma_start3A_111 = tpu.memref_slice %arg2[%dma_start3A_110] : memref<40960xf32, #tpu.memory_space<hbm>> -> memref<40960xf32, #tpu.memory_space<hbm>>
      tpu.enqueue_indirect_dma source(%dma_start3A_111 : memref<40960xf32, #tpu.memory_space<hbm>>) target(%dma_start3A_106 : memref<128xf32, #tpu.memory_space<vmem>>) offsets(%dma_start3A_109 : memref<128xi32, #tpu.memory_space<vmem>>) semaphore(%arg10 : memref<!tpu.dma_semaphore, #tpu.memory_space<semaphore_mem>>)
      %dma_start3A_112 = arith.constant 11 : i32
      %dma_start3A_113 = arith.constant 11 : i32
      %dma_start3A_114 = arith.constant 0 : i32
      %dma_start3A_115 = tpu.memref_slice %arg7[%dma_start3A_113, %dma_start3A_114] : memref<16x128xf32, #tpu.memory_space<vmem>> -> memref<1x128xf32, #tpu.memory_space<vmem>>
      %dma_start3A_116 = tpu.memref_squeeze %dma_start3A_115 : memref<1x128xf32, #tpu.memory_space<vmem>> -> memref<128xf32, #tpu.memory_space<vmem>>
      %dma_start3A_117 = arith.constant 0 : i32
      %dma_start3A_118 = tpu.memref_slice %arg5[%dma_start3A_112, %dma_start3A_117] : memref<16x128xi32, #tpu.memory_space<vmem>> -> memref<1x128xi32, #tpu.memory_space<vmem>>
      %dma_start3A_119 = tpu.memref_squeeze %dma_start3A_118 : memref<1x128xi32, #tpu.memory_space<vmem>> -> memref<128xi32, #tpu.memory_space<vmem>>
      %dma_start3A_120 = arith.constant 0 : i32
      %dma_start3A_121 = tpu.memref_slice %arg2[%dma_start3A_120] : memref<40960xf32, #tpu.memory_space<hbm>> -> memref<40960xf32, #tpu.memory_space<hbm>>
      tpu.enqueue_indirect_dma source(%dma_start3A_121 : memref<40960xf32, #tpu.memory_space<hbm>>) target(%dma_start3A_116 : memref<128xf32, #tpu.memory_space<vmem>>) offsets(%dma_start3A_119 : memref<128xi32, #tpu.memory_space<vmem>>) semaphore(%arg10 : memref<!tpu.dma_semaphore, #tpu.memory_space<semaphore_mem>>)
      %dma_start3A_122 = arith.constant 12 : i32
      %dma_start3A_123 = arith.constant 12 : i32
      %dma_start3A_124 = arith.constant 0 : i32
      %dma_start3A_125 = tpu.memref_slice %arg7[%dma_start3A_123, %dma_start3A_124] : memref<16x128xf32, #tpu.memory_space<vmem>> -> memref<1x128xf32, #tpu.memory_space<vmem>>
      %dma_start3A_126 = tpu.memref_squeeze %dma_start3A_125 : memref<1x128xf32, #tpu.memory_space<vmem>> -> memref<128xf32, #tpu.memory_space<vmem>>
      %dma_start3A_127 = arith.constant 0 : i32
      %dma_start3A_128 = tpu.memref_slice %arg5[%dma_start3A_122, %dma_start3A_127] : memref<16x128xi32, #tpu.memory_space<vmem>> -> memref<1x128xi32, #tpu.memory_space<vmem>>
      %dma_start3A_129 = tpu.memref_squeeze %dma_start3A_128 : memref<1x128xi32, #tpu.memory_space<vmem>> -> memref<128xi32, #tpu.memory_space<vmem>>
      %dma_start3A_130 = arith.constant 0 : i32
      %dma_start3A_131 = tpu.memref_slice %arg2[%dma_start3A_130] : memref<40960xf32, #tpu.memory_space<hbm>> -> memref<40960xf32, #tpu.memory_space<hbm>>
      tpu.enqueue_indirect_dma source(%dma_start3A_131 : memref<40960xf32, #tpu.memory_space<hbm>>) target(%dma_start3A_126 : memref<128xf32, #tpu.memory_space<vmem>>) offsets(%dma_start3A_129 : memref<128xi32, #tpu.memory_space<vmem>>) semaphore(%arg10 : memref<!tpu.dma_semaphore, #tpu.memory_space<semaphore_mem>>)
      %dma_start3A_132 = arith.constant 13 : i32
      %dma_start3A_133 = arith.constant 13 : i32
      %dma_start3A_134 = arith.constant 0 : i32
      %dma_start3A_135 = tpu.memref_slice %arg7[%dma_start3A_133, %dma_start3A_134] : memref<16x128xf32, #tpu.memory_space<vmem>> -> memref<1x128xf32, #tpu.memory_space<vmem>>
      %dma_start3A_136 = tpu.memref_squeeze %dma_start3A_135 : memref<1x128xf32, #tpu.memory_space<vmem>> -> memref<128xf32, #tpu.memory_space<vmem>>
      %dma_start3A_137 = arith.constant 0 : i32
      %dma_start3A_138 = tpu.memref_slice %arg5[%dma_start3A_132, %dma_start3A_137] : memref<16x128xi32, #tpu.memory_space<vmem>> -> memref<1x128xi32, #tpu.memory_space<vmem>>
      %dma_start3A_139 = tpu.memref_squeeze %dma_start3A_138 : memref<1x128xi32, #tpu.memory_space<vmem>> -> memref<128xi32, #tpu.memory_space<vmem>>
      %dma_start3A_140 = arith.constant 0 : i32
      %dma_start3A_141 = tpu.memref_slice %arg2[%dma_start3A_140] : memref<40960xf32, #tpu.memory_space<hbm>> -> memref<40960xf32, #tpu.memory_space<hbm>>
      tpu.enqueue_indirect_dma source(%dma_start3A_141 : memref<40960xf32, #tpu.memory_space<hbm>>) target(%dma_start3A_136 : memref<128xf32, #tpu.memory_space<vmem>>) offsets(%dma_start3A_139 : memref<128xi32, #tpu.memory_space<vmem>>) semaphore(%arg10 : memref<!tpu.dma_semaphore, #tpu.memory_space<semaphore_mem>>)
      %dma_start3A_142 = arith.constant 14 : i32
      %dma_start3A_143 = arith.constant 14 : i32
      %dma_start3A_144 = arith.constant 0 : i32
      %dma_start3A_145 = tpu.memref_slice %arg7[%dma_start3A_143, %dma_start3A_144] : memref<16x128xf32, #tpu.memory_space<vmem>> -> memref<1x128xf32, #tpu.memory_space<vmem>>
      %dma_start3A_146 = tpu.memref_squeeze %dma_start3A_145 : memref<1x128xf32, #tpu.memory_space<vmem>> -> memref<128xf32, #tpu.memory_space<vmem>>
      %dma_start3A_147 = arith.constant 0 : i32
      %dma_start3A_148 = tpu.memref_slice %arg5[%dma_start3A_142, %dma_start3A_147] : memref<16x128xi32, #tpu.memory_space<vmem>> -> memref<1x128xi32, #tpu.memory_space<vmem>>
      %dma_start3A_149 = tpu.memref_squeeze %dma_start3A_148 : memref<1x128xi32, #tpu.memory_space<vmem>> -> memref<128xi32, #tpu.memory_space<vmem>>
      %dma_start3A_150 = arith.constant 0 : i32
      %dma_start3A_151 = tpu.memref_slice %arg2[%dma_start3A_150] : memref<40960xf32, #tpu.memory_space<hbm>> -> memref<40960xf32, #tpu.memory_space<hbm>>
      tpu.enqueue_indirect_dma source(%dma_start3A_151 : memref<40960xf32, #tpu.memory_space<hbm>>) target(%dma_start3A_146 : memref<128xf32, #tpu.memory_space<vmem>>) offsets(%dma_start3A_149 : memref<128xi32, #tpu.memory_space<vmem>>) semaphore(%arg10 : memref<!tpu.dma_semaphore, #tpu.memory_space<semaphore_mem>>)
      %dma_start3A_152 = arith.constant 15 : i32
      %dma_start3A_153 = arith.constant 15 : i32
      %dma_start3A_154 = arith.constant 0 : i32
      %dma_start3A_155 = tpu.memref_slice %arg7[%dma_start3A_153, %dma_start3A_154] : memref<16x128xf32, #tpu.memory_space<vmem>> -> memref<1x128xf32, #tpu.memory_space<vmem>>
      %dma_start3A_156 = tpu.memref_squeeze %dma_start3A_155 : memref<1x128xf32, #tpu.memory_space<vmem>> -> memref<128xf32, #tpu.memory_space<vmem>>
      %dma_start3A_157 = arith.constant 0 : i32
      %dma_start3A_158 = tpu.memref_slice %arg5[%dma_start3A_152, %dma_start3A_157] : memref<16x128xi32, #tpu.memory_space<vmem>> -> memref<1x128xi32, #tpu.memory_space<vmem>>
      %dma_start3A_159 = tpu.memref_squeeze %dma_start3A_158 : memref<1x128xi32, #tpu.memory_space<vmem>> -> memref<128xi32, #tpu.memory_space<vmem>>
      %dma_start3A_160 = arith.constant 0 : i32
      %dma_start3A_161 = tpu.memref_slice %arg2[%dma_start3A_160] : memref<40960xf32, #tpu.memory_space<hbm>> -> memref<40960xf32, #tpu.memory_space<hbm>>
      tpu.enqueue_indirect_dma source(%dma_start3A_161 : memref<40960xf32, #tpu.memory_space<hbm>>) target(%dma_start3A_156 : memref<128xf32, #tpu.memory_space<vmem>>) offsets(%dma_start3A_159 : memref<128xi32, #tpu.memory_space<vmem>>) semaphore(%arg10 : memref<!tpu.dma_semaphore, #tpu.memory_space<semaphore_mem>>)
      %iota3A = tpu.iota {dimensions = array<i32: 0>} : vector<16xi32>
      %add3A = arith.constant 0 : i32
      %add3A_162 = arith.addi %mul3A_2, %add3A : i32
      %add3A_163 = arith.constant 0 : i32
      %add3A_164 = arith.addi %add3A_162, %add3A_163 : i32
      %add3A_165 = vector.broadcast %add3A_164 : i32 to vector<16xi32>
      %add3A_166 = arith.addi %iota3A, %add3A_165 : vector<16xi32>
      %shift_right_arithmetic3A = arith.constant 5 : i32
      %shift_right_arithmetic3A_167 = vector.broadcast %shift_right_arithmetic3A : i32 to vector<16xi32>
      %shift_right_arithmetic3A_168 = arith.shrsi %add3A_166, %shift_right_arithmetic3A_167 : vector<16xi32>
      %swap3A = arith.constant 0 : i32
      %swap3A_169 = arith.index_cast %swap3A : i32 to index
      %swap3A_170 = arith.constant 0 : index
      %swap3A_171 = tpu.vector_load %arg6[%swap3A_169, %swap3A_170] {strides = array<i32>} : memref<16x128xi32, #tpu.memory_space<vmem>>, vector<1x16xi32>,
      %swap3A_172 = vector.shape_cast %swap3A_171 : vector<1x16xi32> to vector<16xi32>
      %swap3A_173 = vector.shape_cast %shift_right_arithmetic3A_168 : vector<16xi32> to vector<1x16xi32>
      tpu.vector_store %arg6[%swap3A_169, %swap3A_170], %swap3A_173 {strides = array<i32>} : memref<16x128xi32, #tpu.memory_space<vmem>>, vector<1x16xi32>,
      %iota3A_174 = tpu.iota {dimensions = array<i32: 0>} : vector<16xi32>
      %add3A_175 = arith.constant 0 : i32
      %add3A_176 = arith.addi %mul3A_2, %add3A_175 : i32
      %add3A_177 = arith.constant 16 : i32
      %add3A_178 = arith.addi %add3A_176, %add3A_177 : i32
      %add3A_179 = vector.broadcast %add3A_178 : i32 to vector<16xi32>
      %add3A_180 = arith.addi %iota3A_174, %add3A_179 : vector<16xi32>
      %shift_right_arithmetic3A_181 = arith.constant 5 : i32
      %shift_right_arithmetic3A_182 = vector.broadcast %shift_right_arithmetic3A_181 : i32 to vector<16xi32>
      %shift_right_arithmetic3A_183 = arith.shrsi %add3A_180, %shift_right_arithmetic3A_182 : vector<16xi32>
      %swap3A_184 = arith.constant 0 : i32
      %swap3A_185 = arith.index_cast %swap3A_184 : i32 to index
      %swap3A_186 = arith.constant 16 : index
      %swap3A_187 = tpu.vector_load %arg6[%swap3A_185, %swap3A_186] {strides = array<i32>} : memref<16x128xi32, #tpu.memory_space<vmem>>, vector<1x16xi32>,
      %swap3A_188 = vector.shape_cast %swap3A_187 : vector<1x16xi32> to vector<16xi32>
      %swap3A_189 = vector.shape_cast %shift_right_arithmetic3A_183 : vector<16xi32> to vector<1x16xi32>
      tpu.vector_store %arg6[%swap3A_185, %swap3A_186], %swap3A_189 {strides = array<i32>} : memref<16x128xi32, #tpu.memory_space<vmem>>, vector<1x16xi32>,
      %iota3A_190 = tpu.iota {dimensions = array<i32: 0>} : vector<16xi32>
      %add3A_191 = arith.constant 0 : i32
      %add3A_192 = arith.addi %mul3A_2, %add3A_191 : i32
      %add3A_193 = arith.constant 32 : i32
      %add3A_194 = arith.addi %add3A_192, %add3A_193 : i32
      %add3A_195 = vector.broadcast %add3A_194 : i32 to vector<16xi32>
      %add3A_196 = arith.addi %iota3A_190, %add3A_195 : vector<16xi32>
      %shift_right_arithmetic3A_197 = arith.constant 5 : i32
      %shift_right_arithmetic3A_198 = vector.broadcast %shift_right_arithmetic3A_197 : i32 to vector<16xi32>
      %shift_right_arithmetic3A_199 = arith.shrsi %add3A_196, %shift_right_arithmetic3A_198 : vector<16xi32>
      %swap3A_200 = arith.constant 0 : i32
      %swap3A_201 = arith.index_cast %swap3A_200 : i32 to index
      %swap3A_202 = arith.constant 32 : index
      %swap3A_203 = tpu.vector_load %arg6[%swap3A_201, %swap3A_202] {strides = array<i32>} : memref<16x128xi32, #tpu.memory_space<vmem>>, vector<1x16xi32>,
      %swap3A_204 = vector.shape_cast %swap3A_203 : vector<1x16xi32> to vector<16xi32>
      %swap3A_205 = vector.shape_cast %shift_right_arithmetic3A_199 : vector<16xi32> to vector<1x16xi32>
      tpu.vector_store %arg6[%swap3A_201, %swap3A_202], %swap3A_205 {strides = array<i32>} : memref<16x128xi32, #tpu.memory_space<vmem>>, vector<1x16xi32>,
      %iota3A_206 = tpu.iota {dimensions = array<i32: 0>} : vector<16xi32>
      %add3A_207 = arith.constant 0 : i32
      %add3A_208 = arith.addi %mul3A_2, %add3A_207 : i32
      %add3A_209 = arith.constant 48 : i32
      %add3A_210 = arith.addi %add3A_208, %add3A_209 : i32
      %add3A_211 = vector.broadcast %add3A_210 : i32 to vector<16xi32>
      %add3A_212 = arith.addi %iota3A_206, %add3A_211 : vector<16xi32>
      %shift_right_arithmetic3A_213 = arith.constant 5 : i32
      %shift_right_arithmetic3A_214 = vector.broadcast %shift_right_arithmetic3A_213 : i32 to vector<16xi32>
      %shift_right_arithmetic3A_215 = arith.shrsi %add3A_212, %shift_right_arithmetic3A_214 : vector<16xi32>
      %swap3A_216 = arith.constant 0 : i32
      %swap3A_217 = arith.index_cast %swap3A_216 : i32 to index
      %swap3A_218 = arith.constant 48 : index
      %swap3A_219 = tpu.vector_load %arg6[%swap3A_217, %swap3A_218] {strides = array<i32>} : memref<16x128xi32, #tpu.memory_space<vmem>>, vector<1x16xi32>,
      %swap3A_220 = vector.shape_cast %swap3A_219 : vector<1x16xi32> to vector<16xi32>
      %swap3A_221 = vector.shape_cast %shift_right_arithmetic3A_215 : vector<16xi32> to vector<1x16xi32>
      tpu.vector_store %arg6[%swap3A_217, %swap3A_218], %swap3A_221 {strides = array<i32>} : memref<16x128xi32, #tpu.memory_space<vmem>>, vector<1x16xi32>,
      %iota3A_222 = tpu.iota {dimensions = array<i32: 0>} : vector<16xi32>
      %add3A_223 = arith.constant 0 : i32
      %add3A_224 = arith.addi %mul3A_2, %add3A_223 : i32
      %add3A_225 = arith.constant 64 : i32
      %add3A_226 = arith.addi %add3A_224, %add3A_225 : i32
      %add3A_227 = vector.broadcast %add3A_226 : i32 to vector<16xi32>
      %add3A_228 = arith.addi %iota3A_222, %add3A_227 : vector<16xi32>
      %shift_right_arithmetic3A_229 = arith.constant 5 : i32
      %shift_right_arithmetic3A_230 = vector.broadcast %shift_right_arithmetic3A_229 : i32 to vector<16xi32>
      %shift_right_arithmetic3A_231 = arith.shrsi %add3A_228, %shift_right_arithmetic3A_230 : vector<16xi32>
      %swap3A_232 = arith.constant 0 : i32
      %swap3A_233 = arith.index_cast %swap3A_232 : i32 to index
      %swap3A_234 = arith.constant 64 : index
      %swap3A_235 = tpu.vector_load %arg6[%swap3A_233, %swap3A_234] {strides = array<i32>} : memref<16x128xi32, #tpu.memory_space<vmem>>, vector<1x16xi32>,
      %swap3A_236 = vector.shape_cast %swap3A_235 : vector<1x16xi32> to vector<16xi32>
      %swap3A_237 = vector.shape_cast %shift_right_arithmetic3A_231 : vector<16xi32> to vector<1x16xi32>
      tpu.vector_store %arg6[%swap3A_233, %swap3A_234], %swap3A_237 {strides = array<i32>} : memref<16x128xi32, #tpu.memory_space<vmem>>, vector<1x16xi32>,
      %iota3A_238 = tpu.iota {dimensions = array<i32: 0>} : vector<16xi32>
      %add3A_239 = arith.constant 0 : i32
      %add3A_240 = arith.addi %mul3A_2, %add3A_239 : i32
      %add3A_241 = arith.constant 80 : i32
      %add3A_242 = arith.addi %add3A_240, %add3A_241 : i32
      %add3A_243 = vector.broadcast %add3A_242 : i32 to vector<16xi32>
      %add3A_244 = arith.addi %iota3A_238, %add3A_243 : vector<16xi32>
      %shift_right_arithmetic3A_245 = arith.constant 5 : i32
      %shift_right_arithmetic3A_246 = vector.broadcast %shift_right_arithmetic3A_245 : i32 to vector<16xi32>
      %shift_right_arithmetic3A_247 = arith.shrsi %add3A_244, %shift_right_arithmetic3A_246 : vector<16xi32>
      %swap3A_248 = arith.constant 0 : i32
      %swap3A_249 = arith.index_cast %swap3A_248 : i32 to index
      %swap3A_250 = arith.constant 80 : index
      %swap3A_251 = tpu.vector_load %arg6[%swap3A_249, %swap3A_250] {strides = array<i32>} : memref<16x128xi32, #tpu.memory_space<vmem>>, vector<1x16xi32>,
      %swap3A_252 = vector.shape_cast %swap3A_251 : vector<1x16xi32> to vector<16xi32>
      %swap3A_253 = vector.shape_cast %shift_right_arithmetic3A_247 : vector<16xi32> to vector<1x16xi32>
      tpu.vector_store %arg6[%swap3A_249, %swap3A_250], %swap3A_253 {strides = array<i32>} : memref<16x128xi32, #tpu.memory_space<vmem>>, vector<1x16xi32>,
      %iota3A_254 = tpu.iota {dimensions = array<i32: 0>} : vector<16xi32>
      %add3A_255 = arith.constant 0 : i32
      %add3A_256 = arith.addi %mul3A_2, %add3A_255 : i32
      %add3A_257 = arith.constant 96 : i32
      %add3A_258 = arith.addi %add3A_256, %add3A_257 : i32
      %add3A_259 = vector.broadcast %add3A_258 : i32 to vector<16xi32>
      %add3A_260 = arith.addi %iota3A_254, %add3A_259 : vector<16xi32>
      %shift_right_arithmetic3A_261 = arith.constant 5 : i32
      %shift_right_arithmetic3A_262 = vector.broadcast %shift_right_arithmetic3A_261 : i32 to vector<16xi32>
      %shift_right_arithmetic3A_263 = arith.shrsi %add3A_260, %shift_right_arithmetic3A_262 : vector<16xi32>
      %swap3A_264 = arith.constant 0 : i32
      %swap3A_265 = arith.index_cast %swap3A_264 : i32 to index
      %swap3A_266 = arith.constant 96 : index
      %swap3A_267 = tpu.vector_load %arg6[%swap3A_265, %swap3A_266] {strides = array<i32>} : memref<16x128xi32, #tpu.memory_space<vmem>>, vector<1x16xi32>,
      %swap3A_268 = vector.shape_cast %swap3A_267 : vector<1x16xi32> to vector<16xi32>
      %swap3A_269 = vector.shape_cast %shift_right_arithmetic3A_263 : vector<16xi32> to vector<1x16xi32>
      tpu.vector_store %arg6[%swap3A_265, %swap3A_266], %swap3A_269 {strides = array<i32>} : memref<16x128xi32, #tpu.memory_space<vmem>>, vector<1x16xi32>,
      %iota3A_270 = tpu.iota {dimensions = array<i32: 0>} : vector<16xi32>
      %add3A_271 = arith.constant 0 : i32
      %add3A_272 = arith.addi %mul3A_2, %add3A_271 : i32
      %add3A_273 = arith.constant 112 : i32
      %add3A_274 = arith.addi %add3A_272, %add3A_273 : i32
      %add3A_275 = vector.broadcast %add3A_274 : i32 to vector<16xi32>
      %add3A_276 = arith.addi %iota3A_270, %add3A_275 : vector<16xi32>
      %shift_right_arithmetic3A_277 = arith.constant 5 : i32
      %shift_right_arithmetic3A_278 = vector.broadcast %shift_right_arithmetic3A_277 : i32 to vector<16xi32>
      %shift_right_arithmetic3A_279 = arith.shrsi %add3A_276, %shift_right_arithmetic3A_278 : vector<16xi32>
      %swap3A_280 = arith.constant 0 : i32
      %swap3A_281 = arith.index_cast %swap3A_280 : i32 to index
      %swap3A_282 = arith.constant 112 : index
      %swap3A_283 = tpu.vector_load %arg6[%swap3A_281, %swap3A_282] {strides = array<i32>} : memref<16x128xi32, #tpu.memory_space<vmem>>, vector<1x16xi32>,
      %swap3A_284 = vector.shape_cast %swap3A_283 : vector<1x16xi32> to vector<16xi32>
      %swap3A_285 = vector.shape_cast %shift_right_arithmetic3A_279 : vector<16xi32> to vector<1x16xi32>
      tpu.vector_store %arg6[%swap3A_281, %swap3A_282], %swap3A_285 {strides = array<i32>} : memref<16x128xi32, #tpu.memory_space<vmem>>, vector<1x16xi32>,
      %iota3A_286 = tpu.iota {dimensions = array<i32: 0>} : vector<16xi32>
      %add3A_287 = arith.constant 128 : i32
      %add3A_288 = arith.addi %mul3A_2, %add3A_287 : i32
      %add3A_289 = arith.constant 0 : i32
      %add3A_290 = arith.addi %add3A_288, %add3A_289 : i32
      %add3A_291 = vector.broadcast %add3A_290 : i32 to vector<16xi32>
      %add3A_292 = arith.addi %iota3A_286, %add3A_291 : vector<16xi32>
      %shift_right_arithmetic3A_293 = arith.constant 5 : i32
      %shift_right_arithmetic3A_294 = vector.broadcast %shift_right_arithmetic3A_293 : i32 to vector<16xi32>
      %shift_right_arithmetic3A_295 = arith.shrsi %add3A_292, %shift_right_arithmetic3A_294 : vector<16xi32>
      %swap3A_296 = arith.constant 1 : i32
      %swap3A_297 = arith.index_cast %swap3A_296 : i32 to index
      %swap3A_298 = arith.constant 0 : index
      %swap3A_299 = tpu.vector_load %arg6[%swap3A_297, %swap3A_298] {strides = array<i32>} : memref<16x128xi32, #tpu.memory_space<vmem>>, vector<1x16xi32>,
      %swap3A_300 = vector.shape_cast %swap3A_299 : vector<1x16xi32> to vector<16xi32>
      %swap3A_301 = vector.shape_cast %shift_right_arithmetic3A_295 : vector<16xi32> to vector<1x16xi32>
      tpu.vector_store %arg6[%swap3A_297, %swap3A_298], %swap3A_301 {strides = array<i32>} : memref<16x128xi32, #tpu.memory_space<vmem>>, vector<1x16xi32>,
      %iota3A_302 = tpu.iota {dimensions = array<i32: 0>} : vector<16xi32>
      %add3A_303 = arith.constant 128 : i32
      %add3A_304 = arith.addi %mul3A_2, %add3A_303 : i32
      %add3A_305 = arith.constant 16 : i32
      %add3A_306 = arith.addi %add3A_304, %add3A_305 : i32
      %add3A_307 = vector.broadcast %add3A_306 : i32 to vector<16xi32>
      %add3A_308 = arith.addi %iota3A_302, %add3A_307 : vector<16xi32>
      %shift_right_arithmetic3A_309 = arith.constant 5 : i32
      %shift_right_arithmetic3A_310 = vector.broadcast %shift_right_arithmetic3A_309 : i32 to vector<16xi32>
      %shift_right_arithmetic3A_311 = arith.shrsi %add3A_308, %shift_right_arithmetic3A_310 : vector<16xi32>
      %swap3A_312 = arith.constant 1 : i32
      %swap3A_313 = arith.index_cast %swap3A_312 : i32 to index
      %swap3A_314 = arith.constant 16 : index
      %swap3A_315 = tpu.vector_load %arg6[%swap3A_313, %swap3A_314] {strides = array<i32>} : memref<16x128xi32, #tpu.memory_space<vmem>>, vector<1x16xi32>,
      %swap3A_316 = vector.shape_cast %swap3A_315 : vector<1x16xi32> to vector<16xi32>
      %swap3A_317 = vector.shape_cast %shift_right_arithmetic3A_311 : vector<16xi32> to vector<1x16xi32>
      tpu.vector_store %arg6[%swap3A_313, %swap3A_314], %swap3A_317 {strides = array<i32>} : memref<16x128xi32, #tpu.memory_space<vmem>>, vector<1x16xi32>,
      %iota3A_318 = tpu.iota {dimensions = array<i32: 0>} : vector<16xi32>
      %add3A_319 = arith.constant 128 : i32
      %add3A_320 = arith.addi %mul3A_2, %add3A_319 : i32
      %add3A_321 = arith.constant 32 : i32
      %add3A_322 = arith.addi %add3A_320, %add3A_321 : i32
      %add3A_323 = vector.broadcast %add3A_322 : i32 to vector<16xi32>
      %add3A_324 = arith.addi %iota3A_318, %add3A_323 : vector<16xi32>
      %shift_right_arithmetic3A_325 = arith.constant 5 : i32
      %shift_right_arithmetic3A_326 = vector.broadcast %shift_right_arithmetic3A_325 : i32 to vector<16xi32>
      %shift_right_arithmetic3A_327 = arith.shrsi %add3A_324, %shift_right_arithmetic3A_326 : vector<16xi32>
      %swap3A_328 = arith.constant 1 : i32
      %swap3A_329 = arith.index_cast %swap3A_328 : i32 to index
      %swap3A_330 = arith.constant 32 : index
      %swap3A_331 = tpu.vector_load %arg6[%swap3A_329, %swap3A_330] {strides = array<i32>} : memref<16x128xi32, #tpu.memory_space<vmem>>, vector<1x16xi32>,
      %swap3A_332 = vector.shape_cast %swap3A_331 : vector<1x16xi32> to vector<16xi32>
      %swap3A_333 = vector.shape_cast %shift_right_arithmetic3A_327 : vector<16xi32> to vector<1x16xi32>
      tpu.vector_store %arg6[%swap3A_329, %swap3A_330], %swap3A_333 {strides = array<i32>} : memref<16x128xi32, #tpu.memory_space<vmem>>, vector<1x16xi32>,
      %iota3A_334 = tpu.iota {dimensions = array<i32: 0>} : vector<16xi32>
      %add3A_335 = arith.constant 128 : i32
      %add3A_336 = arith.addi %mul3A_2, %add3A_335 : i32
      %add3A_337 = arith.constant 48 : i32
      %add3A_338 = arith.addi %add3A_336, %add3A_337 : i32
      %add3A_339 = vector.broadcast %add3A_338 : i32 to vector<16xi32>
      %add3A_340 = arith.addi %iota3A_334, %add3A_339 : vector<16xi32>
      %shift_right_arithmetic3A_341 = arith.constant 5 : i32
      %shift_right_arithmetic3A_342 = vector.broadcast %shift_right_arithmetic3A_341 : i32 to vector<16xi32>
      %shift_right_arithmetic3A_343 = arith.shrsi %add3A_340, %shift_right_arithmetic3A_342 : vector<16xi32>
      %swap3A_344 = arith.constant 1 : i32
      %swap3A_345 = arith.index_cast %swap3A_344 : i32 to index
      %swap3A_346 = arith.constant 48 : index
      %swap3A_347 = tpu.vector_load %arg6[%swap3A_345, %swap3A_346] {strides = array<i32>} : memref<16x128xi32, #tpu.memory_space<vmem>>, vector<1x16xi32>,
      %swap3A_348 = vector.shape_cast %swap3A_347 : vector<1x16xi32> to vector<16xi32>
      %swap3A_349 = vector.shape_cast %shift_right_arithmetic3A_343 : vector<16xi32> to vector<1x16xi32>
      tpu.vector_store %arg6[%swap3A_345, %swap3A_346], %swap3A_349 {strides = array<i32>} : memref<16x128xi32, #tpu.memory_space<vmem>>, vector<1x16xi32>,
      %iota3A_350 = tpu.iota {dimensions = array<i32: 0>} : vector<16xi32>
      %add3A_351 = arith.constant 128 : i32
      %add3A_352 = arith.addi %mul3A_2, %add3A_351 : i32
      %add3A_353 = arith.constant 64 : i32
      %add3A_354 = arith.addi %add3A_352, %add3A_353 : i32
      %add3A_355 = vector.broadcast %add3A_354 : i32 to vector<16xi32>
      %add3A_356 = arith.addi %iota3A_350, %add3A_355 : vector<16xi32>
      %shift_right_arithmetic3A_357 = arith.constant 5 : i32
      %shift_right_arithmetic3A_358 = vector.broadcast %shift_right_arithmetic3A_357 : i32 to vector<16xi32>
      %shift_right_arithmetic3A_359 = arith.shrsi %add3A_356, %shift_right_arithmetic3A_358 : vector<16xi32>
      %swap3A_360 = arith.constant 1 : i32
      %swap3A_361 = arith.index_cast %swap3A_360 : i32 to index
      %swap3A_362 = arith.constant 64 : index
      %swap3A_363 = tpu.vector_load %arg6[%swap3A_361, %swap3A_362] {strides = array<i32>} : memref<16x128xi32, #tpu.memory_space<vmem>>, vector<1x16xi32>,
      %swap3A_364 = vector.shape_cast %swap3A_363 : vector<1x16xi32> to vector<16xi32>
      %swap3A_365 = vector.shape_cast %shift_right_arithmetic3A_359 : vector<16xi32> to vector<1x16xi32>
      tpu.vector_store %arg6[%swap3A_361, %swap3A_362], %swap3A_365 {strides = array<i32>} : memref<16x128xi32, #tpu.memory_space<vmem>>, vector<1x16xi32>,
      %iota3A_366 = tpu.iota {dimensions = array<i32: 0>} : vector<16xi32>
      %add3A_367 = arith.constant 128 : i32
      %add3A_368 = arith.addi %mul3A_2, %add3A_367 : i32
      %add3A_369 = arith.constant 80 : i32
      %add3A_370 = arith.addi %add3A_368, %add3A_369 : i32
      %add3A_371 = vector.broadcast %add3A_370 : i32 to vector<16xi32>
      %add3A_372 = arith.addi %iota3A_366, %add3A_371 : vector<16xi32>
      %shift_right_arithmetic3A_373 = arith.constant 5 : i32
      %shift_right_arithmetic3A_374 = vector.broadcast %shift_right_arithmetic3A_373 : i32 to vector<16xi32>
      %shift_right_arithmetic3A_375 = arith.shrsi %add3A_372, %shift_right_arithmetic3A_374 : vector<16xi32>
      %swap3A_376 = arith.constant 1 : i32
      %swap3A_377 = arith.index_cast %swap3A_376 : i32 to index
      %swap3A_378 = arith.constant 80 : index
      %swap3A_379 = tpu.vector_load %arg6[%swap3A_377, %swap3A_378] {strides = array<i32>} : memref<16x128xi32, #tpu.memory_space<vmem>>, vector<1x16xi32>,
      %swap3A_380 = vector.shape_cast %swap3A_379 : vector<1x16xi32> to vector<16xi32>
      %swap3A_381 = vector.shape_cast %shift_right_arithmetic3A_375 : vector<16xi32> to vector<1x16xi32>
      tpu.vector_store %arg6[%swap3A_377, %swap3A_378], %swap3A_381 {strides = array<i32>} : memref<16x128xi32, #tpu.memory_space<vmem>>, vector<1x16xi32>,
      %iota3A_382 = tpu.iota {dimensions = array<i32: 0>} : vector<16xi32>
      %add3A_383 = arith.constant 128 : i32
      %add3A_384 = arith.addi %mul3A_2, %add3A_383 : i32
      %add3A_385 = arith.constant 96 : i32
      %add3A_386 = arith.addi %add3A_384, %add3A_385 : i32
      %add3A_387 = vector.broadcast %add3A_386 : i32 to vector<16xi32>
      %add3A_388 = arith.addi %iota3A_382, %add3A_387 : vector<16xi32>
      %shift_right_arithmetic3A_389 = arith.constant 5 : i32
      %shift_right_arithmetic3A_390 = vector.broadcast %shift_right_arithmetic3A_389 : i32 to vector<16xi32>
      %shift_right_arithmetic3A_391 = arith.shrsi %add3A_388, %shift_right_arithmetic3A_390 : vector<16xi32>
      %swap3A_392 = arith.constant 1 : i32
      %swap3A_393 = arith.index_cast %swap3A_392 : i32 to index
      %swap3A_394 = arith.constant 96 : index
      %swap3A_395 = tpu.vector_load %arg6[%swap3A_393, %swap3A_394] {strides = array<i32>} : memref<16x128xi32, #tpu.memory_space<vmem>>, vector<1x16xi32>,
      %swap3A_396 = vector.shape_cast %swap3A_395 : vector<1x16xi32> to vector<16xi32>
      %swap3A_397 = vector.shape_cast %shift_right_arithmetic3A_391 : vector<16xi32> to vector<1x16xi32>
      tpu.vector_store %arg6[%swap3A_393, %swap3A_394], %swap3A_397 {strides = array<i32>} : memref<16x128xi32, #tpu.memory_space<vmem>>, vector<1x16xi32>,
      %iota3A_398 = tpu.iota {dimensions = array<i32: 0>} : vector<16xi32>
      %add3A_399 = arith.constant 128 : i32
      %add3A_400 = arith.addi %mul3A_2, %add3A_399 : i32
      %add3A_401 = arith.constant 112 : i32
      %add3A_402 = arith.addi %add3A_400, %add3A_401 : i32
      %add3A_403 = vector.broadcast %add3A_402 : i32 to vector<16xi32>
      %add3A_404 = arith.addi %iota3A_398, %add3A_403 : vector<16xi32>
      %shift_right_arithmetic3A_405 = arith.constant 5 : i32
      %shift_right_arithmetic3A_406 = vector.broadcast %shift_right_arithmetic3A_405 : i32 to vector<16xi32>
      %shift_right_arithmetic3A_407 = arith.shrsi %add3A_404, %shift_right_arithmetic3A_406 : vector<16xi32>
      %swap3A_408 = arith.constant 1 : i32
      %swap3A_409 = arith.index_cast %swap3A_408 : i32 to index
      %swap3A_410 = arith.constant 112 : index
      %swap3A_411 = tpu.vector_load %arg6[%swap3A_409, %swap3A_410] {strides = array<i32>} : memref<16x128xi32, #tpu.memory_space<vmem>>, vector<1x16xi32>,
      %swap3A_412 = vector.shape_cast %swap3A_411 : vector<1x16xi32> to vector<16xi32>
      %swap3A_413 = vector.shape_cast %shift_right_arithmetic3A_407 : vector<16xi32> to vector<1x16xi32>
      tpu.vector_store %arg6[%swap3A_409, %swap3A_410], %swap3A_413 {strides = array<i32>} : memref<16x128xi32, #tpu.memory_space<vmem>>, vector<1x16xi32>,
      %iota3A_414 = tpu.iota {dimensions = array<i32: 0>} : vector<16xi32>
      %add3A_415 = arith.constant 256 : i32
      %add3A_416 = arith.addi %mul3A_2, %add3A_415 : i32
      %add3A_417 = arith.constant 0 : i32
      %add3A_418 = arith.addi %add3A_416, %add3A_417 : i32
      %add3A_419 = vector.broadcast %add3A_418 : i32 to vector<16xi32>
      %add3A_420 = arith.addi %iota3A_414, %add3A_419 : vector<16xi32>
      %shift_right_arithmetic3A_421 = arith.constant 5 : i32
      %shift_right_arithmetic3A_422 = vector.broadcast %shift_right_arithmetic3A_421 : i32 to vector<16xi32>
      %shift_right_arithmetic3A_423 = arith.shrsi %add3A_420, %shift_right_arithmetic3A_422 : vector<16xi32>
      %swap3A_424 = arith.constant 2 : i32
      %swap3A_425 = arith.index_cast %swap3A_424 : i32 to index
      %swap3A_426 = arith.constant 0 : index
      %swap3A_427 = tpu.vector_load %arg6[%swap3A_425, %swap3A_426] {strides = array<i32>} : memref<16x128xi32, #tpu.memory_space<vmem>>, vector<1x16xi32>,
      %swap3A_428 = vector.shape_cast %swap3A_427 : vector<1x16xi32> to vector<16xi32>
      %swap3A_429 = vector.shape_cast %shift_right_arithmetic3A_423 : vector<16xi32> to vector<1x16xi32>
      tpu.vector_store %arg6[%swap3A_425, %swap3A_426], %swap3A_429 {strides = array<i32>} : memref<16x128xi32, #tpu.memory_space<vmem>>, vector<1x16xi32>,
      %iota3A_430 = tpu.iota {dimensions = array<i32: 0>} : vector<16xi32>
      %add3A_431 = arith.constant 256 : i32
      %add3A_432 = arith.addi %mul3A_2, %add3A_431 : i32
      %add3A_433 = arith.constant 16 : i32
      %add3A_434 = arith.addi %add3A_432, %add3A_433 : i32
      %add3A_435 = vector.broadcast %add3A_434 : i32 to vector<16xi32>
      %add3A_436 = arith.addi %iota3A_430, %add3A_435 : vector<16xi32>
      %shift_right_arithmetic3A_437 = arith.constant 5 : i32
      %shift_right_arithmetic3A_438 = vector.broadcast %shift_right_arithmetic3A_437 : i32 to vector<16xi32>
      %shift_right_arithmetic3A_439 = arith.shrsi %add3A_436, %shift_right_arithmetic3A_438 : vector<16xi32>
      %swap3A_440 = arith.constant 2 : i32
      %swap3A_441 = arith.index_cast %swap3A_440 : i32 to index
      %swap3A_442 = arith.constant 16 : index
      %swap3A_443 = tpu.vector_load %arg6[%swap3A_441, %swap3A_442] {strides = array<i32>} : memref<16x128xi32, #tpu.memory_space<vmem>>, vector<1x16xi32>,
      %swap3A_444 = vector.shape_cast %swap3A_443 : vector<1x16xi32> to vector<16xi32>
      %swap3A_445 = vector.shape_cast %shift_right_arithmetic3A_439 : vector<16xi32> to vector<1x16xi32>
      tpu.vector_store %arg6[%swap3A_441, %swap3A_442], %swap3A_445 {strides = array<i32>} : memref<16x128xi32, #tpu.memory_space<vmem>>, vector<1x16xi32>,
      %iota3A_446 = tpu.iota {dimensions = array<i32: 0>} : vector<16xi32>
      %add3A_447 = arith.constant 256 : i32
      %add3A_448 = arith.addi %mul3A_2, %add3A_447 : i32
      %add3A_449 = arith.constant 32 : i32
      %add3A_450 = arith.addi %add3A_448, %add3A_449 : i32
      %add3A_451 = vector.broadcast %add3A_450 : i32 to vector<16xi32>
      %add3A_452 = arith.addi %iota3A_446, %add3A_451 : vector<16xi32>
      %shift_right_arithmetic3A_453 = arith.constant 5 : i32
      %shift_right_arithmetic3A_454 = vector.broadcast %shift_right_arithmetic3A_453 : i32 to vector<16xi32>
      %shift_right_arithmetic3A_455 = arith.shrsi %add3A_452, %shift_right_arithmetic3A_454 : vector<16xi32>
      %swap3A_456 = arith.constant 2 : i32
      %swap3A_457 = arith.index_cast %swap3A_456 : i32 to index
      %swap3A_458 = arith.constant 32 : index
      %swap3A_459 = tpu.vector_load %arg6[%swap3A_457, %swap3A_458] {strides = array<i32>} : memref<16x128xi32, #tpu.memory_space<vmem>>, vector<1x16xi32>,
      %swap3A_460 = vector.shape_cast %swap3A_459 : vector<1x16xi32> to vector<16xi32>
      %swap3A_461 = vector.shape_cast %shift_right_arithmetic3A_455 : vector<16xi32> to vector<1x16xi32>
      tpu.vector_store %arg6[%swap3A_457, %swap3A_458], %swap3A_461 {strides = array<i32>} : memref<16x128xi32, #tpu.memory_space<vmem>>, vector<1x16xi32>,
      %iota3A_462 = tpu.iota {dimensions = array<i32: 0>} : vector<16xi32>
      %add3A_463 = arith.constant 256 : i32
      %add3A_464 = arith.addi %mul3A_2, %add3A_463 : i32
      %add3A_465 = arith.constant 48 : i32
      %add3A_466 = arith.addi %add3A_464, %add3A_465 : i32
      %add3A_467 = vector.broadcast %add3A_466 : i32 to vector<16xi32>
      %add3A_468 = arith.addi %iota3A_462, %add3A_467 : vector<16xi32>
      %shift_right_arithmetic3A_469 = arith.constant 5 : i32
      %shift_right_arithmetic3A_470 = vector.broadcast %shift_right_arithmetic3A_469 : i32 to vector<16xi32>
      %shift_right_arithmetic3A_471 = arith.shrsi %add3A_468, %shift_right_arithmetic3A_470 : vector<16xi32>
      %swap3A_472 = arith.constant 2 : i32
      %swap3A_473 = arith.index_cast %swap3A_472 : i32 to index
      %swap3A_474 = arith.constant 48 : index
      %swap3A_475 = tpu.vector_load %arg6[%swap3A_473, %swap3A_474] {strides = array<i32>} : memref<16x128xi32, #tpu.memory_space<vmem>>, vector<1x16xi32>,
      %swap3A_476 = vector.shape_cast %swap3A_475 : vector<1x16xi32> to vector<16xi32>
      %swap3A_477 = vector.shape_cast %shift_right_arithmetic3A_471 : vector<16xi32> to vector<1x16xi32>
      tpu.vector_store %arg6[%swap3A_473, %swap3A_474], %swap3A_477 {strides = array<i32>} : memref<16x128xi32, #tpu.memory_space<vmem>>, vector<1x16xi32>,
      %iota3A_478 = tpu.iota {dimensions = array<i32: 0>} : vector<16xi32>
      %add3A_479 = arith.constant 256 : i32
      %add3A_480 = arith.addi %mul3A_2, %add3A_479 : i32
      %add3A_481 = arith.constant 64 : i32
      %add3A_482 = arith.addi %add3A_480, %add3A_481 : i32
      %add3A_483 = vector.broadcast %add3A_482 : i32 to vector<16xi32>
      %add3A_484 = arith.addi %iota3A_478, %add3A_483 : vector<16xi32>
      %shift_right_arithmetic3A_485 = arith.constant 5 : i32
      %shift_right_arithmetic3A_486 = vector.broadcast %shift_right_arithmetic3A_485 : i32 to vector<16xi32>
      %shift_right_arithmetic3A_487 = arith.shrsi %add3A_484, %shift_right_arithmetic3A_486 : vector<16xi32>
      %swap3A_488 = arith.constant 2 : i32
      %swap3A_489 = arith.index_cast %swap3A_488 : i32 to index
      %swap3A_490 = arith.constant 64 : index
      %swap3A_491 = tpu.vector_load %arg6[%swap3A_489, %swap3A_490] {strides = array<i32>} : memref<16x128xi32, #tpu.memory_space<vmem>>, vector<1x16xi32>,
      %swap3A_492 = vector.shape_cast %swap3A_491 : vector<1x16xi32> to vector<16xi32>
      %swap3A_493 = vector.shape_cast %shift_right_arithmetic3A_487 : vector<16xi32> to vector<1x16xi32>
      tpu.vector_store %arg6[%swap3A_489, %swap3A_490], %swap3A_493 {strides = array<i32>} : memref<16x128xi32, #tpu.memory_space<vmem>>, vector<1x16xi32>,
      %iota3A_494 = tpu.iota {dimensions = array<i32: 0>} : vector<16xi32>
      %add3A_495 = arith.constant 256 : i32
      %add3A_496 = arith.addi %mul3A_2, %add3A_495 : i32
      %add3A_497 = arith.constant 80 : i32
      %add3A_498 = arith.addi %add3A_496, %add3A_497 : i32
      %add3A_499 = vector.broadcast %add3A_498 : i32 to vector<16xi32>
      %add3A_500 = arith.addi %iota3A_494, %add3A_499 : vector<16xi32>
      %shift_right_arithmetic3A_501 = arith.constant 5 : i32
      %shift_right_arithmetic3A_502 = vector.broadcast %shift_right_arithmetic3A_501 : i32 to vector<16xi32>
      %shift_right_arithmetic3A_503 = arith.shrsi %add3A_500, %shift_right_arithmetic3A_502 : vector<16xi32>
      %swap3A_504 = arith.constant 2 : i32
      %swap3A_505 = arith.index_cast %swap3A_504 : i32 to index
      %swap3A_506 = arith.constant 80 : index
      %swap3A_507 = tpu.vector_load %arg6[%swap3A_505, %swap3A_506] {strides = array<i32>} : memref<16x128xi32, #tpu.memory_space<vmem>>, vector<1x16xi32>,
      %swap3A_508 = vector.shape_cast %swap3A_507 : vector<1x16xi32> to vector<16xi32>
      %swap3A_509 = vector.shape_cast %shift_right_arithmetic3A_503 : vector<16xi32> to vector<1x16xi32>
      tpu.vector_store %arg6[%swap3A_505, %swap3A_506], %swap3A_509 {strides = array<i32>} : memref<16x128xi32, #tpu.memory_space<vmem>>, vector<1x16xi32>,
      %iota3A_510 = tpu.iota {dimensions = array<i32: 0>} : vector<16xi32>
      %add3A_511 = arith.constant 256 : i32
      %add3A_512 = arith.addi %mul3A_2, %add3A_511 : i32
      %add3A_513 = arith.constant 96 : i32
      %add3A_514 = arith.addi %add3A_512, %add3A_513 : i32
      %add3A_515 = vector.broadcast %add3A_514 : i32 to vector<16xi32>
      %add3A_516 = arith.addi %iota3A_510, %add3A_515 : vector<16xi32>
      %shift_right_arithmetic3A_517 = arith.constant 5 : i32
      %shift_right_arithmetic3A_518 = vector.broadcast %shift_right_arithmetic3A_517 : i32 to vector<16xi32>
      %shift_right_arithmetic3A_519 = arith.shrsi %add3A_516, %shift_right_arithmetic3A_518 : vector<16xi32>
      %swap3A_520 = arith.constant 2 : i32
      %swap3A_521 = arith.index_cast %swap3A_520 : i32 to index
      %swap3A_522 = arith.constant 96 : index
      %swap3A_523 = tpu.vector_load %arg6[%swap3A_521, %swap3A_522] {strides = array<i32>} : memref<16x128xi32, #tpu.memory_space<vmem>>, vector<1x16xi32>,
      %swap3A_524 = vector.shape_cast %swap3A_523 : vector<1x16xi32> to vector<16xi32>
      %swap3A_525 = vector.shape_cast %shift_right_arithmetic3A_519 : vector<16xi32> to vector<1x16xi32>
      tpu.vector_store %arg6[%swap3A_521, %swap3A_522], %swap3A_525 {strides = array<i32>} : memref<16x128xi32, #tpu.memory_space<vmem>>, vector<1x16xi32>,
      %iota3A_526 = tpu.iota {dimensions = array<i32: 0>} : vector<16xi32>
      %add3A_527 = arith.constant 256 : i32
      %add3A_528 = arith.addi %mul3A_2, %add3A_527 : i32
      %add3A_529 = arith.constant 112 : i32
      %add3A_530 = arith.addi %add3A_528, %add3A_529 : i32
      %add3A_531 = vector.broadcast %add3A_530 : i32 to vector<16xi32>
      %add3A_532 = arith.addi %iota3A_526, %add3A_531 : vector<16xi32>
      %shift_right_arithmetic3A_533 = arith.constant 5 : i32
      %shift_right_arithmetic3A_534 = vector.broadcast %shift_right_arithmetic3A_533 : i32 to vector<16xi32>
      %shift_right_arithmetic3A_535 = arith.shrsi %add3A_532, %shift_right_arithmetic3A_534 : vector<16xi32>
      %swap3A_536 = arith.constant 2 : i32
      %swap3A_537 = arith.index_cast %swap3A_536 : i32 to index
      %swap3A_538 = arith.constant 112 : index
      %swap3A_539 = tpu.vector_load %arg6[%swap3A_537, %swap3A_538] {strides = array<i32>} : memref<16x128xi32, #tpu.memory_space<vmem>>, vector<1x16xi32>,
      %swap3A_540 = vector.shape_cast %swap3A_539 : vector<1x16xi32> to vector<16xi32>
      %swap3A_541 = vector.shape_cast %shift_right_arithmetic3A_535 : vector<16xi32> to vector<1x16xi32>
      tpu.vector_store %arg6[%swap3A_537, %swap3A_538], %swap3A_541 {strides = array<i32>} : memref<16x128xi32, #tpu.memory_space<vmem>>, vector<1x16xi32>,
      %iota3A_542 = tpu.iota {dimensions = array<i32: 0>} : vector<16xi32>
      %add3A_543 = arith.constant 384 : i32
      %add3A_544 = arith.addi %mul3A_2, %add3A_543 : i32
      %add3A_545 = arith.constant 0 : i32
      %add3A_546 = arith.addi %add3A_544, %add3A_545 : i32
      %add3A_547 = vector.broadcast %add3A_546 : i32 to vector<16xi32>
      %add3A_548 = arith.addi %iota3A_542, %add3A_547 : vector<16xi32>
      %shift_right_arithmetic3A_549 = arith.constant 5 : i32
      %shift_right_arithmetic3A_550 = vector.broadcast %shift_right_arithmetic3A_549 : i32 to vector<16xi32>
      %shift_right_arithmetic3A_551 = arith.shrsi %add3A_548, %shift_right_arithmetic3A_550 : vector<16xi32>
      %swap3A_552 = arith.constant 3 : i32
      %swap3A_553 = arith.index_cast %swap3A_552 : i32 to index
      %swap3A_554 = arith.constant 0 : index
      %swap3A_555 = tpu.vector_load %arg6[%swap3A_553, %swap3A_554] {strides = array<i32>} : memref<16x128xi32, #tpu.memory_space<vmem>>, vector<1x16xi32>,
      %swap3A_556 = vector.shape_cast %swap3A_555 : vector<1x16xi32> to vector<16xi32>
      %swap3A_557 = vector.shape_cast %shift_right_arithmetic3A_551 : vector<16xi32> to vector<1x16xi32>
      tpu.vector_store %arg6[%swap3A_553, %swap3A_554], %swap3A_557 {strides = array<i32>} : memref<16x128xi32, #tpu.memory_space<vmem>>, vector<1x16xi32>,
      %iota3A_558 = tpu.iota {dimensions = array<i32: 0>} : vector<16xi32>
      %add3A_559 = arith.constant 384 : i32
      %add3A_560 = arith.addi %mul3A_2, %add3A_559 : i32
      %add3A_561 = arith.constant 16 : i32
      %add3A_562 = arith.addi %add3A_560, %add3A_561 : i32
      %add3A_563 = vector.broadcast %add3A_562 : i32 to vector<16xi32>
      %add3A_564 = arith.addi %iota3A_558, %add3A_563 : vector<16xi32>
      %shift_right_arithmetic3A_565 = arith.constant 5 : i32
      %shift_right_arithmetic3A_566 = vector.broadcast %shift_right_arithmetic3A_565 : i32 to vector<16xi32>
      %shift_right_arithmetic3A_567 = arith.shrsi %add3A_564, %shift_right_arithmetic3A_566 : vector<16xi32>
      %swap3A_568 = arith.constant 3 : i32
      %swap3A_569 = arith.index_cast %swap3A_568 : i32 to index
      %swap3A_570 = arith.constant 16 : index
      %swap3A_571 = tpu.vector_load %arg6[%swap3A_569, %swap3A_570] {strides = array<i32>} : memref<16x128xi32, #tpu.memory_space<vmem>>, vector<1x16xi32>,
      %swap3A_572 = vector.shape_cast %swap3A_571 : vector<1x16xi32> to vector<16xi32>
      %swap3A_573 = vector.shape_cast %shift_right_arithmetic3A_567 : vector<16xi32> to vector<1x16xi32>
      tpu.vector_store %arg6[%swap3A_569, %swap3A_570], %swap3A_573 {strides = array<i32>} : memref<16x128xi32, #tpu.memory_space<vmem>>, vector<1x16xi32>,
      %iota3A_574 = tpu.iota {dimensions = array<i32: 0>} : vector<16xi32>
      %add3A_575 = arith.constant 384 : i32
      %add3A_576 = arith.addi %mul3A_2, %add3A_575 : i32
      %add3A_577 = arith.constant 32 : i32
      %add3A_578 = arith.addi %add3A_576, %add3A_577 : i32
      %add3A_579 = vector.broadcast %add3A_578 : i32 to vector<16xi32>
      %add3A_580 = arith.addi %iota3A_574, %add3A_579 : vector<16xi32>
      %shift_right_arithmetic3A_581 = arith.constant 5 : i32
      %shift_right_arithmetic3A_582 = vector.broadcast %shift_right_arithmetic3A_581 : i32 to vector<16xi32>
      %shift_right_arithmetic3A_583 = arith.shrsi %add3A_580, %shift_right_arithmetic3A_582 : vector<16xi32>
      %swap3A_584 = arith.constant 3 : i32
      %swap3A_585 = arith.index_cast %swap3A_584 : i32 to index
      %swap3A_586 = arith.constant 32 : index
      %swap3A_587 = tpu.vector_load %arg6[%swap3A_585, %swap3A_586] {strides = array<i32>} : memref<16x128xi32, #tpu.memory_space<vmem>>, vector<1x16xi32>,
      %swap3A_588 = vector.shape_cast %swap3A_587 : vector<1x16xi32> to vector<16xi32>
      %swap3A_589 = vector.shape_cast %shift_right_arithmetic3A_583 : vector<16xi32> to vector<1x16xi32>
      tpu.vector_store %arg6[%swap3A_585, %swap3A_586], %swap3A_589 {strides = array<i32>} : memref<16x128xi32, #tpu.memory_space<vmem>>, vector<1x16xi32>,
      %iota3A_590 = tpu.iota {dimensions = array<i32: 0>} : vector<16xi32>
      %add3A_591 = arith.constant 384 : i32
      %add3A_592 = arith.addi %mul3A_2, %add3A_591 : i32
      %add3A_593 = arith.constant 48 : i32
      %add3A_594 = arith.addi %add3A_592, %add3A_593 : i32
      %add3A_595 = vector.broadcast %add3A_594 : i32 to vector<16xi32>
      %add3A_596 = arith.addi %iota3A_590, %add3A_595 : vector<16xi32>
      %shift_right_arithmetic3A_597 = arith.constant 5 : i32
      %shift_right_arithmetic3A_598 = vector.broadcast %shift_right_arithmetic3A_597 : i32 to vector<16xi32>
      %shift_right_arithmetic3A_599 = arith.shrsi %add3A_596, %shift_right_arithmetic3A_598 : vector<16xi32>
      %swap3A_600 = arith.constant 3 : i32
      %swap3A_601 = arith.index_cast %swap3A_600 : i32 to index
      %swap3A_602 = arith.constant 48 : index
      %swap3A_603 = tpu.vector_load %arg6[%swap3A_601, %swap3A_602] {strides = array<i32>} : memref<16x128xi32, #tpu.memory_space<vmem>>, vector<1x16xi32>,
      %swap3A_604 = vector.shape_cast %swap3A_603 : vector<1x16xi32> to vector<16xi32>
      %swap3A_605 = vector.shape_cast %shift_right_arithmetic3A_599 : vector<16xi32> to vector<1x16xi32>
      tpu.vector_store %arg6[%swap3A_601, %swap3A_602], %swap3A_605 {strides = array<i32>} : memref<16x128xi32, #tpu.memory_space<vmem>>, vector<1x16xi32>,
      %iota3A_606 = tpu.iota {dimensions = array<i32: 0>} : vector<16xi32>
      %add3A_607 = arith.constant 384 : i32
      %add3A_608 = arith.addi %mul3A_2, %add3A_607 : i32
      %add3A_609 = arith.constant 64 : i32
      %add3A_610 = arith.addi %add3A_608, %add3A_609 : i32
      %add3A_611 = vector.broadcast %add3A_610 : i32 to vector<16xi32>
      %add3A_612 = arith.addi %iota3A_606, %add3A_611 : vector<16xi32>
      %shift_right_arithmetic3A_613 = arith.constant 5 : i32
      %shift_right_arithmetic3A_614 = vector.broadcast %shift_right_arithmetic3A_613 : i32 to vector<16xi32>
      %shift_right_arithmetic3A_615 = arith.shrsi %add3A_612, %shift_right_arithmetic3A_614 : vector<16xi32>
      %swap3A_616 = arith.constant 3 : i32
      %swap3A_617 = arith.index_cast %swap3A_616 : i32 to index
      %swap3A_618 = arith.constant 64 : index
      %swap3A_619 = tpu.vector_load %arg6[%swap3A_617, %swap3A_618] {strides = array<i32>} : memref<16x128xi32, #tpu.memory_space<vmem>>, vector<1x16xi32>,
      %swap3A_620 = vector.shape_cast %swap3A_619 : vector<1x16xi32> to vector<16xi32>
      %swap3A_621 = vector.shape_cast %shift_right_arithmetic3A_615 : vector<16xi32> to vector<1x16xi32>
      tpu.vector_store %arg6[%swap3A_617, %swap3A_618], %swap3A_621 {strides = array<i32>} : memref<16x128xi32, #tpu.memory_space<vmem>>, vector<1x16xi32>,
      %iota3A_622 = tpu.iota {dimensions = array<i32: 0>} : vector<16xi32>
      %add3A_623 = arith.constant 384 : i32
      %add3A_624 = arith.addi %mul3A_2, %add3A_623 : i32
      %add3A_625 = arith.constant 80 : i32
      %add3A_626 = arith.addi %add3A_624, %add3A_625 : i32
      %add3A_627 = vector.broadcast %add3A_626 : i32 to vector<16xi32>
      %add3A_628 = arith.addi %iota3A_622, %add3A_627 : vector<16xi32>
      %shift_right_arithmetic3A_629 = arith.constant 5 : i32
      %shift_right_arithmetic3A_630 = vector.broadcast %shift_right_arithmetic3A_629 : i32 to vector<16xi32>
      %shift_right_arithmetic3A_631 = arith.shrsi %add3A_628, %shift_right_arithmetic3A_630 : vector<16xi32>
      %swap3A_632 = arith.constant 3 : i32
      %swap3A_633 = arith.index_cast %swap3A_632 : i32 to index
      %swap3A_634 = arith.constant 80 : index
      %swap3A_635 = tpu.vector_load %arg6[%swap3A_633, %swap3A_634] {strides = array<i32>} : memref<16x128xi32, #tpu.memory_space<vmem>>, vector<1x16xi32>,
      %swap3A_636 = vector.shape_cast %swap3A_635 : vector<1x16xi32> to vector<16xi32>
      %swap3A_637 = vector.shape_cast %shift_right_arithmetic3A_631 : vector<16xi32> to vector<1x16xi32>
      tpu.vector_store %arg6[%swap3A_633, %swap3A_634], %swap3A_637 {strides = array<i32>} : memref<16x128xi32, #tpu.memory_space<vmem>>, vector<1x16xi32>,
      %iota3A_638 = tpu.iota {dimensions = array<i32: 0>} : vector<16xi32>
      %add3A_639 = arith.constant 384 : i32
      %add3A_640 = arith.addi %mul3A_2, %add3A_639 : i32
      %add3A_641 = arith.constant 96 : i32
      %add3A_642 = arith.addi %add3A_640, %add3A_641 : i32
      %add3A_643 = vector.broadcast %add3A_642 : i32 to vector<16xi32>
      %add3A_644 = arith.addi %iota3A_638, %add3A_643 : vector<16xi32>
      %shift_right_arithmetic3A_645 = arith.constant 5 : i32
      %shift_right_arithmetic3A_646 = vector.broadcast %shift_right_arithmetic3A_645 : i32 to vector<16xi32>
      %shift_right_arithmetic3A_647 = arith.shrsi %add3A_644, %shift_right_arithmetic3A_646 : vector<16xi32>
      %swap3A_648 = arith.constant 3 : i32
      %swap3A_649 = arith.index_cast %swap3A_648 : i32 to index
      %swap3A_650 = arith.constant 96 : index
      %swap3A_651 = tpu.vector_load %arg6[%swap3A_649, %swap3A_650] {strides = array<i32>} : memref<16x128xi32, #tpu.memory_space<vmem>>, vector<1x16xi32>,
      %swap3A_652 = vector.shape_cast %swap3A_651 : vector<1x16xi32> to vector<16xi32>
      %swap3A_653 = vector.shape_cast %shift_right_arithmetic3A_647 : vector<16xi32> to vector<1x16xi32>
      tpu.vector_store %arg6[%swap3A_649, %swap3A_650], %swap3A_653 {strides = array<i32>} : memref<16x128xi32, #tpu.memory_space<vmem>>, vector<1x16xi32>,
      %iota3A_654 = tpu.iota {dimensions = array<i32: 0>} : vector<16xi32>
      %add3A_655 = arith.constant 384 : i32
      %add3A_656 = arith.addi %mul3A_2, %add3A_655 : i32
      %add3A_657 = arith.constant 112 : i32
      %add3A_658 = arith.addi %add3A_656, %add3A_657 : i32
      %add3A_659 = vector.broadcast %add3A_658 : i32 to vector<16xi32>
      %add3A_660 = arith.addi %iota3A_654, %add3A_659 : vector<16xi32>
      %shift_right_arithmetic3A_661 = arith.constant 5 : i32
      %shift_right_arithmetic3A_662 = vector.broadcast %shift_right_arithmetic3A_661 : i32 to vector<16xi32>
      %shift_right_arithmetic3A_663 = arith.shrsi %add3A_660, %shift_right_arithmetic3A_662 : vector<16xi32>
      %swap3A_664 = arith.constant 3 : i32
      %swap3A_665 = arith.index_cast %swap3A_664 : i32 to index
      %swap3A_666 = arith.constant 112 : index
      %swap3A_667 = tpu.vector_load %arg6[%swap3A_665, %swap3A_666] {strides = array<i32>} : memref<16x128xi32, #tpu.memory_space<vmem>>, vector<1x16xi32>,
      %swap3A_668 = vector.shape_cast %swap3A_667 : vector<1x16xi32> to vector<16xi32>
      %swap3A_669 = vector.shape_cast %shift_right_arithmetic3A_663 : vector<16xi32> to vector<1x16xi32>
      tpu.vector_store %arg6[%swap3A_665, %swap3A_666], %swap3A_669 {strides = array<i32>} : memref<16x128xi32, #tpu.memory_space<vmem>>, vector<1x16xi32>,
      %iota3A_670 = tpu.iota {dimensions = array<i32: 0>} : vector<16xi32>
      %add3A_671 = arith.constant 512 : i32
      %add3A_672 = arith.addi %mul3A_2, %add3A_671 : i32
      %add3A_673 = arith.constant 0 : i32
      %add3A_674 = arith.addi %add3A_672, %add3A_673 : i32
      %add3A_675 = vector.broadcast %add3A_674 : i32 to vector<16xi32>
      %add3A_676 = arith.addi %iota3A_670, %add3A_675 : vector<16xi32>
      %shift_right_arithmetic3A_677 = arith.constant 5 : i32
      %shift_right_arithmetic3A_678 = vector.broadcast %shift_right_arithmetic3A_677 : i32 to vector<16xi32>
      %shift_right_arithmetic3A_679 = arith.shrsi %add3A_676, %shift_right_arithmetic3A_678 : vector<16xi32>
      %swap3A_680 = arith.constant 4 : i32
      %swap3A_681 = arith.index_cast %swap3A_680 : i32 to index
      %swap3A_682 = arith.constant 0 : index
      %swap3A_683 = tpu.vector_load %arg6[%swap3A_681, %swap3A_682] {strides = array<i32>} : memref<16x128xi32, #tpu.memory_space<vmem>>, vector<1x16xi32>,
      %swap3A_684 = vector.shape_cast %swap3A_683 : vector<1x16xi32> to vector<16xi32>
      %swap3A_685 = vector.shape_cast %shift_right_arithmetic3A_679 : vector<16xi32> to vector<1x16xi32>
      tpu.vector_store %arg6[%swap3A_681, %swap3A_682], %swap3A_685 {strides = array<i32>} : memref<16x128xi32, #tpu.memory_space<vmem>>, vector<1x16xi32>,
      %iota3A_686 = tpu.iota {dimensions = array<i32: 0>} : vector<16xi32>
      %add3A_687 = arith.constant 512 : i32
      %add3A_688 = arith.addi %mul3A_2, %add3A_687 : i32
      %add3A_689 = arith.constant 16 : i32
      %add3A_690 = arith.addi %add3A_688, %add3A_689 : i32
      %add3A_691 = vector.broadcast %add3A_690 : i32 to vector<16xi32>
      %add3A_692 = arith.addi %iota3A_686, %add3A_691 : vector<16xi32>
      %shift_right_arithmetic3A_693 = arith.constant 5 : i32
      %shift_right_arithmetic3A_694 = vector.broadcast %shift_right_arithmetic3A_693 : i32 to vector<16xi32>
      %shift_right_arithmetic3A_695 = arith.shrsi %add3A_692, %shift_right_arithmetic3A_694 : vector<16xi32>
      %swap3A_696 = arith.constant 4 : i32
      %swap3A_697 = arith.index_cast %swap3A_696 : i32 to index
      %swap3A_698 = arith.constant 16 : index
      %swap3A_699 = tpu.vector_load %arg6[%swap3A_697, %swap3A_698] {strides = array<i32>} : memref<16x128xi32, #tpu.memory_space<vmem>>, vector<1x16xi32>,
      %swap3A_700 = vector.shape_cast %swap3A_699 : vector<1x16xi32> to vector<16xi32>
      %swap3A_701 = vector.shape_cast %shift_right_arithmetic3A_695 : vector<16xi32> to vector<1x16xi32>
      tpu.vector_store %arg6[%swap3A_697, %swap3A_698], %swap3A_701 {strides = array<i32>} : memref<16x128xi32, #tpu.memory_space<vmem>>, vector<1x16xi32>,
      %iota3A_702 = tpu.iota {dimensions = array<i32: 0>} : vector<16xi32>
      %add3A_703 = arith.constant 512 : i32
      %add3A_704 = arith.addi %mul3A_2, %add3A_703 : i32
      %add3A_705 = arith.constant 32 : i32
      %add3A_706 = arith.addi %add3A_704, %add3A_705 : i32
      %add3A_707 = vector.broadcast %add3A_706 : i32 to vector<16xi32>
      %add3A_708 = arith.addi %iota3A_702, %add3A_707 : vector<16xi32>
      %shift_right_arithmetic3A_709 = arith.constant 5 : i32
      %shift_right_arithmetic3A_710 = vector.broadcast %shift_right_arithmetic3A_709 : i32 to vector<16xi32>
      %shift_right_arithmetic3A_711 = arith.shrsi %add3A_708, %shift_right_arithmetic3A_710 : vector<16xi32>
      %swap3A_712 = arith.constant 4 : i32
      %swap3A_713 = arith.index_cast %swap3A_712 : i32 to index
      %swap3A_714 = arith.constant 32 : index
      %swap3A_715 = tpu.vector_load %arg6[%swap3A_713, %swap3A_714] {strides = array<i32>} : memref<16x128xi32, #tpu.memory_space<vmem>>, vector<1x16xi32>,
      %swap3A_716 = vector.shape_cast %swap3A_715 : vector<1x16xi32> to vector<16xi32>
      %swap3A_717 = vector.shape_cast %shift_right_arithmetic3A_711 : vector<16xi32> to vector<1x16xi32>
      tpu.vector_store %arg6[%swap3A_713, %swap3A_714], %swap3A_717 {strides = array<i32>} : memref<16x128xi32, #tpu.memory_space<vmem>>, vector<1x16xi32>,
      %iota3A_718 = tpu.iota {dimensions = array<i32: 0>} : vector<16xi32>
      %add3A_719 = arith.constant 512 : i32
      %add3A_720 = arith.addi %mul3A_2, %add3A_719 : i32
      %add3A_721 = arith.constant 48 : i32
      %add3A_722 = arith.addi %add3A_720, %add3A_721 : i32
      %add3A_723 = vector.broadcast %add3A_722 : i32 to vector<16xi32>
      %add3A_724 = arith.addi %iota3A_718, %add3A_723 : vector<16xi32>
      %shift_right_arithmetic3A_725 = arith.constant 5 : i32
      %shift_right_arithmetic3A_726 = vector.broadcast %shift_right_arithmetic3A_725 : i32 to vector<16xi32>
      %shift_right_arithmetic3A_727 = arith.shrsi %add3A_724, %shift_right_arithmetic3A_726 : vector<16xi32>
      %swap3A_728 = arith.constant 4 : i32
      %swap3A_729 = arith.index_cast %swap3A_728 : i32 to index
      %swap3A_730 = arith.constant 48 : index
      %swap3A_731 = tpu.vector_load %arg6[%swap3A_729, %swap3A_730] {strides = array<i32>} : memref<16x128xi32, #tpu.memory_space<vmem>>, vector<1x16xi32>,
      %swap3A_732 = vector.shape_cast %swap3A_731 : vector<1x16xi32> to vector<16xi32>
      %swap3A_733 = vector.shape_cast %shift_right_arithmetic3A_727 : vector<16xi32> to vector<1x16xi32>
      tpu.vector_store %arg6[%swap3A_729, %swap3A_730], %swap3A_733 {strides = array<i32>} : memref<16x128xi32, #tpu.memory_space<vmem>>, vector<1x16xi32>,
      %iota3A_734 = tpu.iota {dimensions = array<i32: 0>} : vector<16xi32>
      %add3A_735 = arith.constant 512 : i32
      %add3A_736 = arith.addi %mul3A_2, %add3A_735 : i32
      %add3A_737 = arith.constant 64 : i32
      %add3A_738 = arith.addi %add3A_736, %add3A_737 : i32
      %add3A_739 = vector.broadcast %add3A_738 : i32 to vector<16xi32>
      %add3A_740 = arith.addi %iota3A_734, %add3A_739 : vector<16xi32>
      %shift_right_arithmetic3A_741 = arith.constant 5 : i32
      %shift_right_arithmetic3A_742 = vector.broadcast %shift_right_arithmetic3A_741 : i32 to vector<16xi32>
      %shift_right_arithmetic3A_743 = arith.shrsi %add3A_740, %shift_right_arithmetic3A_742 : vector<16xi32>
      %swap3A_744 = arith.constant 4 : i32
      %swap3A_745 = arith.index_cast %swap3A_744 : i32 to index
      %swap3A_746 = arith.constant 64 : index
      %swap3A_747 = tpu.vector_load %arg6[%swap3A_745, %swap3A_746] {strides = array<i32>} : memref<16x128xi32, #tpu.memory_space<vmem>>, vector<1x16xi32>,
      %swap3A_748 = vector.shape_cast %swap3A_747 : vector<1x16xi32> to vector<16xi32>
      %swap3A_749 = vector.shape_cast %shift_right_arithmetic3A_743 : vector<16xi32> to vector<1x16xi32>
      tpu.vector_store %arg6[%swap3A_745, %swap3A_746], %swap3A_749 {strides = array<i32>} : memref<16x128xi32, #tpu.memory_space<vmem>>, vector<1x16xi32>,
      %iota3A_750 = tpu.iota {dimensions = array<i32: 0>} : vector<16xi32>
      %add3A_751 = arith.constant 512 : i32
      %add3A_752 = arith.addi %mul3A_2, %add3A_751 : i32
      %add3A_753 = arith.constant 80 : i32
      %add3A_754 = arith.addi %add3A_752, %add3A_753 : i32
      %add3A_755 = vector.broadcast %add3A_754 : i32 to vector<16xi32>
      %add3A_756 = arith.addi %iota3A_750, %add3A_755 : vector<16xi32>
      %shift_right_arithmetic3A_757 = arith.constant 5 : i32
      %shift_right_arithmetic3A_758 = vector.broadcast %shift_right_arithmetic3A_757 : i32 to vector<16xi32>
      %shift_right_arithmetic3A_759 = arith.shrsi %add3A_756, %shift_right_arithmetic3A_758 : vector<16xi32>
      %swap3A_760 = arith.constant 4 : i32
      %swap3A_761 = arith.index_cast %swap3A_760 : i32 to index
      %swap3A_762 = arith.constant 80 : index
      %swap3A_763 = tpu.vector_load %arg6[%swap3A_761, %swap3A_762] {strides = array<i32>} : memref<16x128xi32, #tpu.memory_space<vmem>>, vector<1x16xi32>,
      %swap3A_764 = vector.shape_cast %swap3A_763 : vector<1x16xi32> to vector<16xi32>
      %swap3A_765 = vector.shape_cast %shift_right_arithmetic3A_759 : vector<16xi32> to vector<1x16xi32>
      tpu.vector_store %arg6[%swap3A_761, %swap3A_762], %swap3A_765 {strides = array<i32>} : memref<16x128xi32, #tpu.memory_space<vmem>>, vector<1x16xi32>,
      %iota3A_766 = tpu.iota {dimensions = array<i32: 0>} : vector<16xi32>
      %add3A_767 = arith.constant 512 : i32
      %add3A_768 = arith.addi %mul3A_2, %add3A_767 : i32
      %add3A_769 = arith.constant 96 : i32
      %add3A_770 = arith.addi %add3A_768, %add3A_769 : i32
      %add3A_771 = vector.broadcast %add3A_770 : i32 to vector<16xi32>
      %add3A_772 = arith.addi %iota3A_766, %add3A_771 : vector<16xi32>
      %shift_right_arithmetic3A_773 = arith.constant 5 : i32
      %shift_right_arithmetic3A_774 = vector.broadcast %shift_right_arithmetic3A_773 : i32 to vector<16xi32>
      %shift_right_arithmetic3A_775 = arith.shrsi %add3A_772, %shift_right_arithmetic3A_774 : vector<16xi32>
      %swap3A_776 = arith.constant 4 : i32
      %swap3A_777 = arith.index_cast %swap3A_776 : i32 to index
      %swap3A_778 = arith.constant 96 : index
      %swap3A_779 = tpu.vector_load %arg6[%swap3A_777, %swap3A_778] {strides = array<i32>} : memref<16x128xi32, #tpu.memory_space<vmem>>, vector<1x16xi32>,
      %swap3A_780 = vector.shape_cast %swap3A_779 : vector<1x16xi32> to vector<16xi32>
      %swap3A_781 = vector.shape_cast %shift_right_arithmetic3A_775 : vector<16xi32> to vector<1x16xi32>
      tpu.vector_store %arg6[%swap3A_777, %swap3A_778], %swap3A_781 {strides = array<i32>} : memref<16x128xi32, #tpu.memory_space<vmem>>, vector<1x16xi32>,
      %iota3A_782 = tpu.iota {dimensions = array<i32: 0>} : vector<16xi32>
      %add3A_783 = arith.constant 512 : i32
      %add3A_784 = arith.addi %mul3A_2, %add3A_783 : i32
      %add3A_785 = arith.constant 112 : i32
      %add3A_786 = arith.addi %add3A_784, %add3A_785 : i32
      %add3A_787 = vector.broadcast %add3A_786 : i32 to vector<16xi32>
      %add3A_788 = arith.addi %iota3A_782, %add3A_787 : vector<16xi32>
      %shift_right_arithmetic3A_789 = arith.constant 5 : i32
      %shift_right_arithmetic3A_790 = vector.broadcast %shift_right_arithmetic3A_789 : i32 to vector<16xi32>
      %shift_right_arithmetic3A_791 = arith.shrsi %add3A_788, %shift_right_arithmetic3A_790 : vector<16xi32>
      %swap3A_792 = arith.constant 4 : i32
      %swap3A_793 = arith.index_cast %swap3A_792 : i32 to index
      %swap3A_794 = arith.constant 112 : index
      %swap3A_795 = tpu.vector_load %arg6[%swap3A_793, %swap3A_794] {strides = array<i32>} : memref<16x128xi32, #tpu.memory_space<vmem>>, vector<1x16xi32>,
      %swap3A_796 = vector.shape_cast %swap3A_795 : vector<1x16xi32> to vector<16xi32>
      %swap3A_797 = vector.shape_cast %shift_right_arithmetic3A_791 : vector<16xi32> to vector<1x16xi32>
      tpu.vector_store %arg6[%swap3A_793, %swap3A_794], %swap3A_797 {strides = array<i32>} : memref<16x128xi32, #tpu.memory_space<vmem>>, vector<1x16xi32>,
      %iota3A_798 = tpu.iota {dimensions = array<i32: 0>} : vector<16xi32>
      %add3A_799 = arith.constant 640 : i32
      %add3A_800 = arith.addi %mul3A_2, %add3A_799 : i32
      %add3A_801 = arith.constant 0 : i32
      %add3A_802 = arith.addi %add3A_800, %add3A_801 : i32
      %add3A_803 = vector.broadcast %add3A_802 : i32 to vector<16xi32>
      %add3A_804 = arith.addi %iota3A_798, %add3A_803 : vector<16xi32>
      %shift_right_arithmetic3A_805 = arith.constant 5 : i32
      %shift_right_arithmetic3A_806 = vector.broadcast %shift_right_arithmetic3A_805 : i32 to vector<16xi32>
      %shift_right_arithmetic3A_807 = arith.shrsi %add3A_804, %shift_right_arithmetic3A_806 : vector<16xi32>
      %swap3A_808 = arith.constant 5 : i32
      %swap3A_809 = arith.index_cast %swap3A_808 : i32 to index
      %swap3A_810 = arith.constant 0 : index
      %swap3A_811 = tpu.vector_load %arg6[%swap3A_809, %swap3A_810] {strides = array<i32>} : memref<16x128xi32, #tpu.memory_space<vmem>>, vector<1x16xi32>,
      %swap3A_812 = vector.shape_cast %swap3A_811 : vector<1x16xi32> to vector<16xi32>
      %swap3A_813 = vector.shape_cast %shift_right_arithmetic3A_807 : vector<16xi32> to vector<1x16xi32>
      tpu.vector_store %arg6[%swap3A_809, %swap3A_810], %swap3A_813 {strides = array<i32>} : memref<16x128xi32, #tpu.memory_space<vmem>>, vector<1x16xi32>,
      %iota3A_814 = tpu.iota {dimensions = array<i32: 0>} : vector<16xi32>
      %add3A_815 = arith.constant 640 : i32
      %add3A_816 = arith.addi %mul3A_2, %add3A_815 : i32
      %add3A_817 = arith.constant 16 : i32
      %add3A_818 = arith.addi %add3A_816, %add3A_817 : i32
      %add3A_819 = vector.broadcast %add3A_818 : i32 to vector<16xi32>
      %add3A_820 = arith.addi %iota3A_814, %add3A_819 : vector<16xi32>
      %shift_right_arithmetic3A_821 = arith.constant 5 : i32
      %shift_right_arithmetic3A_822 = vector.broadcast %shift_right_arithmetic3A_821 : i32 to vector<16xi32>
      %shift_right_arithmetic3A_823 = arith.shrsi %add3A_820, %shift_right_arithmetic3A_822 : vector<16xi32>
      %swap3A_824 = arith.constant 5 : i32
      %swap3A_825 = arith.index_cast %swap3A_824 : i32 to index
      %swap3A_826 = arith.constant 16 : index
      %swap3A_827 = tpu.vector_load %arg6[%swap3A_825, %swap3A_826] {strides = array<i32>} : memref<16x128xi32, #tpu.memory_space<vmem>>, vector<1x16xi32>,
      %swap3A_828 = vector.shape_cast %swap3A_827 : vector<1x16xi32> to vector<16xi32>
      %swap3A_829 = vector.shape_cast %shift_right_arithmetic3A_823 : vector<16xi32> to vector<1x16xi32>
      tpu.vector_store %arg6[%swap3A_825, %swap3A_826], %swap3A_829 {strides = array<i32>} : memref<16x128xi32, #tpu.memory_space<vmem>>, vector<1x16xi32>,
      %iota3A_830 = tpu.iota {dimensions = array<i32: 0>} : vector<16xi32>
      %add3A_831 = arith.constant 640 : i32
      %add3A_832 = arith.addi %mul3A_2, %add3A_831 : i32
      %add3A_833 = arith.constant 32 : i32
      %add3A_834 = arith.addi %add3A_832, %add3A_833 : i32
      %add3A_835 = vector.broadcast %add3A_834 : i32 to vector<16xi32>
      %add3A_836 = arith.addi %iota3A_830, %add3A_835 : vector<16xi32>
      %shift_right_arithmetic3A_837 = arith.constant 5 : i32
      %shift_right_arithmetic3A_838 = vector.broadcast %shift_right_arithmetic3A_837 : i32 to vector<16xi32>
      %shift_right_arithmetic3A_839 = arith.shrsi %add3A_836, %shift_right_arithmetic3A_838 : vector<16xi32>
      %swap3A_840 = arith.constant 5 : i32
      %swap3A_841 = arith.index_cast %swap3A_840 : i32 to index
      %swap3A_842 = arith.constant 32 : index
      %swap3A_843 = tpu.vector_load %arg6[%swap3A_841, %swap3A_842] {strides = array<i32>} : memref<16x128xi32, #tpu.memory_space<vmem>>, vector<1x16xi32>,
      %swap3A_844 = vector.shape_cast %swap3A_843 : vector<1x16xi32> to vector<16xi32>
      %swap3A_845 = vector.shape_cast %shift_right_arithmetic3A_839 : vector<16xi32> to vector<1x16xi32>
      tpu.vector_store %arg6[%swap3A_841, %swap3A_842], %swap3A_845 {strides = array<i32>} : memref<16x128xi32, #tpu.memory_space<vmem>>, vector<1x16xi32>,
      %iota3A_846 = tpu.iota {dimensions = array<i32: 0>} : vector<16xi32>
      %add3A_847 = arith.constant 640 : i32
      %add3A_848 = arith.addi %mul3A_2, %add3A_847 : i32
      %add3A_849 = arith.constant 48 : i32
      %add3A_850 = arith.addi %add3A_848, %add3A_849 : i32
      %add3A_851 = vector.broadcast %add3A_850 : i32 to vector<16xi32>
      %add3A_852 = arith.addi %iota3A_846, %add3A_851 : vector<16xi32>
      %shift_right_arithmetic3A_853 = arith.constant 5 : i32
      %shift_right_arithmetic3A_854 = vector.broadcast %shift_right_arithmetic3A_853 : i32 to vector<16xi32>
      %shift_right_arithmetic3A_855 = arith.shrsi %add3A_852, %shift_right_arithmetic3A_854 : vector<16xi32>
      %swap3A_856 = arith.constant 5 : i32
      %swap3A_857 = arith.index_cast %swap3A_856 : i32 to index
      %swap3A_858 = arith.constant 48 : index
      %swap3A_859 = tpu.vector_load %arg6[%swap3A_857, %swap3A_858] {strides = array<i32>} : memref<16x128xi32, #tpu.memory_space<vmem>>, vector<1x16xi32>,
      %swap3A_860 = vector.shape_cast %swap3A_859 : vector<1x16xi32> to vector<16xi32>
      %swap3A_861 = vector.shape_cast %shift_right_arithmetic3A_855 : vector<16xi32> to vector<1x16xi32>
      tpu.vector_store %arg6[%swap3A_857, %swap3A_858], %swap3A_861 {strides = array<i32>} : memref<16x128xi32, #tpu.memory_space<vmem>>, vector<1x16xi32>,
      %iota3A_862 = tpu.iota {dimensions = array<i32: 0>} : vector<16xi32>
      %add3A_863 = arith.constant 640 : i32
      %add3A_864 = arith.addi %mul3A_2, %add3A_863 : i32
      %add3A_865 = arith.constant 64 : i32
      %add3A_866 = arith.addi %add3A_864, %add3A_865 : i32
      %add3A_867 = vector.broadcast %add3A_866 : i32 to vector<16xi32>
      %add3A_868 = arith.addi %iota3A_862, %add3A_867 : vector<16xi32>
      %shift_right_arithmetic3A_869 = arith.constant 5 : i32
      %shift_right_arithmetic3A_870 = vector.broadcast %shift_right_arithmetic3A_869 : i32 to vector<16xi32>
      %shift_right_arithmetic3A_871 = arith.shrsi %add3A_868, %shift_right_arithmetic3A_870 : vector<16xi32>
      %swap3A_872 = arith.constant 5 : i32
      %swap3A_873 = arith.index_cast %swap3A_872 : i32 to index
      %swap3A_874 = arith.constant 64 : index
      %swap3A_875 = tpu.vector_load %arg6[%swap3A_873, %swap3A_874] {strides = array<i32>} : memref<16x128xi32, #tpu.memory_space<vmem>>, vector<1x16xi32>,
      %swap3A_876 = vector.shape_cast %swap3A_875 : vector<1x16xi32> to vector<16xi32>
      %swap3A_877 = vector.shape_cast %shift_right_arithmetic3A_871 : vector<16xi32> to vector<1x16xi32>
      tpu.vector_store %arg6[%swap3A_873, %swap3A_874], %swap3A_877 {strides = array<i32>} : memref<16x128xi32, #tpu.memory_space<vmem>>, vector<1x16xi32>,
      %iota3A_878 = tpu.iota {dimensions = array<i32: 0>} : vector<16xi32>
      %add3A_879 = arith.constant 640 : i32
      %add3A_880 = arith.addi %mul3A_2, %add3A_879 : i32
      %add3A_881 = arith.constant 80 : i32
      %add3A_882 = arith.addi %add3A_880, %add3A_881 : i32
      %add3A_883 = vector.broadcast %add3A_882 : i32 to vector<16xi32>
      %add3A_884 = arith.addi %iota3A_878, %add3A_883 : vector<16xi32>
      %shift_right_arithmetic3A_885 = arith.constant 5 : i32
      %shift_right_arithmetic3A_886 = vector.broadcast %shift_right_arithmetic3A_885 : i32 to vector<16xi32>
      %shift_right_arithmetic3A_887 = arith.shrsi %add3A_884, %shift_right_arithmetic3A_886 : vector<16xi32>
      %swap3A_888 = arith.constant 5 : i32
      %swap3A_889 = arith.index_cast %swap3A_888 : i32 to index
      %swap3A_890 = arith.constant 80 : index
      %swap3A_891 = tpu.vector_load %arg6[%swap3A_889, %swap3A_890] {strides = array<i32>} : memref<16x128xi32, #tpu.memory_space<vmem>>, vector<1x16xi32>,
      %swap3A_892 = vector.shape_cast %swap3A_891 : vector<1x16xi32> to vector<16xi32>
      %swap3A_893 = vector.shape_cast %shift_right_arithmetic3A_887 : vector<16xi32> to vector<1x16xi32>
      tpu.vector_store %arg6[%swap3A_889, %swap3A_890], %swap3A_893 {strides = array<i32>} : memref<16x128xi32, #tpu.memory_space<vmem>>, vector<1x16xi32>,
      %iota3A_894 = tpu.iota {dimensions = array<i32: 0>} : vector<16xi32>
      %add3A_895 = arith.constant 640 : i32
      %add3A_896 = arith.addi %mul3A_2, %add3A_895 : i32
      %add3A_897 = arith.constant 96 : i32
      %add3A_898 = arith.addi %add3A_896, %add3A_897 : i32
      %add3A_899 = vector.broadcast %add3A_898 : i32 to vector<16xi32>
      %add3A_900 = arith.addi %iota3A_894, %add3A_899 : vector<16xi32>
      %shift_right_arithmetic3A_901 = arith.constant 5 : i32
      %shift_right_arithmetic3A_902 = vector.broadcast %shift_right_arithmetic3A_901 : i32 to vector<16xi32>
      %shift_right_arithmetic3A_903 = arith.shrsi %add3A_900, %shift_right_arithmetic3A_902 : vector<16xi32>
      %swap3A_904 = arith.constant 5 : i32
      %swap3A_905 = arith.index_cast %swap3A_904 : i32 to index
      %swap3A_906 = arith.constant 96 : index
      %swap3A_907 = tpu.vector_load %arg6[%swap3A_905, %swap3A_906] {strides = array<i32>} : memref<16x128xi32, #tpu.memory_space<vmem>>, vector<1x16xi32>,
      %swap3A_908 = vector.shape_cast %swap3A_907 : vector<1x16xi32> to vector<16xi32>
      %swap3A_909 = vector.shape_cast %shift_right_arithmetic3A_903 : vector<16xi32> to vector<1x16xi32>
      tpu.vector_store %arg6[%swap3A_905, %swap3A_906], %swap3A_909 {strides = array<i32>} : memref<16x128xi32, #tpu.memory_space<vmem>>, vector<1x16xi32>,
      %iota3A_910 = tpu.iota {dimensions = array<i32: 0>} : vector<16xi32>
      %add3A_911 = arith.constant 640 : i32
      %add3A_912 = arith.addi %mul3A_2, %add3A_911 : i32
      %add3A_913 = arith.constant 112 : i32
      %add3A_914 = arith.addi %add3A_912, %add3A_913 : i32
      %add3A_915 = vector.broadcast %add3A_914 : i32 to vector<16xi32>
      %add3A_916 = arith.addi %iota3A_910, %add3A_915 : vector<16xi32>
      %shift_right_arithmetic3A_917 = arith.constant 5 : i32
      %shift_right_arithmetic3A_918 = vector.broadcast %shift_right_arithmetic3A_917 : i32 to vector<16xi32>
      %shift_right_arithmetic3A_919 = arith.shrsi %add3A_916, %shift_right_arithmetic3A_918 : vector<16xi32>
      %swap3A_920 = arith.constant 5 : i32
      %swap3A_921 = arith.index_cast %swap3A_920 : i32 to index
      %swap3A_922 = arith.constant 112 : index
      %swap3A_923 = tpu.vector_load %arg6[%swap3A_921, %swap3A_922] {strides = array<i32>} : memref<16x128xi32, #tpu.memory_space<vmem>>, vector<1x16xi32>,
      %swap3A_924 = vector.shape_cast %swap3A_923 : vector<1x16xi32> to vector<16xi32>
      %swap3A_925 = vector.shape_cast %shift_right_arithmetic3A_919 : vector<16xi32> to vector<1x16xi32>
      tpu.vector_store %arg6[%swap3A_921, %swap3A_922], %swap3A_925 {strides = array<i32>} : memref<16x128xi32, #tpu.memory_space<vmem>>, vector<1x16xi32>,
      %iota3A_926 = tpu.iota {dimensions = array<i32: 0>} : vector<16xi32>
      %add3A_927 = arith.constant 768 : i32
      %add3A_928 = arith.addi %mul3A_2, %add3A_927 : i32
      %add3A_929 = arith.constant 0 : i32
      %add3A_930 = arith.addi %add3A_928, %add3A_929 : i32
      %add3A_931 = vector.broadcast %add3A_930 : i32 to vector<16xi32>
      %add3A_932 = arith.addi %iota3A_926, %add3A_931 : vector<16xi32>
      %shift_right_arithmetic3A_933 = arith.constant 5 : i32
      %shift_right_arithmetic3A_934 = vector.broadcast %shift_right_arithmetic3A_933 : i32 to vector<16xi32>
      %shift_right_arithmetic3A_935 = arith.shrsi %add3A_932, %shift_right_arithmetic3A_934 : vector<16xi32>
      %swap3A_936 = arith.constant 6 : i32
      %swap3A_937 = arith.index_cast %swap3A_936 : i32 to index
      %swap3A_938 = arith.constant 0 : index
      %swap3A_939 = tpu.vector_load %arg6[%swap3A_937, %swap3A_938] {strides = array<i32>} : memref<16x128xi32, #tpu.memory_space<vmem>>, vector<1x16xi32>,
      %swap3A_940 = vector.shape_cast %swap3A_939 : vector<1x16xi32> to vector<16xi32>
      %swap3A_941 = vector.shape_cast %shift_right_arithmetic3A_935 : vector<16xi32> to vector<1x16xi32>
      tpu.vector_store %arg6[%swap3A_937, %swap3A_938], %swap3A_941 {strides = array<i32>} : memref<16x128xi32, #tpu.memory_space<vmem>>, vector<1x16xi32>,
      %iota3A_942 = tpu.iota {dimensions = array<i32: 0>} : vector<16xi32>
      %add3A_943 = arith.constant 768 : i32
      %add3A_944 = arith.addi %mul3A_2, %add3A_943 : i32
      %add3A_945 = arith.constant 16 : i32
      %add3A_946 = arith.addi %add3A_944, %add3A_945 : i32
      %add3A_947 = vector.broadcast %add3A_946 : i32 to vector<16xi32>
      %add3A_948 = arith.addi %iota3A_942, %add3A_947 : vector<16xi32>
      %shift_right_arithmetic3A_949 = arith.constant 5 : i32
      %shift_right_arithmetic3A_950 = vector.broadcast %shift_right_arithmetic3A_949 : i32 to vector<16xi32>
      %shift_right_arithmetic3A_951 = arith.shrsi %add3A_948, %shift_right_arithmetic3A_950 : vector<16xi32>
      %swap3A_952 = arith.constant 6 : i32
      %swap3A_953 = arith.index_cast %swap3A_952 : i32 to index
      %swap3A_954 = arith.constant 16 : index
      %swap3A_955 = tpu.vector_load %arg6[%swap3A_953, %swap3A_954] {strides = array<i32>} : memref<16x128xi32, #tpu.memory_space<vmem>>, vector<1x16xi32>,
      %swap3A_956 = vector.shape_cast %swap3A_955 : vector<1x16xi32> to vector<16xi32>
      %swap3A_957 = vector.shape_cast %shift_right_arithmetic3A_951 : vector<16xi32> to vector<1x16xi32>
      tpu.vector_store %arg6[%swap3A_953, %swap3A_954], %swap3A_957 {strides = array<i32>} : memref<16x128xi32, #tpu.memory_space<vmem>>, vector<1x16xi32>,
      %iota3A_958 = tpu.iota {dimensions = array<i32: 0>} : vector<16xi32>
      %add3A_959 = arith.constant 768 : i32
      %add3A_960 = arith.addi %mul3A_2, %add3A_959 : i32
      %add3A_961 = arith.constant 32 : i32
      %add3A_962 = arith.addi %add3A_960, %add3A_961 : i32
      %add3A_963 = vector.broadcast %add3A_962 : i32 to vector<16xi32>
      %add3A_964 = arith.addi %iota3A_958, %add3A_963 : vector<16xi32>
      %shift_right_arithmetic3A_965 = arith.constant 5 : i32
      %shift_right_arithmetic3A_966 = vector.broadcast %shift_right_arithmetic3A_965 : i32 to vector<16xi32>
      %shift_right_arithmetic3A_967 = arith.shrsi %add3A_964, %shift_right_arithmetic3A_966 : vector<16xi32>
      %swap3A_968 = arith.constant 6 : i32
      %swap3A_969 = arith.index_cast %swap3A_968 : i32 to index
      %swap3A_970 = arith.constant 32 : index
      %swap3A_971 = tpu.vector_load %arg6[%swap3A_969, %swap3A_970] {strides = array<i32>} : memref<16x128xi32, #tpu.memory_space<vmem>>, vector<1x16xi32>,
      %swap3A_972 = vector.shape_cast %swap3A_971 : vector<1x16xi32> to vector<16xi32>
      %swap3A_973 = vector.shape_cast %shift_right_arithmetic3A_967 : vector<16xi32> to vector<1x16xi32>
      tpu.vector_store %arg6[%swap3A_969, %swap3A_970], %swap3A_973 {strides = array<i32>} : memref<16x128xi32, #tpu.memory_space<vmem>>, vector<1x16xi32>,
      %iota3A_974 = tpu.iota {dimensions = array<i32: 0>} : vector<16xi32>
      %add3A_975 = arith.constant 768 : i32
      %add3A_976 = arith.addi %mul3A_2, %add3A_975 : i32
      %add3A_977 = arith.constant 48 : i32
      %add3A_978 = arith.addi %add3A_976, %add3A_977 : i32
      %add3A_979 = vector.broadcast %add3A_978 : i32 to vector<16xi32>
      %add3A_980 = arith.addi %iota3A_974, %add3A_979 : vector<16xi32>
      %shift_right_arithmetic3A_981 = arith.constant 5 : i32
      %shift_right_arithmetic3A_982 = vector.broadcast %shift_right_arithmetic3A_981 : i32 to vector<16xi32>
      %shift_right_arithmetic3A_983 = arith.shrsi %add3A_980, %shift_right_arithmetic3A_982 : vector<16xi32>
      %swap3A_984 = arith.constant 6 : i32
      %swap3A_985 = arith.index_cast %swap3A_984 : i32 to index
      %swap3A_986 = arith.constant 48 : index
      %swap3A_987 = tpu.vector_load %arg6[%swap3A_985, %swap3A_986] {strides = array<i32>} : memref<16x128xi32, #tpu.memory_space<vmem>>, vector<1x16xi32>,
      %swap3A_988 = vector.shape_cast %swap3A_987 : vector<1x16xi32> to vector<16xi32>
      %swap3A_989 = vector.shape_cast %shift_right_arithmetic3A_983 : vector<16xi32> to vector<1x16xi32>
      tpu.vector_store %arg6[%swap3A_985, %swap3A_986], %swap3A_989 {strides = array<i32>} : memref<16x128xi32, #tpu.memory_space<vmem>>, vector<1x16xi32>,
      %iota3A_990 = tpu.iota {dimensions = array<i32: 0>} : vector<16xi32>
      %add3A_991 = arith.constant 768 : i32
      %add3A_992 = arith.addi %mul3A_2, %add3A_991 : i32
      %add3A_993 = arith.constant 64 : i32
      %add3A_994 = arith.addi %add3A_992, %add3A_993 : i32
      %add3A_995 = vector.broadcast %add3A_994 : i32 to vector<16xi32>
      %add3A_996 = arith.addi %iota3A_990, %add3A_995 : vector<16xi32>
      %shift_right_arithmetic3A_997 = arith.constant 5 : i32
      %shift_right_arithmetic3A_998 = vector.broadcast %shift_right_arithmetic3A_997 : i32 to vector<16xi32>
      %shift_right_arithmetic3A_999 = arith.shrsi %add3A_996, %shift_right_arithmetic3A_998 : vector<16xi32>
      %swap3A_1000 = arith.constant 6 : i32
      %swap3A_1001 = arith.index_cast %swap3A_1000 : i32 to index
      %swap3A_1002 = arith.constant 64 : index
      %swap3A_1003 = tpu.vector_load %arg6[%swap3A_1001, %swap3A_1002] {strides = array<i32>} : memref<16x128xi32, #tpu.memory_space<vmem>>, vector<1x16xi32>,
      %swap3A_1004 = vector.shape_cast %swap3A_1003 : vector<1x16xi32> to vector<16xi32>
      %swap3A_1005 = vector.shape_cast %shift_right_arithmetic3A_999 : vector<16xi32> to vector<1x16xi32>
      tpu.vector_store %arg6[%swap3A_1001, %swap3A_1002], %swap3A_1005 {strides = array<i32>} : memref<16x128xi32, #tpu.memory_space<vmem>>, vector<1x16xi32>,
      %iota3A_1006 = tpu.iota {dimensions = array<i32: 0>} : vector<16xi32>
      %add3A_1007 = arith.constant 768 : i32
      %add3A_1008 = arith.addi %mul3A_2, %add3A_1007 : i32
      %add3A_1009 = arith.constant 80 : i32
      %add3A_1010 = arith.addi %add3A_1008, %add3A_1009 : i32
      %add3A_1011 = vector.broadcast %add3A_1010 : i32 to vector<16xi32>
      %add3A_1012 = arith.addi %iota3A_1006, %add3A_1011 : vector<16xi32>
      %shift_right_arithmetic3A_1013 = arith.constant 5 : i32
      %shift_right_arithmetic3A_1014 = vector.broadcast %shift_right_arithmetic3A_1013 : i32 to vector<16xi32>
      %shift_right_arithmetic3A_1015 = arith.shrsi %add3A_1012, %shift_right_arithmetic3A_1014 : vector<16xi32>
      %swap3A_1016 = arith.constant 6 : i32
      %swap3A_1017 = arith.index_cast %swap3A_1016 : i32 to index
      %swap3A_1018 = arith.constant 80 : index
      %swap3A_1019 = tpu.vector_load %arg6[%swap3A_1017, %swap3A_1018] {strides = array<i32>} : memref<16x128xi32, #tpu.memory_space<vmem>>, vector<1x16xi32>,
      %swap3A_1020 = vector.shape_cast %swap3A_1019 : vector<1x16xi32> to vector<16xi32>
      %swap3A_1021 = vector.shape_cast %shift_right_arithmetic3A_1015 : vector<16xi32> to vector<1x16xi32>
      tpu.vector_store %arg6[%swap3A_1017, %swap3A_1018], %swap3A_1021 {strides = array<i32>} : memref<16x128xi32, #tpu.memory_space<vmem>>, vector<1x16xi32>,
      %iota3A_1022 = tpu.iota {dimensions = array<i32: 0>} : vector<16xi32>
      %add3A_1023 = arith.constant 768 : i32
      %add3A_1024 = arith.addi %mul3A_2, %add3A_1023 : i32
      %add3A_1025 = arith.constant 96 : i32
      %add3A_1026 = arith.addi %add3A_1024, %add3A_1025 : i32
      %add3A_1027 = vector.broadcast %add3A_1026 : i32 to vector<16xi32>
      %add3A_1028 = arith.addi %iota3A_1022, %add3A_1027 : vector<16xi32>
      %shift_right_arithmetic3A_1029 = arith.constant 5 : i32
      %shift_right_arithmetic3A_1030 = vector.broadcast %shift_right_arithmetic3A_1029 : i32 to vector<16xi32>
      %shift_right_arithmetic3A_1031 = arith.shrsi %add3A_1028, %shift_right_arithmetic3A_1030 : vector<16xi32>
      %swap3A_1032 = arith.constant 6 : i32
      %swap3A_1033 = arith.index_cast %swap3A_1032 : i32 to index
      %swap3A_1034 = arith.constant 96 : index
      %swap3A_1035 = tpu.vector_load %arg6[%swap3A_1033, %swap3A_1034] {strides = array<i32>} : memref<16x128xi32, #tpu.memory_space<vmem>>, vector<1x16xi32>,
      %swap3A_1036 = vector.shape_cast %swap3A_1035 : vector<1x16xi32> to vector<16xi32>
      %swap3A_1037 = vector.shape_cast %shift_right_arithmetic3A_1031 : vector<16xi32> to vector<1x16xi32>
      tpu.vector_store %arg6[%swap3A_1033, %swap3A_1034], %swap3A_1037 {strides = array<i32>} : memref<16x128xi32, #tpu.memory_space<vmem>>, vector<1x16xi32>,
      %iota3A_1038 = tpu.iota {dimensions = array<i32: 0>} : vector<16xi32>
      %add3A_1039 = arith.constant 768 : i32
      %add3A_1040 = arith.addi %mul3A_2, %add3A_1039 : i32
      %add3A_1041 = arith.constant 112 : i32
      %add3A_1042 = arith.addi %add3A_1040, %add3A_1041 : i32
      %add3A_1043 = vector.broadcast %add3A_1042 : i32 to vector<16xi32>
      %add3A_1044 = arith.addi %iota3A_1038, %add3A_1043 : vector<16xi32>
      %shift_right_arithmetic3A_1045 = arith.constant 5 : i32
      %shift_right_arithmetic3A_1046 = vector.broadcast %shift_right_arithmetic3A_1045 : i32 to vector<16xi32>
      %shift_right_arithmetic3A_1047 = arith.shrsi %add3A_1044, %shift_right_arithmetic3A_1046 : vector<16xi32>
      %swap3A_1048 = arith.constant 6 : i32
      %swap3A_1049 = arith.index_cast %swap3A_1048 : i32 to index
      %swap3A_1050 = arith.constant 112 : index
      %swap3A_1051 = tpu.vector_load %arg6[%swap3A_1049, %swap3A_1050] {strides = array<i32>} : memref<16x128xi32, #tpu.memory_space<vmem>>, vector<1x16xi32>,
      %swap3A_1052 = vector.shape_cast %swap3A_1051 : vector<1x16xi32> to vector<16xi32>
      %swap3A_1053 = vector.shape_cast %shift_right_arithmetic3A_1047 : vector<16xi32> to vector<1x16xi32>
      tpu.vector_store %arg6[%swap3A_1049, %swap3A_1050], %swap3A_1053 {strides = array<i32>} : memref<16x128xi32, #tpu.memory_space<vmem>>, vector<1x16xi32>,
      %iota3A_1054 = tpu.iota {dimensions = array<i32: 0>} : vector<16xi32>
      %add3A_1055 = arith.constant 896 : i32
      %add3A_1056 = arith.addi %mul3A_2, %add3A_1055 : i32
      %add3A_1057 = arith.constant 0 : i32
      %add3A_1058 = arith.addi %add3A_1056, %add3A_1057 : i32
      %add3A_1059 = vector.broadcast %add3A_1058 : i32 to vector<16xi32>
      %add3A_1060 = arith.addi %iota3A_1054, %add3A_1059 : vector<16xi32>
      %shift_right_arithmetic3A_1061 = arith.constant 5 : i32
      %shift_right_arithmetic3A_1062 = vector.broadcast %shift_right_arithmetic3A_1061 : i32 to vector<16xi32>
      %shift_right_arithmetic3A_1063 = arith.shrsi %add3A_1060, %shift_right_arithmetic3A_1062 : vector<16xi32>
      %swap3A_1064 = arith.constant 7 : i32
      %swap3A_1065 = arith.index_cast %swap3A_1064 : i32 to index
      %swap3A_1066 = arith.constant 0 : index
      %swap3A_1067 = tpu.vector_load %arg6[%swap3A_1065, %swap3A_1066] {strides = array<i32>} : memref<16x128xi32, #tpu.memory_space<vmem>>, vector<1x16xi32>,
      %swap3A_1068 = vector.shape_cast %swap3A_1067 : vector<1x16xi32> to vector<16xi32>
      %swap3A_1069 = vector.shape_cast %shift_right_arithmetic3A_1063 : vector<16xi32> to vector<1x16xi32>
      tpu.vector_store %arg6[%swap3A_1065, %swap3A_1066], %swap3A_1069 {strides = array<i32>} : memref<16x128xi32, #tpu.memory_space<vmem>>, vector<1x16xi32>,
      %iota3A_1070 = tpu.iota {dimensions = array<i32: 0>} : vector<16xi32>
      %add3A_1071 = arith.constant 896 : i32
      %add3A_1072 = arith.addi %mul3A_2, %add3A_1071 : i32
      %add3A_1073 = arith.constant 16 : i32
      %add3A_1074 = arith.addi %add3A_1072, %add3A_1073 : i32
      %add3A_1075 = vector.broadcast %add3A_1074 : i32 to vector<16xi32>
      %add3A_1076 = arith.addi %iota3A_1070, %add3A_1075 : vector<16xi32>
      %shift_right_arithmetic3A_1077 = arith.constant 5 : i32
      %shift_right_arithmetic3A_1078 = vector.broadcast %shift_right_arithmetic3A_1077 : i32 to vector<16xi32>
      %shift_right_arithmetic3A_1079 = arith.shrsi %add3A_1076, %shift_right_arithmetic3A_1078 : vector<16xi32>
      %swap3A_1080 = arith.constant 7 : i32
      %swap3A_1081 = arith.index_cast %swap3A_1080 : i32 to index
      %swap3A_1082 = arith.constant 16 : index
      %swap3A_1083 = tpu.vector_load %arg6[%swap3A_1081, %swap3A_1082] {strides = array<i32>} : memref<16x128xi32, #tpu.memory_space<vmem>>, vector<1x16xi32>,
      %swap3A_1084 = vector.shape_cast %swap3A_1083 : vector<1x16xi32> to vector<16xi32>
      %swap3A_1085 = vector.shape_cast %shift_right_arithmetic3A_1079 : vector<16xi32> to vector<1x16xi32>
      tpu.vector_store %arg6[%swap3A_1081, %swap3A_1082], %swap3A_1085 {strides = array<i32>} : memref<16x128xi32, #tpu.memory_space<vmem>>, vector<1x16xi32>,
      %iota3A_1086 = tpu.iota {dimensions = array<i32: 0>} : vector<16xi32>
      %add3A_1087 = arith.constant 896 : i32
      %add3A_1088 = arith.addi %mul3A_2, %add3A_1087 : i32
      %add3A_1089 = arith.constant 32 : i32
      %add3A_1090 = arith.addi %add3A_1088, %add3A_1089 : i32
      %add3A_1091 = vector.broadcast %add3A_1090 : i32 to vector<16xi32>
      %add3A_1092 = arith.addi %iota3A_1086, %add3A_1091 : vector<16xi32>
      %shift_right_arithmetic3A_1093 = arith.constant 5 : i32
      %shift_right_arithmetic3A_1094 = vector.broadcast %shift_right_arithmetic3A_1093 : i32 to vector<16xi32>
      %shift_right_arithmetic3A_1095 = arith.shrsi %add3A_1092, %shift_right_arithmetic3A_1094 : vector<16xi32>
      %swap3A_1096 = arith.constant 7 : i32
      %swap3A_1097 = arith.index_cast %swap3A_1096 : i32 to index
      %swap3A_1098 = arith.constant 32 : index
      %swap3A_1099 = tpu.vector_load %arg6[%swap3A_1097, %swap3A_1098] {strides = array<i32>} : memref<16x128xi32, #tpu.memory_space<vmem>>, vector<1x16xi32>,
      %swap3A_1100 = vector.shape_cast %swap3A_1099 : vector<1x16xi32> to vector<16xi32>
      %swap3A_1101 = vector.shape_cast %shift_right_arithmetic3A_1095 : vector<16xi32> to vector<1x16xi32>
      tpu.vector_store %arg6[%swap3A_1097, %swap3A_1098], %swap3A_1101 {strides = array<i32>} : memref<16x128xi32, #tpu.memory_space<vmem>>, vector<1x16xi32>,
      %iota3A_1102 = tpu.iota {dimensions = array<i32: 0>} : vector<16xi32>
      %add3A_1103 = arith.constant 896 : i32
      %add3A_1104 = arith.addi %mul3A_2, %add3A_1103 : i32
      %add3A_1105 = arith.constant 48 : i32
      %add3A_1106 = arith.addi %add3A_1104, %add3A_1105 : i32
      %add3A_1107 = vector.broadcast %add3A_1106 : i32 to vector<16xi32>
      %add3A_1108 = arith.addi %iota3A_1102, %add3A_1107 : vector<16xi32>
      %shift_right_arithmetic3A_1109 = arith.constant 5 : i32
      %shift_right_arithmetic3A_1110 = vector.broadcast %shift_right_arithmetic3A_1109 : i32 to vector<16xi32>
      %shift_right_arithmetic3A_1111 = arith.shrsi %add3A_1108, %shift_right_arithmetic3A_1110 : vector<16xi32>
      %swap3A_1112 = arith.constant 7 : i32
      %swap3A_1113 = arith.index_cast %swap3A_1112 : i32 to index
      %swap3A_1114 = arith.constant 48 : index
      %swap3A_1115 = tpu.vector_load %arg6[%swap3A_1113, %swap3A_1114] {strides = array<i32>} : memref<16x128xi32, #tpu.memory_space<vmem>>, vector<1x16xi32>,
      %swap3A_1116 = vector.shape_cast %swap3A_1115 : vector<1x16xi32> to vector<16xi32>
      %swap3A_1117 = vector.shape_cast %shift_right_arithmetic3A_1111 : vector<16xi32> to vector<1x16xi32>
      tpu.vector_store %arg6[%swap3A_1113, %swap3A_1114], %swap3A_1117 {strides = array<i32>} : memref<16x128xi32, #tpu.memory_space<vmem>>, vector<1x16xi32>,
      %iota3A_1118 = tpu.iota {dimensions = array<i32: 0>} : vector<16xi32>
      %add3A_1119 = arith.constant 896 : i32
      %add3A_1120 = arith.addi %mul3A_2, %add3A_1119 : i32
      %add3A_1121 = arith.constant 64 : i32
      %add3A_1122 = arith.addi %add3A_1120, %add3A_1121 : i32
      %add3A_1123 = vector.broadcast %add3A_1122 : i32 to vector<16xi32>
      %add3A_1124 = arith.addi %iota3A_1118, %add3A_1123 : vector<16xi32>
      %shift_right_arithmetic3A_1125 = arith.constant 5 : i32
      %shift_right_arithmetic3A_1126 = vector.broadcast %shift_right_arithmetic3A_1125 : i32 to vector<16xi32>
      %shift_right_arithmetic3A_1127 = arith.shrsi %add3A_1124, %shift_right_arithmetic3A_1126 : vector<16xi32>
      %swap3A_1128 = arith.constant 7 : i32
      %swap3A_1129 = arith.index_cast %swap3A_1128 : i32 to index
      %swap3A_1130 = arith.constant 64 : index
      %swap3A_1131 = tpu.vector_load %arg6[%swap3A_1129, %swap3A_1130] {strides = array<i32>} : memref<16x128xi32, #tpu.memory_space<vmem>>, vector<1x16xi32>,
      %swap3A_1132 = vector.shape_cast %swap3A_1131 : vector<1x16xi32> to vector<16xi32>
      %swap3A_1133 = vector.shape_cast %shift_right_arithmetic3A_1127 : vector<16xi32> to vector<1x16xi32>
      tpu.vector_store %arg6[%swap3A_1129, %swap3A_1130], %swap3A_1133 {strides = array<i32>} : memref<16x128xi32, #tpu.memory_space<vmem>>, vector<1x16xi32>,
      %iota3A_1134 = tpu.iota {dimensions = array<i32: 0>} : vector<16xi32>
      %add3A_1135 = arith.constant 896 : i32
      %add3A_1136 = arith.addi %mul3A_2, %add3A_1135 : i32
      %add3A_1137 = arith.constant 80 : i32
      %add3A_1138 = arith.addi %add3A_1136, %add3A_1137 : i32
      %add3A_1139 = vector.broadcast %add3A_1138 : i32 to vector<16xi32>
      %add3A_1140 = arith.addi %iota3A_1134, %add3A_1139 : vector<16xi32>
      %shift_right_arithmetic3A_1141 = arith.constant 5 : i32
      %shift_right_arithmetic3A_1142 = vector.broadcast %shift_right_arithmetic3A_1141 : i32 to vector<16xi32>
      %shift_right_arithmetic3A_1143 = arith.shrsi %add3A_1140, %shift_right_arithmetic3A_1142 : vector<16xi32>
      %swap3A_1144 = arith.constant 7 : i32
      %swap3A_1145 = arith.index_cast %swap3A_1144 : i32 to index
      %swap3A_1146 = arith.constant 80 : index
      %swap3A_1147 = tpu.vector_load %arg6[%swap3A_1145, %swap3A_1146] {strides = array<i32>} : memref<16x128xi32, #tpu.memory_space<vmem>>, vector<1x16xi32>,
      %swap3A_1148 = vector.shape_cast %swap3A_1147 : vector<1x16xi32> to vector<16xi32>
      %swap3A_1149 = vector.shape_cast %shift_right_arithmetic3A_1143 : vector<16xi32> to vector<1x16xi32>
      tpu.vector_store %arg6[%swap3A_1145, %swap3A_1146], %swap3A_1149 {strides = array<i32>} : memref<16x128xi32, #tpu.memory_space<vmem>>, vector<1x16xi32>,
      %iota3A_1150 = tpu.iota {dimensions = array<i32: 0>} : vector<16xi32>
      %add3A_1151 = arith.constant 896 : i32
      %add3A_1152 = arith.addi %mul3A_2, %add3A_1151 : i32
      %add3A_1153 = arith.constant 96 : i32
      %add3A_1154 = arith.addi %add3A_1152, %add3A_1153 : i32
      %add3A_1155 = vector.broadcast %add3A_1154 : i32 to vector<16xi32>
      %add3A_1156 = arith.addi %iota3A_1150, %add3A_1155 : vector<16xi32>
      %shift_right_arithmetic3A_1157 = arith.constant 5 : i32
      %shift_right_arithmetic3A_1158 = vector.broadcast %shift_right_arithmetic3A_1157 : i32 to vector<16xi32>
      %shift_right_arithmetic3A_1159 = arith.shrsi %add3A_1156, %shift_right_arithmetic3A_1158 : vector<16xi32>
      %swap3A_1160 = arith.constant 7 : i32
      %swap3A_1161 = arith.index_cast %swap3A_1160 : i32 to index
      %swap3A_1162 = arith.constant 96 : index
      %swap3A_1163 = tpu.vector_load %arg6[%swap3A_1161, %swap3A_1162] {strides = array<i32>} : memref<16x128xi32, #tpu.memory_space<vmem>>, vector<1x16xi32>,
      %swap3A_1164 = vector.shape_cast %swap3A_1163 : vector<1x16xi32> to vector<16xi32>
      %swap3A_1165 = vector.shape_cast %shift_right_arithmetic3A_1159 : vector<16xi32> to vector<1x16xi32>
      tpu.vector_store %arg6[%swap3A_1161, %swap3A_1162], %swap3A_1165 {strides = array<i32>} : memref<16x128xi32, #tpu.memory_space<vmem>>, vector<1x16xi32>,
      %iota3A_1166 = tpu.iota {dimensions = array<i32: 0>} : vector<16xi32>
      %add3A_1167 = arith.constant 896 : i32
      %add3A_1168 = arith.addi %mul3A_2, %add3A_1167 : i32
      %add3A_1169 = arith.constant 112 : i32
      %add3A_1170 = arith.addi %add3A_1168, %add3A_1169 : i32
      %add3A_1171 = vector.broadcast %add3A_1170 : i32 to vector<16xi32>
      %add3A_1172 = arith.addi %iota3A_1166, %add3A_1171 : vector<16xi32>
      %shift_right_arithmetic3A_1173 = arith.constant 5 : i32
      %shift_right_arithmetic3A_1174 = vector.broadcast %shift_right_arithmetic3A_1173 : i32 to vector<16xi32>
      %shift_right_arithmetic3A_1175 = arith.shrsi %add3A_1172, %shift_right_arithmetic3A_1174 : vector<16xi32>
      %swap3A_1176 = arith.constant 7 : i32
      %swap3A_1177 = arith.index_cast %swap3A_1176 : i32 to index
      %swap3A_1178 = arith.constant 112 : index
      %swap3A_1179 = tpu.vector_load %arg6[%swap3A_1177, %swap3A_1178] {strides = array<i32>} : memref<16x128xi32, #tpu.memory_space<vmem>>, vector<1x16xi32>,
      %swap3A_1180 = vector.shape_cast %swap3A_1179 : vector<1x16xi32> to vector<16xi32>
      %swap3A_1181 = vector.shape_cast %shift_right_arithmetic3A_1175 : vector<16xi32> to vector<1x16xi32>
      tpu.vector_store %arg6[%swap3A_1177, %swap3A_1178], %swap3A_1181 {strides = array<i32>} : memref<16x128xi32, #tpu.memory_space<vmem>>, vector<1x16xi32>,
      %iota3A_1182 = tpu.iota {dimensions = array<i32: 0>} : vector<16xi32>
      %add3A_1183 = arith.constant 1024 : i32
      %add3A_1184 = arith.addi %mul3A_2, %add3A_1183 : i32
      %add3A_1185 = arith.constant 0 : i32
      %add3A_1186 = arith.addi %add3A_1184, %add3A_1185 : i32
      %add3A_1187 = vector.broadcast %add3A_1186 : i32 to vector<16xi32>
      %add3A_1188 = arith.addi %iota3A_1182, %add3A_1187 : vector<16xi32>
      %shift_right_arithmetic3A_1189 = arith.constant 5 : i32
      %shift_right_arithmetic3A_1190 = vector.broadcast %shift_right_arithmetic3A_1189 : i32 to vector<16xi32>
      %shift_right_arithmetic3A_1191 = arith.shrsi %add3A_1188, %shift_right_arithmetic3A_1190 : vector<16xi32>
      %swap3A_1192 = arith.constant 8 : i32
      %swap3A_1193 = arith.index_cast %swap3A_1192 : i32 to index
      %swap3A_1194 = arith.constant 0 : index
      %swap3A_1195 = tpu.vector_load %arg6[%swap3A_1193, %swap3A_1194] {strides = array<i32>} : memref<16x128xi32, #tpu.memory_space<vmem>>, vector<1x16xi32>,
      %swap3A_1196 = vector.shape_cast %swap3A_1195 : vector<1x16xi32> to vector<16xi32>
      %swap3A_1197 = vector.shape_cast %shift_right_arithmetic3A_1191 : vector<16xi32> to vector<1x16xi32>
      tpu.vector_store %arg6[%swap3A_1193, %swap3A_1194], %swap3A_1197 {strides = array<i32>} : memref<16x128xi32, #tpu.memory_space<vmem>>, vector<1x16xi32>,
      %iota3A_1198 = tpu.iota {dimensions = array<i32: 0>} : vector<16xi32>
      %add3A_1199 = arith.constant 1024 : i32
      %add3A_1200 = arith.addi %mul3A_2, %add3A_1199 : i32
      %add3A_1201 = arith.constant 16 : i32
      %add3A_1202 = arith.addi %add3A_1200, %add3A_1201 : i32
      %add3A_1203 = vector.broadcast %add3A_1202 : i32 to vector<16xi32>
      %add3A_1204 = arith.addi %iota3A_1198, %add3A_1203 : vector<16xi32>
      %shift_right_arithmetic3A_1205 = arith.constant 5 : i32
      %shift_right_arithmetic3A_1206 = vector.broadcast %shift_right_arithmetic3A_1205 : i32 to vector<16xi32>
      %shift_right_arithmetic3A_1207 = arith.shrsi %add3A_1204, %shift_right_arithmetic3A_1206 : vector<16xi32>
      %swap3A_1208 = arith.constant 8 : i32
      %swap3A_1209 = arith.index_cast %swap3A_1208 : i32 to index
      %swap3A_1210 = arith.constant 16 : index
      %swap3A_1211 = tpu.vector_load %arg6[%swap3A_1209, %swap3A_1210] {strides = array<i32>} : memref<16x128xi32, #tpu.memory_space<vmem>>, vector<1x16xi32>,
      %swap3A_1212 = vector.shape_cast %swap3A_1211 : vector<1x16xi32> to vector<16xi32>
      %swap3A_1213 = vector.shape_cast %shift_right_arithmetic3A_1207 : vector<16xi32> to vector<1x16xi32>
      tpu.vector_store %arg6[%swap3A_1209, %swap3A_1210], %swap3A_1213 {strides = array<i32>} : memref<16x128xi32, #tpu.memory_space<vmem>>, vector<1x16xi32>,
      %iota3A_1214 = tpu.iota {dimensions = array<i32: 0>} : vector<16xi32>
      %add3A_1215 = arith.constant 1024 : i32
      %add3A_1216 = arith.addi %mul3A_2, %add3A_1215 : i32
      %add3A_1217 = arith.constant 32 : i32
      %add3A_1218 = arith.addi %add3A_1216, %add3A_1217 : i32
      %add3A_1219 = vector.broadcast %add3A_1218 : i32 to vector<16xi32>
      %add3A_1220 = arith.addi %iota3A_1214, %add3A_1219 : vector<16xi32>
      %shift_right_arithmetic3A_1221 = arith.constant 5 : i32
      %shift_right_arithmetic3A_1222 = vector.broadcast %shift_right_arithmetic3A_1221 : i32 to vector<16xi32>
      %shift_right_arithmetic3A_1223 = arith.shrsi %add3A_1220, %shift_right_arithmetic3A_1222 : vector<16xi32>
      %swap3A_1224 = arith.constant 8 : i32
      %swap3A_1225 = arith.index_cast %swap3A_1224 : i32 to index
      %swap3A_1226 = arith.constant 32 : index
      %swap3A_1227 = tpu.vector_load %arg6[%swap3A_1225, %swap3A_1226] {strides = array<i32>} : memref<16x128xi32, #tpu.memory_space<vmem>>, vector<1x16xi32>,
      %swap3A_1228 = vector.shape_cast %swap3A_1227 : vector<1x16xi32> to vector<16xi32>
      %swap3A_1229 = vector.shape_cast %shift_right_arithmetic3A_1223 : vector<16xi32> to vector<1x16xi32>
      tpu.vector_store %arg6[%swap3A_1225, %swap3A_1226], %swap3A_1229 {strides = array<i32>} : memref<16x128xi32, #tpu.memory_space<vmem>>, vector<1x16xi32>,
      %iota3A_1230 = tpu.iota {dimensions = array<i32: 0>} : vector<16xi32>
      %add3A_1231 = arith.constant 1024 : i32
      %add3A_1232 = arith.addi %mul3A_2, %add3A_1231 : i32
      %add3A_1233 = arith.constant 48 : i32
      %add3A_1234 = arith.addi %add3A_1232, %add3A_1233 : i32
      %add3A_1235 = vector.broadcast %add3A_1234 : i32 to vector<16xi32>
      %add3A_1236 = arith.addi %iota3A_1230, %add3A_1235 : vector<16xi32>
      %shift_right_arithmetic3A_1237 = arith.constant 5 : i32
      %shift_right_arithmetic3A_1238 = vector.broadcast %shift_right_arithmetic3A_1237 : i32 to vector<16xi32>
      %shift_right_arithmetic3A_1239 = arith.shrsi %add3A_1236, %shift_right_arithmetic3A_1238 : vector<16xi32>
      %swap3A_1240 = arith.constant 8 : i32
      %swap3A_1241 = arith.index_cast %swap3A_1240 : i32 to index
      %swap3A_1242 = arith.constant 48 : index
      %swap3A_1243 = tpu.vector_load %arg6[%swap3A_1241, %swap3A_1242] {strides = array<i32>} : memref<16x128xi32, #tpu.memory_space<vmem>>, vector<1x16xi32>,
      %swap3A_1244 = vector.shape_cast %swap3A_1243 : vector<1x16xi32> to vector<16xi32>
      %swap3A_1245 = vector.shape_cast %shift_right_arithmetic3A_1239 : vector<16xi32> to vector<1x16xi32>
      tpu.vector_store %arg6[%swap3A_1241, %swap3A_1242], %swap3A_1245 {strides = array<i32>} : memref<16x128xi32, #tpu.memory_space<vmem>>, vector<1x16xi32>,
      %iota3A_1246 = tpu.iota {dimensions = array<i32: 0>} : vector<16xi32>
      %add3A_1247 = arith.constant 1024 : i32
      %add3A_1248 = arith.addi %mul3A_2, %add3A_1247 : i32
      %add3A_1249 = arith.constant 64 : i32
      %add3A_1250 = arith.addi %add3A_1248, %add3A_1249 : i32
      %add3A_1251 = vector.broadcast %add3A_1250 : i32 to vector<16xi32>
      %add3A_1252 = arith.addi %iota3A_1246, %add3A_1251 : vector<16xi32>
      %shift_right_arithmetic3A_1253 = arith.constant 5 : i32
      %shift_right_arithmetic3A_1254 = vector.broadcast %shift_right_arithmetic3A_1253 : i32 to vector<16xi32>
      %shift_right_arithmetic3A_1255 = arith.shrsi %add3A_1252, %shift_right_arithmetic3A_1254 : vector<16xi32>
      %swap3A_1256 = arith.constant 8 : i32
      %swap3A_1257 = arith.index_cast %swap3A_1256 : i32 to index
      %swap3A_1258 = arith.constant 64 : index
      %swap3A_1259 = tpu.vector_load %arg6[%swap3A_1257, %swap3A_1258] {strides = array<i32>} : memref<16x128xi32, #tpu.memory_space<vmem>>, vector<1x16xi32>,
      %swap3A_1260 = vector.shape_cast %swap3A_1259 : vector<1x16xi32> to vector<16xi32>
      %swap3A_1261 = vector.shape_cast %shift_right_arithmetic3A_1255 : vector<16xi32> to vector<1x16xi32>
      tpu.vector_store %arg6[%swap3A_1257, %swap3A_1258], %swap3A_1261 {strides = array<i32>} : memref<16x128xi32, #tpu.memory_space<vmem>>, vector<1x16xi32>,
      %iota3A_1262 = tpu.iota {dimensions = array<i32: 0>} : vector<16xi32>
      %add3A_1263 = arith.constant 1024 : i32
      %add3A_1264 = arith.addi %mul3A_2, %add3A_1263 : i32
      %add3A_1265 = arith.constant 80 : i32
      %add3A_1266 = arith.addi %add3A_1264, %add3A_1265 : i32
      %add3A_1267 = vector.broadcast %add3A_1266 : i32 to vector<16xi32>
      %add3A_1268 = arith.addi %iota3A_1262, %add3A_1267 : vector<16xi32>
      %shift_right_arithmetic3A_1269 = arith.constant 5 : i32
      %shift_right_arithmetic3A_1270 = vector.broadcast %shift_right_arithmetic3A_1269 : i32 to vector<16xi32>
      %shift_right_arithmetic3A_1271 = arith.shrsi %add3A_1268, %shift_right_arithmetic3A_1270 : vector<16xi32>
      %swap3A_1272 = arith.constant 8 : i32
      %swap3A_1273 = arith.index_cast %swap3A_1272 : i32 to index
      %swap3A_1274 = arith.constant 80 : index
      %swap3A_1275 = tpu.vector_load %arg6[%swap3A_1273, %swap3A_1274] {strides = array<i32>} : memref<16x128xi32, #tpu.memory_space<vmem>>, vector<1x16xi32>,
      %swap3A_1276 = vector.shape_cast %swap3A_1275 : vector<1x16xi32> to vector<16xi32>
      %swap3A_1277 = vector.shape_cast %shift_right_arithmetic3A_1271 : vector<16xi32> to vector<1x16xi32>
      tpu.vector_store %arg6[%swap3A_1273, %swap3A_1274], %swap3A_1277 {strides = array<i32>} : memref<16x128xi32, #tpu.memory_space<vmem>>, vector<1x16xi32>,
      %iota3A_1278 = tpu.iota {dimensions = array<i32: 0>} : vector<16xi32>
      %add3A_1279 = arith.constant 1024 : i32
      %add3A_1280 = arith.addi %mul3A_2, %add3A_1279 : i32
      %add3A_1281 = arith.constant 96 : i32
      %add3A_1282 = arith.addi %add3A_1280, %add3A_1281 : i32
      %add3A_1283 = vector.broadcast %add3A_1282 : i32 to vector<16xi32>
      %add3A_1284 = arith.addi %iota3A_1278, %add3A_1283 : vector<16xi32>
      %shift_right_arithmetic3A_1285 = arith.constant 5 : i32
      %shift_right_arithmetic3A_1286 = vector.broadcast %shift_right_arithmetic3A_1285 : i32 to vector<16xi32>
      %shift_right_arithmetic3A_1287 = arith.shrsi %add3A_1284, %shift_right_arithmetic3A_1286 : vector<16xi32>
      %swap3A_1288 = arith.constant 8 : i32
      %swap3A_1289 = arith.index_cast %swap3A_1288 : i32 to index
      %swap3A_1290 = arith.constant 96 : index
      %swap3A_1291 = tpu.vector_load %arg6[%swap3A_1289, %swap3A_1290] {strides = array<i32>} : memref<16x128xi32, #tpu.memory_space<vmem>>, vector<1x16xi32>,
      %swap3A_1292 = vector.shape_cast %swap3A_1291 : vector<1x16xi32> to vector<16xi32>
      %swap3A_1293 = vector.shape_cast %shift_right_arithmetic3A_1287 : vector<16xi32> to vector<1x16xi32>
      tpu.vector_store %arg6[%swap3A_1289, %swap3A_1290], %swap3A_1293 {strides = array<i32>} : memref<16x128xi32, #tpu.memory_space<vmem>>, vector<1x16xi32>,
      %iota3A_1294 = tpu.iota {dimensions = array<i32: 0>} : vector<16xi32>
      %add3A_1295 = arith.constant 1024 : i32
      %add3A_1296 = arith.addi %mul3A_2, %add3A_1295 : i32
      %add3A_1297 = arith.constant 112 : i32
      %add3A_1298 = arith.addi %add3A_1296, %add3A_1297 : i32
      %add3A_1299 = vector.broadcast %add3A_1298 : i32 to vector<16xi32>
      %add3A_1300 = arith.addi %iota3A_1294, %add3A_1299 : vector<16xi32>
      %shift_right_arithmetic3A_1301 = arith.constant 5 : i32
      %shift_right_arithmetic3A_1302 = vector.broadcast %shift_right_arithmetic3A_1301 : i32 to vector<16xi32>
      %shift_right_arithmetic3A_1303 = arith.shrsi %add3A_1300, %shift_right_arithmetic3A_1302 : vector<16xi32>
      %swap3A_1304 = arith.constant 8 : i32
      %swap3A_1305 = arith.index_cast %swap3A_1304 : i32 to index
      %swap3A_1306 = arith.constant 112 : index
      %swap3A_1307 = tpu.vector_load %arg6[%swap3A_1305, %swap3A_1306] {strides = array<i32>} : memref<16x128xi32, #tpu.memory_space<vmem>>, vector<1x16xi32>,
      %swap3A_1308 = vector.shape_cast %swap3A_1307 : vector<1x16xi32> to vector<16xi32>
      %swap3A_1309 = vector.shape_cast %shift_right_arithmetic3A_1303 : vector<16xi32> to vector<1x16xi32>
      tpu.vector_store %arg6[%swap3A_1305, %swap3A_1306], %swap3A_1309 {strides = array<i32>} : memref<16x128xi32, #tpu.memory_space<vmem>>, vector<1x16xi32>,
      %iota3A_1310 = tpu.iota {dimensions = array<i32: 0>} : vector<16xi32>
      %add3A_1311 = arith.constant 1152 : i32
      %add3A_1312 = arith.addi %mul3A_2, %add3A_1311 : i32
      %add3A_1313 = arith.constant 0 : i32
      %add3A_1314 = arith.addi %add3A_1312, %add3A_1313 : i32
      %add3A_1315 = vector.broadcast %add3A_1314 : i32 to vector<16xi32>
      %add3A_1316 = arith.addi %iota3A_1310, %add3A_1315 : vector<16xi32>
      %shift_right_arithmetic3A_1317 = arith.constant 5 : i32
      %shift_right_arithmetic3A_1318 = vector.broadcast %shift_right_arithmetic3A_1317 : i32 to vector<16xi32>
      %shift_right_arithmetic3A_1319 = arith.shrsi %add3A_1316, %shift_right_arithmetic3A_1318 : vector<16xi32>
      %swap3A_1320 = arith.constant 9 : i32
      %swap3A_1321 = arith.index_cast %swap3A_1320 : i32 to index
      %swap3A_1322 = arith.constant 0 : index
      %swap3A_1323 = tpu.vector_load %arg6[%swap3A_1321, %swap3A_1322] {strides = array<i32>} : memref<16x128xi32, #tpu.memory_space<vmem>>, vector<1x16xi32>,
      %swap3A_1324 = vector.shape_cast %swap3A_1323 : vector<1x16xi32> to vector<16xi32>
      %swap3A_1325 = vector.shape_cast %shift_right_arithmetic3A_1319 : vector<16xi32> to vector<1x16xi32>
      tpu.vector_store %arg6[%swap3A_1321, %swap3A_1322], %swap3A_1325 {strides = array<i32>} : memref<16x128xi32, #tpu.memory_space<vmem>>, vector<1x16xi32>,
      %iota3A_1326 = tpu.iota {dimensions = array<i32: 0>} : vector<16xi32>
      %add3A_1327 = arith.constant 1152 : i32
      %add3A_1328 = arith.addi %mul3A_2, %add3A_1327 : i32
      %add3A_1329 = arith.constant 16 : i32
      %add3A_1330 = arith.addi %add3A_1328, %add3A_1329 : i32
      %add3A_1331 = vector.broadcast %add3A_1330 : i32 to vector<16xi32>
      %add3A_1332 = arith.addi %iota3A_1326, %add3A_1331 : vector<16xi32>
      %shift_right_arithmetic3A_1333 = arith.constant 5 : i32
      %shift_right_arithmetic3A_1334 = vector.broadcast %shift_right_arithmetic3A_1333 : i32 to vector<16xi32>
      %shift_right_arithmetic3A_1335 = arith.shrsi %add3A_1332, %shift_right_arithmetic3A_1334 : vector<16xi32>
      %swap3A_1336 = arith.constant 9 : i32
      %swap3A_1337 = arith.index_cast %swap3A_1336 : i32 to index
      %swap3A_1338 = arith.constant 16 : index
      %swap3A_1339 = tpu.vector_load %arg6[%swap3A_1337, %swap3A_1338] {strides = array<i32>} : memref<16x128xi32, #tpu.memory_space<vmem>>, vector<1x16xi32>,
      %swap3A_1340 = vector.shape_cast %swap3A_1339 : vector<1x16xi32> to vector<16xi32>
      %swap3A_1341 = vector.shape_cast %shift_right_arithmetic3A_1335 : vector<16xi32> to vector<1x16xi32>
      tpu.vector_store %arg6[%swap3A_1337, %swap3A_1338], %swap3A_1341 {strides = array<i32>} : memref<16x128xi32, #tpu.memory_space<vmem>>, vector<1x16xi32>,
      %iota3A_1342 = tpu.iota {dimensions = array<i32: 0>} : vector<16xi32>
      %add3A_1343 = arith.constant 1152 : i32
      %add3A_1344 = arith.addi %mul3A_2, %add3A_1343 : i32
      %add3A_1345 = arith.constant 32 : i32
      %add3A_1346 = arith.addi %add3A_1344, %add3A_1345 : i32
      %add3A_1347 = vector.broadcast %add3A_1346 : i32 to vector<16xi32>
      %add3A_1348 = arith.addi %iota3A_1342, %add3A_1347 : vector<16xi32>
      %shift_right_arithmetic3A_1349 = arith.constant 5 : i32
      %shift_right_arithmetic3A_1350 = vector.broadcast %shift_right_arithmetic3A_1349 : i32 to vector<16xi32>
      %shift_right_arithmetic3A_1351 = arith.shrsi %add3A_1348, %shift_right_arithmetic3A_1350 : vector<16xi32>
      %swap3A_1352 = arith.constant 9 : i32
      %swap3A_1353 = arith.index_cast %swap3A_1352 : i32 to index
      %swap3A_1354 = arith.constant 32 : index
      %swap3A_1355 = tpu.vector_load %arg6[%swap3A_1353, %swap3A_1354] {strides = array<i32>} : memref<16x128xi32, #tpu.memory_space<vmem>>, vector<1x16xi32>,
      %swap3A_1356 = vector.shape_cast %swap3A_1355 : vector<1x16xi32> to vector<16xi32>
      %swap3A_1357 = vector.shape_cast %shift_right_arithmetic3A_1351 : vector<16xi32> to vector<1x16xi32>
      tpu.vector_store %arg6[%swap3A_1353, %swap3A_1354], %swap3A_1357 {strides = array<i32>} : memref<16x128xi32, #tpu.memory_space<vmem>>, vector<1x16xi32>,
      %iota3A_1358 = tpu.iota {dimensions = array<i32: 0>} : vector<16xi32>
      %add3A_1359 = arith.constant 1152 : i32
      %add3A_1360 = arith.addi %mul3A_2, %add3A_1359 : i32
      %add3A_1361 = arith.constant 48 : i32
      %add3A_1362 = arith.addi %add3A_1360, %add3A_1361 : i32
      %add3A_1363 = vector.broadcast %add3A_1362 : i32 to vector<16xi32>
      %add3A_1364 = arith.addi %iota3A_1358, %add3A_1363 : vector<16xi32>
      %shift_right_arithmetic3A_1365 = arith.constant 5 : i32
      %shift_right_arithmetic3A_1366 = vector.broadcast %shift_right_arithmetic3A_1365 : i32 to vector<16xi32>
      %shift_right_arithmetic3A_1367 = arith.shrsi %add3A_1364, %shift_right_arithmetic3A_1366 : vector<16xi32>
      %swap3A_1368 = arith.constant 9 : i32
      %swap3A_1369 = arith.index_cast %swap3A_1368 : i32 to index
      %swap3A_1370 = arith.constant 48 : index
      %swap3A_1371 = tpu.vector_load %arg6[%swap3A_1369, %swap3A_1370] {strides = array<i32>} : memref<16x128xi32, #tpu.memory_space<vmem>>, vector<1x16xi32>,
      %swap3A_1372 = vector.shape_cast %swap3A_1371 : vector<1x16xi32> to vector<16xi32>
      %swap3A_1373 = vector.shape_cast %shift_right_arithmetic3A_1367 : vector<16xi32> to vector<1x16xi32>
      tpu.vector_store %arg6[%swap3A_1369, %swap3A_1370], %swap3A_1373 {strides = array<i32>} : memref<16x128xi32, #tpu.memory_space<vmem>>, vector<1x16xi32>,
      %iota3A_1374 = tpu.iota {dimensions = array<i32: 0>} : vector<16xi32>
      %add3A_1375 = arith.constant 1152 : i32
      %add3A_1376 = arith.addi %mul3A_2, %add3A_1375 : i32
      %add3A_1377 = arith.constant 64 : i32
      %add3A_1378 = arith.addi %add3A_1376, %add3A_1377 : i32
      %add3A_1379 = vector.broadcast %add3A_1378 : i32 to vector<16xi32>
      %add3A_1380 = arith.addi %iota3A_1374, %add3A_1379 : vector<16xi32>
      %shift_right_arithmetic3A_1381 = arith.constant 5 : i32
      %shift_right_arithmetic3A_1382 = vector.broadcast %shift_right_arithmetic3A_1381 : i32 to vector<16xi32>
      %shift_right_arithmetic3A_1383 = arith.shrsi %add3A_1380, %shift_right_arithmetic3A_1382 : vector<16xi32>
      %swap3A_1384 = arith.constant 9 : i32
      %swap3A_1385 = arith.index_cast %swap3A_1384 : i32 to index
      %swap3A_1386 = arith.constant 64 : index
      %swap3A_1387 = tpu.vector_load %arg6[%swap3A_1385, %swap3A_1386] {strides = array<i32>} : memref<16x128xi32, #tpu.memory_space<vmem>>, vector<1x16xi32>,
      %swap3A_1388 = vector.shape_cast %swap3A_1387 : vector<1x16xi32> to vector<16xi32>
      %swap3A_1389 = vector.shape_cast %shift_right_arithmetic3A_1383 : vector<16xi32> to vector<1x16xi32>
      tpu.vector_store %arg6[%swap3A_1385, %swap3A_1386], %swap3A_1389 {strides = array<i32>} : memref<16x128xi32, #tpu.memory_space<vmem>>, vector<1x16xi32>,
      %iota3A_1390 = tpu.iota {dimensions = array<i32: 0>} : vector<16xi32>
      %add3A_1391 = arith.constant 1152 : i32
      %add3A_1392 = arith.addi %mul3A_2, %add3A_1391 : i32
      %add3A_1393 = arith.constant 80 : i32
      %add3A_1394 = arith.addi %add3A_1392, %add3A_1393 : i32
      %add3A_1395 = vector.broadcast %add3A_1394 : i32 to vector<16xi32>
      %add3A_1396 = arith.addi %iota3A_1390, %add3A_1395 : vector<16xi32>
      %shift_right_arithmetic3A_1397 = arith.constant 5 : i32
      %shift_right_arithmetic3A_1398 = vector.broadcast %shift_right_arithmetic3A_1397 : i32 to vector<16xi32>
      %shift_right_arithmetic3A_1399 = arith.shrsi %add3A_1396, %shift_right_arithmetic3A_1398 : vector<16xi32>
      %swap3A_1400 = arith.constant 9 : i32
      %swap3A_1401 = arith.index_cast %swap3A_1400 : i32 to index
      %swap3A_1402 = arith.constant 80 : index
      %swap3A_1403 = tpu.vector_load %arg6[%swap3A_1401, %swap3A_1402] {strides = array<i32>} : memref<16x128xi32, #tpu.memory_space<vmem>>, vector<1x16xi32>,
      %swap3A_1404 = vector.shape_cast %swap3A_1403 : vector<1x16xi32> to vector<16xi32>
      %swap3A_1405 = vector.shape_cast %shift_right_arithmetic3A_1399 : vector<16xi32> to vector<1x16xi32>
      tpu.vector_store %arg6[%swap3A_1401, %swap3A_1402], %swap3A_1405 {strides = array<i32>} : memref<16x128xi32, #tpu.memory_space<vmem>>, vector<1x16xi32>,
      %iota3A_1406 = tpu.iota {dimensions = array<i32: 0>} : vector<16xi32>
      %add3A_1407 = arith.constant 1152 : i32
      %add3A_1408 = arith.addi %mul3A_2, %add3A_1407 : i32
      %add3A_1409 = arith.constant 96 : i32
      %add3A_1410 = arith.addi %add3A_1408, %add3A_1409 : i32
      %add3A_1411 = vector.broadcast %add3A_1410 : i32 to vector<16xi32>
      %add3A_1412 = arith.addi %iota3A_1406, %add3A_1411 : vector<16xi32>
      %shift_right_arithmetic3A_1413 = arith.constant 5 : i32
      %shift_right_arithmetic3A_1414 = vector.broadcast %shift_right_arithmetic3A_1413 : i32 to vector<16xi32>
      %shift_right_arithmetic3A_1415 = arith.shrsi %add3A_1412, %shift_right_arithmetic3A_1414 : vector<16xi32>
      %swap3A_1416 = arith.constant 9 : i32
      %swap3A_1417 = arith.index_cast %swap3A_1416 : i32 to index
      %swap3A_1418 = arith.constant 96 : index
      %swap3A_1419 = tpu.vector_load %arg6[%swap3A_1417, %swap3A_1418] {strides = array<i32>} : memref<16x128xi32, #tpu.memory_space<vmem>>, vector<1x16xi32>,
      %swap3A_1420 = vector.shape_cast %swap3A_1419 : vector<1x16xi32> to vector<16xi32>
      %swap3A_1421 = vector.shape_cast %shift_right_arithmetic3A_1415 : vector<16xi32> to vector<1x16xi32>
      tpu.vector_store %arg6[%swap3A_1417, %swap3A_1418], %swap3A_1421 {strides = array<i32>} : memref<16x128xi32, #tpu.memory_space<vmem>>, vector<1x16xi32>,
      %iota3A_1422 = tpu.iota {dimensions = array<i32: 0>} : vector<16xi32>
      %add3A_1423 = arith.constant 1152 : i32
      %add3A_1424 = arith.addi %mul3A_2, %add3A_1423 : i32
      %add3A_1425 = arith.constant 112 : i32
      %add3A_1426 = arith.addi %add3A_1424, %add3A_1425 : i32
      %add3A_1427 = vector.broadcast %add3A_1426 : i32 to vector<16xi32>
      %add3A_1428 = arith.addi %iota3A_1422, %add3A_1427 : vector<16xi32>
      %shift_right_arithmetic3A_1429 = arith.constant 5 : i32
      %shift_right_arithmetic3A_1430 = vector.broadcast %shift_right_arithmetic3A_1429 : i32 to vector<16xi32>
      %shift_right_arithmetic3A_1431 = arith.shrsi %add3A_1428, %shift_right_arithmetic3A_1430 : vector<16xi32>
      %swap3A_1432 = arith.constant 9 : i32
      %swap3A_1433 = arith.index_cast %swap3A_1432 : i32 to index
      %swap3A_1434 = arith.constant 112 : index
      %swap3A_1435 = tpu.vector_load %arg6[%swap3A_1433, %swap3A_1434] {strides = array<i32>} : memref<16x128xi32, #tpu.memory_space<vmem>>, vector<1x16xi32>,
      %swap3A_1436 = vector.shape_cast %swap3A_1435 : vector<1x16xi32> to vector<16xi32>
      %swap3A_1437 = vector.shape_cast %shift_right_arithmetic3A_1431 : vector<16xi32> to vector<1x16xi32>
      tpu.vector_store %arg6[%swap3A_1433, %swap3A_1434], %swap3A_1437 {strides = array<i32>} : memref<16x128xi32, #tpu.memory_space<vmem>>, vector<1x16xi32>,
      %iota3A_1438 = tpu.iota {dimensions = array<i32: 0>} : vector<16xi32>
      %add3A_1439 = arith.constant 1280 : i32
      %add3A_1440 = arith.addi %mul3A_2, %add3A_1439 : i32
      %add3A_1441 = arith.constant 0 : i32
      %add3A_1442 = arith.addi %add3A_1440, %add3A_1441 : i32
      %add3A_1443 = vector.broadcast %add3A_1442 : i32 to vector<16xi32>
      %add3A_1444 = arith.addi %iota3A_1438, %add3A_1443 : vector<16xi32>
      %shift_right_arithmetic3A_1445 = arith.constant 5 : i32
      %shift_right_arithmetic3A_1446 = vector.broadcast %shift_right_arithmetic3A_1445 : i32 to vector<16xi32>
      %shift_right_arithmetic3A_1447 = arith.shrsi %add3A_1444, %shift_right_arithmetic3A_1446 : vector<16xi32>
      %swap3A_1448 = arith.constant 10 : i32
      %swap3A_1449 = arith.index_cast %swap3A_1448 : i32 to index
      %swap3A_1450 = arith.constant 0 : index
      %swap3A_1451 = tpu.vector_load %arg6[%swap3A_1449, %swap3A_1450] {strides = array<i32>} : memref<16x128xi32, #tpu.memory_space<vmem>>, vector<1x16xi32>,
      %swap3A_1452 = vector.shape_cast %swap3A_1451 : vector<1x16xi32> to vector<16xi32>
      %swap3A_1453 = vector.shape_cast %shift_right_arithmetic3A_1447 : vector<16xi32> to vector<1x16xi32>
      tpu.vector_store %arg6[%swap3A_1449, %swap3A_1450], %swap3A_1453 {strides = array<i32>} : memref<16x128xi32, #tpu.memory_space<vmem>>, vector<1x16xi32>,
      %iota3A_1454 = tpu.iota {dimensions = array<i32: 0>} : vector<16xi32>
      %add3A_1455 = arith.constant 1280 : i32
      %add3A_1456 = arith.addi %mul3A_2, %add3A_1455 : i32
      %add3A_1457 = arith.constant 16 : i32
      %add3A_1458 = arith.addi %add3A_1456, %add3A_1457 : i32
      %add3A_1459 = vector.broadcast %add3A_1458 : i32 to vector<16xi32>
      %add3A_1460 = arith.addi %iota3A_1454, %add3A_1459 : vector<16xi32>
      %shift_right_arithmetic3A_1461 = arith.constant 5 : i32
      %shift_right_arithmetic3A_1462 = vector.broadcast %shift_right_arithmetic3A_1461 : i32 to vector<16xi32>
      %shift_right_arithmetic3A_1463 = arith.shrsi %add3A_1460, %shift_right_arithmetic3A_1462 : vector<16xi32>
      %swap3A_1464 = arith.constant 10 : i32
      %swap3A_1465 = arith.index_cast %swap3A_1464 : i32 to index
      %swap3A_1466 = arith.constant 16 : index
      %swap3A_1467 = tpu.vector_load %arg6[%swap3A_1465, %swap3A_1466] {strides = array<i32>} : memref<16x128xi32, #tpu.memory_space<vmem>>, vector<1x16xi32>,
      %swap3A_1468 = vector.shape_cast %swap3A_1467 : vector<1x16xi32> to vector<16xi32>
      %swap3A_1469 = vector.shape_cast %shift_right_arithmetic3A_1463 : vector<16xi32> to vector<1x16xi32>
      tpu.vector_store %arg6[%swap3A_1465, %swap3A_1466], %swap3A_1469 {strides = array<i32>} : memref<16x128xi32, #tpu.memory_space<vmem>>, vector<1x16xi32>,
      %iota3A_1470 = tpu.iota {dimensions = array<i32: 0>} : vector<16xi32>
      %add3A_1471 = arith.constant 1280 : i32
      %add3A_1472 = arith.addi %mul3A_2, %add3A_1471 : i32
      %add3A_1473 = arith.constant 32 : i32
      %add3A_1474 = arith.addi %add3A_1472, %add3A_1473 : i32
      %add3A_1475 = vector.broadcast %add3A_1474 : i32 to vector<16xi32>
      %add3A_1476 = arith.addi %iota3A_1470, %add3A_1475 : vector<16xi32>
      %shift_right_arithmetic3A_1477 = arith.constant 5 : i32
      %shift_right_arithmetic3A_1478 = vector.broadcast %shift_right_arithmetic3A_1477 : i32 to vector<16xi32>
      %shift_right_arithmetic3A_1479 = arith.shrsi %add3A_1476, %shift_right_arithmetic3A_1478 : vector<16xi32>
      %swap3A_1480 = arith.constant 10 : i32
      %swap3A_1481 = arith.index_cast %swap3A_1480 : i32 to index
      %swap3A_1482 = arith.constant 32 : index
      %swap3A_1483 = tpu.vector_load %arg6[%swap3A_1481, %swap3A_1482] {strides = array<i32>} : memref<16x128xi32, #tpu.memory_space<vmem>>, vector<1x16xi32>,
      %swap3A_1484 = vector.shape_cast %swap3A_1483 : vector<1x16xi32> to vector<16xi32>
      %swap3A_1485 = vector.shape_cast %shift_right_arithmetic3A_1479 : vector<16xi32> to vector<1x16xi32>
      tpu.vector_store %arg6[%swap3A_1481, %swap3A_1482], %swap3A_1485 {strides = array<i32>} : memref<16x128xi32, #tpu.memory_space<vmem>>, vector<1x16xi32>,
      %iota3A_1486 = tpu.iota {dimensions = array<i32: 0>} : vector<16xi32>
      %add3A_1487 = arith.constant 1280 : i32
      %add3A_1488 = arith.addi %mul3A_2, %add3A_1487 : i32
      %add3A_1489 = arith.constant 48 : i32
      %add3A_1490 = arith.addi %add3A_1488, %add3A_1489 : i32
      %add3A_1491 = vector.broadcast %add3A_1490 : i32 to vector<16xi32>
      %add3A_1492 = arith.addi %iota3A_1486, %add3A_1491 : vector<16xi32>
      %shift_right_arithmetic3A_1493 = arith.constant 5 : i32
      %shift_right_arithmetic3A_1494 = vector.broadcast %shift_right_arithmetic3A_1493 : i32 to vector<16xi32>
      %shift_right_arithmetic3A_1495 = arith.shrsi %add3A_1492, %shift_right_arithmetic3A_1494 : vector<16xi32>
      %swap3A_1496 = arith.constant 10 : i32
      %swap3A_1497 = arith.index_cast %swap3A_1496 : i32 to index
      %swap3A_1498 = arith.constant 48 : index
      %swap3A_1499 = tpu.vector_load %arg6[%swap3A_1497, %swap3A_1498] {strides = array<i32>} : memref<16x128xi32, #tpu.memory_space<vmem>>, vector<1x16xi32>,
      %swap3A_1500 = vector.shape_cast %swap3A_1499 : vector<1x16xi32> to vector<16xi32>
      %swap3A_1501 = vector.shape_cast %shift_right_arithmetic3A_1495 : vector<16xi32> to vector<1x16xi32>
      tpu.vector_store %arg6[%swap3A_1497, %swap3A_1498], %swap3A_1501 {strides = array<i32>} : memref<16x128xi32, #tpu.memory_space<vmem>>, vector<1x16xi32>,
      %iota3A_1502 = tpu.iota {dimensions = array<i32: 0>} : vector<16xi32>
      %add3A_1503 = arith.constant 1280 : i32
      %add3A_1504 = arith.addi %mul3A_2, %add3A_1503 : i32
      %add3A_1505 = arith.constant 64 : i32
      %add3A_1506 = arith.addi %add3A_1504, %add3A_1505 : i32
      %add3A_1507 = vector.broadcast %add3A_1506 : i32 to vector<16xi32>
      %add3A_1508 = arith.addi %iota3A_1502, %add3A_1507 : vector<16xi32>
      %shift_right_arithmetic3A_1509 = arith.constant 5 : i32
      %shift_right_arithmetic3A_1510 = vector.broadcast %shift_right_arithmetic3A_1509 : i32 to vector<16xi32>
      %shift_right_arithmetic3A_1511 = arith.shrsi %add3A_1508, %shift_right_arithmetic3A_1510 : vector<16xi32>
      %swap3A_1512 = arith.constant 10 : i32
      %swap3A_1513 = arith.index_cast %swap3A_1512 : i32 to index
      %swap3A_1514 = arith.constant 64 : index
      %swap3A_1515 = tpu.vector_load %arg6[%swap3A_1513, %swap3A_1514] {strides = array<i32>} : memref<16x128xi32, #tpu.memory_space<vmem>>, vector<1x16xi32>,
      %swap3A_1516 = vector.shape_cast %swap3A_1515 : vector<1x16xi32> to vector<16xi32>
      %swap3A_1517 = vector.shape_cast %shift_right_arithmetic3A_1511 : vector<16xi32> to vector<1x16xi32>
      tpu.vector_store %arg6[%swap3A_1513, %swap3A_1514], %swap3A_1517 {strides = array<i32>} : memref<16x128xi32, #tpu.memory_space<vmem>>, vector<1x16xi32>,
      %iota3A_1518 = tpu.iota {dimensions = array<i32: 0>} : vector<16xi32>
      %add3A_1519 = arith.constant 1280 : i32
      %add3A_1520 = arith.addi %mul3A_2, %add3A_1519 : i32
      %add3A_1521 = arith.constant 80 : i32
      %add3A_1522 = arith.addi %add3A_1520, %add3A_1521 : i32
      %add3A_1523 = vector.broadcast %add3A_1522 : i32 to vector<16xi32>
      %add3A_1524 = arith.addi %iota3A_1518, %add3A_1523 : vector<16xi32>
      %shift_right_arithmetic3A_1525 = arith.constant 5 : i32
      %shift_right_arithmetic3A_1526 = vector.broadcast %shift_right_arithmetic3A_1525 : i32 to vector<16xi32>
      %shift_right_arithmetic3A_1527 = arith.shrsi %add3A_1524, %shift_right_arithmetic3A_1526 : vector<16xi32>
      %swap3A_1528 = arith.constant 10 : i32
      %swap3A_1529 = arith.index_cast %swap3A_1528 : i32 to index
      %swap3A_1530 = arith.constant 80 : index
      %swap3A_1531 = tpu.vector_load %arg6[%swap3A_1529, %swap3A_1530] {strides = array<i32>} : memref<16x128xi32, #tpu.memory_space<vmem>>, vector<1x16xi32>,
      %swap3A_1532 = vector.shape_cast %swap3A_1531 : vector<1x16xi32> to vector<16xi32>
      %swap3A_1533 = vector.shape_cast %shift_right_arithmetic3A_1527 : vector<16xi32> to vector<1x16xi32>
      tpu.vector_store %arg6[%swap3A_1529, %swap3A_1530], %swap3A_1533 {strides = array<i32>} : memref<16x128xi32, #tpu.memory_space<vmem>>, vector<1x16xi32>,
      %iota3A_1534 = tpu.iota {dimensions = array<i32: 0>} : vector<16xi32>
      %add3A_1535 = arith.constant 1280 : i32
      %add3A_1536 = arith.addi %mul3A_2, %add3A_1535 : i32
      %add3A_1537 = arith.constant 96 : i32
      %add3A_1538 = arith.addi %add3A_1536, %add3A_1537 : i32
      %add3A_1539 = vector.broadcast %add3A_1538 : i32 to vector<16xi32>
      %add3A_1540 = arith.addi %iota3A_1534, %add3A_1539 : vector<16xi32>
      %shift_right_arithmetic3A_1541 = arith.constant 5 : i32
      %shift_right_arithmetic3A_1542 = vector.broadcast %shift_right_arithmetic3A_1541 : i32 to vector<16xi32>
      %shift_right_arithmetic3A_1543 = arith.shrsi %add3A_1540, %shift_right_arithmetic3A_1542 : vector<16xi32>
      %swap3A_1544 = arith.constant 10 : i32
      %swap3A_1545 = arith.index_cast %swap3A_1544 : i32 to index
      %swap3A_1546 = arith.constant 96 : index
      %swap3A_1547 = tpu.vector_load %arg6[%swap3A_1545, %swap3A_1546] {strides = array<i32>} : memref<16x128xi32, #tpu.memory_space<vmem>>, vector<1x16xi32>,
      %swap3A_1548 = vector.shape_cast %swap3A_1547 : vector<1x16xi32> to vector<16xi32>
      %swap3A_1549 = vector.shape_cast %shift_right_arithmetic3A_1543 : vector<16xi32> to vector<1x16xi32>
      tpu.vector_store %arg6[%swap3A_1545, %swap3A_1546], %swap3A_1549 {strides = array<i32>} : memref<16x128xi32, #tpu.memory_space<vmem>>, vector<1x16xi32>,
      %iota3A_1550 = tpu.iota {dimensions = array<i32: 0>} : vector<16xi32>
      %add3A_1551 = arith.constant 1280 : i32
      %add3A_1552 = arith.addi %mul3A_2, %add3A_1551 : i32
      %add3A_1553 = arith.constant 112 : i32
      %add3A_1554 = arith.addi %add3A_1552, %add3A_1553 : i32
      %add3A_1555 = vector.broadcast %add3A_1554 : i32 to vector<16xi32>
      %add3A_1556 = arith.addi %iota3A_1550, %add3A_1555 : vector<16xi32>
      %shift_right_arithmetic3A_1557 = arith.constant 5 : i32
      %shift_right_arithmetic3A_1558 = vector.broadcast %shift_right_arithmetic3A_1557 : i32 to vector<16xi32>
      %shift_right_arithmetic3A_1559 = arith.shrsi %add3A_1556, %shift_right_arithmetic3A_1558 : vector<16xi32>
      %swap3A_1560 = arith.constant 10 : i32
      %swap3A_1561 = arith.index_cast %swap3A_1560 : i32 to index
      %swap3A_1562 = arith.constant 112 : index
      %swap3A_1563 = tpu.vector_load %arg6[%swap3A_1561, %swap3A_1562] {strides = array<i32>} : memref<16x128xi32, #tpu.memory_space<vmem>>, vector<1x16xi32>,
      %swap3A_1564 = vector.shape_cast %swap3A_1563 : vector<1x16xi32> to vector<16xi32>
      %swap3A_1565 = vector.shape_cast %shift_right_arithmetic3A_1559 : vector<16xi32> to vector<1x16xi32>
      tpu.vector_store %arg6[%swap3A_1561, %swap3A_1562], %swap3A_1565 {strides = array<i32>} : memref<16x128xi32, #tpu.memory_space<vmem>>, vector<1x16xi32>,
      %iota3A_1566 = tpu.iota {dimensions = array<i32: 0>} : vector<16xi32>
      %add3A_1567 = arith.constant 1408 : i32
      %add3A_1568 = arith.addi %mul3A_2, %add3A_1567 : i32
      %add3A_1569 = arith.constant 0 : i32
      %add3A_1570 = arith.addi %add3A_1568, %add3A_1569 : i32
      %add3A_1571 = vector.broadcast %add3A_1570 : i32 to vector<16xi32>
      %add3A_1572 = arith.addi %iota3A_1566, %add3A_1571 : vector<16xi32>
      %shift_right_arithmetic3A_1573 = arith.constant 5 : i32
      %shift_right_arithmetic3A_1574 = vector.broadcast %shift_right_arithmetic3A_1573 : i32 to vector<16xi32>
      %shift_right_arithmetic3A_1575 = arith.shrsi %add3A_1572, %shift_right_arithmetic3A_1574 : vector<16xi32>
      %swap3A_1576 = arith.constant 11 : i32
      %swap3A_1577 = arith.index_cast %swap3A_1576 : i32 to index
      %swap3A_1578 = arith.constant 0 : index
      %swap3A_1579 = tpu.vector_load %arg6[%swap3A_1577, %swap3A_1578] {strides = array<i32>} : memref<16x128xi32, #tpu.memory_space<vmem>>, vector<1x16xi32>,
      %swap3A_1580 = vector.shape_cast %swap3A_1579 : vector<1x16xi32> to vector<16xi32>
      %swap3A_1581 = vector.shape_cast %shift_right_arithmetic3A_1575 : vector<16xi32> to vector<1x16xi32>
      tpu.vector_store %arg6[%swap3A_1577, %swap3A_1578], %swap3A_1581 {strides = array<i32>} : memref<16x128xi32, #tpu.memory_space<vmem>>, vector<1x16xi32>,
      %iota3A_1582 = tpu.iota {dimensions = array<i32: 0>} : vector<16xi32>
      %add3A_1583 = arith.constant 1408 : i32
      %add3A_1584 = arith.addi %mul3A_2, %add3A_1583 : i32
      %add3A_1585 = arith.constant 16 : i32
      %add3A_1586 = arith.addi %add3A_1584, %add3A_1585 : i32
      %add3A_1587 = vector.broadcast %add3A_1586 : i32 to vector<16xi32>
      %add3A_1588 = arith.addi %iota3A_1582, %add3A_1587 : vector<16xi32>
      %shift_right_arithmetic3A_1589 = arith.constant 5 : i32
      %shift_right_arithmetic3A_1590 = vector.broadcast %shift_right_arithmetic3A_1589 : i32 to vector<16xi32>
      %shift_right_arithmetic3A_1591 = arith.shrsi %add3A_1588, %shift_right_arithmetic3A_1590 : vector<16xi32>
      %swap3A_1592 = arith.constant 11 : i32
      %swap3A_1593 = arith.index_cast %swap3A_1592 : i32 to index
      %swap3A_1594 = arith.constant 16 : index
      %swap3A_1595 = tpu.vector_load %arg6[%swap3A_1593, %swap3A_1594] {strides = array<i32>} : memref<16x128xi32, #tpu.memory_space<vmem>>, vector<1x16xi32>,
      %swap3A_1596 = vector.shape_cast %swap3A_1595 : vector<1x16xi32> to vector<16xi32>
      %swap3A_1597 = vector.shape_cast %shift_right_arithmetic3A_1591 : vector<16xi32> to vector<1x16xi32>
      tpu.vector_store %arg6[%swap3A_1593, %swap3A_1594], %swap3A_1597 {strides = array<i32>} : memref<16x128xi32, #tpu.memory_space<vmem>>, vector<1x16xi32>,
      %iota3A_1598 = tpu.iota {dimensions = array<i32: 0>} : vector<16xi32>
      %add3A_1599 = arith.constant 1408 : i32
      %add3A_1600 = arith.addi %mul3A_2, %add3A_1599 : i32
      %add3A_1601 = arith.constant 32 : i32
      %add3A_1602 = arith.addi %add3A_1600, %add3A_1601 : i32
      %add3A_1603 = vector.broadcast %add3A_1602 : i32 to vector<16xi32>
      %add3A_1604 = arith.addi %iota3A_1598, %add3A_1603 : vector<16xi32>
      %shift_right_arithmetic3A_1605 = arith.constant 5 : i32
      %shift_right_arithmetic3A_1606 = vector.broadcast %shift_right_arithmetic3A_1605 : i32 to vector<16xi32>
      %shift_right_arithmetic3A_1607 = arith.shrsi %add3A_1604, %shift_right_arithmetic3A_1606 : vector<16xi32>
      %swap3A_1608 = arith.constant 11 : i32
      %swap3A_1609 = arith.index_cast %swap3A_1608 : i32 to index
      %swap3A_1610 = arith.constant 32 : index
      %swap3A_1611 = tpu.vector_load %arg6[%swap3A_1609, %swap3A_1610] {strides = array<i32>} : memref<16x128xi32, #tpu.memory_space<vmem>>, vector<1x16xi32>,
      %swap3A_1612 = vector.shape_cast %swap3A_1611 : vector<1x16xi32> to vector<16xi32>
      %swap3A_1613 = vector.shape_cast %shift_right_arithmetic3A_1607 : vector<16xi32> to vector<1x16xi32>
      tpu.vector_store %arg6[%swap3A_1609, %swap3A_1610], %swap3A_1613 {strides = array<i32>} : memref<16x128xi32, #tpu.memory_space<vmem>>, vector<1x16xi32>,
      %iota3A_1614 = tpu.iota {dimensions = array<i32: 0>} : vector<16xi32>
      %add3A_1615 = arith.constant 1408 : i32
      %add3A_1616 = arith.addi %mul3A_2, %add3A_1615 : i32
      %add3A_1617 = arith.constant 48 : i32
      %add3A_1618 = arith.addi %add3A_1616, %add3A_1617 : i32
      %add3A_1619 = vector.broadcast %add3A_1618 : i32 to vector<16xi32>
      %add3A_1620 = arith.addi %iota3A_1614, %add3A_1619 : vector<16xi32>
      %shift_right_arithmetic3A_1621 = arith.constant 5 : i32
      %shift_right_arithmetic3A_1622 = vector.broadcast %shift_right_arithmetic3A_1621 : i32 to vector<16xi32>
      %shift_right_arithmetic3A_1623 = arith.shrsi %add3A_1620, %shift_right_arithmetic3A_1622 : vector<16xi32>
      %swap3A_1624 = arith.constant 11 : i32
      %swap3A_1625 = arith.index_cast %swap3A_1624 : i32 to index
      %swap3A_1626 = arith.constant 48 : index
      %swap3A_1627 = tpu.vector_load %arg6[%swap3A_1625, %swap3A_1626] {strides = array<i32>} : memref<16x128xi32, #tpu.memory_space<vmem>>, vector<1x16xi32>,
      %swap3A_1628 = vector.shape_cast %swap3A_1627 : vector<1x16xi32> to vector<16xi32>
      %swap3A_1629 = vector.shape_cast %shift_right_arithmetic3A_1623 : vector<16xi32> to vector<1x16xi32>
      tpu.vector_store %arg6[%swap3A_1625, %swap3A_1626], %swap3A_1629 {strides = array<i32>} : memref<16x128xi32, #tpu.memory_space<vmem>>, vector<1x16xi32>,
      %iota3A_1630 = tpu.iota {dimensions = array<i32: 0>} : vector<16xi32>
      %add3A_1631 = arith.constant 1408 : i32
      %add3A_1632 = arith.addi %mul3A_2, %add3A_1631 : i32
      %add3A_1633 = arith.constant 64 : i32
      %add3A_1634 = arith.addi %add3A_1632, %add3A_1633 : i32
      %add3A_1635 = vector.broadcast %add3A_1634 : i32 to vector<16xi32>
      %add3A_1636 = arith.addi %iota3A_1630, %add3A_1635 : vector<16xi32>
      %shift_right_arithmetic3A_1637 = arith.constant 5 : i32
      %shift_right_arithmetic3A_1638 = vector.broadcast %shift_right_arithmetic3A_1637 : i32 to vector<16xi32>
      %shift_right_arithmetic3A_1639 = arith.shrsi %add3A_1636, %shift_right_arithmetic3A_1638 : vector<16xi32>
      %swap3A_1640 = arith.constant 11 : i32
      %swap3A_1641 = arith.index_cast %swap3A_1640 : i32 to index
      %swap3A_1642 = arith.constant 64 : index
      %swap3A_1643 = tpu.vector_load %arg6[%swap3A_1641, %swap3A_1642] {strides = array<i32>} : memref<16x128xi32, #tpu.memory_space<vmem>>, vector<1x16xi32>,
      %swap3A_1644 = vector.shape_cast %swap3A_1643 : vector<1x16xi32> to vector<16xi32>
      %swap3A_1645 = vector.shape_cast %shift_right_arithmetic3A_1639 : vector<16xi32> to vector<1x16xi32>
      tpu.vector_store %arg6[%swap3A_1641, %swap3A_1642], %swap3A_1645 {strides = array<i32>} : memref<16x128xi32, #tpu.memory_space<vmem>>, vector<1x16xi32>,
      %iota3A_1646 = tpu.iota {dimensions = array<i32: 0>} : vector<16xi32>
      %add3A_1647 = arith.constant 1408 : i32
      %add3A_1648 = arith.addi %mul3A_2, %add3A_1647 : i32
      %add3A_1649 = arith.constant 80 : i32
      %add3A_1650 = arith.addi %add3A_1648, %add3A_1649 : i32
      %add3A_1651 = vector.broadcast %add3A_1650 : i32 to vector<16xi32>
      %add3A_1652 = arith.addi %iota3A_1646, %add3A_1651 : vector<16xi32>
      %shift_right_arithmetic3A_1653 = arith.constant 5 : i32
      %shift_right_arithmetic3A_1654 = vector.broadcast %shift_right_arithmetic3A_1653 : i32 to vector<16xi32>
      %shift_right_arithmetic3A_1655 = arith.shrsi %add3A_1652, %shift_right_arithmetic3A_1654 : vector<16xi32>
      %swap3A_1656 = arith.constant 11 : i32
      %swap3A_1657 = arith.index_cast %swap3A_1656 : i32 to index
      %swap3A_1658 = arith.constant 80 : index
      %swap3A_1659 = tpu.vector_load %arg6[%swap3A_1657, %swap3A_1658] {strides = array<i32>} : memref<16x128xi32, #tpu.memory_space<vmem>>, vector<1x16xi32>,
      %swap3A_1660 = vector.shape_cast %swap3A_1659 : vector<1x16xi32> to vector<16xi32>
      %swap3A_1661 = vector.shape_cast %shift_right_arithmetic3A_1655 : vector<16xi32> to vector<1x16xi32>
      tpu.vector_store %arg6[%swap3A_1657, %swap3A_1658], %swap3A_1661 {strides = array<i32>} : memref<16x128xi32, #tpu.memory_space<vmem>>, vector<1x16xi32>,
      %iota3A_1662 = tpu.iota {dimensions = array<i32: 0>} : vector<16xi32>
      %add3A_1663 = arith.constant 1408 : i32
      %add3A_1664 = arith.addi %mul3A_2, %add3A_1663 : i32
      %add3A_1665 = arith.constant 96 : i32
      %add3A_1666 = arith.addi %add3A_1664, %add3A_1665 : i32
      %add3A_1667 = vector.broadcast %add3A_1666 : i32 to vector<16xi32>
      %add3A_1668 = arith.addi %iota3A_1662, %add3A_1667 : vector<16xi32>
      %shift_right_arithmetic3A_1669 = arith.constant 5 : i32
      %shift_right_arithmetic3A_1670 = vector.broadcast %shift_right_arithmetic3A_1669 : i32 to vector<16xi32>
      %shift_right_arithmetic3A_1671 = arith.shrsi %add3A_1668, %shift_right_arithmetic3A_1670 : vector<16xi32>
      %swap3A_1672 = arith.constant 11 : i32
      %swap3A_1673 = arith.index_cast %swap3A_1672 : i32 to index
      %swap3A_1674 = arith.constant 96 : index
      %swap3A_1675 = tpu.vector_load %arg6[%swap3A_1673, %swap3A_1674] {strides = array<i32>} : memref<16x128xi32, #tpu.memory_space<vmem>>, vector<1x16xi32>,
      %swap3A_1676 = vector.shape_cast %swap3A_1675 : vector<1x16xi32> to vector<16xi32>
      %swap3A_1677 = vector.shape_cast %shift_right_arithmetic3A_1671 : vector<16xi32> to vector<1x16xi32>
      tpu.vector_store %arg6[%swap3A_1673, %swap3A_1674], %swap3A_1677 {strides = array<i32>} : memref<16x128xi32, #tpu.memory_space<vmem>>, vector<1x16xi32>,
      %iota3A_1678 = tpu.iota {dimensions = array<i32: 0>} : vector<16xi32>
      %add3A_1679 = arith.constant 1408 : i32
      %add3A_1680 = arith.addi %mul3A_2, %add3A_1679 : i32
      %add3A_1681 = arith.constant 112 : i32
      %add3A_1682 = arith.addi %add3A_1680, %add3A_1681 : i32
      %add3A_1683 = vector.broadcast %add3A_1682 : i32 to vector<16xi32>
      %add3A_1684 = arith.addi %iota3A_1678, %add3A_1683 : vector<16xi32>
      %shift_right_arithmetic3A_1685 = arith.constant 5 : i32
      %shift_right_arithmetic3A_1686 = vector.broadcast %shift_right_arithmetic3A_1685 : i32 to vector<16xi32>
      %shift_right_arithmetic3A_1687 = arith.shrsi %add3A_1684, %shift_right_arithmetic3A_1686 : vector<16xi32>
      %swap3A_1688 = arith.constant 11 : i32
      %swap3A_1689 = arith.index_cast %swap3A_1688 : i32 to index
      %swap3A_1690 = arith.constant 112 : index
      %swap3A_1691 = tpu.vector_load %arg6[%swap3A_1689, %swap3A_1690] {strides = array<i32>} : memref<16x128xi32, #tpu.memory_space<vmem>>, vector<1x16xi32>,
      %swap3A_1692 = vector.shape_cast %swap3A_1691 : vector<1x16xi32> to vector<16xi32>
      %swap3A_1693 = vector.shape_cast %shift_right_arithmetic3A_1687 : vector<16xi32> to vector<1x16xi32>
      tpu.vector_store %arg6[%swap3A_1689, %swap3A_1690], %swap3A_1693 {strides = array<i32>} : memref<16x128xi32, #tpu.memory_space<vmem>>, vector<1x16xi32>,
      %iota3A_1694 = tpu.iota {dimensions = array<i32: 0>} : vector<16xi32>
      %add3A_1695 = arith.constant 1536 : i32
      %add3A_1696 = arith.addi %mul3A_2, %add3A_1695 : i32
      %add3A_1697 = arith.constant 0 : i32
      %add3A_1698 = arith.addi %add3A_1696, %add3A_1697 : i32
      %add3A_1699 = vector.broadcast %add3A_1698 : i32 to vector<16xi32>
      %add3A_1700 = arith.addi %iota3A_1694, %add3A_1699 : vector<16xi32>
      %shift_right_arithmetic3A_1701 = arith.constant 5 : i32
      %shift_right_arithmetic3A_1702 = vector.broadcast %shift_right_arithmetic3A_1701 : i32 to vector<16xi32>
      %shift_right_arithmetic3A_1703 = arith.shrsi %add3A_1700, %shift_right_arithmetic3A_1702 : vector<16xi32>
      %swap3A_1704 = arith.constant 12 : i32
      %swap3A_1705 = arith.index_cast %swap3A_1704 : i32 to index
      %swap3A_1706 = arith.constant 0 : index
      %swap3A_1707 = tpu.vector_load %arg6[%swap3A_1705, %swap3A_1706] {strides = array<i32>} : memref<16x128xi32, #tpu.memory_space<vmem>>, vector<1x16xi32>,
      %swap3A_1708 = vector.shape_cast %swap3A_1707 : vector<1x16xi32> to vector<16xi32>
      %swap3A_1709 = vector.shape_cast %shift_right_arithmetic3A_1703 : vector<16xi32> to vector<1x16xi32>
      tpu.vector_store %arg6[%swap3A_1705, %swap3A_1706], %swap3A_1709 {strides = array<i32>} : memref<16x128xi32, #tpu.memory_space<vmem>>, vector<1x16xi32>,
      %iota3A_1710 = tpu.iota {dimensions = array<i32: 0>} : vector<16xi32>
      %add3A_1711 = arith.constant 1536 : i32
      %add3A_1712 = arith.addi %mul3A_2, %add3A_1711 : i32
      %add3A_1713 = arith.constant 16 : i32
      %add3A_1714 = arith.addi %add3A_1712, %add3A_1713 : i32
      %add3A_1715 = vector.broadcast %add3A_1714 : i32 to vector<16xi32>
      %add3A_1716 = arith.addi %iota3A_1710, %add3A_1715 : vector<16xi32>
      %shift_right_arithmetic3A_1717 = arith.constant 5 : i32
      %shift_right_arithmetic3A_1718 = vector.broadcast %shift_right_arithmetic3A_1717 : i32 to vector<16xi32>
      %shift_right_arithmetic3A_1719 = arith.shrsi %add3A_1716, %shift_right_arithmetic3A_1718 : vector<16xi32>
      %swap3A_1720 = arith.constant 12 : i32
      %swap3A_1721 = arith.index_cast %swap3A_1720 : i32 to index
      %swap3A_1722 = arith.constant 16 : index
      %swap3A_1723 = tpu.vector_load %arg6[%swap3A_1721, %swap3A_1722] {strides = array<i32>} : memref<16x128xi32, #tpu.memory_space<vmem>>, vector<1x16xi32>,
      %swap3A_1724 = vector.shape_cast %swap3A_1723 : vector<1x16xi32> to vector<16xi32>
      %swap3A_1725 = vector.shape_cast %shift_right_arithmetic3A_1719 : vector<16xi32> to vector<1x16xi32>
      tpu.vector_store %arg6[%swap3A_1721, %swap3A_1722], %swap3A_1725 {strides = array<i32>} : memref<16x128xi32, #tpu.memory_space<vmem>>, vector<1x16xi32>,
      %iota3A_1726 = tpu.iota {dimensions = array<i32: 0>} : vector<16xi32>
      %add3A_1727 = arith.constant 1536 : i32
      %add3A_1728 = arith.addi %mul3A_2, %add3A_1727 : i32
      %add3A_1729 = arith.constant 32 : i32
      %add3A_1730 = arith.addi %add3A_1728, %add3A_1729 : i32
      %add3A_1731 = vector.broadcast %add3A_1730 : i32 to vector<16xi32>
      %add3A_1732 = arith.addi %iota3A_1726, %add3A_1731 : vector<16xi32>
      %shift_right_arithmetic3A_1733 = arith.constant 5 : i32
      %shift_right_arithmetic3A_1734 = vector.broadcast %shift_right_arithmetic3A_1733 : i32 to vector<16xi32>
      %shift_right_arithmetic3A_1735 = arith.shrsi %add3A_1732, %shift_right_arithmetic3A_1734 : vector<16xi32>
      %swap3A_1736 = arith.constant 12 : i32
      %swap3A_1737 = arith.index_cast %swap3A_1736 : i32 to index
      %swap3A_1738 = arith.constant 32 : index
      %swap3A_1739 = tpu.vector_load %arg6[%swap3A_1737, %swap3A_1738] {strides = array<i32>} : memref<16x128xi32, #tpu.memory_space<vmem>>, vector<1x16xi32>,
      %swap3A_1740 = vector.shape_cast %swap3A_1739 : vector<1x16xi32> to vector<16xi32>
      %swap3A_1741 = vector.shape_cast %shift_right_arithmetic3A_1735 : vector<16xi32> to vector<1x16xi32>
      tpu.vector_store %arg6[%swap3A_1737, %swap3A_1738], %swap3A_1741 {strides = array<i32>} : memref<16x128xi32, #tpu.memory_space<vmem>>, vector<1x16xi32>,
      %iota3A_1742 = tpu.iota {dimensions = array<i32: 0>} : vector<16xi32>
      %add3A_1743 = arith.constant 1536 : i32
      %add3A_1744 = arith.addi %mul3A_2, %add3A_1743 : i32
      %add3A_1745 = arith.constant 48 : i32
      %add3A_1746 = arith.addi %add3A_1744, %add3A_1745 : i32
      %add3A_1747 = vector.broadcast %add3A_1746 : i32 to vector<16xi32>
      %add3A_1748 = arith.addi %iota3A_1742, %add3A_1747 : vector<16xi32>
      %shift_right_arithmetic3A_1749 = arith.constant 5 : i32
      %shift_right_arithmetic3A_1750 = vector.broadcast %shift_right_arithmetic3A_1749 : i32 to vector<16xi32>
      %shift_right_arithmetic3A_1751 = arith.shrsi %add3A_1748, %shift_right_arithmetic3A_1750 : vector<16xi32>
      %swap3A_1752 = arith.constant 12 : i32
      %swap3A_1753 = arith.index_cast %swap3A_1752 : i32 to index
      %swap3A_1754 = arith.constant 48 : index
      %swap3A_1755 = tpu.vector_load %arg6[%swap3A_1753, %swap3A_1754] {strides = array<i32>} : memref<16x128xi32, #tpu.memory_space<vmem>>, vector<1x16xi32>,
      %swap3A_1756 = vector.shape_cast %swap3A_1755 : vector<1x16xi32> to vector<16xi32>
      %swap3A_1757 = vector.shape_cast %shift_right_arithmetic3A_1751 : vector<16xi32> to vector<1x16xi32>
      tpu.vector_store %arg6[%swap3A_1753, %swap3A_1754], %swap3A_1757 {strides = array<i32>} : memref<16x128xi32, #tpu.memory_space<vmem>>, vector<1x16xi32>,
      %iota3A_1758 = tpu.iota {dimensions = array<i32: 0>} : vector<16xi32>
      %add3A_1759 = arith.constant 1536 : i32
      %add3A_1760 = arith.addi %mul3A_2, %add3A_1759 : i32
      %add3A_1761 = arith.constant 64 : i32
      %add3A_1762 = arith.addi %add3A_1760, %add3A_1761 : i32
      %add3A_1763 = vector.broadcast %add3A_1762 : i32 to vector<16xi32>
      %add3A_1764 = arith.addi %iota3A_1758, %add3A_1763 : vector<16xi32>
      %shift_right_arithmetic3A_1765 = arith.constant 5 : i32
      %shift_right_arithmetic3A_1766 = vector.broadcast %shift_right_arithmetic3A_1765 : i32 to vector<16xi32>
      %shift_right_arithmetic3A_1767 = arith.shrsi %add3A_1764, %shift_right_arithmetic3A_1766 : vector<16xi32>
      %swap3A_1768 = arith.constant 12 : i32
      %swap3A_1769 = arith.index_cast %swap3A_1768 : i32 to index
      %swap3A_1770 = arith.constant 64 : index
      %swap3A_1771 = tpu.vector_load %arg6[%swap3A_1769, %swap3A_1770] {strides = array<i32>} : memref<16x128xi32, #tpu.memory_space<vmem>>, vector<1x16xi32>,
      %swap3A_1772 = vector.shape_cast %swap3A_1771 : vector<1x16xi32> to vector<16xi32>
      %swap3A_1773 = vector.shape_cast %shift_right_arithmetic3A_1767 : vector<16xi32> to vector<1x16xi32>
      tpu.vector_store %arg6[%swap3A_1769, %swap3A_1770], %swap3A_1773 {strides = array<i32>} : memref<16x128xi32, #tpu.memory_space<vmem>>, vector<1x16xi32>,
      %iota3A_1774 = tpu.iota {dimensions = array<i32: 0>} : vector<16xi32>
      %add3A_1775 = arith.constant 1536 : i32
      %add3A_1776 = arith.addi %mul3A_2, %add3A_1775 : i32
      %add3A_1777 = arith.constant 80 : i32
      %add3A_1778 = arith.addi %add3A_1776, %add3A_1777 : i32
      %add3A_1779 = vector.broadcast %add3A_1778 : i32 to vector<16xi32>
      %add3A_1780 = arith.addi %iota3A_1774, %add3A_1779 : vector<16xi32>
      %shift_right_arithmetic3A_1781 = arith.constant 5 : i32
      %shift_right_arithmetic3A_1782 = vector.broadcast %shift_right_arithmetic3A_1781 : i32 to vector<16xi32>
      %shift_right_arithmetic3A_1783 = arith.shrsi %add3A_1780, %shift_right_arithmetic3A_1782 : vector<16xi32>
      %swap3A_1784 = arith.constant 12 : i32
      %swap3A_1785 = arith.index_cast %swap3A_1784 : i32 to index
      %swap3A_1786 = arith.constant 80 : index
      %swap3A_1787 = tpu.vector_load %arg6[%swap3A_1785, %swap3A_1786] {strides = array<i32>} : memref<16x128xi32, #tpu.memory_space<vmem>>, vector<1x16xi32>,
      %swap3A_1788 = vector.shape_cast %swap3A_1787 : vector<1x16xi32> to vector<16xi32>
      %swap3A_1789 = vector.shape_cast %shift_right_arithmetic3A_1783 : vector<16xi32> to vector<1x16xi32>
      tpu.vector_store %arg6[%swap3A_1785, %swap3A_1786], %swap3A_1789 {strides = array<i32>} : memref<16x128xi32, #tpu.memory_space<vmem>>, vector<1x16xi32>,
      %iota3A_1790 = tpu.iota {dimensions = array<i32: 0>} : vector<16xi32>
      %add3A_1791 = arith.constant 1536 : i32
      %add3A_1792 = arith.addi %mul3A_2, %add3A_1791 : i32
      %add3A_1793 = arith.constant 96 : i32
      %add3A_1794 = arith.addi %add3A_1792, %add3A_1793 : i32
      %add3A_1795 = vector.broadcast %add3A_1794 : i32 to vector<16xi32>
      %add3A_1796 = arith.addi %iota3A_1790, %add3A_1795 : vector<16xi32>
      %shift_right_arithmetic3A_1797 = arith.constant 5 : i32
      %shift_right_arithmetic3A_1798 = vector.broadcast %shift_right_arithmetic3A_1797 : i32 to vector<16xi32>
      %shift_right_arithmetic3A_1799 = arith.shrsi %add3A_1796, %shift_right_arithmetic3A_1798 : vector<16xi32>
      %swap3A_1800 = arith.constant 12 : i32
      %swap3A_1801 = arith.index_cast %swap3A_1800 : i32 to index
      %swap3A_1802 = arith.constant 96 : index
      %swap3A_1803 = tpu.vector_load %arg6[%swap3A_1801, %swap3A_1802] {strides = array<i32>} : memref<16x128xi32, #tpu.memory_space<vmem>>, vector<1x16xi32>,
      %swap3A_1804 = vector.shape_cast %swap3A_1803 : vector<1x16xi32> to vector<16xi32>
      %swap3A_1805 = vector.shape_cast %shift_right_arithmetic3A_1799 : vector<16xi32> to vector<1x16xi32>
      tpu.vector_store %arg6[%swap3A_1801, %swap3A_1802], %swap3A_1805 {strides = array<i32>} : memref<16x128xi32, #tpu.memory_space<vmem>>, vector<1x16xi32>,
      %iota3A_1806 = tpu.iota {dimensions = array<i32: 0>} : vector<16xi32>
      %add3A_1807 = arith.constant 1536 : i32
      %add3A_1808 = arith.addi %mul3A_2, %add3A_1807 : i32
      %add3A_1809 = arith.constant 112 : i32
      %add3A_1810 = arith.addi %add3A_1808, %add3A_1809 : i32
      %add3A_1811 = vector.broadcast %add3A_1810 : i32 to vector<16xi32>
      %add3A_1812 = arith.addi %iota3A_1806, %add3A_1811 : vector<16xi32>
      %shift_right_arithmetic3A_1813 = arith.constant 5 : i32
      %shift_right_arithmetic3A_1814 = vector.broadcast %shift_right_arithmetic3A_1813 : i32 to vector<16xi32>
      %shift_right_arithmetic3A_1815 = arith.shrsi %add3A_1812, %shift_right_arithmetic3A_1814 : vector<16xi32>
      %swap3A_1816 = arith.constant 12 : i32
      %swap3A_1817 = arith.index_cast %swap3A_1816 : i32 to index
      %swap3A_1818 = arith.constant 112 : index
      %swap3A_1819 = tpu.vector_load %arg6[%swap3A_1817, %swap3A_1818] {strides = array<i32>} : memref<16x128xi32, #tpu.memory_space<vmem>>, vector<1x16xi32>,
      %swap3A_1820 = vector.shape_cast %swap3A_1819 : vector<1x16xi32> to vector<16xi32>
      %swap3A_1821 = vector.shape_cast %shift_right_arithmetic3A_1815 : vector<16xi32> to vector<1x16xi32>
      tpu.vector_store %arg6[%swap3A_1817, %swap3A_1818], %swap3A_1821 {strides = array<i32>} : memref<16x128xi32, #tpu.memory_space<vmem>>, vector<1x16xi32>,
      %iota3A_1822 = tpu.iota {dimensions = array<i32: 0>} : vector<16xi32>
      %add3A_1823 = arith.constant 1664 : i32
      %add3A_1824 = arith.addi %mul3A_2, %add3A_1823 : i32
      %add3A_1825 = arith.constant 0 : i32
      %add3A_1826 = arith.addi %add3A_1824, %add3A_1825 : i32
      %add3A_1827 = vector.broadcast %add3A_1826 : i32 to vector<16xi32>
      %add3A_1828 = arith.addi %iota3A_1822, %add3A_1827 : vector<16xi32>
      %shift_right_arithmetic3A_1829 = arith.constant 5 : i32
      %shift_right_arithmetic3A_1830 = vector.broadcast %shift_right_arithmetic3A_1829 : i32 to vector<16xi32>
      %shift_right_arithmetic3A_1831 = arith.shrsi %add3A_1828, %shift_right_arithmetic3A_1830 : vector<16xi32>
      %swap3A_1832 = arith.constant 13 : i32
      %swap3A_1833 = arith.index_cast %swap3A_1832 : i32 to index
      %swap3A_1834 = arith.constant 0 : index
      %swap3A_1835 = tpu.vector_load %arg6[%swap3A_1833, %swap3A_1834] {strides = array<i32>} : memref<16x128xi32, #tpu.memory_space<vmem>>, vector<1x16xi32>,
      %swap3A_1836 = vector.shape_cast %swap3A_1835 : vector<1x16xi32> to vector<16xi32>
      %swap3A_1837 = vector.shape_cast %shift_right_arithmetic3A_1831 : vector<16xi32> to vector<1x16xi32>
      tpu.vector_store %arg6[%swap3A_1833, %swap3A_1834], %swap3A_1837 {strides = array<i32>} : memref<16x128xi32, #tpu.memory_space<vmem>>, vector<1x16xi32>,
      %iota3A_1838 = tpu.iota {dimensions = array<i32: 0>} : vector<16xi32>
      %add3A_1839 = arith.constant 1664 : i32
      %add3A_1840 = arith.addi %mul3A_2, %add3A_1839 : i32
      %add3A_1841 = arith.constant 16 : i32
      %add3A_1842 = arith.addi %add3A_1840, %add3A_1841 : i32
      %add3A_1843 = vector.broadcast %add3A_1842 : i32 to vector<16xi32>
      %add3A_1844 = arith.addi %iota3A_1838, %add3A_1843 : vector<16xi32>
      %shift_right_arithmetic3A_1845 = arith.constant 5 : i32
      %shift_right_arithmetic3A_1846 = vector.broadcast %shift_right_arithmetic3A_1845 : i32 to vector<16xi32>
      %shift_right_arithmetic3A_1847 = arith.shrsi %add3A_1844, %shift_right_arithmetic3A_1846 : vector<16xi32>
      %swap3A_1848 = arith.constant 13 : i32
      %swap3A_1849 = arith.index_cast %swap3A_1848 : i32 to index
      %swap3A_1850 = arith.constant 16 : index
      %swap3A_1851 = tpu.vector_load %arg6[%swap3A_1849, %swap3A_1850] {strides = array<i32>} : memref<16x128xi32, #tpu.memory_space<vmem>>, vector<1x16xi32>,
      %swap3A_1852 = vector.shape_cast %swap3A_1851 : vector<1x16xi32> to vector<16xi32>
      %swap3A_1853 = vector.shape_cast %shift_right_arithmetic3A_1847 : vector<16xi32> to vector<1x16xi32>
      tpu.vector_store %arg6[%swap3A_1849, %swap3A_1850], %swap3A_1853 {strides = array<i32>} : memref<16x128xi32, #tpu.memory_space<vmem>>, vector<1x16xi32>,
      %iota3A_1854 = tpu.iota {dimensions = array<i32: 0>} : vector<16xi32>
      %add3A_1855 = arith.constant 1664 : i32
      %add3A_1856 = arith.addi %mul3A_2, %add3A_1855 : i32
      %add3A_1857 = arith.constant 32 : i32
      %add3A_1858 = arith.addi %add3A_1856, %add3A_1857 : i32
      %add3A_1859 = vector.broadcast %add3A_1858 : i32 to vector<16xi32>
      %add3A_1860 = arith.addi %iota3A_1854, %add3A_1859 : vector<16xi32>
      %shift_right_arithmetic3A_1861 = arith.constant 5 : i32
      %shift_right_arithmetic3A_1862 = vector.broadcast %shift_right_arithmetic3A_1861 : i32 to vector<16xi32>
      %shift_right_arithmetic3A_1863 = arith.shrsi %add3A_1860, %shift_right_arithmetic3A_1862 : vector<16xi32>
      %swap3A_1864 = arith.constant 13 : i32
      %swap3A_1865 = arith.index_cast %swap3A_1864 : i32 to index
      %swap3A_1866 = arith.constant 32 : index
      %swap3A_1867 = tpu.vector_load %arg6[%swap3A_1865, %swap3A_1866] {strides = array<i32>} : memref<16x128xi32, #tpu.memory_space<vmem>>, vector<1x16xi32>,
      %swap3A_1868 = vector.shape_cast %swap3A_1867 : vector<1x16xi32> to vector<16xi32>
      %swap3A_1869 = vector.shape_cast %shift_right_arithmetic3A_1863 : vector<16xi32> to vector<1x16xi32>
      tpu.vector_store %arg6[%swap3A_1865, %swap3A_1866], %swap3A_1869 {strides = array<i32>} : memref<16x128xi32, #tpu.memory_space<vmem>>, vector<1x16xi32>,
      %iota3A_1870 = tpu.iota {dimensions = array<i32: 0>} : vector<16xi32>
      %add3A_1871 = arith.constant 1664 : i32
      %add3A_1872 = arith.addi %mul3A_2, %add3A_1871 : i32
      %add3A_1873 = arith.constant 48 : i32
      %add3A_1874 = arith.addi %add3A_1872, %add3A_1873 : i32
      %add3A_1875 = vector.broadcast %add3A_1874 : i32 to vector<16xi32>
      %add3A_1876 = arith.addi %iota3A_1870, %add3A_1875 : vector<16xi32>
      %shift_right_arithmetic3A_1877 = arith.constant 5 : i32
      %shift_right_arithmetic3A_1878 = vector.broadcast %shift_right_arithmetic3A_1877 : i32 to vector<16xi32>
      %shift_right_arithmetic3A_1879 = arith.shrsi %add3A_1876, %shift_right_arithmetic3A_1878 : vector<16xi32>
      %swap3A_1880 = arith.constant 13 : i32
      %swap3A_1881 = arith.index_cast %swap3A_1880 : i32 to index
      %swap3A_1882 = arith.constant 48 : index
      %swap3A_1883 = tpu.vector_load %arg6[%swap3A_1881, %swap3A_1882] {strides = array<i32>} : memref<16x128xi32, #tpu.memory_space<vmem>>, vector<1x16xi32>,
      %swap3A_1884 = vector.shape_cast %swap3A_1883 : vector<1x16xi32> to vector<16xi32>
      %swap3A_1885 = vector.shape_cast %shift_right_arithmetic3A_1879 : vector<16xi32> to vector<1x16xi32>
      tpu.vector_store %arg6[%swap3A_1881, %swap3A_1882], %swap3A_1885 {strides = array<i32>} : memref<16x128xi32, #tpu.memory_space<vmem>>, vector<1x16xi32>,
      %iota3A_1886 = tpu.iota {dimensions = array<i32: 0>} : vector<16xi32>
      %add3A_1887 = arith.constant 1664 : i32
      %add3A_1888 = arith.addi %mul3A_2, %add3A_1887 : i32
      %add3A_1889 = arith.constant 64 : i32
      %add3A_1890 = arith.addi %add3A_1888, %add3A_1889 : i32
      %add3A_1891 = vector.broadcast %add3A_1890 : i32 to vector<16xi32>
      %add3A_1892 = arith.addi %iota3A_1886, %add3A_1891 : vector<16xi32>
      %shift_right_arithmetic3A_1893 = arith.constant 5 : i32
      %shift_right_arithmetic3A_1894 = vector.broadcast %shift_right_arithmetic3A_1893 : i32 to vector<16xi32>
      %shift_right_arithmetic3A_1895 = arith.shrsi %add3A_1892, %shift_right_arithmetic3A_1894 : vector<16xi32>
      %swap3A_1896 = arith.constant 13 : i32
      %swap3A_1897 = arith.index_cast %swap3A_1896 : i32 to index
      %swap3A_1898 = arith.constant 64 : index
      %swap3A_1899 = tpu.vector_load %arg6[%swap3A_1897, %swap3A_1898] {strides = array<i32>} : memref<16x128xi32, #tpu.memory_space<vmem>>, vector<1x16xi32>,
      %swap3A_1900 = vector.shape_cast %swap3A_1899 : vector<1x16xi32> to vector<16xi32>
      %swap3A_1901 = vector.shape_cast %shift_right_arithmetic3A_1895 : vector<16xi32> to vector<1x16xi32>
      tpu.vector_store %arg6[%swap3A_1897, %swap3A_1898], %swap3A_1901 {strides = array<i32>} : memref<16x128xi32, #tpu.memory_space<vmem>>, vector<1x16xi32>,
      %iota3A_1902 = tpu.iota {dimensions = array<i32: 0>} : vector<16xi32>
      %add3A_1903 = arith.constant 1664 : i32
      %add3A_1904 = arith.addi %mul3A_2, %add3A_1903 : i32
      %add3A_1905 = arith.constant 80 : i32
      %add3A_1906 = arith.addi %add3A_1904, %add3A_1905 : i32
      %add3A_1907 = vector.broadcast %add3A_1906 : i32 to vector<16xi32>
      %add3A_1908 = arith.addi %iota3A_1902, %add3A_1907 : vector<16xi32>
      %shift_right_arithmetic3A_1909 = arith.constant 5 : i32
      %shift_right_arithmetic3A_1910 = vector.broadcast %shift_right_arithmetic3A_1909 : i32 to vector<16xi32>
      %shift_right_arithmetic3A_1911 = arith.shrsi %add3A_1908, %shift_right_arithmetic3A_1910 : vector<16xi32>
      %swap3A_1912 = arith.constant 13 : i32
      %swap3A_1913 = arith.index_cast %swap3A_1912 : i32 to index
      %swap3A_1914 = arith.constant 80 : index
      %swap3A_1915 = tpu.vector_load %arg6[%swap3A_1913, %swap3A_1914] {strides = array<i32>} : memref<16x128xi32, #tpu.memory_space<vmem>>, vector<1x16xi32>,
      %swap3A_1916 = vector.shape_cast %swap3A_1915 : vector<1x16xi32> to vector<16xi32>
      %swap3A_1917 = vector.shape_cast %shift_right_arithmetic3A_1911 : vector<16xi32> to vector<1x16xi32>
      tpu.vector_store %arg6[%swap3A_1913, %swap3A_1914], %swap3A_1917 {strides = array<i32>} : memref<16x128xi32, #tpu.memory_space<vmem>>, vector<1x16xi32>,
      %iota3A_1918 = tpu.iota {dimensions = array<i32: 0>} : vector<16xi32>
      %add3A_1919 = arith.constant 1664 : i32
      %add3A_1920 = arith.addi %mul3A_2, %add3A_1919 : i32
      %add3A_1921 = arith.constant 96 : i32
      %add3A_1922 = arith.addi %add3A_1920, %add3A_1921 : i32
      %add3A_1923 = vector.broadcast %add3A_1922 : i32 to vector<16xi32>
      %add3A_1924 = arith.addi %iota3A_1918, %add3A_1923 : vector<16xi32>
      %shift_right_arithmetic3A_1925 = arith.constant 5 : i32
      %shift_right_arithmetic3A_1926 = vector.broadcast %shift_right_arithmetic3A_1925 : i32 to vector<16xi32>
      %shift_right_arithmetic3A_1927 = arith.shrsi %add3A_1924, %shift_right_arithmetic3A_1926 : vector<16xi32>
      %swap3A_1928 = arith.constant 13 : i32
      %swap3A_1929 = arith.index_cast %swap3A_1928 : i32 to index
      %swap3A_1930 = arith.constant 96 : index
      %swap3A_1931 = tpu.vector_load %arg6[%swap3A_1929, %swap3A_1930] {strides = array<i32>} : memref<16x128xi32, #tpu.memory_space<vmem>>, vector<1x16xi32>,
      %swap3A_1932 = vector.shape_cast %swap3A_1931 : vector<1x16xi32> to vector<16xi32>
      %swap3A_1933 = vector.shape_cast %shift_right_arithmetic3A_1927 : vector<16xi32> to vector<1x16xi32>
      tpu.vector_store %arg6[%swap3A_1929, %swap3A_1930], %swap3A_1933 {strides = array<i32>} : memref<16x128xi32, #tpu.memory_space<vmem>>, vector<1x16xi32>,
      %iota3A_1934 = tpu.iota {dimensions = array<i32: 0>} : vector<16xi32>
      %add3A_1935 = arith.constant 1664 : i32
      %add3A_1936 = arith.addi %mul3A_2, %add3A_1935 : i32
      %add3A_1937 = arith.constant 112 : i32
      %add3A_1938 = arith.addi %add3A_1936, %add3A_1937 : i32
      %add3A_1939 = vector.broadcast %add3A_1938 : i32 to vector<16xi32>
      %add3A_1940 = arith.addi %iota3A_1934, %add3A_1939 : vector<16xi32>
      %shift_right_arithmetic3A_1941 = arith.constant 5 : i32
      %shift_right_arithmetic3A_1942 = vector.broadcast %shift_right_arithmetic3A_1941 : i32 to vector<16xi32>
      %shift_right_arithmetic3A_1943 = arith.shrsi %add3A_1940, %shift_right_arithmetic3A_1942 : vector<16xi32>
      %swap3A_1944 = arith.constant 13 : i32
      %swap3A_1945 = arith.index_cast %swap3A_1944 : i32 to index
      %swap3A_1946 = arith.constant 112 : index
      %swap3A_1947 = tpu.vector_load %arg6[%swap3A_1945, %swap3A_1946] {strides = array<i32>} : memref<16x128xi32, #tpu.memory_space<vmem>>, vector<1x16xi32>,
      %swap3A_1948 = vector.shape_cast %swap3A_1947 : vector<1x16xi32> to vector<16xi32>
      %swap3A_1949 = vector.shape_cast %shift_right_arithmetic3A_1943 : vector<16xi32> to vector<1x16xi32>
      tpu.vector_store %arg6[%swap3A_1945, %swap3A_1946], %swap3A_1949 {strides = array<i32>} : memref<16x128xi32, #tpu.memory_space<vmem>>, vector<1x16xi32>,
      %iota3A_1950 = tpu.iota {dimensions = array<i32: 0>} : vector<16xi32>
      %add3A_1951 = arith.constant 1792 : i32
      %add3A_1952 = arith.addi %mul3A_2, %add3A_1951 : i32
      %add3A_1953 = arith.constant 0 : i32
      %add3A_1954 = arith.addi %add3A_1952, %add3A_1953 : i32
      %add3A_1955 = vector.broadcast %add3A_1954 : i32 to vector<16xi32>
      %add3A_1956 = arith.addi %iota3A_1950, %add3A_1955 : vector<16xi32>
      %shift_right_arithmetic3A_1957 = arith.constant 5 : i32
      %shift_right_arithmetic3A_1958 = vector.broadcast %shift_right_arithmetic3A_1957 : i32 to vector<16xi32>
      %shift_right_arithmetic3A_1959 = arith.shrsi %add3A_1956, %shift_right_arithmetic3A_1958 : vector<16xi32>
      %swap3A_1960 = arith.constant 14 : i32
      %swap3A_1961 = arith.index_cast %swap3A_1960 : i32 to index
      %swap3A_1962 = arith.constant 0 : index
      %swap3A_1963 = tpu.vector_load %arg6[%swap3A_1961, %swap3A_1962] {strides = array<i32>} : memref<16x128xi32, #tpu.memory_space<vmem>>, vector<1x16xi32>,
      %swap3A_1964 = vector.shape_cast %swap3A_1963 : vector<1x16xi32> to vector<16xi32>
      %swap3A_1965 = vector.shape_cast %shift_right_arithmetic3A_1959 : vector<16xi32> to vector<1x16xi32>
      tpu.vector_store %arg6[%swap3A_1961, %swap3A_1962], %swap3A_1965 {strides = array<i32>} : memref<16x128xi32, #tpu.memory_space<vmem>>, vector<1x16xi32>,
      %iota3A_1966 = tpu.iota {dimensions = array<i32: 0>} : vector<16xi32>
      %add3A_1967 = arith.constant 1792 : i32
      %add3A_1968 = arith.addi %mul3A_2, %add3A_1967 : i32
      %add3A_1969 = arith.constant 16 : i32
      %add3A_1970 = arith.addi %add3A_1968, %add3A_1969 : i32
      %add3A_1971 = vector.broadcast %add3A_1970 : i32 to vector<16xi32>
      %add3A_1972 = arith.addi %iota3A_1966, %add3A_1971 : vector<16xi32>
      %shift_right_arithmetic3A_1973 = arith.constant 5 : i32
      %shift_right_arithmetic3A_1974 = vector.broadcast %shift_right_arithmetic3A_1973 : i32 to vector<16xi32>
      %shift_right_arithmetic3A_1975 = arith.shrsi %add3A_1972, %shift_right_arithmetic3A_1974 : vector<16xi32>
      %swap3A_1976 = arith.constant 14 : i32
      %swap3A_1977 = arith.index_cast %swap3A_1976 : i32 to index
      %swap3A_1978 = arith.constant 16 : index
      %swap3A_1979 = tpu.vector_load %arg6[%swap3A_1977, %swap3A_1978] {strides = array<i32>} : memref<16x128xi32, #tpu.memory_space<vmem>>, vector<1x16xi32>,
      %swap3A_1980 = vector.shape_cast %swap3A_1979 : vector<1x16xi32> to vector<16xi32>
      %swap3A_1981 = vector.shape_cast %shift_right_arithmetic3A_1975 : vector<16xi32> to vector<1x16xi32>
      tpu.vector_store %arg6[%swap3A_1977, %swap3A_1978], %swap3A_1981 {strides = array<i32>} : memref<16x128xi32, #tpu.memory_space<vmem>>, vector<1x16xi32>,
      %iota3A_1982 = tpu.iota {dimensions = array<i32: 0>} : vector<16xi32>
      %add3A_1983 = arith.constant 1792 : i32
      %add3A_1984 = arith.addi %mul3A_2, %add3A_1983 : i32
      %add3A_1985 = arith.constant 32 : i32
      %add3A_1986 = arith.addi %add3A_1984, %add3A_1985 : i32
      %add3A_1987 = vector.broadcast %add3A_1986 : i32 to vector<16xi32>
      %add3A_1988 = arith.addi %iota3A_1982, %add3A_1987 : vector<16xi32>
      %shift_right_arithmetic3A_1989 = arith.constant 5 : i32
      %shift_right_arithmetic3A_1990 = vector.broadcast %shift_right_arithmetic3A_1989 : i32 to vector<16xi32>
      %shift_right_arithmetic3A_1991 = arith.shrsi %add3A_1988, %shift_right_arithmetic3A_1990 : vector<16xi32>
      %swap3A_1992 = arith.constant 14 : i32
      %swap3A_1993 = arith.index_cast %swap3A_1992 : i32 to index
      %swap3A_1994 = arith.constant 32 : index
      %swap3A_1995 = tpu.vector_load %arg6[%swap3A_1993, %swap3A_1994] {strides = array<i32>} : memref<16x128xi32, #tpu.memory_space<vmem>>, vector<1x16xi32>,
      %swap3A_1996 = vector.shape_cast %swap3A_1995 : vector<1x16xi32> to vector<16xi32>
      %swap3A_1997 = vector.shape_cast %shift_right_arithmetic3A_1991 : vector<16xi32> to vector<1x16xi32>
      tpu.vector_store %arg6[%swap3A_1993, %swap3A_1994], %swap3A_1997 {strides = array<i32>} : memref<16x128xi32, #tpu.memory_space<vmem>>, vector<1x16xi32>,
      %iota3A_1998 = tpu.iota {dimensions = array<i32: 0>} : vector<16xi32>
      %add3A_1999 = arith.constant 1792 : i32
      %add3A_2000 = arith.addi %mul3A_2, %add3A_1999 : i32
      %add3A_2001 = arith.constant 48 : i32
      %add3A_2002 = arith.addi %add3A_2000, %add3A_2001 : i32
      %add3A_2003 = vector.broadcast %add3A_2002 : i32 to vector<16xi32>
      %add3A_2004 = arith.addi %iota3A_1998, %add3A_2003 : vector<16xi32>
      %shift_right_arithmetic3A_2005 = arith.constant 5 : i32
      %shift_right_arithmetic3A_2006 = vector.broadcast %shift_right_arithmetic3A_2005 : i32 to vector<16xi32>
      %shift_right_arithmetic3A_2007 = arith.shrsi %add3A_2004, %shift_right_arithmetic3A_2006 : vector<16xi32>
      %swap3A_2008 = arith.constant 14 : i32
      %swap3A_2009 = arith.index_cast %swap3A_2008 : i32 to index
      %swap3A_2010 = arith.constant 48 : index
      %swap3A_2011 = tpu.vector_load %arg6[%swap3A_2009, %swap3A_2010] {strides = array<i32>} : memref<16x128xi32, #tpu.memory_space<vmem>>, vector<1x16xi32>,
      %swap3A_2012 = vector.shape_cast %swap3A_2011 : vector<1x16xi32> to vector<16xi32>
      %swap3A_2013 = vector.shape_cast %shift_right_arithmetic3A_2007 : vector<16xi32> to vector<1x16xi32>
      tpu.vector_store %arg6[%swap3A_2009, %swap3A_2010], %swap3A_2013 {strides = array<i32>} : memref<16x128xi32, #tpu.memory_space<vmem>>, vector<1x16xi32>,
      %iota3A_2014 = tpu.iota {dimensions = array<i32: 0>} : vector<16xi32>
      %add3A_2015 = arith.constant 1792 : i32
      %add3A_2016 = arith.addi %mul3A_2, %add3A_2015 : i32
      %add3A_2017 = arith.constant 64 : i32
      %add3A_2018 = arith.addi %add3A_2016, %add3A_2017 : i32
      %add3A_2019 = vector.broadcast %add3A_2018 : i32 to vector<16xi32>
      %add3A_2020 = arith.addi %iota3A_2014, %add3A_2019 : vector<16xi32>
      %shift_right_arithmetic3A_2021 = arith.constant 5 : i32
      %shift_right_arithmetic3A_2022 = vector.broadcast %shift_right_arithmetic3A_2021 : i32 to vector<16xi32>
      %shift_right_arithmetic3A_2023 = arith.shrsi %add3A_2020, %shift_right_arithmetic3A_2022 : vector<16xi32>
      %swap3A_2024 = arith.constant 14 : i32
      %swap3A_2025 = arith.index_cast %swap3A_2024 : i32 to index
      %swap3A_2026 = arith.constant 64 : index
      %swap3A_2027 = tpu.vector_load %arg6[%swap3A_2025, %swap3A_2026] {strides = array<i32>} : memref<16x128xi32, #tpu.memory_space<vmem>>, vector<1x16xi32>,
      %swap3A_2028 = vector.shape_cast %swap3A_2027 : vector<1x16xi32> to vector<16xi32>
      %swap3A_2029 = vector.shape_cast %shift_right_arithmetic3A_2023 : vector<16xi32> to vector<1x16xi32>
      tpu.vector_store %arg6[%swap3A_2025, %swap3A_2026], %swap3A_2029 {strides = array<i32>} : memref<16x128xi32, #tpu.memory_space<vmem>>, vector<1x16xi32>,
      %iota3A_2030 = tpu.iota {dimensions = array<i32: 0>} : vector<16xi32>
      %add3A_2031 = arith.constant 1792 : i32
      %add3A_2032 = arith.addi %mul3A_2, %add3A_2031 : i32
      %add3A_2033 = arith.constant 80 : i32
      %add3A_2034 = arith.addi %add3A_2032, %add3A_2033 : i32
      %add3A_2035 = vector.broadcast %add3A_2034 : i32 to vector<16xi32>
      %add3A_2036 = arith.addi %iota3A_2030, %add3A_2035 : vector<16xi32>
      %shift_right_arithmetic3A_2037 = arith.constant 5 : i32
      %shift_right_arithmetic3A_2038 = vector.broadcast %shift_right_arithmetic3A_2037 : i32 to vector<16xi32>
      %shift_right_arithmetic3A_2039 = arith.shrsi %add3A_2036, %shift_right_arithmetic3A_2038 : vector<16xi32>
      %swap3A_2040 = arith.constant 14 : i32
      %swap3A_2041 = arith.index_cast %swap3A_2040 : i32 to index
      %swap3A_2042 = arith.constant 80 : index
      %swap3A_2043 = tpu.vector_load %arg6[%swap3A_2041, %swap3A_2042] {strides = array<i32>} : memref<16x128xi32, #tpu.memory_space<vmem>>, vector<1x16xi32>,
      %swap3A_2044 = vector.shape_cast %swap3A_2043 : vector<1x16xi32> to vector<16xi32>
      %swap3A_2045 = vector.shape_cast %shift_right_arithmetic3A_2039 : vector<16xi32> to vector<1x16xi32>
      tpu.vector_store %arg6[%swap3A_2041, %swap3A_2042], %swap3A_2045 {strides = array<i32>} : memref<16x128xi32, #tpu.memory_space<vmem>>, vector<1x16xi32>,
      %iota3A_2046 = tpu.iota {dimensions = array<i32: 0>} : vector<16xi32>
      %add3A_2047 = arith.constant 1792 : i32
      %add3A_2048 = arith.addi %mul3A_2, %add3A_2047 : i32
      %add3A_2049 = arith.constant 96 : i32
      %add3A_2050 = arith.addi %add3A_2048, %add3A_2049 : i32
      %add3A_2051 = vector.broadcast %add3A_2050 : i32 to vector<16xi32>
      %add3A_2052 = arith.addi %iota3A_2046, %add3A_2051 : vector<16xi32>
      %shift_right_arithmetic3A_2053 = arith.constant 5 : i32
      %shift_right_arithmetic3A_2054 = vector.broadcast %shift_right_arithmetic3A_2053 : i32 to vector<16xi32>
      %shift_right_arithmetic3A_2055 = arith.shrsi %add3A_2052, %shift_right_arithmetic3A_2054 : vector<16xi32>
      %swap3A_2056 = arith.constant 14 : i32
      %swap3A_2057 = arith.index_cast %swap3A_2056 : i32 to index
      %swap3A_2058 = arith.constant 96 : index
      %swap3A_2059 = tpu.vector_load %arg6[%swap3A_2057, %swap3A_2058] {strides = array<i32>} : memref<16x128xi32, #tpu.memory_space<vmem>>, vector<1x16xi32>,
      %swap3A_2060 = vector.shape_cast %swap3A_2059 : vector<1x16xi32> to vector<16xi32>
      %swap3A_2061 = vector.shape_cast %shift_right_arithmetic3A_2055 : vector<16xi32> to vector<1x16xi32>
      tpu.vector_store %arg6[%swap3A_2057, %swap3A_2058], %swap3A_2061 {strides = array<i32>} : memref<16x128xi32, #tpu.memory_space<vmem>>, vector<1x16xi32>,
      %iota3A_2062 = tpu.iota {dimensions = array<i32: 0>} : vector<16xi32>
      %add3A_2063 = arith.constant 1792 : i32
      %add3A_2064 = arith.addi %mul3A_2, %add3A_2063 : i32
      %add3A_2065 = arith.constant 112 : i32
      %add3A_2066 = arith.addi %add3A_2064, %add3A_2065 : i32
      %add3A_2067 = vector.broadcast %add3A_2066 : i32 to vector<16xi32>
      %add3A_2068 = arith.addi %iota3A_2062, %add3A_2067 : vector<16xi32>
      %shift_right_arithmetic3A_2069 = arith.constant 5 : i32
      %shift_right_arithmetic3A_2070 = vector.broadcast %shift_right_arithmetic3A_2069 : i32 to vector<16xi32>
      %shift_right_arithmetic3A_2071 = arith.shrsi %add3A_2068, %shift_right_arithmetic3A_2070 : vector<16xi32>
      %swap3A_2072 = arith.constant 14 : i32
      %swap3A_2073 = arith.index_cast %swap3A_2072 : i32 to index
      %swap3A_2074 = arith.constant 112 : index
      %swap3A_2075 = tpu.vector_load %arg6[%swap3A_2073, %swap3A_2074] {strides = array<i32>} : memref<16x128xi32, #tpu.memory_space<vmem>>, vector<1x16xi32>,
      %swap3A_2076 = vector.shape_cast %swap3A_2075 : vector<1x16xi32> to vector<16xi32>
      %swap3A_2077 = vector.shape_cast %shift_right_arithmetic3A_2071 : vector<16xi32> to vector<1x16xi32>
      tpu.vector_store %arg6[%swap3A_2073, %swap3A_2074], %swap3A_2077 {strides = array<i32>} : memref<16x128xi32, #tpu.memory_space<vmem>>, vector<1x16xi32>,
      %iota3A_2078 = tpu.iota {dimensions = array<i32: 0>} : vector<16xi32>
      %add3A_2079 = arith.constant 1920 : i32
      %add3A_2080 = arith.addi %mul3A_2, %add3A_2079 : i32
      %add3A_2081 = arith.constant 0 : i32
      %add3A_2082 = arith.addi %add3A_2080, %add3A_2081 : i32
      %add3A_2083 = vector.broadcast %add3A_2082 : i32 to vector<16xi32>
      %add3A_2084 = arith.addi %iota3A_2078, %add3A_2083 : vector<16xi32>
      %shift_right_arithmetic3A_2085 = arith.constant 5 : i32
      %shift_right_arithmetic3A_2086 = vector.broadcast %shift_right_arithmetic3A_2085 : i32 to vector<16xi32>
      %shift_right_arithmetic3A_2087 = arith.shrsi %add3A_2084, %shift_right_arithmetic3A_2086 : vector<16xi32>
      %swap3A_2088 = arith.constant 15 : i32
      %swap3A_2089 = arith.index_cast %swap3A_2088 : i32 to index
      %swap3A_2090 = arith.constant 0 : index
      %swap3A_2091 = tpu.vector_load %arg6[%swap3A_2089, %swap3A_2090] {strides = array<i32>} : memref<16x128xi32, #tpu.memory_space<vmem>>, vector<1x16xi32>,
      %swap3A_2092 = vector.shape_cast %swap3A_2091 : vector<1x16xi32> to vector<16xi32>
      %swap3A_2093 = vector.shape_cast %shift_right_arithmetic3A_2087 : vector<16xi32> to vector<1x16xi32>
      tpu.vector_store %arg6[%swap3A_2089, %swap3A_2090], %swap3A_2093 {strides = array<i32>} : memref<16x128xi32, #tpu.memory_space<vmem>>, vector<1x16xi32>,
      %iota3A_2094 = tpu.iota {dimensions = array<i32: 0>} : vector<16xi32>
      %add3A_2095 = arith.constant 1920 : i32
      %add3A_2096 = arith.addi %mul3A_2, %add3A_2095 : i32
      %add3A_2097 = arith.constant 16 : i32
      %add3A_2098 = arith.addi %add3A_2096, %add3A_2097 : i32
      %add3A_2099 = vector.broadcast %add3A_2098 : i32 to vector<16xi32>
      %add3A_2100 = arith.addi %iota3A_2094, %add3A_2099 : vector<16xi32>
      %shift_right_arithmetic3A_2101 = arith.constant 5 : i32
      %shift_right_arithmetic3A_2102 = vector.broadcast %shift_right_arithmetic3A_2101 : i32 to vector<16xi32>
      %shift_right_arithmetic3A_2103 = arith.shrsi %add3A_2100, %shift_right_arithmetic3A_2102 : vector<16xi32>
      %swap3A_2104 = arith.constant 15 : i32
      %swap3A_2105 = arith.index_cast %swap3A_2104 : i32 to index
      %swap3A_2106 = arith.constant 16 : index
      %swap3A_2107 = tpu.vector_load %arg6[%swap3A_2105, %swap3A_2106] {strides = array<i32>} : memref<16x128xi32, #tpu.memory_space<vmem>>, vector<1x16xi32>,
      %swap3A_2108 = vector.shape_cast %swap3A_2107 : vector<1x16xi32> to vector<16xi32>
      %swap3A_2109 = vector.shape_cast %shift_right_arithmetic3A_2103 : vector<16xi32> to vector<1x16xi32>
      tpu.vector_store %arg6[%swap3A_2105, %swap3A_2106], %swap3A_2109 {strides = array<i32>} : memref<16x128xi32, #tpu.memory_space<vmem>>, vector<1x16xi32>,
      %iota3A_2110 = tpu.iota {dimensions = array<i32: 0>} : vector<16xi32>
      %add3A_2111 = arith.constant 1920 : i32
      %add3A_2112 = arith.addi %mul3A_2, %add3A_2111 : i32
      %add3A_2113 = arith.constant 32 : i32
      %add3A_2114 = arith.addi %add3A_2112, %add3A_2113 : i32
      %add3A_2115 = vector.broadcast %add3A_2114 : i32 to vector<16xi32>
      %add3A_2116 = arith.addi %iota3A_2110, %add3A_2115 : vector<16xi32>
      %shift_right_arithmetic3A_2117 = arith.constant 5 : i32
      %shift_right_arithmetic3A_2118 = vector.broadcast %shift_right_arithmetic3A_2117 : i32 to vector<16xi32>
      %shift_right_arithmetic3A_2119 = arith.shrsi %add3A_2116, %shift_right_arithmetic3A_2118 : vector<16xi32>
      %swap3A_2120 = arith.constant 15 : i32
      %swap3A_2121 = arith.index_cast %swap3A_2120 : i32 to index
      %swap3A_2122 = arith.constant 32 : index
      %swap3A_2123 = tpu.vector_load %arg6[%swap3A_2121, %swap3A_2122] {strides = array<i32>} : memref<16x128xi32, #tpu.memory_space<vmem>>, vector<1x16xi32>,
      %swap3A_2124 = vector.shape_cast %swap3A_2123 : vector<1x16xi32> to vector<16xi32>
      %swap3A_2125 = vector.shape_cast %shift_right_arithmetic3A_2119 : vector<16xi32> to vector<1x16xi32>
      tpu.vector_store %arg6[%swap3A_2121, %swap3A_2122], %swap3A_2125 {strides = array<i32>} : memref<16x128xi32, #tpu.memory_space<vmem>>, vector<1x16xi32>,
      %iota3A_2126 = tpu.iota {dimensions = array<i32: 0>} : vector<16xi32>
      %add3A_2127 = arith.constant 1920 : i32
      %add3A_2128 = arith.addi %mul3A_2, %add3A_2127 : i32
      %add3A_2129 = arith.constant 48 : i32
      %add3A_2130 = arith.addi %add3A_2128, %add3A_2129 : i32
      %add3A_2131 = vector.broadcast %add3A_2130 : i32 to vector<16xi32>
      %add3A_2132 = arith.addi %iota3A_2126, %add3A_2131 : vector<16xi32>
      %shift_right_arithmetic3A_2133 = arith.constant 5 : i32
      %shift_right_arithmetic3A_2134 = vector.broadcast %shift_right_arithmetic3A_2133 : i32 to vector<16xi32>
      %shift_right_arithmetic3A_2135 = arith.shrsi %add3A_2132, %shift_right_arithmetic3A_2134 : vector<16xi32>
      %swap3A_2136 = arith.constant 15 : i32
      %swap3A_2137 = arith.index_cast %swap3A_2136 : i32 to index
      %swap3A_2138 = arith.constant 48 : index
      %swap3A_2139 = tpu.vector_load %arg6[%swap3A_2137, %swap3A_2138] {strides = array<i32>} : memref<16x128xi32, #tpu.memory_space<vmem>>, vector<1x16xi32>,
      %swap3A_2140 = vector.shape_cast %swap3A_2139 : vector<1x16xi32> to vector<16xi32>
      %swap3A_2141 = vector.shape_cast %shift_right_arithmetic3A_2135 : vector<16xi32> to vector<1x16xi32>
      tpu.vector_store %arg6[%swap3A_2137, %swap3A_2138], %swap3A_2141 {strides = array<i32>} : memref<16x128xi32, #tpu.memory_space<vmem>>, vector<1x16xi32>,
      %iota3A_2142 = tpu.iota {dimensions = array<i32: 0>} : vector<16xi32>
      %add3A_2143 = arith.constant 1920 : i32
      %add3A_2144 = arith.addi %mul3A_2, %add3A_2143 : i32
      %add3A_2145 = arith.constant 64 : i32
      %add3A_2146 = arith.addi %add3A_2144, %add3A_2145 : i32
      %add3A_2147 = vector.broadcast %add3A_2146 : i32 to vector<16xi32>
      %add3A_2148 = arith.addi %iota3A_2142, %add3A_2147 : vector<16xi32>
      %shift_right_arithmetic3A_2149 = arith.constant 5 : i32
      %shift_right_arithmetic3A_2150 = vector.broadcast %shift_right_arithmetic3A_2149 : i32 to vector<16xi32>
      %shift_right_arithmetic3A_2151 = arith.shrsi %add3A_2148, %shift_right_arithmetic3A_2150 : vector<16xi32>
      %swap3A_2152 = arith.constant 15 : i32
      %swap3A_2153 = arith.index_cast %swap3A_2152 : i32 to index
      %swap3A_2154 = arith.constant 64 : index
      %swap3A_2155 = tpu.vector_load %arg6[%swap3A_2153, %swap3A_2154] {strides = array<i32>} : memref<16x128xi32, #tpu.memory_space<vmem>>, vector<1x16xi32>,
      %swap3A_2156 = vector.shape_cast %swap3A_2155 : vector<1x16xi32> to vector<16xi32>
      %swap3A_2157 = vector.shape_cast %shift_right_arithmetic3A_2151 : vector<16xi32> to vector<1x16xi32>
      tpu.vector_store %arg6[%swap3A_2153, %swap3A_2154], %swap3A_2157 {strides = array<i32>} : memref<16x128xi32, #tpu.memory_space<vmem>>, vector<1x16xi32>,
      %iota3A_2158 = tpu.iota {dimensions = array<i32: 0>} : vector<16xi32>
      %add3A_2159 = arith.constant 1920 : i32
      %add3A_2160 = arith.addi %mul3A_2, %add3A_2159 : i32
      %add3A_2161 = arith.constant 80 : i32
      %add3A_2162 = arith.addi %add3A_2160, %add3A_2161 : i32
      %add3A_2163 = vector.broadcast %add3A_2162 : i32 to vector<16xi32>
      %add3A_2164 = arith.addi %iota3A_2158, %add3A_2163 : vector<16xi32>
      %shift_right_arithmetic3A_2165 = arith.constant 5 : i32
      %shift_right_arithmetic3A_2166 = vector.broadcast %shift_right_arithmetic3A_2165 : i32 to vector<16xi32>
      %shift_right_arithmetic3A_2167 = arith.shrsi %add3A_2164, %shift_right_arithmetic3A_2166 : vector<16xi32>
      %swap3A_2168 = arith.constant 15 : i32
      %swap3A_2169 = arith.index_cast %swap3A_2168 : i32 to index
      %swap3A_2170 = arith.constant 80 : index
      %swap3A_2171 = tpu.vector_load %arg6[%swap3A_2169, %swap3A_2170] {strides = array<i32>} : memref<16x128xi32, #tpu.memory_space<vmem>>, vector<1x16xi32>,
      %swap3A_2172 = vector.shape_cast %swap3A_2171 : vector<1x16xi32> to vector<16xi32>
      %swap3A_2173 = vector.shape_cast %shift_right_arithmetic3A_2167 : vector<16xi32> to vector<1x16xi32>
      tpu.vector_store %arg6[%swap3A_2169, %swap3A_2170], %swap3A_2173 {strides = array<i32>} : memref<16x128xi32, #tpu.memory_space<vmem>>, vector<1x16xi32>,
      %iota3A_2174 = tpu.iota {dimensions = array<i32: 0>} : vector<16xi32>
      %add3A_2175 = arith.constant 1920 : i32
      %add3A_2176 = arith.addi %mul3A_2, %add3A_2175 : i32
      %add3A_2177 = arith.constant 96 : i32
      %add3A_2178 = arith.addi %add3A_2176, %add3A_2177 : i32
      %add3A_2179 = vector.broadcast %add3A_2178 : i32 to vector<16xi32>
      %add3A_2180 = arith.addi %iota3A_2174, %add3A_2179 : vector<16xi32>
      %shift_right_arithmetic3A_2181 = arith.constant 5 : i32
      %shift_right_arithmetic3A_2182 = vector.broadcast %shift_right_arithmetic3A_2181 : i32 to vector<16xi32>
      %shift_right_arithmetic3A_2183 = arith.shrsi %add3A_2180, %shift_right_arithmetic3A_2182 : vector<16xi32>
      %swap3A_2184 = arith.constant 15 : i32
      %swap3A_2185 = arith.index_cast %swap3A_2184 : i32 to index
      %swap3A_2186 = arith.constant 96 : index
      %swap3A_2187 = tpu.vector_load %arg6[%swap3A_2185, %swap3A_2186] {strides = array<i32>} : memref<16x128xi32, #tpu.memory_space<vmem>>, vector<1x16xi32>,
      %swap3A_2188 = vector.shape_cast %swap3A_2187 : vector<1x16xi32> to vector<16xi32>
      %swap3A_2189 = vector.shape_cast %shift_right_arithmetic3A_2183 : vector<16xi32> to vector<1x16xi32>
      tpu.vector_store %arg6[%swap3A_2185, %swap3A_2186], %swap3A_2189 {strides = array<i32>} : memref<16x128xi32, #tpu.memory_space<vmem>>, vector<1x16xi32>,
      %iota3A_2190 = tpu.iota {dimensions = array<i32: 0>} : vector<16xi32>
      %add3A_2191 = arith.constant 1920 : i32
      %add3A_2192 = arith.addi %mul3A_2, %add3A_2191 : i32
      %add3A_2193 = arith.constant 112 : i32
      %add3A_2194 = arith.addi %add3A_2192, %add3A_2193 : i32
      %add3A_2195 = vector.broadcast %add3A_2194 : i32 to vector<16xi32>
      %add3A_2196 = arith.addi %iota3A_2190, %add3A_2195 : vector<16xi32>
      %shift_right_arithmetic3A_2197 = arith.constant 5 : i32
      %shift_right_arithmetic3A_2198 = vector.broadcast %shift_right_arithmetic3A_2197 : i32 to vector<16xi32>
      %shift_right_arithmetic3A_2199 = arith.shrsi %add3A_2196, %shift_right_arithmetic3A_2198 : vector<16xi32>
      %swap3A_2200 = arith.constant 15 : i32
      %swap3A_2201 = arith.index_cast %swap3A_2200 : i32 to index
      %swap3A_2202 = arith.constant 112 : index
      %swap3A_2203 = tpu.vector_load %arg6[%swap3A_2201, %swap3A_2202] {strides = array<i32>} : memref<16x128xi32, #tpu.memory_space<vmem>>, vector<1x16xi32>,
      %swap3A_2204 = vector.shape_cast %swap3A_2203 : vector<1x16xi32> to vector<16xi32>
      %swap3A_2205 = vector.shape_cast %shift_right_arithmetic3A_2199 : vector<16xi32> to vector<1x16xi32>
      tpu.vector_store %arg6[%swap3A_2201, %swap3A_2202], %swap3A_2205 {strides = array<i32>} : memref<16x128xi32, #tpu.memory_space<vmem>>, vector<1x16xi32>,
      %eq3A_2206 = arith.constant 0 : i32
      %eq3A_2207 = arith.cmpi eq, %arg1, %eq3A_2206 : i32
      %convert_element_type3A_2208 = arith.extui %eq3A_2207 : i1 to i32
      %cond3A_2209 = arith.constant 0 : i32
      %cond3A_2210 = arith.cmpi ne, %convert_element_type3A_2208, %cond3A_2209 : i32
      scf.if %cond3A_2210 {
        %broadcast_in_dim3A = arith.constant 0.000000e+00 : f32
        %broadcast_in_dim3A_2407 = vector.broadcast %broadcast_in_dim3A : f32 to vector<16xf32>
        %swap3A_2408 = arith.constant 0 : index
        %swap3A_2409 = tpu.vector_load %arg8[%swap3A_2408] {strides = array<i32>} : memref<1024xf32, #tpu.memory_space<vmem>>, vector<16xf32>,
        %swap3A_2410 = vector.shape_cast %swap3A_2409 : vector<16xf32> to vector<16xf32>
        %swap3A_2411 = vector.shape_cast %broadcast_in_dim3A_2407 : vector<16xf32> to vector<16xf32>
        tpu.vector_store %arg8[%swap3A_2408], %swap3A_2411 {strides = array<i32>} : memref<1024xf32, #tpu.memory_space<vmem>>, vector<16xf32>,
        %broadcast_in_dim3A_2412 = arith.constant 0.000000e+00 : f32
        %broadcast_in_dim3A_2413 = vector.broadcast %broadcast_in_dim3A_2412 : f32 to vector<16xf32>
        %swap3A_2414 = arith.constant 16 : index
        %swap3A_2415 = tpu.vector_load %arg8[%swap3A_2414] {strides = array<i32>} : memref<1024xf32, #tpu.memory_space<vmem>>, vector<16xf32>,
        %swap3A_2416 = vector.shape_cast %swap3A_2415 : vector<16xf32> to vector<16xf32>
        %swap3A_2417 = vector.shape_cast %broadcast_in_dim3A_2413 : vector<16xf32> to vector<16xf32>
        tpu.vector_store %arg8[%swap3A_2414], %swap3A_2417 {strides = array<i32>} : memref<1024xf32, #tpu.memory_space<vmem>>, vector<16xf32>,
        %broadcast_in_dim3A_2418 = arith.constant 0.000000e+00 : f32
        %broadcast_in_dim3A_2419 = vector.broadcast %broadcast_in_dim3A_2418 : f32 to vector<16xf32>
        %swap3A_2420 = arith.constant 32 : index
        %swap3A_2421 = tpu.vector_load %arg8[%swap3A_2420] {strides = array<i32>} : memref<1024xf32, #tpu.memory_space<vmem>>, vector<16xf32>,
        %swap3A_2422 = vector.shape_cast %swap3A_2421 : vector<16xf32> to vector<16xf32>
        %swap3A_2423 = vector.shape_cast %broadcast_in_dim3A_2419 : vector<16xf32> to vector<16xf32>
        tpu.vector_store %arg8[%swap3A_2420], %swap3A_2423 {strides = array<i32>} : memref<1024xf32, #tpu.memory_space<vmem>>, vector<16xf32>,
        %broadcast_in_dim3A_2424 = arith.constant 0.000000e+00 : f32
        %broadcast_in_dim3A_2425 = vector.broadcast %broadcast_in_dim3A_2424 : f32 to vector<16xf32>
        %swap3A_2426 = arith.constant 48 : index
        %swap3A_2427 = tpu.vector_load %arg8[%swap3A_2426] {strides = array<i32>} : memref<1024xf32, #tpu.memory_space<vmem>>, vector<16xf32>,
        %swap3A_2428 = vector.shape_cast %swap3A_2427 : vector<16xf32> to vector<16xf32>
        %swap3A_2429 = vector.shape_cast %broadcast_in_dim3A_2425 : vector<16xf32> to vector<16xf32>
        tpu.vector_store %arg8[%swap3A_2426], %swap3A_2429 {strides = array<i32>} : memref<1024xf32, #tpu.memory_space<vmem>>, vector<16xf32>,
        %broadcast_in_dim3A_2430 = arith.constant 0.000000e+00 : f32
        %broadcast_in_dim3A_2431 = vector.broadcast %broadcast_in_dim3A_2430 : f32 to vector<16xf32>
        %swap3A_2432 = arith.constant 64 : index
        %swap3A_2433 = tpu.vector_load %arg8[%swap3A_2432] {strides = array<i32>} : memref<1024xf32, #tpu.memory_space<vmem>>, vector<16xf32>,
        %swap3A_2434 = vector.shape_cast %swap3A_2433 : vector<16xf32> to vector<16xf32>
        %swap3A_2435 = vector.shape_cast %broadcast_in_dim3A_2431 : vector<16xf32> to vector<16xf32>
        tpu.vector_store %arg8[%swap3A_2432], %swap3A_2435 {strides = array<i32>} : memref<1024xf32, #tpu.memory_space<vmem>>, vector<16xf32>,
        %broadcast_in_dim3A_2436 = arith.constant 0.000000e+00 : f32
        %broadcast_in_dim3A_2437 = vector.broadcast %broadcast_in_dim3A_2436 : f32 to vector<16xf32>
        %swap3A_2438 = arith.constant 80 : index
        %swap3A_2439 = tpu.vector_load %arg8[%swap3A_2438] {strides = array<i32>} : memref<1024xf32, #tpu.memory_space<vmem>>, vector<16xf32>,
        %swap3A_2440 = vector.shape_cast %swap3A_2439 : vector<16xf32> to vector<16xf32>
        %swap3A_2441 = vector.shape_cast %broadcast_in_dim3A_2437 : vector<16xf32> to vector<16xf32>
        tpu.vector_store %arg8[%swap3A_2438], %swap3A_2441 {strides = array<i32>} : memref<1024xf32, #tpu.memory_space<vmem>>, vector<16xf32>,
        %broadcast_in_dim3A_2442 = arith.constant 0.000000e+00 : f32
        %broadcast_in_dim3A_2443 = vector.broadcast %broadcast_in_dim3A_2442 : f32 to vector<16xf32>
        %swap3A_2444 = arith.constant 96 : index
        %swap3A_2445 = tpu.vector_load %arg8[%swap3A_2444] {strides = array<i32>} : memref<1024xf32, #tpu.memory_space<vmem>>, vector<16xf32>,
        %swap3A_2446 = vector.shape_cast %swap3A_2445 : vector<16xf32> to vector<16xf32>
        %swap3A_2447 = vector.shape_cast %broadcast_in_dim3A_2443 : vector<16xf32> to vector<16xf32>
        tpu.vector_store %arg8[%swap3A_2444], %swap3A_2447 {strides = array<i32>} : memref<1024xf32, #tpu.memory_space<vmem>>, vector<16xf32>,
        %broadcast_in_dim3A_2448 = arith.constant 0.000000e+00 : f32
        %broadcast_in_dim3A_2449 = vector.broadcast %broadcast_in_dim3A_2448 : f32 to vector<16xf32>
        %swap3A_2450 = arith.constant 112 : index
        %swap3A_2451 = tpu.vector_load %arg8[%swap3A_2450] {strides = array<i32>} : memref<1024xf32, #tpu.memory_space<vmem>>, vector<16xf32>,
        %swap3A_2452 = vector.shape_cast %swap3A_2451 : vector<16xf32> to vector<16xf32>
        %swap3A_2453 = vector.shape_cast %broadcast_in_dim3A_2449 : vector<16xf32> to vector<16xf32>
        tpu.vector_store %arg8[%swap3A_2450], %swap3A_2453 {strides = array<i32>} : memref<1024xf32, #tpu.memory_space<vmem>>, vector<16xf32>,
        %broadcast_in_dim3A_2454 = arith.constant 0.000000e+00 : f32
        %broadcast_in_dim3A_2455 = vector.broadcast %broadcast_in_dim3A_2454 : f32 to vector<16xf32>
        %swap3A_2456 = arith.constant 128 : index
        %swap3A_2457 = tpu.vector_load %arg8[%swap3A_2456] {strides = array<i32>} : memref<1024xf32, #tpu.memory_space<vmem>>, vector<16xf32>,
        %swap3A_2458 = vector.shape_cast %swap3A_2457 : vector<16xf32> to vector<16xf32>
        %swap3A_2459 = vector.shape_cast %broadcast_in_dim3A_2455 : vector<16xf32> to vector<16xf32>
        tpu.vector_store %arg8[%swap3A_2456], %swap3A_2459 {strides = array<i32>} : memref<1024xf32, #tpu.memory_space<vmem>>, vector<16xf32>,
        %broadcast_in_dim3A_2460 = arith.constant 0.000000e+00 : f32
        %broadcast_in_dim3A_2461 = vector.broadcast %broadcast_in_dim3A_2460 : f32 to vector<16xf32>
        %swap3A_2462 = arith.constant 144 : index
        %swap3A_2463 = tpu.vector_load %arg8[%swap3A_2462] {strides = array<i32>} : memref<1024xf32, #tpu.memory_space<vmem>>, vector<16xf32>,
        %swap3A_2464 = vector.shape_cast %swap3A_2463 : vector<16xf32> to vector<16xf32>
        %swap3A_2465 = vector.shape_cast %broadcast_in_dim3A_2461 : vector<16xf32> to vector<16xf32>
        tpu.vector_store %arg8[%swap3A_2462], %swap3A_2465 {strides = array<i32>} : memref<1024xf32, #tpu.memory_space<vmem>>, vector<16xf32>,
        %broadcast_in_dim3A_2466 = arith.constant 0.000000e+00 : f32
        %broadcast_in_dim3A_2467 = vector.broadcast %broadcast_in_dim3A_2466 : f32 to vector<16xf32>
        %swap3A_2468 = arith.constant 160 : index
        %swap3A_2469 = tpu.vector_load %arg8[%swap3A_2468] {strides = array<i32>} : memref<1024xf32, #tpu.memory_space<vmem>>, vector<16xf32>,
        %swap3A_2470 = vector.shape_cast %swap3A_2469 : vector<16xf32> to vector<16xf32>
        %swap3A_2471 = vector.shape_cast %broadcast_in_dim3A_2467 : vector<16xf32> to vector<16xf32>
        tpu.vector_store %arg8[%swap3A_2468], %swap3A_2471 {strides = array<i32>} : memref<1024xf32, #tpu.memory_space<vmem>>, vector<16xf32>,
        %broadcast_in_dim3A_2472 = arith.constant 0.000000e+00 : f32
        %broadcast_in_dim3A_2473 = vector.broadcast %broadcast_in_dim3A_2472 : f32 to vector<16xf32>
        %swap3A_2474 = arith.constant 176 : index
        %swap3A_2475 = tpu.vector_load %arg8[%swap3A_2474] {strides = array<i32>} : memref<1024xf32, #tpu.memory_space<vmem>>, vector<16xf32>,
        %swap3A_2476 = vector.shape_cast %swap3A_2475 : vector<16xf32> to vector<16xf32>
        %swap3A_2477 = vector.shape_cast %broadcast_in_dim3A_2473 : vector<16xf32> to vector<16xf32>
        tpu.vector_store %arg8[%swap3A_2474], %swap3A_2477 {strides = array<i32>} : memref<1024xf32, #tpu.memory_space<vmem>>, vector<16xf32>,
        %broadcast_in_dim3A_2478 = arith.constant 0.000000e+00 : f32
        %broadcast_in_dim3A_2479 = vector.broadcast %broadcast_in_dim3A_2478 : f32 to vector<16xf32>
        %swap3A_2480 = arith.constant 192 : index
        %swap3A_2481 = tpu.vector_load %arg8[%swap3A_2480] {strides = array<i32>} : memref<1024xf32, #tpu.memory_space<vmem>>, vector<16xf32>,
        %swap3A_2482 = vector.shape_cast %swap3A_2481 : vector<16xf32> to vector<16xf32>
        %swap3A_2483 = vector.shape_cast %broadcast_in_dim3A_2479 : vector<16xf32> to vector<16xf32>
        tpu.vector_store %arg8[%swap3A_2480], %swap3A_2483 {strides = array<i32>} : memref<1024xf32, #tpu.memory_space<vmem>>, vector<16xf32>,
        %broadcast_in_dim3A_2484 = arith.constant 0.000000e+00 : f32
        %broadcast_in_dim3A_2485 = vector.broadcast %broadcast_in_dim3A_2484 : f32 to vector<16xf32>
        %swap3A_2486 = arith.constant 208 : index
        %swap3A_2487 = tpu.vector_load %arg8[%swap3A_2486] {strides = array<i32>} : memref<1024xf32, #tpu.memory_space<vmem>>, vector<16xf32>,
        %swap3A_2488 = vector.shape_cast %swap3A_2487 : vector<16xf32> to vector<16xf32>
        %swap3A_2489 = vector.shape_cast %broadcast_in_dim3A_2485 : vector<16xf32> to vector<16xf32>
        tpu.vector_store %arg8[%swap3A_2486], %swap3A_2489 {strides = array<i32>} : memref<1024xf32, #tpu.memory_space<vmem>>, vector<16xf32>,
        %broadcast_in_dim3A_2490 = arith.constant 0.000000e+00 : f32
        %broadcast_in_dim3A_2491 = vector.broadcast %broadcast_in_dim3A_2490 : f32 to vector<16xf32>
        %swap3A_2492 = arith.constant 224 : index
        %swap3A_2493 = tpu.vector_load %arg8[%swap3A_2492] {strides = array<i32>} : memref<1024xf32, #tpu.memory_space<vmem>>, vector<16xf32>,
        %swap3A_2494 = vector.shape_cast %swap3A_2493 : vector<16xf32> to vector<16xf32>
        %swap3A_2495 = vector.shape_cast %broadcast_in_dim3A_2491 : vector<16xf32> to vector<16xf32>
        tpu.vector_store %arg8[%swap3A_2492], %swap3A_2495 {strides = array<i32>} : memref<1024xf32, #tpu.memory_space<vmem>>, vector<16xf32>,
        %broadcast_in_dim3A_2496 = arith.constant 0.000000e+00 : f32
        %broadcast_in_dim3A_2497 = vector.broadcast %broadcast_in_dim3A_2496 : f32 to vector<16xf32>
        %swap3A_2498 = arith.constant 240 : index
        %swap3A_2499 = tpu.vector_load %arg8[%swap3A_2498] {strides = array<i32>} : memref<1024xf32, #tpu.memory_space<vmem>>, vector<16xf32>,
        %swap3A_2500 = vector.shape_cast %swap3A_2499 : vector<16xf32> to vector<16xf32>
        %swap3A_2501 = vector.shape_cast %broadcast_in_dim3A_2497 : vector<16xf32> to vector<16xf32>
        tpu.vector_store %arg8[%swap3A_2498], %swap3A_2501 {strides = array<i32>} : memref<1024xf32, #tpu.memory_space<vmem>>, vector<16xf32>,
        %broadcast_in_dim3A_2502 = arith.constant 0.000000e+00 : f32
        %broadcast_in_dim3A_2503 = vector.broadcast %broadcast_in_dim3A_2502 : f32 to vector<16xf32>
        %swap3A_2504 = arith.constant 256 : index
        %swap3A_2505 = tpu.vector_load %arg8[%swap3A_2504] {strides = array<i32>} : memref<1024xf32, #tpu.memory_space<vmem>>, vector<16xf32>,
        %swap3A_2506 = vector.shape_cast %swap3A_2505 : vector<16xf32> to vector<16xf32>
        %swap3A_2507 = vector.shape_cast %broadcast_in_dim3A_2503 : vector<16xf32> to vector<16xf32>
        tpu.vector_store %arg8[%swap3A_2504], %swap3A_2507 {strides = array<i32>} : memref<1024xf32, #tpu.memory_space<vmem>>, vector<16xf32>,
        %broadcast_in_dim3A_2508 = arith.constant 0.000000e+00 : f32
        %broadcast_in_dim3A_2509 = vector.broadcast %broadcast_in_dim3A_2508 : f32 to vector<16xf32>
        %swap3A_2510 = arith.constant 272 : index
        %swap3A_2511 = tpu.vector_load %arg8[%swap3A_2510] {strides = array<i32>} : memref<1024xf32, #tpu.memory_space<vmem>>, vector<16xf32>,
        %swap3A_2512 = vector.shape_cast %swap3A_2511 : vector<16xf32> to vector<16xf32>
        %swap3A_2513 = vector.shape_cast %broadcast_in_dim3A_2509 : vector<16xf32> to vector<16xf32>
        tpu.vector_store %arg8[%swap3A_2510], %swap3A_2513 {strides = array<i32>} : memref<1024xf32, #tpu.memory_space<vmem>>, vector<16xf32>,
        %broadcast_in_dim3A_2514 = arith.constant 0.000000e+00 : f32
        %broadcast_in_dim3A_2515 = vector.broadcast %broadcast_in_dim3A_2514 : f32 to vector<16xf32>
        %swap3A_2516 = arith.constant 288 : index
        %swap3A_2517 = tpu.vector_load %arg8[%swap3A_2516] {strides = array<i32>} : memref<1024xf32, #tpu.memory_space<vmem>>, vector<16xf32>,
        %swap3A_2518 = vector.shape_cast %swap3A_2517 : vector<16xf32> to vector<16xf32>
        %swap3A_2519 = vector.shape_cast %broadcast_in_dim3A_2515 : vector<16xf32> to vector<16xf32>
        tpu.vector_store %arg8[%swap3A_2516], %swap3A_2519 {strides = array<i32>} : memref<1024xf32, #tpu.memory_space<vmem>>, vector<16xf32>,
        %broadcast_in_dim3A_2520 = arith.constant 0.000000e+00 : f32
        %broadcast_in_dim3A_2521 = vector.broadcast %broadcast_in_dim3A_2520 : f32 to vector<16xf32>
        %swap3A_2522 = arith.constant 304 : index
        %swap3A_2523 = tpu.vector_load %arg8[%swap3A_2522] {strides = array<i32>} : memref<1024xf32, #tpu.memory_space<vmem>>, vector<16xf32>,
        %swap3A_2524 = vector.shape_cast %swap3A_2523 : vector<16xf32> to vector<16xf32>
        %swap3A_2525 = vector.shape_cast %broadcast_in_dim3A_2521 : vector<16xf32> to vector<16xf32>
        tpu.vector_store %arg8[%swap3A_2522], %swap3A_2525 {strides = array<i32>} : memref<1024xf32, #tpu.memory_space<vmem>>, vector<16xf32>,
        %broadcast_in_dim3A_2526 = arith.constant 0.000000e+00 : f32
        %broadcast_in_dim3A_2527 = vector.broadcast %broadcast_in_dim3A_2526 : f32 to vector<16xf32>
        %swap3A_2528 = arith.constant 320 : index
        %swap3A_2529 = tpu.vector_load %arg8[%swap3A_2528] {strides = array<i32>} : memref<1024xf32, #tpu.memory_space<vmem>>, vector<16xf32>,
        %swap3A_2530 = vector.shape_cast %swap3A_2529 : vector<16xf32> to vector<16xf32>
        %swap3A_2531 = vector.shape_cast %broadcast_in_dim3A_2527 : vector<16xf32> to vector<16xf32>
        tpu.vector_store %arg8[%swap3A_2528], %swap3A_2531 {strides = array<i32>} : memref<1024xf32, #tpu.memory_space<vmem>>, vector<16xf32>,
        %broadcast_in_dim3A_2532 = arith.constant 0.000000e+00 : f32
        %broadcast_in_dim3A_2533 = vector.broadcast %broadcast_in_dim3A_2532 : f32 to vector<16xf32>
        %swap3A_2534 = arith.constant 336 : index
        %swap3A_2535 = tpu.vector_load %arg8[%swap3A_2534] {strides = array<i32>} : memref<1024xf32, #tpu.memory_space<vmem>>, vector<16xf32>,
        %swap3A_2536 = vector.shape_cast %swap3A_2535 : vector<16xf32> to vector<16xf32>
        %swap3A_2537 = vector.shape_cast %broadcast_in_dim3A_2533 : vector<16xf32> to vector<16xf32>
        tpu.vector_store %arg8[%swap3A_2534], %swap3A_2537 {strides = array<i32>} : memref<1024xf32, #tpu.memory_space<vmem>>, vector<16xf32>,
        %broadcast_in_dim3A_2538 = arith.constant 0.000000e+00 : f32
        %broadcast_in_dim3A_2539 = vector.broadcast %broadcast_in_dim3A_2538 : f32 to vector<16xf32>
        %swap3A_2540 = arith.constant 352 : index
        %swap3A_2541 = tpu.vector_load %arg8[%swap3A_2540] {strides = array<i32>} : memref<1024xf32, #tpu.memory_space<vmem>>, vector<16xf32>,
        %swap3A_2542 = vector.shape_cast %swap3A_2541 : vector<16xf32> to vector<16xf32>
        %swap3A_2543 = vector.shape_cast %broadcast_in_dim3A_2539 : vector<16xf32> to vector<16xf32>
        tpu.vector_store %arg8[%swap3A_2540], %swap3A_2543 {strides = array<i32>} : memref<1024xf32, #tpu.memory_space<vmem>>, vector<16xf32>,
        %broadcast_in_dim3A_2544 = arith.constant 0.000000e+00 : f32
        %broadcast_in_dim3A_2545 = vector.broadcast %broadcast_in_dim3A_2544 : f32 to vector<16xf32>
        %swap3A_2546 = arith.constant 368 : index
        %swap3A_2547 = tpu.vector_load %arg8[%swap3A_2546] {strides = array<i32>} : memref<1024xf32, #tpu.memory_space<vmem>>, vector<16xf32>,
        %swap3A_2548 = vector.shape_cast %swap3A_2547 : vector<16xf32> to vector<16xf32>
        %swap3A_2549 = vector.shape_cast %broadcast_in_dim3A_2545 : vector<16xf32> to vector<16xf32>
        tpu.vector_store %arg8[%swap3A_2546], %swap3A_2549 {strides = array<i32>} : memref<1024xf32, #tpu.memory_space<vmem>>, vector<16xf32>,
        %broadcast_in_dim3A_2550 = arith.constant 0.000000e+00 : f32
        %broadcast_in_dim3A_2551 = vector.broadcast %broadcast_in_dim3A_2550 : f32 to vector<16xf32>
        %swap3A_2552 = arith.constant 384 : index
        %swap3A_2553 = tpu.vector_load %arg8[%swap3A_2552] {strides = array<i32>} : memref<1024xf32, #tpu.memory_space<vmem>>, vector<16xf32>,
        %swap3A_2554 = vector.shape_cast %swap3A_2553 : vector<16xf32> to vector<16xf32>
        %swap3A_2555 = vector.shape_cast %broadcast_in_dim3A_2551 : vector<16xf32> to vector<16xf32>
        tpu.vector_store %arg8[%swap3A_2552], %swap3A_2555 {strides = array<i32>} : memref<1024xf32, #tpu.memory_space<vmem>>, vector<16xf32>,
        %broadcast_in_dim3A_2556 = arith.constant 0.000000e+00 : f32
        %broadcast_in_dim3A_2557 = vector.broadcast %broadcast_in_dim3A_2556 : f32 to vector<16xf32>
        %swap3A_2558 = arith.constant 400 : index
        %swap3A_2559 = tpu.vector_load %arg8[%swap3A_2558] {strides = array<i32>} : memref<1024xf32, #tpu.memory_space<vmem>>, vector<16xf32>,
        %swap3A_2560 = vector.shape_cast %swap3A_2559 : vector<16xf32> to vector<16xf32>
        %swap3A_2561 = vector.shape_cast %broadcast_in_dim3A_2557 : vector<16xf32> to vector<16xf32>
        tpu.vector_store %arg8[%swap3A_2558], %swap3A_2561 {strides = array<i32>} : memref<1024xf32, #tpu.memory_space<vmem>>, vector<16xf32>,
        %broadcast_in_dim3A_2562 = arith.constant 0.000000e+00 : f32
        %broadcast_in_dim3A_2563 = vector.broadcast %broadcast_in_dim3A_2562 : f32 to vector<16xf32>
        %swap3A_2564 = arith.constant 416 : index
        %swap3A_2565 = tpu.vector_load %arg8[%swap3A_2564] {strides = array<i32>} : memref<1024xf32, #tpu.memory_space<vmem>>, vector<16xf32>,
        %swap3A_2566 = vector.shape_cast %swap3A_2565 : vector<16xf32> to vector<16xf32>
        %swap3A_2567 = vector.shape_cast %broadcast_in_dim3A_2563 : vector<16xf32> to vector<16xf32>
        tpu.vector_store %arg8[%swap3A_2564], %swap3A_2567 {strides = array<i32>} : memref<1024xf32, #tpu.memory_space<vmem>>, vector<16xf32>,
        %broadcast_in_dim3A_2568 = arith.constant 0.000000e+00 : f32
        %broadcast_in_dim3A_2569 = vector.broadcast %broadcast_in_dim3A_2568 : f32 to vector<16xf32>
        %swap3A_2570 = arith.constant 432 : index
        %swap3A_2571 = tpu.vector_load %arg8[%swap3A_2570] {strides = array<i32>} : memref<1024xf32, #tpu.memory_space<vmem>>, vector<16xf32>,
        %swap3A_2572 = vector.shape_cast %swap3A_2571 : vector<16xf32> to vector<16xf32>
        %swap3A_2573 = vector.shape_cast %broadcast_in_dim3A_2569 : vector<16xf32> to vector<16xf32>
        tpu.vector_store %arg8[%swap3A_2570], %swap3A_2573 {strides = array<i32>} : memref<1024xf32, #tpu.memory_space<vmem>>, vector<16xf32>,
        %broadcast_in_dim3A_2574 = arith.constant 0.000000e+00 : f32
        %broadcast_in_dim3A_2575 = vector.broadcast %broadcast_in_dim3A_2574 : f32 to vector<16xf32>
        %swap3A_2576 = arith.constant 448 : index
        %swap3A_2577 = tpu.vector_load %arg8[%swap3A_2576] {strides = array<i32>} : memref<1024xf32, #tpu.memory_space<vmem>>, vector<16xf32>,
        %swap3A_2578 = vector.shape_cast %swap3A_2577 : vector<16xf32> to vector<16xf32>
        %swap3A_2579 = vector.shape_cast %broadcast_in_dim3A_2575 : vector<16xf32> to vector<16xf32>
        tpu.vector_store %arg8[%swap3A_2576], %swap3A_2579 {strides = array<i32>} : memref<1024xf32, #tpu.memory_space<vmem>>, vector<16xf32>,
        %broadcast_in_dim3A_2580 = arith.constant 0.000000e+00 : f32
        %broadcast_in_dim3A_2581 = vector.broadcast %broadcast_in_dim3A_2580 : f32 to vector<16xf32>
        %swap3A_2582 = arith.constant 464 : index
        %swap3A_2583 = tpu.vector_load %arg8[%swap3A_2582] {strides = array<i32>} : memref<1024xf32, #tpu.memory_space<vmem>>, vector<16xf32>,
        %swap3A_2584 = vector.shape_cast %swap3A_2583 : vector<16xf32> to vector<16xf32>
        %swap3A_2585 = vector.shape_cast %broadcast_in_dim3A_2581 : vector<16xf32> to vector<16xf32>
        tpu.vector_store %arg8[%swap3A_2582], %swap3A_2585 {strides = array<i32>} : memref<1024xf32, #tpu.memory_space<vmem>>, vector<16xf32>,
        %broadcast_in_dim3A_2586 = arith.constant 0.000000e+00 : f32
        %broadcast_in_dim3A_2587 = vector.broadcast %broadcast_in_dim3A_2586 : f32 to vector<16xf32>
        %swap3A_2588 = arith.constant 480 : index
        %swap3A_2589 = tpu.vector_load %arg8[%swap3A_2588] {strides = array<i32>} : memref<1024xf32, #tpu.memory_space<vmem>>, vector<16xf32>,
        %swap3A_2590 = vector.shape_cast %swap3A_2589 : vector<16xf32> to vector<16xf32>
        %swap3A_2591 = vector.shape_cast %broadcast_in_dim3A_2587 : vector<16xf32> to vector<16xf32>
        tpu.vector_store %arg8[%swap3A_2588], %swap3A_2591 {strides = array<i32>} : memref<1024xf32, #tpu.memory_space<vmem>>, vector<16xf32>,
        %broadcast_in_dim3A_2592 = arith.constant 0.000000e+00 : f32
        %broadcast_in_dim3A_2593 = vector.broadcast %broadcast_in_dim3A_2592 : f32 to vector<16xf32>
        %swap3A_2594 = arith.constant 496 : index
        %swap3A_2595 = tpu.vector_load %arg8[%swap3A_2594] {strides = array<i32>} : memref<1024xf32, #tpu.memory_space<vmem>>, vector<16xf32>,
        %swap3A_2596 = vector.shape_cast %swap3A_2595 : vector<16xf32> to vector<16xf32>
        %swap3A_2597 = vector.shape_cast %broadcast_in_dim3A_2593 : vector<16xf32> to vector<16xf32>
        tpu.vector_store %arg8[%swap3A_2594], %swap3A_2597 {strides = array<i32>} : memref<1024xf32, #tpu.memory_space<vmem>>, vector<16xf32>,
        %broadcast_in_dim3A_2598 = arith.constant 0.000000e+00 : f32
        %broadcast_in_dim3A_2599 = vector.broadcast %broadcast_in_dim3A_2598 : f32 to vector<16xf32>
        %swap3A_2600 = arith.constant 512 : index
        %swap3A_2601 = tpu.vector_load %arg8[%swap3A_2600] {strides = array<i32>} : memref<1024xf32, #tpu.memory_space<vmem>>, vector<16xf32>,
        %swap3A_2602 = vector.shape_cast %swap3A_2601 : vector<16xf32> to vector<16xf32>
        %swap3A_2603 = vector.shape_cast %broadcast_in_dim3A_2599 : vector<16xf32> to vector<16xf32>
        tpu.vector_store %arg8[%swap3A_2600], %swap3A_2603 {strides = array<i32>} : memref<1024xf32, #tpu.memory_space<vmem>>, vector<16xf32>,
        %broadcast_in_dim3A_2604 = arith.constant 0.000000e+00 : f32
        %broadcast_in_dim3A_2605 = vector.broadcast %broadcast_in_dim3A_2604 : f32 to vector<16xf32>
        %swap3A_2606 = arith.constant 528 : index
        %swap3A_2607 = tpu.vector_load %arg8[%swap3A_2606] {strides = array<i32>} : memref<1024xf32, #tpu.memory_space<vmem>>, vector<16xf32>,
        %swap3A_2608 = vector.shape_cast %swap3A_2607 : vector<16xf32> to vector<16xf32>
        %swap3A_2609 = vector.shape_cast %broadcast_in_dim3A_2605 : vector<16xf32> to vector<16xf32>
        tpu.vector_store %arg8[%swap3A_2606], %swap3A_2609 {strides = array<i32>} : memref<1024xf32, #tpu.memory_space<vmem>>, vector<16xf32>,
        %broadcast_in_dim3A_2610 = arith.constant 0.000000e+00 : f32
        %broadcast_in_dim3A_2611 = vector.broadcast %broadcast_in_dim3A_2610 : f32 to vector<16xf32>
        %swap3A_2612 = arith.constant 544 : index
        %swap3A_2613 = tpu.vector_load %arg8[%swap3A_2612] {strides = array<i32>} : memref<1024xf32, #tpu.memory_space<vmem>>, vector<16xf32>,
        %swap3A_2614 = vector.shape_cast %swap3A_2613 : vector<16xf32> to vector<16xf32>
        %swap3A_2615 = vector.shape_cast %broadcast_in_dim3A_2611 : vector<16xf32> to vector<16xf32>
        tpu.vector_store %arg8[%swap3A_2612], %swap3A_2615 {strides = array<i32>} : memref<1024xf32, #tpu.memory_space<vmem>>, vector<16xf32>,
        %broadcast_in_dim3A_2616 = arith.constant 0.000000e+00 : f32
        %broadcast_in_dim3A_2617 = vector.broadcast %broadcast_in_dim3A_2616 : f32 to vector<16xf32>
        %swap3A_2618 = arith.constant 560 : index
        %swap3A_2619 = tpu.vector_load %arg8[%swap3A_2618] {strides = array<i32>} : memref<1024xf32, #tpu.memory_space<vmem>>, vector<16xf32>,
        %swap3A_2620 = vector.shape_cast %swap3A_2619 : vector<16xf32> to vector<16xf32>
        %swap3A_2621 = vector.shape_cast %broadcast_in_dim3A_2617 : vector<16xf32> to vector<16xf32>
        tpu.vector_store %arg8[%swap3A_2618], %swap3A_2621 {strides = array<i32>} : memref<1024xf32, #tpu.memory_space<vmem>>, vector<16xf32>,
        %broadcast_in_dim3A_2622 = arith.constant 0.000000e+00 : f32
        %broadcast_in_dim3A_2623 = vector.broadcast %broadcast_in_dim3A_2622 : f32 to vector<16xf32>
        %swap3A_2624 = arith.constant 576 : index
        %swap3A_2625 = tpu.vector_load %arg8[%swap3A_2624] {strides = array<i32>} : memref<1024xf32, #tpu.memory_space<vmem>>, vector<16xf32>,
        %swap3A_2626 = vector.shape_cast %swap3A_2625 : vector<16xf32> to vector<16xf32>
        %swap3A_2627 = vector.shape_cast %broadcast_in_dim3A_2623 : vector<16xf32> to vector<16xf32>
        tpu.vector_store %arg8[%swap3A_2624], %swap3A_2627 {strides = array<i32>} : memref<1024xf32, #tpu.memory_space<vmem>>, vector<16xf32>,
        %broadcast_in_dim3A_2628 = arith.constant 0.000000e+00 : f32
        %broadcast_in_dim3A_2629 = vector.broadcast %broadcast_in_dim3A_2628 : f32 to vector<16xf32>
        %swap3A_2630 = arith.constant 592 : index
        %swap3A_2631 = tpu.vector_load %arg8[%swap3A_2630] {strides = array<i32>} : memref<1024xf32, #tpu.memory_space<vmem>>, vector<16xf32>,
        %swap3A_2632 = vector.shape_cast %swap3A_2631 : vector<16xf32> to vector<16xf32>
        %swap3A_2633 = vector.shape_cast %broadcast_in_dim3A_2629 : vector<16xf32> to vector<16xf32>
        tpu.vector_store %arg8[%swap3A_2630], %swap3A_2633 {strides = array<i32>} : memref<1024xf32, #tpu.memory_space<vmem>>, vector<16xf32>,
        %broadcast_in_dim3A_2634 = arith.constant 0.000000e+00 : f32
        %broadcast_in_dim3A_2635 = vector.broadcast %broadcast_in_dim3A_2634 : f32 to vector<16xf32>
        %swap3A_2636 = arith.constant 608 : index
        %swap3A_2637 = tpu.vector_load %arg8[%swap3A_2636] {strides = array<i32>} : memref<1024xf32, #tpu.memory_space<vmem>>, vector<16xf32>,
        %swap3A_2638 = vector.shape_cast %swap3A_2637 : vector<16xf32> to vector<16xf32>
        %swap3A_2639 = vector.shape_cast %broadcast_in_dim3A_2635 : vector<16xf32> to vector<16xf32>
        tpu.vector_store %arg8[%swap3A_2636], %swap3A_2639 {strides = array<i32>} : memref<1024xf32, #tpu.memory_space<vmem>>, vector<16xf32>,
        %broadcast_in_dim3A_2640 = arith.constant 0.000000e+00 : f32
        %broadcast_in_dim3A_2641 = vector.broadcast %broadcast_in_dim3A_2640 : f32 to vector<16xf32>
        %swap3A_2642 = arith.constant 624 : index
        %swap3A_2643 = tpu.vector_load %arg8[%swap3A_2642] {strides = array<i32>} : memref<1024xf32, #tpu.memory_space<vmem>>, vector<16xf32>,
        %swap3A_2644 = vector.shape_cast %swap3A_2643 : vector<16xf32> to vector<16xf32>
        %swap3A_2645 = vector.shape_cast %broadcast_in_dim3A_2641 : vector<16xf32> to vector<16xf32>
        tpu.vector_store %arg8[%swap3A_2642], %swap3A_2645 {strides = array<i32>} : memref<1024xf32, #tpu.memory_space<vmem>>, vector<16xf32>,
        %broadcast_in_dim3A_2646 = arith.constant 0.000000e+00 : f32
        %broadcast_in_dim3A_2647 = vector.broadcast %broadcast_in_dim3A_2646 : f32 to vector<16xf32>
        %swap3A_2648 = arith.constant 640 : index
        %swap3A_2649 = tpu.vector_load %arg8[%swap3A_2648] {strides = array<i32>} : memref<1024xf32, #tpu.memory_space<vmem>>, vector<16xf32>,
        %swap3A_2650 = vector.shape_cast %swap3A_2649 : vector<16xf32> to vector<16xf32>
        %swap3A_2651 = vector.shape_cast %broadcast_in_dim3A_2647 : vector<16xf32> to vector<16xf32>
        tpu.vector_store %arg8[%swap3A_2648], %swap3A_2651 {strides = array<i32>} : memref<1024xf32, #tpu.memory_space<vmem>>, vector<16xf32>,
        %broadcast_in_dim3A_2652 = arith.constant 0.000000e+00 : f32
        %broadcast_in_dim3A_2653 = vector.broadcast %broadcast_in_dim3A_2652 : f32 to vector<16xf32>
        %swap3A_2654 = arith.constant 656 : index
        %swap3A_2655 = tpu.vector_load %arg8[%swap3A_2654] {strides = array<i32>} : memref<1024xf32, #tpu.memory_space<vmem>>, vector<16xf32>,
        %swap3A_2656 = vector.shape_cast %swap3A_2655 : vector<16xf32> to vector<16xf32>
        %swap3A_2657 = vector.shape_cast %broadcast_in_dim3A_2653 : vector<16xf32> to vector<16xf32>
        tpu.vector_store %arg8[%swap3A_2654], %swap3A_2657 {strides = array<i32>} : memref<1024xf32, #tpu.memory_space<vmem>>, vector<16xf32>,
        %broadcast_in_dim3A_2658 = arith.constant 0.000000e+00 : f32
        %broadcast_in_dim3A_2659 = vector.broadcast %broadcast_in_dim3A_2658 : f32 to vector<16xf32>
        %swap3A_2660 = arith.constant 672 : index
        %swap3A_2661 = tpu.vector_load %arg8[%swap3A_2660] {strides = array<i32>} : memref<1024xf32, #tpu.memory_space<vmem>>, vector<16xf32>,
        %swap3A_2662 = vector.shape_cast %swap3A_2661 : vector<16xf32> to vector<16xf32>
        %swap3A_2663 = vector.shape_cast %broadcast_in_dim3A_2659 : vector<16xf32> to vector<16xf32>
        tpu.vector_store %arg8[%swap3A_2660], %swap3A_2663 {strides = array<i32>} : memref<1024xf32, #tpu.memory_space<vmem>>, vector<16xf32>,
        %broadcast_in_dim3A_2664 = arith.constant 0.000000e+00 : f32
        %broadcast_in_dim3A_2665 = vector.broadcast %broadcast_in_dim3A_2664 : f32 to vector<16xf32>
        %swap3A_2666 = arith.constant 688 : index
        %swap3A_2667 = tpu.vector_load %arg8[%swap3A_2666] {strides = array<i32>} : memref<1024xf32, #tpu.memory_space<vmem>>, vector<16xf32>,
        %swap3A_2668 = vector.shape_cast %swap3A_2667 : vector<16xf32> to vector<16xf32>
        %swap3A_2669 = vector.shape_cast %broadcast_in_dim3A_2665 : vector<16xf32> to vector<16xf32>
        tpu.vector_store %arg8[%swap3A_2666], %swap3A_2669 {strides = array<i32>} : memref<1024xf32, #tpu.memory_space<vmem>>, vector<16xf32>,
        %broadcast_in_dim3A_2670 = arith.constant 0.000000e+00 : f32
        %broadcast_in_dim3A_2671 = vector.broadcast %broadcast_in_dim3A_2670 : f32 to vector<16xf32>
        %swap3A_2672 = arith.constant 704 : index
        %swap3A_2673 = tpu.vector_load %arg8[%swap3A_2672] {strides = array<i32>} : memref<1024xf32, #tpu.memory_space<vmem>>, vector<16xf32>,
        %swap3A_2674 = vector.shape_cast %swap3A_2673 : vector<16xf32> to vector<16xf32>
        %swap3A_2675 = vector.shape_cast %broadcast_in_dim3A_2671 : vector<16xf32> to vector<16xf32>
        tpu.vector_store %arg8[%swap3A_2672], %swap3A_2675 {strides = array<i32>} : memref<1024xf32, #tpu.memory_space<vmem>>, vector<16xf32>,
        %broadcast_in_dim3A_2676 = arith.constant 0.000000e+00 : f32
        %broadcast_in_dim3A_2677 = vector.broadcast %broadcast_in_dim3A_2676 : f32 to vector<16xf32>
        %swap3A_2678 = arith.constant 720 : index
        %swap3A_2679 = tpu.vector_load %arg8[%swap3A_2678] {strides = array<i32>} : memref<1024xf32, #tpu.memory_space<vmem>>, vector<16xf32>,
        %swap3A_2680 = vector.shape_cast %swap3A_2679 : vector<16xf32> to vector<16xf32>
        %swap3A_2681 = vector.shape_cast %broadcast_in_dim3A_2677 : vector<16xf32> to vector<16xf32>
        tpu.vector_store %arg8[%swap3A_2678], %swap3A_2681 {strides = array<i32>} : memref<1024xf32, #tpu.memory_space<vmem>>, vector<16xf32>,
        %broadcast_in_dim3A_2682 = arith.constant 0.000000e+00 : f32
        %broadcast_in_dim3A_2683 = vector.broadcast %broadcast_in_dim3A_2682 : f32 to vector<16xf32>
        %swap3A_2684 = arith.constant 736 : index
        %swap3A_2685 = tpu.vector_load %arg8[%swap3A_2684] {strides = array<i32>} : memref<1024xf32, #tpu.memory_space<vmem>>, vector<16xf32>,
        %swap3A_2686 = vector.shape_cast %swap3A_2685 : vector<16xf32> to vector<16xf32>
        %swap3A_2687 = vector.shape_cast %broadcast_in_dim3A_2683 : vector<16xf32> to vector<16xf32>
        tpu.vector_store %arg8[%swap3A_2684], %swap3A_2687 {strides = array<i32>} : memref<1024xf32, #tpu.memory_space<vmem>>, vector<16xf32>,
        %broadcast_in_dim3A_2688 = arith.constant 0.000000e+00 : f32
        %broadcast_in_dim3A_2689 = vector.broadcast %broadcast_in_dim3A_2688 : f32 to vector<16xf32>
        %swap3A_2690 = arith.constant 752 : index
        %swap3A_2691 = tpu.vector_load %arg8[%swap3A_2690] {strides = array<i32>} : memref<1024xf32, #tpu.memory_space<vmem>>, vector<16xf32>,
        %swap3A_2692 = vector.shape_cast %swap3A_2691 : vector<16xf32> to vector<16xf32>
        %swap3A_2693 = vector.shape_cast %broadcast_in_dim3A_2689 : vector<16xf32> to vector<16xf32>
        tpu.vector_store %arg8[%swap3A_2690], %swap3A_2693 {strides = array<i32>} : memref<1024xf32, #tpu.memory_space<vmem>>, vector<16xf32>,
        %broadcast_in_dim3A_2694 = arith.constant 0.000000e+00 : f32
        %broadcast_in_dim3A_2695 = vector.broadcast %broadcast_in_dim3A_2694 : f32 to vector<16xf32>
        %swap3A_2696 = arith.constant 768 : index
        %swap3A_2697 = tpu.vector_load %arg8[%swap3A_2696] {strides = array<i32>} : memref<1024xf32, #tpu.memory_space<vmem>>, vector<16xf32>,
        %swap3A_2698 = vector.shape_cast %swap3A_2697 : vector<16xf32> to vector<16xf32>
        %swap3A_2699 = vector.shape_cast %broadcast_in_dim3A_2695 : vector<16xf32> to vector<16xf32>
        tpu.vector_store %arg8[%swap3A_2696], %swap3A_2699 {strides = array<i32>} : memref<1024xf32, #tpu.memory_space<vmem>>, vector<16xf32>,
        %broadcast_in_dim3A_2700 = arith.constant 0.000000e+00 : f32
        %broadcast_in_dim3A_2701 = vector.broadcast %broadcast_in_dim3A_2700 : f32 to vector<16xf32>
        %swap3A_2702 = arith.constant 784 : index
        %swap3A_2703 = tpu.vector_load %arg8[%swap3A_2702] {strides = array<i32>} : memref<1024xf32, #tpu.memory_space<vmem>>, vector<16xf32>,
        %swap3A_2704 = vector.shape_cast %swap3A_2703 : vector<16xf32> to vector<16xf32>
        %swap3A_2705 = vector.shape_cast %broadcast_in_dim3A_2701 : vector<16xf32> to vector<16xf32>
        tpu.vector_store %arg8[%swap3A_2702], %swap3A_2705 {strides = array<i32>} : memref<1024xf32, #tpu.memory_space<vmem>>, vector<16xf32>,
        %broadcast_in_dim3A_2706 = arith.constant 0.000000e+00 : f32
        %broadcast_in_dim3A_2707 = vector.broadcast %broadcast_in_dim3A_2706 : f32 to vector<16xf32>
        %swap3A_2708 = arith.constant 800 : index
        %swap3A_2709 = tpu.vector_load %arg8[%swap3A_2708] {strides = array<i32>} : memref<1024xf32, #tpu.memory_space<vmem>>, vector<16xf32>,
        %swap3A_2710 = vector.shape_cast %swap3A_2709 : vector<16xf32> to vector<16xf32>
        %swap3A_2711 = vector.shape_cast %broadcast_in_dim3A_2707 : vector<16xf32> to vector<16xf32>
        tpu.vector_store %arg8[%swap3A_2708], %swap3A_2711 {strides = array<i32>} : memref<1024xf32, #tpu.memory_space<vmem>>, vector<16xf32>,
        %broadcast_in_dim3A_2712 = arith.constant 0.000000e+00 : f32
        %broadcast_in_dim3A_2713 = vector.broadcast %broadcast_in_dim3A_2712 : f32 to vector<16xf32>
        %swap3A_2714 = arith.constant 816 : index
        %swap3A_2715 = tpu.vector_load %arg8[%swap3A_2714] {strides = array<i32>} : memref<1024xf32, #tpu.memory_space<vmem>>, vector<16xf32>,
        %swap3A_2716 = vector.shape_cast %swap3A_2715 : vector<16xf32> to vector<16xf32>
        %swap3A_2717 = vector.shape_cast %broadcast_in_dim3A_2713 : vector<16xf32> to vector<16xf32>
        tpu.vector_store %arg8[%swap3A_2714], %swap3A_2717 {strides = array<i32>} : memref<1024xf32, #tpu.memory_space<vmem>>, vector<16xf32>,
        %broadcast_in_dim3A_2718 = arith.constant 0.000000e+00 : f32
        %broadcast_in_dim3A_2719 = vector.broadcast %broadcast_in_dim3A_2718 : f32 to vector<16xf32>
        %swap3A_2720 = arith.constant 832 : index
        %swap3A_2721 = tpu.vector_load %arg8[%swap3A_2720] {strides = array<i32>} : memref<1024xf32, #tpu.memory_space<vmem>>, vector<16xf32>,
        %swap3A_2722 = vector.shape_cast %swap3A_2721 : vector<16xf32> to vector<16xf32>
        %swap3A_2723 = vector.shape_cast %broadcast_in_dim3A_2719 : vector<16xf32> to vector<16xf32>
        tpu.vector_store %arg8[%swap3A_2720], %swap3A_2723 {strides = array<i32>} : memref<1024xf32, #tpu.memory_space<vmem>>, vector<16xf32>,
        %broadcast_in_dim3A_2724 = arith.constant 0.000000e+00 : f32
        %broadcast_in_dim3A_2725 = vector.broadcast %broadcast_in_dim3A_2724 : f32 to vector<16xf32>
        %swap3A_2726 = arith.constant 848 : index
        %swap3A_2727 = tpu.vector_load %arg8[%swap3A_2726] {strides = array<i32>} : memref<1024xf32, #tpu.memory_space<vmem>>, vector<16xf32>,
        %swap3A_2728 = vector.shape_cast %swap3A_2727 : vector<16xf32> to vector<16xf32>
        %swap3A_2729 = vector.shape_cast %broadcast_in_dim3A_2725 : vector<16xf32> to vector<16xf32>
        tpu.vector_store %arg8[%swap3A_2726], %swap3A_2729 {strides = array<i32>} : memref<1024xf32, #tpu.memory_space<vmem>>, vector<16xf32>,
        %broadcast_in_dim3A_2730 = arith.constant 0.000000e+00 : f32
        %broadcast_in_dim3A_2731 = vector.broadcast %broadcast_in_dim3A_2730 : f32 to vector<16xf32>
        %swap3A_2732 = arith.constant 864 : index
        %swap3A_2733 = tpu.vector_load %arg8[%swap3A_2732] {strides = array<i32>} : memref<1024xf32, #tpu.memory_space<vmem>>, vector<16xf32>,
        %swap3A_2734 = vector.shape_cast %swap3A_2733 : vector<16xf32> to vector<16xf32>
        %swap3A_2735 = vector.shape_cast %broadcast_in_dim3A_2731 : vector<16xf32> to vector<16xf32>
        tpu.vector_store %arg8[%swap3A_2732], %swap3A_2735 {strides = array<i32>} : memref<1024xf32, #tpu.memory_space<vmem>>, vector<16xf32>,
        %broadcast_in_dim3A_2736 = arith.constant 0.000000e+00 : f32
        %broadcast_in_dim3A_2737 = vector.broadcast %broadcast_in_dim3A_2736 : f32 to vector<16xf32>
        %swap3A_2738 = arith.constant 880 : index
        %swap3A_2739 = tpu.vector_load %arg8[%swap3A_2738] {strides = array<i32>} : memref<1024xf32, #tpu.memory_space<vmem>>, vector<16xf32>,
        %swap3A_2740 = vector.shape_cast %swap3A_2739 : vector<16xf32> to vector<16xf32>
        %swap3A_2741 = vector.shape_cast %broadcast_in_dim3A_2737 : vector<16xf32> to vector<16xf32>
        tpu.vector_store %arg8[%swap3A_2738], %swap3A_2741 {strides = array<i32>} : memref<1024xf32, #tpu.memory_space<vmem>>, vector<16xf32>,
        %broadcast_in_dim3A_2742 = arith.constant 0.000000e+00 : f32
        %broadcast_in_dim3A_2743 = vector.broadcast %broadcast_in_dim3A_2742 : f32 to vector<16xf32>
        %swap3A_2744 = arith.constant 896 : index
        %swap3A_2745 = tpu.vector_load %arg8[%swap3A_2744] {strides = array<i32>} : memref<1024xf32, #tpu.memory_space<vmem>>, vector<16xf32>,
        %swap3A_2746 = vector.shape_cast %swap3A_2745 : vector<16xf32> to vector<16xf32>
        %swap3A_2747 = vector.shape_cast %broadcast_in_dim3A_2743 : vector<16xf32> to vector<16xf32>
        tpu.vector_store %arg8[%swap3A_2744], %swap3A_2747 {strides = array<i32>} : memref<1024xf32, #tpu.memory_space<vmem>>, vector<16xf32>,
        %broadcast_in_dim3A_2748 = arith.constant 0.000000e+00 : f32
        %broadcast_in_dim3A_2749 = vector.broadcast %broadcast_in_dim3A_2748 : f32 to vector<16xf32>
        %swap3A_2750 = arith.constant 912 : index
        %swap3A_2751 = tpu.vector_load %arg8[%swap3A_2750] {strides = array<i32>} : memref<1024xf32, #tpu.memory_space<vmem>>, vector<16xf32>,
        %swap3A_2752 = vector.shape_cast %swap3A_2751 : vector<16xf32> to vector<16xf32>
        %swap3A_2753 = vector.shape_cast %broadcast_in_dim3A_2749 : vector<16xf32> to vector<16xf32>
        tpu.vector_store %arg8[%swap3A_2750], %swap3A_2753 {strides = array<i32>} : memref<1024xf32, #tpu.memory_space<vmem>>, vector<16xf32>,
        %broadcast_in_dim3A_2754 = arith.constant 0.000000e+00 : f32
        %broadcast_in_dim3A_2755 = vector.broadcast %broadcast_in_dim3A_2754 : f32 to vector<16xf32>
        %swap3A_2756 = arith.constant 928 : index
        %swap3A_2757 = tpu.vector_load %arg8[%swap3A_2756] {strides = array<i32>} : memref<1024xf32, #tpu.memory_space<vmem>>, vector<16xf32>,
        %swap3A_2758 = vector.shape_cast %swap3A_2757 : vector<16xf32> to vector<16xf32>
        %swap3A_2759 = vector.shape_cast %broadcast_in_dim3A_2755 : vector<16xf32> to vector<16xf32>
        tpu.vector_store %arg8[%swap3A_2756], %swap3A_2759 {strides = array<i32>} : memref<1024xf32, #tpu.memory_space<vmem>>, vector<16xf32>,
        %broadcast_in_dim3A_2760 = arith.constant 0.000000e+00 : f32
        %broadcast_in_dim3A_2761 = vector.broadcast %broadcast_in_dim3A_2760 : f32 to vector<16xf32>
        %swap3A_2762 = arith.constant 944 : index
        %swap3A_2763 = tpu.vector_load %arg8[%swap3A_2762] {strides = array<i32>} : memref<1024xf32, #tpu.memory_space<vmem>>, vector<16xf32>,
        %swap3A_2764 = vector.shape_cast %swap3A_2763 : vector<16xf32> to vector<16xf32>
        %swap3A_2765 = vector.shape_cast %broadcast_in_dim3A_2761 : vector<16xf32> to vector<16xf32>
        tpu.vector_store %arg8[%swap3A_2762], %swap3A_2765 {strides = array<i32>} : memref<1024xf32, #tpu.memory_space<vmem>>, vector<16xf32>,
        %broadcast_in_dim3A_2766 = arith.constant 0.000000e+00 : f32
        %broadcast_in_dim3A_2767 = vector.broadcast %broadcast_in_dim3A_2766 : f32 to vector<16xf32>
        %swap3A_2768 = arith.constant 960 : index
        %swap3A_2769 = tpu.vector_load %arg8[%swap3A_2768] {strides = array<i32>} : memref<1024xf32, #tpu.memory_space<vmem>>, vector<16xf32>,
        %swap3A_2770 = vector.shape_cast %swap3A_2769 : vector<16xf32> to vector<16xf32>
        %swap3A_2771 = vector.shape_cast %broadcast_in_dim3A_2767 : vector<16xf32> to vector<16xf32>
        tpu.vector_store %arg8[%swap3A_2768], %swap3A_2771 {strides = array<i32>} : memref<1024xf32, #tpu.memory_space<vmem>>, vector<16xf32>,
        %broadcast_in_dim3A_2772 = arith.constant 0.000000e+00 : f32
        %broadcast_in_dim3A_2773 = vector.broadcast %broadcast_in_dim3A_2772 : f32 to vector<16xf32>
        %swap3A_2774 = arith.constant 976 : index
        %swap3A_2775 = tpu.vector_load %arg8[%swap3A_2774] {strides = array<i32>} : memref<1024xf32, #tpu.memory_space<vmem>>, vector<16xf32>,
        %swap3A_2776 = vector.shape_cast %swap3A_2775 : vector<16xf32> to vector<16xf32>
        %swap3A_2777 = vector.shape_cast %broadcast_in_dim3A_2773 : vector<16xf32> to vector<16xf32>
        tpu.vector_store %arg8[%swap3A_2774], %swap3A_2777 {strides = array<i32>} : memref<1024xf32, #tpu.memory_space<vmem>>, vector<16xf32>,
        %broadcast_in_dim3A_2778 = arith.constant 0.000000e+00 : f32
        %broadcast_in_dim3A_2779 = vector.broadcast %broadcast_in_dim3A_2778 : f32 to vector<16xf32>
        %swap3A_2780 = arith.constant 992 : index
        %swap3A_2781 = tpu.vector_load %arg8[%swap3A_2780] {strides = array<i32>} : memref<1024xf32, #tpu.memory_space<vmem>>, vector<16xf32>,
        %swap3A_2782 = vector.shape_cast %swap3A_2781 : vector<16xf32> to vector<16xf32>
        %swap3A_2783 = vector.shape_cast %broadcast_in_dim3A_2779 : vector<16xf32> to vector<16xf32>
        tpu.vector_store %arg8[%swap3A_2780], %swap3A_2783 {strides = array<i32>} : memref<1024xf32, #tpu.memory_space<vmem>>, vector<16xf32>,
        %broadcast_in_dim3A_2784 = arith.constant 0.000000e+00 : f32
        %broadcast_in_dim3A_2785 = vector.broadcast %broadcast_in_dim3A_2784 : f32 to vector<16xf32>
        %swap3A_2786 = arith.constant 1008 : index
        %swap3A_2787 = tpu.vector_load %arg8[%swap3A_2786] {strides = array<i32>} : memref<1024xf32, #tpu.memory_space<vmem>>, vector<16xf32>,
        %swap3A_2788 = vector.shape_cast %swap3A_2787 : vector<16xf32> to vector<16xf32>
        %swap3A_2789 = vector.shape_cast %broadcast_in_dim3A_2785 : vector<16xf32> to vector<16xf32>
        tpu.vector_store %arg8[%swap3A_2786], %swap3A_2789 {strides = array<i32>} : memref<1024xf32, #tpu.memory_space<vmem>>, vector<16xf32>,
        "tpu.region"() ({
          %run_scoped3A_2790 = tpu.sem_alloc : memref<!tpu.dma_semaphore, #tpu.memory_space<semaphore_mem>>
          tpu.enqueue_dma source(%arg8 : memref<1024xf32, #tpu.memory_space<vmem>>) target(%arg9 : memref<1024xf32, #tpu.memory_space<vmem_shared>>) target_semaphore(%run_scoped3A_2790 : memref<!tpu.dma_semaphore, #tpu.memory_space<semaphore_mem>>)
          tpu.wait_dma2 semaphore(%run_scoped3A_2790 : memref<!tpu.dma_semaphore, #tpu.memory_space<semaphore_mem>>) src(%arg8 : memref<1024xf32, #tpu.memory_space<vmem>>) dst(%arg9 : memref<1024xf32, #tpu.memory_space<vmem_shared>>)
          tpu.yield
        }) : () -> ()
      } else {
      }
      %dma_wait3A = arith.constant 0 : i32
      %dma_wait3A_2211 = arith.constant 0 : i32
      %dma_wait3A_2212 = arith.constant 0 : i32
      %dma_wait3A_2213 = tpu.memref_slice %arg7[%dma_wait3A_2211, %dma_wait3A_2212] : memref<16x128xf32, #tpu.memory_space<vmem>> -> memref<1x128xf32, #tpu.memory_space<vmem>>
      %dma_wait3A_2214 = tpu.memref_squeeze %dma_wait3A_2213 : memref<1x128xf32, #tpu.memory_space<vmem>> -> memref<128xf32, #tpu.memory_space<vmem>>
      %dma_wait3A_2215 = arith.constant 0 : i32
      %dma_wait3A_2216 = tpu.memref_slice %arg5[%dma_wait3A, %dma_wait3A_2215] : memref<16x128xi32, #tpu.memory_space<vmem>> -> memref<1x128xi32, #tpu.memory_space<vmem>>
      %dma_wait3A_2217 = tpu.memref_squeeze %dma_wait3A_2216 : memref<1x128xi32, #tpu.memory_space<vmem>> -> memref<128xi32, #tpu.memory_space<vmem>>
      %dma_wait3A_2218 = arith.constant 0 : i32
      %dma_wait3A_2219 = tpu.memref_slice %arg2[%dma_wait3A_2218] : memref<40960xf32, #tpu.memory_space<hbm>> -> memref<40960xf32, #tpu.memory_space<hbm>>
      tpu.wait_indirect_dma semaphore(%arg10 : memref<!tpu.dma_semaphore, #tpu.memory_space<semaphore_mem>>) src(%dma_wait3A_2219 : memref<40960xf32, #tpu.memory_space<hbm>>) dst(%dma_wait3A_2214 : memref<128xf32, #tpu.memory_space<vmem>>)
      %dma_wait3A_2220 = arith.constant 1 : i32
      %dma_wait3A_2221 = arith.constant 1 : i32
      %dma_wait3A_2222 = arith.constant 0 : i32
      %dma_wait3A_2223 = tpu.memref_slice %arg7[%dma_wait3A_2221, %dma_wait3A_2222] : memref<16x128xf32, #tpu.memory_space<vmem>> -> memref<1x128xf32, #tpu.memory_space<vmem>>
      %dma_wait3A_2224 = tpu.memref_squeeze %dma_wait3A_2223 : memref<1x128xf32, #tpu.memory_space<vmem>> -> memref<128xf32, #tpu.memory_space<vmem>>
      %dma_wait3A_2225 = arith.constant 0 : i32
      %dma_wait3A_2226 = tpu.memref_slice %arg5[%dma_wait3A_2220, %dma_wait3A_2225] : memref<16x128xi32, #tpu.memory_space<vmem>> -> memref<1x128xi32, #tpu.memory_space<vmem>>
      %dma_wait3A_2227 = tpu.memref_squeeze %dma_wait3A_2226 : memref<1x128xi32, #tpu.memory_space<vmem>> -> memref<128xi32, #tpu.memory_space<vmem>>
      %dma_wait3A_2228 = arith.constant 0 : i32
      %dma_wait3A_2229 = tpu.memref_slice %arg2[%dma_wait3A_2228] : memref<40960xf32, #tpu.memory_space<hbm>> -> memref<40960xf32, #tpu.memory_space<hbm>>
      tpu.wait_indirect_dma semaphore(%arg10 : memref<!tpu.dma_semaphore, #tpu.memory_space<semaphore_mem>>) src(%dma_wait3A_2229 : memref<40960xf32, #tpu.memory_space<hbm>>) dst(%dma_wait3A_2224 : memref<128xf32, #tpu.memory_space<vmem>>)
      %dma_wait3A_2230 = arith.constant 2 : i32
      %dma_wait3A_2231 = arith.constant 2 : i32
      %dma_wait3A_2232 = arith.constant 0 : i32
      %dma_wait3A_2233 = tpu.memref_slice %arg7[%dma_wait3A_2231, %dma_wait3A_2232] : memref<16x128xf32, #tpu.memory_space<vmem>> -> memref<1x128xf32, #tpu.memory_space<vmem>>
      %dma_wait3A_2234 = tpu.memref_squeeze %dma_wait3A_2233 : memref<1x128xf32, #tpu.memory_space<vmem>> -> memref<128xf32, #tpu.memory_space<vmem>>
      %dma_wait3A_2235 = arith.constant 0 : i32
      %dma_wait3A_2236 = tpu.memref_slice %arg5[%dma_wait3A_2230, %dma_wait3A_2235] : memref<16x128xi32, #tpu.memory_space<vmem>> -> memref<1x128xi32, #tpu.memory_space<vmem>>
      %dma_wait3A_2237 = tpu.memref_squeeze %dma_wait3A_2236 : memref<1x128xi32, #tpu.memory_space<vmem>> -> memref<128xi32, #tpu.memory_space<vmem>>
      %dma_wait3A_2238 = arith.constant 0 : i32
      %dma_wait3A_2239 = tpu.memref_slice %arg2[%dma_wait3A_2238] : memref<40960xf32, #tpu.memory_space<hbm>> -> memref<40960xf32, #tpu.memory_space<hbm>>
      tpu.wait_indirect_dma semaphore(%arg10 : memref<!tpu.dma_semaphore, #tpu.memory_space<semaphore_mem>>) src(%dma_wait3A_2239 : memref<40960xf32, #tpu.memory_space<hbm>>) dst(%dma_wait3A_2234 : memref<128xf32, #tpu.memory_space<vmem>>)
      %dma_wait3A_2240 = arith.constant 3 : i32
      %dma_wait3A_2241 = arith.constant 3 : i32
      %dma_wait3A_2242 = arith.constant 0 : i32
      %dma_wait3A_2243 = tpu.memref_slice %arg7[%dma_wait3A_2241, %dma_wait3A_2242] : memref<16x128xf32, #tpu.memory_space<vmem>> -> memref<1x128xf32, #tpu.memory_space<vmem>>
      %dma_wait3A_2244 = tpu.memref_squeeze %dma_wait3A_2243 : memref<1x128xf32, #tpu.memory_space<vmem>> -> memref<128xf32, #tpu.memory_space<vmem>>
      %dma_wait3A_2245 = arith.constant 0 : i32
      %dma_wait3A_2246 = tpu.memref_slice %arg5[%dma_wait3A_2240, %dma_wait3A_2245] : memref<16x128xi32, #tpu.memory_space<vmem>> -> memref<1x128xi32, #tpu.memory_space<vmem>>
      %dma_wait3A_2247 = tpu.memref_squeeze %dma_wait3A_2246 : memref<1x128xi32, #tpu.memory_space<vmem>> -> memref<128xi32, #tpu.memory_space<vmem>>
      %dma_wait3A_2248 = arith.constant 0 : i32
      %dma_wait3A_2249 = tpu.memref_slice %arg2[%dma_wait3A_2248] : memref<40960xf32, #tpu.memory_space<hbm>> -> memref<40960xf32, #tpu.memory_space<hbm>>
      tpu.wait_indirect_dma semaphore(%arg10 : memref<!tpu.dma_semaphore, #tpu.memory_space<semaphore_mem>>) src(%dma_wait3A_2249 : memref<40960xf32, #tpu.memory_space<hbm>>) dst(%dma_wait3A_2244 : memref<128xf32, #tpu.memory_space<vmem>>)
      %dma_wait3A_2250 = arith.constant 4 : i32
      %dma_wait3A_2251 = arith.constant 4 : i32
      %dma_wait3A_2252 = arith.constant 0 : i32
      %dma_wait3A_2253 = tpu.memref_slice %arg7[%dma_wait3A_2251, %dma_wait3A_2252] : memref<16x128xf32, #tpu.memory_space<vmem>> -> memref<1x128xf32, #tpu.memory_space<vmem>>
      %dma_wait3A_2254 = tpu.memref_squeeze %dma_wait3A_2253 : memref<1x128xf32, #tpu.memory_space<vmem>> -> memref<128xf32, #tpu.memory_space<vmem>>
      %dma_wait3A_2255 = arith.constant 0 : i32
      %dma_wait3A_2256 = tpu.memref_slice %arg5[%dma_wait3A_2250, %dma_wait3A_2255] : memref<16x128xi32, #tpu.memory_space<vmem>> -> memref<1x128xi32, #tpu.memory_space<vmem>>
      %dma_wait3A_2257 = tpu.memref_squeeze %dma_wait3A_2256 : memref<1x128xi32, #tpu.memory_space<vmem>> -> memref<128xi32, #tpu.memory_space<vmem>>
      %dma_wait3A_2258 = arith.constant 0 : i32
      %dma_wait3A_2259 = tpu.memref_slice %arg2[%dma_wait3A_2258] : memref<40960xf32, #tpu.memory_space<hbm>> -> memref<40960xf32, #tpu.memory_space<hbm>>
      tpu.wait_indirect_dma semaphore(%arg10 : memref<!tpu.dma_semaphore, #tpu.memory_space<semaphore_mem>>) src(%dma_wait3A_2259 : memref<40960xf32, #tpu.memory_space<hbm>>) dst(%dma_wait3A_2254 : memref<128xf32, #tpu.memory_space<vmem>>)
      %dma_wait3A_2260 = arith.constant 5 : i32
      %dma_wait3A_2261 = arith.constant 5 : i32
      %dma_wait3A_2262 = arith.constant 0 : i32
      %dma_wait3A_2263 = tpu.memref_slice %arg7[%dma_wait3A_2261, %dma_wait3A_2262] : memref<16x128xf32, #tpu.memory_space<vmem>> -> memref<1x128xf32, #tpu.memory_space<vmem>>
      %dma_wait3A_2264 = tpu.memref_squeeze %dma_wait3A_2263 : memref<1x128xf32, #tpu.memory_space<vmem>> -> memref<128xf32, #tpu.memory_space<vmem>>
      %dma_wait3A_2265 = arith.constant 0 : i32
      %dma_wait3A_2266 = tpu.memref_slice %arg5[%dma_wait3A_2260, %dma_wait3A_2265] : memref<16x128xi32, #tpu.memory_space<vmem>> -> memref<1x128xi32, #tpu.memory_space<vmem>>
      %dma_wait3A_2267 = tpu.memref_squeeze %dma_wait3A_2266 : memref<1x128xi32, #tpu.memory_space<vmem>> -> memref<128xi32, #tpu.memory_space<vmem>>
      %dma_wait3A_2268 = arith.constant 0 : i32
      %dma_wait3A_2269 = tpu.memref_slice %arg2[%dma_wait3A_2268] : memref<40960xf32, #tpu.memory_space<hbm>> -> memref<40960xf32, #tpu.memory_space<hbm>>
      tpu.wait_indirect_dma semaphore(%arg10 : memref<!tpu.dma_semaphore, #tpu.memory_space<semaphore_mem>>) src(%dma_wait3A_2269 : memref<40960xf32, #tpu.memory_space<hbm>>) dst(%dma_wait3A_2264 : memref<128xf32, #tpu.memory_space<vmem>>)
      %dma_wait3A_2270 = arith.constant 6 : i32
      %dma_wait3A_2271 = arith.constant 6 : i32
      %dma_wait3A_2272 = arith.constant 0 : i32
      %dma_wait3A_2273 = tpu.memref_slice %arg7[%dma_wait3A_2271, %dma_wait3A_2272] : memref<16x128xf32, #tpu.memory_space<vmem>> -> memref<1x128xf32, #tpu.memory_space<vmem>>
      %dma_wait3A_2274 = tpu.memref_squeeze %dma_wait3A_2273 : memref<1x128xf32, #tpu.memory_space<vmem>> -> memref<128xf32, #tpu.memory_space<vmem>>
      %dma_wait3A_2275 = arith.constant 0 : i32
      %dma_wait3A_2276 = tpu.memref_slice %arg5[%dma_wait3A_2270, %dma_wait3A_2275] : memref<16x128xi32, #tpu.memory_space<vmem>> -> memref<1x128xi32, #tpu.memory_space<vmem>>
      %dma_wait3A_2277 = tpu.memref_squeeze %dma_wait3A_2276 : memref<1x128xi32, #tpu.memory_space<vmem>> -> memref<128xi32, #tpu.memory_space<vmem>>
      %dma_wait3A_2278 = arith.constant 0 : i32
      %dma_wait3A_2279 = tpu.memref_slice %arg2[%dma_wait3A_2278] : memref<40960xf32, #tpu.memory_space<hbm>> -> memref<40960xf32, #tpu.memory_space<hbm>>
      tpu.wait_indirect_dma semaphore(%arg10 : memref<!tpu.dma_semaphore, #tpu.memory_space<semaphore_mem>>) src(%dma_wait3A_2279 : memref<40960xf32, #tpu.memory_space<hbm>>) dst(%dma_wait3A_2274 : memref<128xf32, #tpu.memory_space<vmem>>)
      %dma_wait3A_2280 = arith.constant 7 : i32
      %dma_wait3A_2281 = arith.constant 7 : i32
      %dma_wait3A_2282 = arith.constant 0 : i32
      %dma_wait3A_2283 = tpu.memref_slice %arg7[%dma_wait3A_2281, %dma_wait3A_2282] : memref<16x128xf32, #tpu.memory_space<vmem>> -> memref<1x128xf32, #tpu.memory_space<vmem>>
      %dma_wait3A_2284 = tpu.memref_squeeze %dma_wait3A_2283 : memref<1x128xf32, #tpu.memory_space<vmem>> -> memref<128xf32, #tpu.memory_space<vmem>>
      %dma_wait3A_2285 = arith.constant 0 : i32
      %dma_wait3A_2286 = tpu.memref_slice %arg5[%dma_wait3A_2280, %dma_wait3A_2285] : memref<16x128xi32, #tpu.memory_space<vmem>> -> memref<1x128xi32, #tpu.memory_space<vmem>>
      %dma_wait3A_2287 = tpu.memref_squeeze %dma_wait3A_2286 : memref<1x128xi32, #tpu.memory_space<vmem>> -> memref<128xi32, #tpu.memory_space<vmem>>
      %dma_wait3A_2288 = arith.constant 0 : i32
      %dma_wait3A_2289 = tpu.memref_slice %arg2[%dma_wait3A_2288] : memref<40960xf32, #tpu.memory_space<hbm>> -> memref<40960xf32, #tpu.memory_space<hbm>>
      tpu.wait_indirect_dma semaphore(%arg10 : memref<!tpu.dma_semaphore, #tpu.memory_space<semaphore_mem>>) src(%dma_wait3A_2289 : memref<40960xf32, #tpu.memory_space<hbm>>) dst(%dma_wait3A_2284 : memref<128xf32, #tpu.memory_space<vmem>>)
      %dma_wait3A_2290 = arith.constant 8 : i32
      %dma_wait3A_2291 = arith.constant 8 : i32
      %dma_wait3A_2292 = arith.constant 0 : i32
      %dma_wait3A_2293 = tpu.memref_slice %arg7[%dma_wait3A_2291, %dma_wait3A_2292] : memref<16x128xf32, #tpu.memory_space<vmem>> -> memref<1x128xf32, #tpu.memory_space<vmem>>
      %dma_wait3A_2294 = tpu.memref_squeeze %dma_wait3A_2293 : memref<1x128xf32, #tpu.memory_space<vmem>> -> memref<128xf32, #tpu.memory_space<vmem>>
      %dma_wait3A_2295 = arith.constant 0 : i32
      %dma_wait3A_2296 = tpu.memref_slice %arg5[%dma_wait3A_2290, %dma_wait3A_2295] : memref<16x128xi32, #tpu.memory_space<vmem>> -> memref<1x128xi32, #tpu.memory_space<vmem>>
      %dma_wait3A_2297 = tpu.memref_squeeze %dma_wait3A_2296 : memref<1x128xi32, #tpu.memory_space<vmem>> -> memref<128xi32, #tpu.memory_space<vmem>>
      %dma_wait3A_2298 = arith.constant 0 : i32
      %dma_wait3A_2299 = tpu.memref_slice %arg2[%dma_wait3A_2298] : memref<40960xf32, #tpu.memory_space<hbm>> -> memref<40960xf32, #tpu.memory_space<hbm>>
      tpu.wait_indirect_dma semaphore(%arg10 : memref<!tpu.dma_semaphore, #tpu.memory_space<semaphore_mem>>) src(%dma_wait3A_2299 : memref<40960xf32, #tpu.memory_space<hbm>>) dst(%dma_wait3A_2294 : memref<128xf32, #tpu.memory_space<vmem>>)
      %dma_wait3A_2300 = arith.constant 9 : i32
      %dma_wait3A_2301 = arith.constant 9 : i32
      %dma_wait3A_2302 = arith.constant 0 : i32
      %dma_wait3A_2303 = tpu.memref_slice %arg7[%dma_wait3A_2301, %dma_wait3A_2302] : memref<16x128xf32, #tpu.memory_space<vmem>> -> memref<1x128xf32, #tpu.memory_space<vmem>>
      %dma_wait3A_2304 = tpu.memref_squeeze %dma_wait3A_2303 : memref<1x128xf32, #tpu.memory_space<vmem>> -> memref<128xf32, #tpu.memory_space<vmem>>
      %dma_wait3A_2305 = arith.constant 0 : i32
      %dma_wait3A_2306 = tpu.memref_slice %arg5[%dma_wait3A_2300, %dma_wait3A_2305] : memref<16x128xi32, #tpu.memory_space<vmem>> -> memref<1x128xi32, #tpu.memory_space<vmem>>
      %dma_wait3A_2307 = tpu.memref_squeeze %dma_wait3A_2306 : memref<1x128xi32, #tpu.memory_space<vmem>> -> memref<128xi32, #tpu.memory_space<vmem>>
      %dma_wait3A_2308 = arith.constant 0 : i32
      %dma_wait3A_2309 = tpu.memref_slice %arg2[%dma_wait3A_2308] : memref<40960xf32, #tpu.memory_space<hbm>> -> memref<40960xf32, #tpu.memory_space<hbm>>
      tpu.wait_indirect_dma semaphore(%arg10 : memref<!tpu.dma_semaphore, #tpu.memory_space<semaphore_mem>>) src(%dma_wait3A_2309 : memref<40960xf32, #tpu.memory_space<hbm>>) dst(%dma_wait3A_2304 : memref<128xf32, #tpu.memory_space<vmem>>)
      %dma_wait3A_2310 = arith.constant 10 : i32
      %dma_wait3A_2311 = arith.constant 10 : i32
      %dma_wait3A_2312 = arith.constant 0 : i32
      %dma_wait3A_2313 = tpu.memref_slice %arg7[%dma_wait3A_2311, %dma_wait3A_2312] : memref<16x128xf32, #tpu.memory_space<vmem>> -> memref<1x128xf32, #tpu.memory_space<vmem>>
      %dma_wait3A_2314 = tpu.memref_squeeze %dma_wait3A_2313 : memref<1x128xf32, #tpu.memory_space<vmem>> -> memref<128xf32, #tpu.memory_space<vmem>>
      %dma_wait3A_2315 = arith.constant 0 : i32
      %dma_wait3A_2316 = tpu.memref_slice %arg5[%dma_wait3A_2310, %dma_wait3A_2315] : memref<16x128xi32, #tpu.memory_space<vmem>> -> memref<1x128xi32, #tpu.memory_space<vmem>>
      %dma_wait3A_2317 = tpu.memref_squeeze %dma_wait3A_2316 : memref<1x128xi32, #tpu.memory_space<vmem>> -> memref<128xi32, #tpu.memory_space<vmem>>
      %dma_wait3A_2318 = arith.constant 0 : i32
      %dma_wait3A_2319 = tpu.memref_slice %arg2[%dma_wait3A_2318] : memref<40960xf32, #tpu.memory_space<hbm>> -> memref<40960xf32, #tpu.memory_space<hbm>>
      tpu.wait_indirect_dma semaphore(%arg10 : memref<!tpu.dma_semaphore, #tpu.memory_space<semaphore_mem>>) src(%dma_wait3A_2319 : memref<40960xf32, #tpu.memory_space<hbm>>) dst(%dma_wait3A_2314 : memref<128xf32, #tpu.memory_space<vmem>>)
      %dma_wait3A_2320 = arith.constant 11 : i32
      %dma_wait3A_2321 = arith.constant 11 : i32
      %dma_wait3A_2322 = arith.constant 0 : i32
      %dma_wait3A_2323 = tpu.memref_slice %arg7[%dma_wait3A_2321, %dma_wait3A_2322] : memref<16x128xf32, #tpu.memory_space<vmem>> -> memref<1x128xf32, #tpu.memory_space<vmem>>
      %dma_wait3A_2324 = tpu.memref_squeeze %dma_wait3A_2323 : memref<1x128xf32, #tpu.memory_space<vmem>> -> memref<128xf32, #tpu.memory_space<vmem>>
      %dma_wait3A_2325 = arith.constant 0 : i32
      %dma_wait3A_2326 = tpu.memref_slice %arg5[%dma_wait3A_2320, %dma_wait3A_2325] : memref<16x128xi32, #tpu.memory_space<vmem>> -> memref<1x128xi32, #tpu.memory_space<vmem>>
      %dma_wait3A_2327 = tpu.memref_squeeze %dma_wait3A_2326 : memref<1x128xi32, #tpu.memory_space<vmem>> -> memref<128xi32, #tpu.memory_space<vmem>>
      %dma_wait3A_2328 = arith.constant 0 : i32
      %dma_wait3A_2329 = tpu.memref_slice %arg2[%dma_wait3A_2328] : memref<40960xf32, #tpu.memory_space<hbm>> -> memref<40960xf32, #tpu.memory_space<hbm>>
      tpu.wait_indirect_dma semaphore(%arg10 : memref<!tpu.dma_semaphore, #tpu.memory_space<semaphore_mem>>) src(%dma_wait3A_2329 : memref<40960xf32, #tpu.memory_space<hbm>>) dst(%dma_wait3A_2324 : memref<128xf32, #tpu.memory_space<vmem>>)
      %dma_wait3A_2330 = arith.constant 12 : i32
      %dma_wait3A_2331 = arith.constant 12 : i32
      %dma_wait3A_2332 = arith.constant 0 : i32
      %dma_wait3A_2333 = tpu.memref_slice %arg7[%dma_wait3A_2331, %dma_wait3A_2332] : memref<16x128xf32, #tpu.memory_space<vmem>> -> memref<1x128xf32, #tpu.memory_space<vmem>>
      %dma_wait3A_2334 = tpu.memref_squeeze %dma_wait3A_2333 : memref<1x128xf32, #tpu.memory_space<vmem>> -> memref<128xf32, #tpu.memory_space<vmem>>
      %dma_wait3A_2335 = arith.constant 0 : i32
      %dma_wait3A_2336 = tpu.memref_slice %arg5[%dma_wait3A_2330, %dma_wait3A_2335] : memref<16x128xi32, #tpu.memory_space<vmem>> -> memref<1x128xi32, #tpu.memory_space<vmem>>
      %dma_wait3A_2337 = tpu.memref_squeeze %dma_wait3A_2336 : memref<1x128xi32, #tpu.memory_space<vmem>> -> memref<128xi32, #tpu.memory_space<vmem>>
      %dma_wait3A_2338 = arith.constant 0 : i32
      %dma_wait3A_2339 = tpu.memref_slice %arg2[%dma_wait3A_2338] : memref<40960xf32, #tpu.memory_space<hbm>> -> memref<40960xf32, #tpu.memory_space<hbm>>
      tpu.wait_indirect_dma semaphore(%arg10 : memref<!tpu.dma_semaphore, #tpu.memory_space<semaphore_mem>>) src(%dma_wait3A_2339 : memref<40960xf32, #tpu.memory_space<hbm>>) dst(%dma_wait3A_2334 : memref<128xf32, #tpu.memory_space<vmem>>)
      %dma_wait3A_2340 = arith.constant 13 : i32
      %dma_wait3A_2341 = arith.constant 13 : i32
      %dma_wait3A_2342 = arith.constant 0 : i32
      %dma_wait3A_2343 = tpu.memref_slice %arg7[%dma_wait3A_2341, %dma_wait3A_2342] : memref<16x128xf32, #tpu.memory_space<vmem>> -> memref<1x128xf32, #tpu.memory_space<vmem>>
      %dma_wait3A_2344 = tpu.memref_squeeze %dma_wait3A_2343 : memref<1x128xf32, #tpu.memory_space<vmem>> -> memref<128xf32, #tpu.memory_space<vmem>>
      %dma_wait3A_2345 = arith.constant 0 : i32
      %dma_wait3A_2346 = tpu.memref_slice %arg5[%dma_wait3A_2340, %dma_wait3A_2345] : memref<16x128xi32, #tpu.memory_space<vmem>> -> memref<1x128xi32, #tpu.memory_space<vmem>>
      %dma_wait3A_2347 = tpu.memref_squeeze %dma_wait3A_2346 : memref<1x128xi32, #tpu.memory_space<vmem>> -> memref<128xi32, #tpu.memory_space<vmem>>
      %dma_wait3A_2348 = arith.constant 0 : i32
      %dma_wait3A_2349 = tpu.memref_slice %arg2[%dma_wait3A_2348] : memref<40960xf32, #tpu.memory_space<hbm>> -> memref<40960xf32, #tpu.memory_space<hbm>>
      tpu.wait_indirect_dma semaphore(%arg10 : memref<!tpu.dma_semaphore, #tpu.memory_space<semaphore_mem>>) src(%dma_wait3A_2349 : memref<40960xf32, #tpu.memory_space<hbm>>) dst(%dma_wait3A_2344 : memref<128xf32, #tpu.memory_space<vmem>>)
      %dma_wait3A_2350 = arith.constant 14 : i32
      %dma_wait3A_2351 = arith.constant 14 : i32
      %dma_wait3A_2352 = arith.constant 0 : i32
      %dma_wait3A_2353 = tpu.memref_slice %arg7[%dma_wait3A_2351, %dma_wait3A_2352] : memref<16x128xf32, #tpu.memory_space<vmem>> -> memref<1x128xf32, #tpu.memory_space<vmem>>
      %dma_wait3A_2354 = tpu.memref_squeeze %dma_wait3A_2353 : memref<1x128xf32, #tpu.memory_space<vmem>> -> memref<128xf32, #tpu.memory_space<vmem>>
      %dma_wait3A_2355 = arith.constant 0 : i32
      %dma_wait3A_2356 = tpu.memref_slice %arg5[%dma_wait3A_2350, %dma_wait3A_2355] : memref<16x128xi32, #tpu.memory_space<vmem>> -> memref<1x128xi32, #tpu.memory_space<vmem>>
      %dma_wait3A_2357 = tpu.memref_squeeze %dma_wait3A_2356 : memref<1x128xi32, #tpu.memory_space<vmem>> -> memref<128xi32, #tpu.memory_space<vmem>>
      %dma_wait3A_2358 = arith.constant 0 : i32
      %dma_wait3A_2359 = tpu.memref_slice %arg2[%dma_wait3A_2358] : memref<40960xf32, #tpu.memory_space<hbm>> -> memref<40960xf32, #tpu.memory_space<hbm>>
      tpu.wait_indirect_dma semaphore(%arg10 : memref<!tpu.dma_semaphore, #tpu.memory_space<semaphore_mem>>) src(%dma_wait3A_2359 : memref<40960xf32, #tpu.memory_space<hbm>>) dst(%dma_wait3A_2354 : memref<128xf32, #tpu.memory_space<vmem>>)
      %dma_wait3A_2360 = arith.constant 15 : i32
      %dma_wait3A_2361 = arith.constant 15 : i32
      %dma_wait3A_2362 = arith.constant 0 : i32
      %dma_wait3A_2363 = tpu.memref_slice %arg7[%dma_wait3A_2361, %dma_wait3A_2362] : memref<16x128xf32, #tpu.memory_space<vmem>> -> memref<1x128xf32, #tpu.memory_space<vmem>>
      %dma_wait3A_2364 = tpu.memref_squeeze %dma_wait3A_2363 : memref<1x128xf32, #tpu.memory_space<vmem>> -> memref<128xf32, #tpu.memory_space<vmem>>
      %dma_wait3A_2365 = arith.constant 0 : i32
      %dma_wait3A_2366 = tpu.memref_slice %arg5[%dma_wait3A_2360, %dma_wait3A_2365] : memref<16x128xi32, #tpu.memory_space<vmem>> -> memref<1x128xi32, #tpu.memory_space<vmem>>
      %dma_wait3A_2367 = tpu.memref_squeeze %dma_wait3A_2366 : memref<1x128xi32, #tpu.memory_space<vmem>> -> memref<128xi32, #tpu.memory_space<vmem>>
      %dma_wait3A_2368 = arith.constant 0 : i32
      %dma_wait3A_2369 = tpu.memref_slice %arg2[%dma_wait3A_2368] : memref<40960xf32, #tpu.memory_space<hbm>> -> memref<40960xf32, #tpu.memory_space<hbm>>
      tpu.wait_indirect_dma semaphore(%arg10 : memref<!tpu.dma_semaphore, #tpu.memory_space<semaphore_mem>>) src(%dma_wait3A_2369 : memref<40960xf32, #tpu.memory_space<hbm>>) dst(%dma_wait3A_2364 : memref<128xf32, #tpu.memory_space<vmem>>)
      %barrier3A = arith.constant 0 : index
      tpu.barrier barrier_id(%barrier3A)
      %run_scoped3A = arith.constant 0 : i32
      %run_scoped3A_2370 = arith.constant 0 : i32
      "tpu.region"() ({
        %run_scoped3A_2407 = tpu.sem_alloc : memref<!tpu.dma_semaphore, #tpu.memory_space<semaphore_mem>>
        %dma_start3A_2408 = arith.constant 0 : i32
        %dma_start3A_2409 = tpu.memref_slice %arg7[%run_scoped3A, %dma_start3A_2408] : memref<16x128xf32, #tpu.memory_space<vmem>> -> memref<1x128xf32, #tpu.memory_space<vmem>>
        %dma_start3A_2410 = tpu.memref_squeeze %dma_start3A_2409 : memref<1x128xf32, #tpu.memory_space<vmem>> -> memref<128xf32, #tpu.memory_space<vmem>>
        %dma_start3A_2411 = arith.constant 0 : i32
        %dma_start3A_2412 = tpu.memref_slice %arg6[%run_scoped3A_2370, %dma_start3A_2411] : memref<16x128xi32, #tpu.memory_space<vmem>> -> memref<1x128xi32, #tpu.memory_space<vmem>>
        %dma_start3A_2413 = tpu.memref_squeeze %dma_start3A_2412 : memref<1x128xi32, #tpu.memory_space<vmem>> -> memref<128xi32, #tpu.memory_space<vmem>>
        %dma_start3A_2414 = arith.constant 0 : i32
        %dma_start3A_2415 = tpu.memref_slice %arg9[%dma_start3A_2414] : memref<1024xf32, #tpu.memory_space<vmem_shared>> -> memref<1024xf32, #tpu.memory_space<vmem_shared>>
        tpu.enqueue_indirect_dma source(%dma_start3A_2410 : memref<128xf32, #tpu.memory_space<vmem>>) target(%dma_start3A_2415 : memref<1024xf32, #tpu.memory_space<vmem_shared>>) offsets(%dma_start3A_2413 : memref<128xi32, #tpu.memory_space<vmem>>) semaphore(%run_scoped3A_2407 : memref<!tpu.dma_semaphore, #tpu.memory_space<semaphore_mem>>) {add = true}
        %dma_wait3A_2416 = arith.constant 0 : i32
        %dma_wait3A_2417 = tpu.memref_slice %arg7[%run_scoped3A, %dma_wait3A_2416] : memref<16x128xf32, #tpu.memory_space<vmem>> -> memref<1x128xf32, #tpu.memory_space<vmem>>
        %dma_wait3A_2418 = tpu.memref_squeeze %dma_wait3A_2417 : memref<1x128xf32, #tpu.memory_space<vmem>> -> memref<128xf32, #tpu.memory_space<vmem>>
        %dma_wait3A_2419 = arith.constant 0 : i32
        %dma_wait3A_2420 = tpu.memref_slice %arg6[%run_scoped3A_2370, %dma_wait3A_2419] : memref<16x128xi32, #tpu.memory_space<vmem>> -> memref<1x128xi32, #tpu.memory_space<vmem>>
        %dma_wait3A_2421 = tpu.memref_squeeze %dma_wait3A_2420 : memref<1x128xi32, #tpu.memory_space<vmem>> -> memref<128xi32, #tpu.memory_space<vmem>>
        %dma_wait3A_2422 = arith.constant 0 : i32
        %dma_wait3A_2423 = tpu.memref_slice %arg9[%dma_wait3A_2422] : memref<1024xf32, #tpu.memory_space<vmem_shared>> -> memref<1024xf32, #tpu.memory_space<vmem_shared>>
        tpu.wait_indirect_dma semaphore(%run_scoped3A_2407 : memref<!tpu.dma_semaphore, #tpu.memory_space<semaphore_mem>>) src(%dma_wait3A_2418 : memref<128xf32, #tpu.memory_space<vmem>>) dst(%dma_wait3A_2423 : memref<1024xf32, #tpu.memory_space<vmem_shared>>)
        tpu.yield
      }) : () -> ()
      %run_scoped3A_2371 = arith.constant 1 : i32
      %run_scoped3A_2372 = arith.constant 1 : i32
      "tpu.region"() ({
        %run_scoped3A_2407 = tpu.sem_alloc : memref<!tpu.dma_semaphore, #tpu.memory_space<semaphore_mem>>
        %dma_start3A_2408 = arith.constant 0 : i32
        %dma_start3A_2409 = tpu.memref_slice %arg7[%run_scoped3A_2371, %dma_start3A_2408] : memref<16x128xf32, #tpu.memory_space<vmem>> -> memref<1x128xf32, #tpu.memory_space<vmem>>
        %dma_start3A_2410 = tpu.memref_squeeze %dma_start3A_2409 : memref<1x128xf32, #tpu.memory_space<vmem>> -> memref<128xf32, #tpu.memory_space<vmem>>
        %dma_start3A_2411 = arith.constant 0 : i32
        %dma_start3A_2412 = tpu.memref_slice %arg6[%run_scoped3A_2372, %dma_start3A_2411] : memref<16x128xi32, #tpu.memory_space<vmem>> -> memref<1x128xi32, #tpu.memory_space<vmem>>
        %dma_start3A_2413 = tpu.memref_squeeze %dma_start3A_2412 : memref<1x128xi32, #tpu.memory_space<vmem>> -> memref<128xi32, #tpu.memory_space<vmem>>
        %dma_start3A_2414 = arith.constant 0 : i32
        %dma_start3A_2415 = tpu.memref_slice %arg9[%dma_start3A_2414] : memref<1024xf32, #tpu.memory_space<vmem_shared>> -> memref<1024xf32, #tpu.memory_space<vmem_shared>>
        tpu.enqueue_indirect_dma source(%dma_start3A_2410 : memref<128xf32, #tpu.memory_space<vmem>>) target(%dma_start3A_2415 : memref<1024xf32, #tpu.memory_space<vmem_shared>>) offsets(%dma_start3A_2413 : memref<128xi32, #tpu.memory_space<vmem>>) semaphore(%run_scoped3A_2407 : memref<!tpu.dma_semaphore, #tpu.memory_space<semaphore_mem>>) {add = true}
        %dma_wait3A_2416 = arith.constant 0 : i32
        %dma_wait3A_2417 = tpu.memref_slice %arg7[%run_scoped3A_2371, %dma_wait3A_2416] : memref<16x128xf32, #tpu.memory_space<vmem>> -> memref<1x128xf32, #tpu.memory_space<vmem>>
        %dma_wait3A_2418 = tpu.memref_squeeze %dma_wait3A_2417 : memref<1x128xf32, #tpu.memory_space<vmem>> -> memref<128xf32, #tpu.memory_space<vmem>>
        %dma_wait3A_2419 = arith.constant 0 : i32
        %dma_wait3A_2420 = tpu.memref_slice %arg6[%run_scoped3A_2372, %dma_wait3A_2419] : memref<16x128xi32, #tpu.memory_space<vmem>> -> memref<1x128xi32, #tpu.memory_space<vmem>>
        %dma_wait3A_2421 = tpu.memref_squeeze %dma_wait3A_2420 : memref<1x128xi32, #tpu.memory_space<vmem>> -> memref<128xi32, #tpu.memory_space<vmem>>
        %dma_wait3A_2422 = arith.constant 0 : i32
        %dma_wait3A_2423 = tpu.memref_slice %arg9[%dma_wait3A_2422] : memref<1024xf32, #tpu.memory_space<vmem_shared>> -> memref<1024xf32, #tpu.memory_space<vmem_shared>>
        tpu.wait_indirect_dma semaphore(%run_scoped3A_2407 : memref<!tpu.dma_semaphore, #tpu.memory_space<semaphore_mem>>) src(%dma_wait3A_2418 : memref<128xf32, #tpu.memory_space<vmem>>) dst(%dma_wait3A_2423 : memref<1024xf32, #tpu.memory_space<vmem_shared>>)
        tpu.yield
      }) : () -> ()
      %run_scoped3A_2373 = arith.constant 2 : i32
      %run_scoped3A_2374 = arith.constant 2 : i32
      "tpu.region"() ({
        %run_scoped3A_2407 = tpu.sem_alloc : memref<!tpu.dma_semaphore, #tpu.memory_space<semaphore_mem>>
        %dma_start3A_2408 = arith.constant 0 : i32
        %dma_start3A_2409 = tpu.memref_slice %arg7[%run_scoped3A_2373, %dma_start3A_2408] : memref<16x128xf32, #tpu.memory_space<vmem>> -> memref<1x128xf32, #tpu.memory_space<vmem>>
        %dma_start3A_2410 = tpu.memref_squeeze %dma_start3A_2409 : memref<1x128xf32, #tpu.memory_space<vmem>> -> memref<128xf32, #tpu.memory_space<vmem>>
        %dma_start3A_2411 = arith.constant 0 : i32
        %dma_start3A_2412 = tpu.memref_slice %arg6[%run_scoped3A_2374, %dma_start3A_2411] : memref<16x128xi32, #tpu.memory_space<vmem>> -> memref<1x128xi32, #tpu.memory_space<vmem>>
        %dma_start3A_2413 = tpu.memref_squeeze %dma_start3A_2412 : memref<1x128xi32, #tpu.memory_space<vmem>> -> memref<128xi32, #tpu.memory_space<vmem>>
        %dma_start3A_2414 = arith.constant 0 : i32
        %dma_start3A_2415 = tpu.memref_slice %arg9[%dma_start3A_2414] : memref<1024xf32, #tpu.memory_space<vmem_shared>> -> memref<1024xf32, #tpu.memory_space<vmem_shared>>
        tpu.enqueue_indirect_dma source(%dma_start3A_2410 : memref<128xf32, #tpu.memory_space<vmem>>) target(%dma_start3A_2415 : memref<1024xf32, #tpu.memory_space<vmem_shared>>) offsets(%dma_start3A_2413 : memref<128xi32, #tpu.memory_space<vmem>>) semaphore(%run_scoped3A_2407 : memref<!tpu.dma_semaphore, #tpu.memory_space<semaphore_mem>>) {add = true}
        %dma_wait3A_2416 = arith.constant 0 : i32
        %dma_wait3A_2417 = tpu.memref_slice %arg7[%run_scoped3A_2373, %dma_wait3A_2416] : memref<16x128xf32, #tpu.memory_space<vmem>> -> memref<1x128xf32, #tpu.memory_space<vmem>>
        %dma_wait3A_2418 = tpu.memref_squeeze %dma_wait3A_2417 : memref<1x128xf32, #tpu.memory_space<vmem>> -> memref<128xf32, #tpu.memory_space<vmem>>
        %dma_wait3A_2419 = arith.constant 0 : i32
        %dma_wait3A_2420 = tpu.memref_slice %arg6[%run_scoped3A_2374, %dma_wait3A_2419] : memref<16x128xi32, #tpu.memory_space<vmem>> -> memref<1x128xi32, #tpu.memory_space<vmem>>
        %dma_wait3A_2421 = tpu.memref_squeeze %dma_wait3A_2420 : memref<1x128xi32, #tpu.memory_space<vmem>> -> memref<128xi32, #tpu.memory_space<vmem>>
        %dma_wait3A_2422 = arith.constant 0 : i32
        %dma_wait3A_2423 = tpu.memref_slice %arg9[%dma_wait3A_2422] : memref<1024xf32, #tpu.memory_space<vmem_shared>> -> memref<1024xf32, #tpu.memory_space<vmem_shared>>
        tpu.wait_indirect_dma semaphore(%run_scoped3A_2407 : memref<!tpu.dma_semaphore, #tpu.memory_space<semaphore_mem>>) src(%dma_wait3A_2418 : memref<128xf32, #tpu.memory_space<vmem>>) dst(%dma_wait3A_2423 : memref<1024xf32, #tpu.memory_space<vmem_shared>>)
        tpu.yield
      }) : () -> ()
      %run_scoped3A_2375 = arith.constant 3 : i32
      %run_scoped3A_2376 = arith.constant 3 : i32
      "tpu.region"() ({
        %run_scoped3A_2407 = tpu.sem_alloc : memref<!tpu.dma_semaphore, #tpu.memory_space<semaphore_mem>>
        %dma_start3A_2408 = arith.constant 0 : i32
        %dma_start3A_2409 = tpu.memref_slice %arg7[%run_scoped3A_2375, %dma_start3A_2408] : memref<16x128xf32, #tpu.memory_space<vmem>> -> memref<1x128xf32, #tpu.memory_space<vmem>>
        %dma_start3A_2410 = tpu.memref_squeeze %dma_start3A_2409 : memref<1x128xf32, #tpu.memory_space<vmem>> -> memref<128xf32, #tpu.memory_space<vmem>>
        %dma_start3A_2411 = arith.constant 0 : i32
        %dma_start3A_2412 = tpu.memref_slice %arg6[%run_scoped3A_2376, %dma_start3A_2411] : memref<16x128xi32, #tpu.memory_space<vmem>> -> memref<1x128xi32, #tpu.memory_space<vmem>>
        %dma_start3A_2413 = tpu.memref_squeeze %dma_start3A_2412 : memref<1x128xi32, #tpu.memory_space<vmem>> -> memref<128xi32, #tpu.memory_space<vmem>>
        %dma_start3A_2414 = arith.constant 0 : i32
        %dma_start3A_2415 = tpu.memref_slice %arg9[%dma_start3A_2414] : memref<1024xf32, #tpu.memory_space<vmem_shared>> -> memref<1024xf32, #tpu.memory_space<vmem_shared>>
        tpu.enqueue_indirect_dma source(%dma_start3A_2410 : memref<128xf32, #tpu.memory_space<vmem>>) target(%dma_start3A_2415 : memref<1024xf32, #tpu.memory_space<vmem_shared>>) offsets(%dma_start3A_2413 : memref<128xi32, #tpu.memory_space<vmem>>) semaphore(%run_scoped3A_2407 : memref<!tpu.dma_semaphore, #tpu.memory_space<semaphore_mem>>) {add = true}
        %dma_wait3A_2416 = arith.constant 0 : i32
        %dma_wait3A_2417 = tpu.memref_slice %arg7[%run_scoped3A_2375, %dma_wait3A_2416] : memref<16x128xf32, #tpu.memory_space<vmem>> -> memref<1x128xf32, #tpu.memory_space<vmem>>
        %dma_wait3A_2418 = tpu.memref_squeeze %dma_wait3A_2417 : memref<1x128xf32, #tpu.memory_space<vmem>> -> memref<128xf32, #tpu.memory_space<vmem>>
        %dma_wait3A_2419 = arith.constant 0 : i32
        %dma_wait3A_2420 = tpu.memref_slice %arg6[%run_scoped3A_2376, %dma_wait3A_2419] : memref<16x128xi32, #tpu.memory_space<vmem>> -> memref<1x128xi32, #tpu.memory_space<vmem>>
        %dma_wait3A_2421 = tpu.memref_squeeze %dma_wait3A_2420 : memref<1x128xi32, #tpu.memory_space<vmem>> -> memref<128xi32, #tpu.memory_space<vmem>>
        %dma_wait3A_2422 = arith.constant 0 : i32
        %dma_wait3A_2423 = tpu.memref_slice %arg9[%dma_wait3A_2422] : memref<1024xf32, #tpu.memory_space<vmem_shared>> -> memref<1024xf32, #tpu.memory_space<vmem_shared>>
        tpu.wait_indirect_dma semaphore(%run_scoped3A_2407 : memref<!tpu.dma_semaphore, #tpu.memory_space<semaphore_mem>>) src(%dma_wait3A_2418 : memref<128xf32, #tpu.memory_space<vmem>>) dst(%dma_wait3A_2423 : memref<1024xf32, #tpu.memory_space<vmem_shared>>)
        tpu.yield
      }) : () -> ()
      %run_scoped3A_2377 = arith.constant 4 : i32
      %run_scoped3A_2378 = arith.constant 4 : i32
      "tpu.region"() ({
        %run_scoped3A_2407 = tpu.sem_alloc : memref<!tpu.dma_semaphore, #tpu.memory_space<semaphore_mem>>
        %dma_start3A_2408 = arith.constant 0 : i32
        %dma_start3A_2409 = tpu.memref_slice %arg7[%run_scoped3A_2377, %dma_start3A_2408] : memref<16x128xf32, #tpu.memory_space<vmem>> -> memref<1x128xf32, #tpu.memory_space<vmem>>
        %dma_start3A_2410 = tpu.memref_squeeze %dma_start3A_2409 : memref<1x128xf32, #tpu.memory_space<vmem>> -> memref<128xf32, #tpu.memory_space<vmem>>
        %dma_start3A_2411 = arith.constant 0 : i32
        %dma_start3A_2412 = tpu.memref_slice %arg6[%run_scoped3A_2378, %dma_start3A_2411] : memref<16x128xi32, #tpu.memory_space<vmem>> -> memref<1x128xi32, #tpu.memory_space<vmem>>
        %dma_start3A_2413 = tpu.memref_squeeze %dma_start3A_2412 : memref<1x128xi32, #tpu.memory_space<vmem>> -> memref<128xi32, #tpu.memory_space<vmem>>
        %dma_start3A_2414 = arith.constant 0 : i32
        %dma_start3A_2415 = tpu.memref_slice %arg9[%dma_start3A_2414] : memref<1024xf32, #tpu.memory_space<vmem_shared>> -> memref<1024xf32, #tpu.memory_space<vmem_shared>>
        tpu.enqueue_indirect_dma source(%dma_start3A_2410 : memref<128xf32, #tpu.memory_space<vmem>>) target(%dma_start3A_2415 : memref<1024xf32, #tpu.memory_space<vmem_shared>>) offsets(%dma_start3A_2413 : memref<128xi32, #tpu.memory_space<vmem>>) semaphore(%run_scoped3A_2407 : memref<!tpu.dma_semaphore, #tpu.memory_space<semaphore_mem>>) {add = true}
        %dma_wait3A_2416 = arith.constant 0 : i32
        %dma_wait3A_2417 = tpu.memref_slice %arg7[%run_scoped3A_2377, %dma_wait3A_2416] : memref<16x128xf32, #tpu.memory_space<vmem>> -> memref<1x128xf32, #tpu.memory_space<vmem>>
        %dma_wait3A_2418 = tpu.memref_squeeze %dma_wait3A_2417 : memref<1x128xf32, #tpu.memory_space<vmem>> -> memref<128xf32, #tpu.memory_space<vmem>>
        %dma_wait3A_2419 = arith.constant 0 : i32
        %dma_wait3A_2420 = tpu.memref_slice %arg6[%run_scoped3A_2378, %dma_wait3A_2419] : memref<16x128xi32, #tpu.memory_space<vmem>> -> memref<1x128xi32, #tpu.memory_space<vmem>>
        %dma_wait3A_2421 = tpu.memref_squeeze %dma_wait3A_2420 : memref<1x128xi32, #tpu.memory_space<vmem>> -> memref<128xi32, #tpu.memory_space<vmem>>
        %dma_wait3A_2422 = arith.constant 0 : i32
        %dma_wait3A_2423 = tpu.memref_slice %arg9[%dma_wait3A_2422] : memref<1024xf32, #tpu.memory_space<vmem_shared>> -> memref<1024xf32, #tpu.memory_space<vmem_shared>>
        tpu.wait_indirect_dma semaphore(%run_scoped3A_2407 : memref<!tpu.dma_semaphore, #tpu.memory_space<semaphore_mem>>) src(%dma_wait3A_2418 : memref<128xf32, #tpu.memory_space<vmem>>) dst(%dma_wait3A_2423 : memref<1024xf32, #tpu.memory_space<vmem_shared>>)
        tpu.yield
      }) : () -> ()
      %run_scoped3A_2379 = arith.constant 5 : i32
      %run_scoped3A_2380 = arith.constant 5 : i32
      "tpu.region"() ({
        %run_scoped3A_2407 = tpu.sem_alloc : memref<!tpu.dma_semaphore, #tpu.memory_space<semaphore_mem>>
        %dma_start3A_2408 = arith.constant 0 : i32
        %dma_start3A_2409 = tpu.memref_slice %arg7[%run_scoped3A_2379, %dma_start3A_2408] : memref<16x128xf32, #tpu.memory_space<vmem>> -> memref<1x128xf32, #tpu.memory_space<vmem>>
        %dma_start3A_2410 = tpu.memref_squeeze %dma_start3A_2409 : memref<1x128xf32, #tpu.memory_space<vmem>> -> memref<128xf32, #tpu.memory_space<vmem>>
        %dma_start3A_2411 = arith.constant 0 : i32
        %dma_start3A_2412 = tpu.memref_slice %arg6[%run_scoped3A_2380, %dma_start3A_2411] : memref<16x128xi32, #tpu.memory_space<vmem>> -> memref<1x128xi32, #tpu.memory_space<vmem>>
        %dma_start3A_2413 = tpu.memref_squeeze %dma_start3A_2412 : memref<1x128xi32, #tpu.memory_space<vmem>> -> memref<128xi32, #tpu.memory_space<vmem>>
        %dma_start3A_2414 = arith.constant 0 : i32
        %dma_start3A_2415 = tpu.memref_slice %arg9[%dma_start3A_2414] : memref<1024xf32, #tpu.memory_space<vmem_shared>> -> memref<1024xf32, #tpu.memory_space<vmem_shared>>
        tpu.enqueue_indirect_dma source(%dma_start3A_2410 : memref<128xf32, #tpu.memory_space<vmem>>) target(%dma_start3A_2415 : memref<1024xf32, #tpu.memory_space<vmem_shared>>) offsets(%dma_start3A_2413 : memref<128xi32, #tpu.memory_space<vmem>>) semaphore(%run_scoped3A_2407 : memref<!tpu.dma_semaphore, #tpu.memory_space<semaphore_mem>>) {add = true}
        %dma_wait3A_2416 = arith.constant 0 : i32
        %dma_wait3A_2417 = tpu.memref_slice %arg7[%run_scoped3A_2379, %dma_wait3A_2416] : memref<16x128xf32, #tpu.memory_space<vmem>> -> memref<1x128xf32, #tpu.memory_space<vmem>>
        %dma_wait3A_2418 = tpu.memref_squeeze %dma_wait3A_2417 : memref<1x128xf32, #tpu.memory_space<vmem>> -> memref<128xf32, #tpu.memory_space<vmem>>
        %dma_wait3A_2419 = arith.constant 0 : i32
        %dma_wait3A_2420 = tpu.memref_slice %arg6[%run_scoped3A_2380, %dma_wait3A_2419] : memref<16x128xi32, #tpu.memory_space<vmem>> -> memref<1x128xi32, #tpu.memory_space<vmem>>
        %dma_wait3A_2421 = tpu.memref_squeeze %dma_wait3A_2420 : memref<1x128xi32, #tpu.memory_space<vmem>> -> memref<128xi32, #tpu.memory_space<vmem>>
        %dma_wait3A_2422 = arith.constant 0 : i32
        %dma_wait3A_2423 = tpu.memref_slice %arg9[%dma_wait3A_2422] : memref<1024xf32, #tpu.memory_space<vmem_shared>> -> memref<1024xf32, #tpu.memory_space<vmem_shared>>
        tpu.wait_indirect_dma semaphore(%run_scoped3A_2407 : memref<!tpu.dma_semaphore, #tpu.memory_space<semaphore_mem>>) src(%dma_wait3A_2418 : memref<128xf32, #tpu.memory_space<vmem>>) dst(%dma_wait3A_2423 : memref<1024xf32, #tpu.memory_space<vmem_shared>>)
        tpu.yield
      }) : () -> ()
      %run_scoped3A_2381 = arith.constant 6 : i32
      %run_scoped3A_2382 = arith.constant 6 : i32
      "tpu.region"() ({
        %run_scoped3A_2407 = tpu.sem_alloc : memref<!tpu.dma_semaphore, #tpu.memory_space<semaphore_mem>>
        %dma_start3A_2408 = arith.constant 0 : i32
        %dma_start3A_2409 = tpu.memref_slice %arg7[%run_scoped3A_2381, %dma_start3A_2408] : memref<16x128xf32, #tpu.memory_space<vmem>> -> memref<1x128xf32, #tpu.memory_space<vmem>>
        %dma_start3A_2410 = tpu.memref_squeeze %dma_start3A_2409 : memref<1x128xf32, #tpu.memory_space<vmem>> -> memref<128xf32, #tpu.memory_space<vmem>>
        %dma_start3A_2411 = arith.constant 0 : i32
        %dma_start3A_2412 = tpu.memref_slice %arg6[%run_scoped3A_2382, %dma_start3A_2411] : memref<16x128xi32, #tpu.memory_space<vmem>> -> memref<1x128xi32, #tpu.memory_space<vmem>>
        %dma_start3A_2413 = tpu.memref_squeeze %dma_start3A_2412 : memref<1x128xi32, #tpu.memory_space<vmem>> -> memref<128xi32, #tpu.memory_space<vmem>>
        %dma_start3A_2414 = arith.constant 0 : i32
        %dma_start3A_2415 = tpu.memref_slice %arg9[%dma_start3A_2414] : memref<1024xf32, #tpu.memory_space<vmem_shared>> -> memref<1024xf32, #tpu.memory_space<vmem_shared>>
        tpu.enqueue_indirect_dma source(%dma_start3A_2410 : memref<128xf32, #tpu.memory_space<vmem>>) target(%dma_start3A_2415 : memref<1024xf32, #tpu.memory_space<vmem_shared>>) offsets(%dma_start3A_2413 : memref<128xi32, #tpu.memory_space<vmem>>) semaphore(%run_scoped3A_2407 : memref<!tpu.dma_semaphore, #tpu.memory_space<semaphore_mem>>) {add = true}
        %dma_wait3A_2416 = arith.constant 0 : i32
        %dma_wait3A_2417 = tpu.memref_slice %arg7[%run_scoped3A_2381, %dma_wait3A_2416] : memref<16x128xf32, #tpu.memory_space<vmem>> -> memref<1x128xf32, #tpu.memory_space<vmem>>
        %dma_wait3A_2418 = tpu.memref_squeeze %dma_wait3A_2417 : memref<1x128xf32, #tpu.memory_space<vmem>> -> memref<128xf32, #tpu.memory_space<vmem>>
        %dma_wait3A_2419 = arith.constant 0 : i32
        %dma_wait3A_2420 = tpu.memref_slice %arg6[%run_scoped3A_2382, %dma_wait3A_2419] : memref<16x128xi32, #tpu.memory_space<vmem>> -> memref<1x128xi32, #tpu.memory_space<vmem>>
        %dma_wait3A_2421 = tpu.memref_squeeze %dma_wait3A_2420 : memref<1x128xi32, #tpu.memory_space<vmem>> -> memref<128xi32, #tpu.memory_space<vmem>>
        %dma_wait3A_2422 = arith.constant 0 : i32
        %dma_wait3A_2423 = tpu.memref_slice %arg9[%dma_wait3A_2422] : memref<1024xf32, #tpu.memory_space<vmem_shared>> -> memref<1024xf32, #tpu.memory_space<vmem_shared>>
        tpu.wait_indirect_dma semaphore(%run_scoped3A_2407 : memref<!tpu.dma_semaphore, #tpu.memory_space<semaphore_mem>>) src(%dma_wait3A_2418 : memref<128xf32, #tpu.memory_space<vmem>>) dst(%dma_wait3A_2423 : memref<1024xf32, #tpu.memory_space<vmem_shared>>)
        tpu.yield
      }) : () -> ()
      %run_scoped3A_2383 = arith.constant 7 : i32
      %run_scoped3A_2384 = arith.constant 7 : i32
      "tpu.region"() ({
        %run_scoped3A_2407 = tpu.sem_alloc : memref<!tpu.dma_semaphore, #tpu.memory_space<semaphore_mem>>
        %dma_start3A_2408 = arith.constant 0 : i32
        %dma_start3A_2409 = tpu.memref_slice %arg7[%run_scoped3A_2383, %dma_start3A_2408] : memref<16x128xf32, #tpu.memory_space<vmem>> -> memref<1x128xf32, #tpu.memory_space<vmem>>
        %dma_start3A_2410 = tpu.memref_squeeze %dma_start3A_2409 : memref<1x128xf32, #tpu.memory_space<vmem>> -> memref<128xf32, #tpu.memory_space<vmem>>
        %dma_start3A_2411 = arith.constant 0 : i32
        %dma_start3A_2412 = tpu.memref_slice %arg6[%run_scoped3A_2384, %dma_start3A_2411] : memref<16x128xi32, #tpu.memory_space<vmem>> -> memref<1x128xi32, #tpu.memory_space<vmem>>
        %dma_start3A_2413 = tpu.memref_squeeze %dma_start3A_2412 : memref<1x128xi32, #tpu.memory_space<vmem>> -> memref<128xi32, #tpu.memory_space<vmem>>
        %dma_start3A_2414 = arith.constant 0 : i32
        %dma_start3A_2415 = tpu.memref_slice %arg9[%dma_start3A_2414] : memref<1024xf32, #tpu.memory_space<vmem_shared>> -> memref<1024xf32, #tpu.memory_space<vmem_shared>>
        tpu.enqueue_indirect_dma source(%dma_start3A_2410 : memref<128xf32, #tpu.memory_space<vmem>>) target(%dma_start3A_2415 : memref<1024xf32, #tpu.memory_space<vmem_shared>>) offsets(%dma_start3A_2413 : memref<128xi32, #tpu.memory_space<vmem>>) semaphore(%run_scoped3A_2407 : memref<!tpu.dma_semaphore, #tpu.memory_space<semaphore_mem>>) {add = true}
        %dma_wait3A_2416 = arith.constant 0 : i32
        %dma_wait3A_2417 = tpu.memref_slice %arg7[%run_scoped3A_2383, %dma_wait3A_2416] : memref<16x128xf32, #tpu.memory_space<vmem>> -> memref<1x128xf32, #tpu.memory_space<vmem>>
        %dma_wait3A_2418 = tpu.memref_squeeze %dma_wait3A_2417 : memref<1x128xf32, #tpu.memory_space<vmem>> -> memref<128xf32, #tpu.memory_space<vmem>>
        %dma_wait3A_2419 = arith.constant 0 : i32
        %dma_wait3A_2420 = tpu.memref_slice %arg6[%run_scoped3A_2384, %dma_wait3A_2419] : memref<16x128xi32, #tpu.memory_space<vmem>> -> memref<1x128xi32, #tpu.memory_space<vmem>>
        %dma_wait3A_2421 = tpu.memref_squeeze %dma_wait3A_2420 : memref<1x128xi32, #tpu.memory_space<vmem>> -> memref<128xi32, #tpu.memory_space<vmem>>
        %dma_wait3A_2422 = arith.constant 0 : i32
        %dma_wait3A_2423 = tpu.memref_slice %arg9[%dma_wait3A_2422] : memref<1024xf32, #tpu.memory_space<vmem_shared>> -> memref<1024xf32, #tpu.memory_space<vmem_shared>>
        tpu.wait_indirect_dma semaphore(%run_scoped3A_2407 : memref<!tpu.dma_semaphore, #tpu.memory_space<semaphore_mem>>) src(%dma_wait3A_2418 : memref<128xf32, #tpu.memory_space<vmem>>) dst(%dma_wait3A_2423 : memref<1024xf32, #tpu.memory_space<vmem_shared>>)
        tpu.yield
      }) : () -> ()
      %run_scoped3A_2385 = arith.constant 8 : i32
      %run_scoped3A_2386 = arith.constant 8 : i32
      "tpu.region"() ({
        %run_scoped3A_2407 = tpu.sem_alloc : memref<!tpu.dma_semaphore, #tpu.memory_space<semaphore_mem>>
        %dma_start3A_2408 = arith.constant 0 : i32
        %dma_start3A_2409 = tpu.memref_slice %arg7[%run_scoped3A_2385, %dma_start3A_2408] : memref<16x128xf32, #tpu.memory_space<vmem>> -> memref<1x128xf32, #tpu.memory_space<vmem>>
        %dma_start3A_2410 = tpu.memref_squeeze %dma_start3A_2409 : memref<1x128xf32, #tpu.memory_space<vmem>> -> memref<128xf32, #tpu.memory_space<vmem>>
        %dma_start3A_2411 = arith.constant 0 : i32
        %dma_start3A_2412 = tpu.memref_slice %arg6[%run_scoped3A_2386, %dma_start3A_2411] : memref<16x128xi32, #tpu.memory_space<vmem>> -> memref<1x128xi32, #tpu.memory_space<vmem>>
        %dma_start3A_2413 = tpu.memref_squeeze %dma_start3A_2412 : memref<1x128xi32, #tpu.memory_space<vmem>> -> memref<128xi32, #tpu.memory_space<vmem>>
        %dma_start3A_2414 = arith.constant 0 : i32
        %dma_start3A_2415 = tpu.memref_slice %arg9[%dma_start3A_2414] : memref<1024xf32, #tpu.memory_space<vmem_shared>> -> memref<1024xf32, #tpu.memory_space<vmem_shared>>
        tpu.enqueue_indirect_dma source(%dma_start3A_2410 : memref<128xf32, #tpu.memory_space<vmem>>) target(%dma_start3A_2415 : memref<1024xf32, #tpu.memory_space<vmem_shared>>) offsets(%dma_start3A_2413 : memref<128xi32, #tpu.memory_space<vmem>>) semaphore(%run_scoped3A_2407 : memref<!tpu.dma_semaphore, #tpu.memory_space<semaphore_mem>>) {add = true}
        %dma_wait3A_2416 = arith.constant 0 : i32
        %dma_wait3A_2417 = tpu.memref_slice %arg7[%run_scoped3A_2385, %dma_wait3A_2416] : memref<16x128xf32, #tpu.memory_space<vmem>> -> memref<1x128xf32, #tpu.memory_space<vmem>>
        %dma_wait3A_2418 = tpu.memref_squeeze %dma_wait3A_2417 : memref<1x128xf32, #tpu.memory_space<vmem>> -> memref<128xf32, #tpu.memory_space<vmem>>
        %dma_wait3A_2419 = arith.constant 0 : i32
        %dma_wait3A_2420 = tpu.memref_slice %arg6[%run_scoped3A_2386, %dma_wait3A_2419] : memref<16x128xi32, #tpu.memory_space<vmem>> -> memref<1x128xi32, #tpu.memory_space<vmem>>
        %dma_wait3A_2421 = tpu.memref_squeeze %dma_wait3A_2420 : memref<1x128xi32, #tpu.memory_space<vmem>> -> memref<128xi32, #tpu.memory_space<vmem>>
        %dma_wait3A_2422 = arith.constant 0 : i32
        %dma_wait3A_2423 = tpu.memref_slice %arg9[%dma_wait3A_2422] : memref<1024xf32, #tpu.memory_space<vmem_shared>> -> memref<1024xf32, #tpu.memory_space<vmem_shared>>
        tpu.wait_indirect_dma semaphore(%run_scoped3A_2407 : memref<!tpu.dma_semaphore, #tpu.memory_space<semaphore_mem>>) src(%dma_wait3A_2418 : memref<128xf32, #tpu.memory_space<vmem>>) dst(%dma_wait3A_2423 : memref<1024xf32, #tpu.memory_space<vmem_shared>>)
        tpu.yield
      }) : () -> ()
      %run_scoped3A_2387 = arith.constant 9 : i32
      %run_scoped3A_2388 = arith.constant 9 : i32
      "tpu.region"() ({
        %run_scoped3A_2407 = tpu.sem_alloc : memref<!tpu.dma_semaphore, #tpu.memory_space<semaphore_mem>>
        %dma_start3A_2408 = arith.constant 0 : i32
        %dma_start3A_2409 = tpu.memref_slice %arg7[%run_scoped3A_2387, %dma_start3A_2408] : memref<16x128xf32, #tpu.memory_space<vmem>> -> memref<1x128xf32, #tpu.memory_space<vmem>>
        %dma_start3A_2410 = tpu.memref_squeeze %dma_start3A_2409 : memref<1x128xf32, #tpu.memory_space<vmem>> -> memref<128xf32, #tpu.memory_space<vmem>>
        %dma_start3A_2411 = arith.constant 0 : i32
        %dma_start3A_2412 = tpu.memref_slice %arg6[%run_scoped3A_2388, %dma_start3A_2411] : memref<16x128xi32, #tpu.memory_space<vmem>> -> memref<1x128xi32, #tpu.memory_space<vmem>>
        %dma_start3A_2413 = tpu.memref_squeeze %dma_start3A_2412 : memref<1x128xi32, #tpu.memory_space<vmem>> -> memref<128xi32, #tpu.memory_space<vmem>>
        %dma_start3A_2414 = arith.constant 0 : i32
        %dma_start3A_2415 = tpu.memref_slice %arg9[%dma_start3A_2414] : memref<1024xf32, #tpu.memory_space<vmem_shared>> -> memref<1024xf32, #tpu.memory_space<vmem_shared>>
        tpu.enqueue_indirect_dma source(%dma_start3A_2410 : memref<128xf32, #tpu.memory_space<vmem>>) target(%dma_start3A_2415 : memref<1024xf32, #tpu.memory_space<vmem_shared>>) offsets(%dma_start3A_2413 : memref<128xi32, #tpu.memory_space<vmem>>) semaphore(%run_scoped3A_2407 : memref<!tpu.dma_semaphore, #tpu.memory_space<semaphore_mem>>) {add = true}
        %dma_wait3A_2416 = arith.constant 0 : i32
        %dma_wait3A_2417 = tpu.memref_slice %arg7[%run_scoped3A_2387, %dma_wait3A_2416] : memref<16x128xf32, #tpu.memory_space<vmem>> -> memref<1x128xf32, #tpu.memory_space<vmem>>
        %dma_wait3A_2418 = tpu.memref_squeeze %dma_wait3A_2417 : memref<1x128xf32, #tpu.memory_space<vmem>> -> memref<128xf32, #tpu.memory_space<vmem>>
        %dma_wait3A_2419 = arith.constant 0 : i32
        %dma_wait3A_2420 = tpu.memref_slice %arg6[%run_scoped3A_2388, %dma_wait3A_2419] : memref<16x128xi32, #tpu.memory_space<vmem>> -> memref<1x128xi32, #tpu.memory_space<vmem>>
        %dma_wait3A_2421 = tpu.memref_squeeze %dma_wait3A_2420 : memref<1x128xi32, #tpu.memory_space<vmem>> -> memref<128xi32, #tpu.memory_space<vmem>>
        %dma_wait3A_2422 = arith.constant 0 : i32
        %dma_wait3A_2423 = tpu.memref_slice %arg9[%dma_wait3A_2422] : memref<1024xf32, #tpu.memory_space<vmem_shared>> -> memref<1024xf32, #tpu.memory_space<vmem_shared>>
        tpu.wait_indirect_dma semaphore(%run_scoped3A_2407 : memref<!tpu.dma_semaphore, #tpu.memory_space<semaphore_mem>>) src(%dma_wait3A_2418 : memref<128xf32, #tpu.memory_space<vmem>>) dst(%dma_wait3A_2423 : memref<1024xf32, #tpu.memory_space<vmem_shared>>)
        tpu.yield
      }) : () -> ()
      %run_scoped3A_2389 = arith.constant 10 : i32
      %run_scoped3A_2390 = arith.constant 10 : i32
      "tpu.region"() ({
        %run_scoped3A_2407 = tpu.sem_alloc : memref<!tpu.dma_semaphore, #tpu.memory_space<semaphore_mem>>
        %dma_start3A_2408 = arith.constant 0 : i32
        %dma_start3A_2409 = tpu.memref_slice %arg7[%run_scoped3A_2389, %dma_start3A_2408] : memref<16x128xf32, #tpu.memory_space<vmem>> -> memref<1x128xf32, #tpu.memory_space<vmem>>
        %dma_start3A_2410 = tpu.memref_squeeze %dma_start3A_2409 : memref<1x128xf32, #tpu.memory_space<vmem>> -> memref<128xf32, #tpu.memory_space<vmem>>
        %dma_start3A_2411 = arith.constant 0 : i32
        %dma_start3A_2412 = tpu.memref_slice %arg6[%run_scoped3A_2390, %dma_start3A_2411] : memref<16x128xi32, #tpu.memory_space<vmem>> -> memref<1x128xi32, #tpu.memory_space<vmem>>
        %dma_start3A_2413 = tpu.memref_squeeze %dma_start3A_2412 : memref<1x128xi32, #tpu.memory_space<vmem>> -> memref<128xi32, #tpu.memory_space<vmem>>
        %dma_start3A_2414 = arith.constant 0 : i32
        %dma_start3A_2415 = tpu.memref_slice %arg9[%dma_start3A_2414] : memref<1024xf32, #tpu.memory_space<vmem_shared>> -> memref<1024xf32, #tpu.memory_space<vmem_shared>>
        tpu.enqueue_indirect_dma source(%dma_start3A_2410 : memref<128xf32, #tpu.memory_space<vmem>>) target(%dma_start3A_2415 : memref<1024xf32, #tpu.memory_space<vmem_shared>>) offsets(%dma_start3A_2413 : memref<128xi32, #tpu.memory_space<vmem>>) semaphore(%run_scoped3A_2407 : memref<!tpu.dma_semaphore, #tpu.memory_space<semaphore_mem>>) {add = true}
        %dma_wait3A_2416 = arith.constant 0 : i32
        %dma_wait3A_2417 = tpu.memref_slice %arg7[%run_scoped3A_2389, %dma_wait3A_2416] : memref<16x128xf32, #tpu.memory_space<vmem>> -> memref<1x128xf32, #tpu.memory_space<vmem>>
        %dma_wait3A_2418 = tpu.memref_squeeze %dma_wait3A_2417 : memref<1x128xf32, #tpu.memory_space<vmem>> -> memref<128xf32, #tpu.memory_space<vmem>>
        %dma_wait3A_2419 = arith.constant 0 : i32
        %dma_wait3A_2420 = tpu.memref_slice %arg6[%run_scoped3A_2390, %dma_wait3A_2419] : memref<16x128xi32, #tpu.memory_space<vmem>> -> memref<1x128xi32, #tpu.memory_space<vmem>>
        %dma_wait3A_2421 = tpu.memref_squeeze %dma_wait3A_2420 : memref<1x128xi32, #tpu.memory_space<vmem>> -> memref<128xi32, #tpu.memory_space<vmem>>
        %dma_wait3A_2422 = arith.constant 0 : i32
        %dma_wait3A_2423 = tpu.memref_slice %arg9[%dma_wait3A_2422] : memref<1024xf32, #tpu.memory_space<vmem_shared>> -> memref<1024xf32, #tpu.memory_space<vmem_shared>>
        tpu.wait_indirect_dma semaphore(%run_scoped3A_2407 : memref<!tpu.dma_semaphore, #tpu.memory_space<semaphore_mem>>) src(%dma_wait3A_2418 : memref<128xf32, #tpu.memory_space<vmem>>) dst(%dma_wait3A_2423 : memref<1024xf32, #tpu.memory_space<vmem_shared>>)
        tpu.yield
      }) : () -> ()
      %run_scoped3A_2391 = arith.constant 11 : i32
      %run_scoped3A_2392 = arith.constant 11 : i32
      "tpu.region"() ({
        %run_scoped3A_2407 = tpu.sem_alloc : memref<!tpu.dma_semaphore, #tpu.memory_space<semaphore_mem>>
        %dma_start3A_2408 = arith.constant 0 : i32
        %dma_start3A_2409 = tpu.memref_slice %arg7[%run_scoped3A_2391, %dma_start3A_2408] : memref<16x128xf32, #tpu.memory_space<vmem>> -> memref<1x128xf32, #tpu.memory_space<vmem>>
        %dma_start3A_2410 = tpu.memref_squeeze %dma_start3A_2409 : memref<1x128xf32, #tpu.memory_space<vmem>> -> memref<128xf32, #tpu.memory_space<vmem>>
        %dma_start3A_2411 = arith.constant 0 : i32
        %dma_start3A_2412 = tpu.memref_slice %arg6[%run_scoped3A_2392, %dma_start3A_2411] : memref<16x128xi32, #tpu.memory_space<vmem>> -> memref<1x128xi32, #tpu.memory_space<vmem>>
        %dma_start3A_2413 = tpu.memref_squeeze %dma_start3A_2412 : memref<1x128xi32, #tpu.memory_space<vmem>> -> memref<128xi32, #tpu.memory_space<vmem>>
        %dma_start3A_2414 = arith.constant 0 : i32
        %dma_start3A_2415 = tpu.memref_slice %arg9[%dma_start3A_2414] : memref<1024xf32, #tpu.memory_space<vmem_shared>> -> memref<1024xf32, #tpu.memory_space<vmem_shared>>
        tpu.enqueue_indirect_dma source(%dma_start3A_2410 : memref<128xf32, #tpu.memory_space<vmem>>) target(%dma_start3A_2415 : memref<1024xf32, #tpu.memory_space<vmem_shared>>) offsets(%dma_start3A_2413 : memref<128xi32, #tpu.memory_space<vmem>>) semaphore(%run_scoped3A_2407 : memref<!tpu.dma_semaphore, #tpu.memory_space<semaphore_mem>>) {add = true}
        %dma_wait3A_2416 = arith.constant 0 : i32
        %dma_wait3A_2417 = tpu.memref_slice %arg7[%run_scoped3A_2391, %dma_wait3A_2416] : memref<16x128xf32, #tpu.memory_space<vmem>> -> memref<1x128xf32, #tpu.memory_space<vmem>>
        %dma_wait3A_2418 = tpu.memref_squeeze %dma_wait3A_2417 : memref<1x128xf32, #tpu.memory_space<vmem>> -> memref<128xf32, #tpu.memory_space<vmem>>
        %dma_wait3A_2419 = arith.constant 0 : i32
        %dma_wait3A_2420 = tpu.memref_slice %arg6[%run_scoped3A_2392, %dma_wait3A_2419] : memref<16x128xi32, #tpu.memory_space<vmem>> -> memref<1x128xi32, #tpu.memory_space<vmem>>
        %dma_wait3A_2421 = tpu.memref_squeeze %dma_wait3A_2420 : memref<1x128xi32, #tpu.memory_space<vmem>> -> memref<128xi32, #tpu.memory_space<vmem>>
        %dma_wait3A_2422 = arith.constant 0 : i32
        %dma_wait3A_2423 = tpu.memref_slice %arg9[%dma_wait3A_2422] : memref<1024xf32, #tpu.memory_space<vmem_shared>> -> memref<1024xf32, #tpu.memory_space<vmem_shared>>
        tpu.wait_indirect_dma semaphore(%run_scoped3A_2407 : memref<!tpu.dma_semaphore, #tpu.memory_space<semaphore_mem>>) src(%dma_wait3A_2418 : memref<128xf32, #tpu.memory_space<vmem>>) dst(%dma_wait3A_2423 : memref<1024xf32, #tpu.memory_space<vmem_shared>>)
        tpu.yield
      }) : () -> ()
      %run_scoped3A_2393 = arith.constant 12 : i32
      %run_scoped3A_2394 = arith.constant 12 : i32
      "tpu.region"() ({
        %run_scoped3A_2407 = tpu.sem_alloc : memref<!tpu.dma_semaphore, #tpu.memory_space<semaphore_mem>>
        %dma_start3A_2408 = arith.constant 0 : i32
        %dma_start3A_2409 = tpu.memref_slice %arg7[%run_scoped3A_2393, %dma_start3A_2408] : memref<16x128xf32, #tpu.memory_space<vmem>> -> memref<1x128xf32, #tpu.memory_space<vmem>>
        %dma_start3A_2410 = tpu.memref_squeeze %dma_start3A_2409 : memref<1x128xf32, #tpu.memory_space<vmem>> -> memref<128xf32, #tpu.memory_space<vmem>>
        %dma_start3A_2411 = arith.constant 0 : i32
        %dma_start3A_2412 = tpu.memref_slice %arg6[%run_scoped3A_2394, %dma_start3A_2411] : memref<16x128xi32, #tpu.memory_space<vmem>> -> memref<1x128xi32, #tpu.memory_space<vmem>>
        %dma_start3A_2413 = tpu.memref_squeeze %dma_start3A_2412 : memref<1x128xi32, #tpu.memory_space<vmem>> -> memref<128xi32, #tpu.memory_space<vmem>>
        %dma_start3A_2414 = arith.constant 0 : i32
        %dma_start3A_2415 = tpu.memref_slice %arg9[%dma_start3A_2414] : memref<1024xf32, #tpu.memory_space<vmem_shared>> -> memref<1024xf32, #tpu.memory_space<vmem_shared>>
        tpu.enqueue_indirect_dma source(%dma_start3A_2410 : memref<128xf32, #tpu.memory_space<vmem>>) target(%dma_start3A_2415 : memref<1024xf32, #tpu.memory_space<vmem_shared>>) offsets(%dma_start3A_2413 : memref<128xi32, #tpu.memory_space<vmem>>) semaphore(%run_scoped3A_2407 : memref<!tpu.dma_semaphore, #tpu.memory_space<semaphore_mem>>) {add = true}
        %dma_wait3A_2416 = arith.constant 0 : i32
        %dma_wait3A_2417 = tpu.memref_slice %arg7[%run_scoped3A_2393, %dma_wait3A_2416] : memref<16x128xf32, #tpu.memory_space<vmem>> -> memref<1x128xf32, #tpu.memory_space<vmem>>
        %dma_wait3A_2418 = tpu.memref_squeeze %dma_wait3A_2417 : memref<1x128xf32, #tpu.memory_space<vmem>> -> memref<128xf32, #tpu.memory_space<vmem>>
        %dma_wait3A_2419 = arith.constant 0 : i32
        %dma_wait3A_2420 = tpu.memref_slice %arg6[%run_scoped3A_2394, %dma_wait3A_2419] : memref<16x128xi32, #tpu.memory_space<vmem>> -> memref<1x128xi32, #tpu.memory_space<vmem>>
        %dma_wait3A_2421 = tpu.memref_squeeze %dma_wait3A_2420 : memref<1x128xi32, #tpu.memory_space<vmem>> -> memref<128xi32, #tpu.memory_space<vmem>>
        %dma_wait3A_2422 = arith.constant 0 : i32
        %dma_wait3A_2423 = tpu.memref_slice %arg9[%dma_wait3A_2422] : memref<1024xf32, #tpu.memory_space<vmem_shared>> -> memref<1024xf32, #tpu.memory_space<vmem_shared>>
        tpu.wait_indirect_dma semaphore(%run_scoped3A_2407 : memref<!tpu.dma_semaphore, #tpu.memory_space<semaphore_mem>>) src(%dma_wait3A_2418 : memref<128xf32, #tpu.memory_space<vmem>>) dst(%dma_wait3A_2423 : memref<1024xf32, #tpu.memory_space<vmem_shared>>)
        tpu.yield
      }) : () -> ()
      %run_scoped3A_2395 = arith.constant 13 : i32
      %run_scoped3A_2396 = arith.constant 13 : i32
      "tpu.region"() ({
        %run_scoped3A_2407 = tpu.sem_alloc : memref<!tpu.dma_semaphore, #tpu.memory_space<semaphore_mem>>
        %dma_start3A_2408 = arith.constant 0 : i32
        %dma_start3A_2409 = tpu.memref_slice %arg7[%run_scoped3A_2395, %dma_start3A_2408] : memref<16x128xf32, #tpu.memory_space<vmem>> -> memref<1x128xf32, #tpu.memory_space<vmem>>
        %dma_start3A_2410 = tpu.memref_squeeze %dma_start3A_2409 : memref<1x128xf32, #tpu.memory_space<vmem>> -> memref<128xf32, #tpu.memory_space<vmem>>
        %dma_start3A_2411 = arith.constant 0 : i32
        %dma_start3A_2412 = tpu.memref_slice %arg6[%run_scoped3A_2396, %dma_start3A_2411] : memref<16x128xi32, #tpu.memory_space<vmem>> -> memref<1x128xi32, #tpu.memory_space<vmem>>
        %dma_start3A_2413 = tpu.memref_squeeze %dma_start3A_2412 : memref<1x128xi32, #tpu.memory_space<vmem>> -> memref<128xi32, #tpu.memory_space<vmem>>
        %dma_start3A_2414 = arith.constant 0 : i32
        %dma_start3A_2415 = tpu.memref_slice %arg9[%dma_start3A_2414] : memref<1024xf32, #tpu.memory_space<vmem_shared>> -> memref<1024xf32, #tpu.memory_space<vmem_shared>>
        tpu.enqueue_indirect_dma source(%dma_start3A_2410 : memref<128xf32, #tpu.memory_space<vmem>>) target(%dma_start3A_2415 : memref<1024xf32, #tpu.memory_space<vmem_shared>>) offsets(%dma_start3A_2413 : memref<128xi32, #tpu.memory_space<vmem>>) semaphore(%run_scoped3A_2407 : memref<!tpu.dma_semaphore, #tpu.memory_space<semaphore_mem>>) {add = true}
        %dma_wait3A_2416 = arith.constant 0 : i32
        %dma_wait3A_2417 = tpu.memref_slice %arg7[%run_scoped3A_2395, %dma_wait3A_2416] : memref<16x128xf32, #tpu.memory_space<vmem>> -> memref<1x128xf32, #tpu.memory_space<vmem>>
        %dma_wait3A_2418 = tpu.memref_squeeze %dma_wait3A_2417 : memref<1x128xf32, #tpu.memory_space<vmem>> -> memref<128xf32, #tpu.memory_space<vmem>>
        %dma_wait3A_2419 = arith.constant 0 : i32
        %dma_wait3A_2420 = tpu.memref_slice %arg6[%run_scoped3A_2396, %dma_wait3A_2419] : memref<16x128xi32, #tpu.memory_space<vmem>> -> memref<1x128xi32, #tpu.memory_space<vmem>>
        %dma_wait3A_2421 = tpu.memref_squeeze %dma_wait3A_2420 : memref<1x128xi32, #tpu.memory_space<vmem>> -> memref<128xi32, #tpu.memory_space<vmem>>
        %dma_wait3A_2422 = arith.constant 0 : i32
        %dma_wait3A_2423 = tpu.memref_slice %arg9[%dma_wait3A_2422] : memref<1024xf32, #tpu.memory_space<vmem_shared>> -> memref<1024xf32, #tpu.memory_space<vmem_shared>>
        tpu.wait_indirect_dma semaphore(%run_scoped3A_2407 : memref<!tpu.dma_semaphore, #tpu.memory_space<semaphore_mem>>) src(%dma_wait3A_2418 : memref<128xf32, #tpu.memory_space<vmem>>) dst(%dma_wait3A_2423 : memref<1024xf32, #tpu.memory_space<vmem_shared>>)
        tpu.yield
      }) : () -> ()
      %run_scoped3A_2397 = arith.constant 14 : i32
      %run_scoped3A_2398 = arith.constant 14 : i32
      "tpu.region"() ({
        %run_scoped3A_2407 = tpu.sem_alloc : memref<!tpu.dma_semaphore, #tpu.memory_space<semaphore_mem>>
        %dma_start3A_2408 = arith.constant 0 : i32
        %dma_start3A_2409 = tpu.memref_slice %arg7[%run_scoped3A_2397, %dma_start3A_2408] : memref<16x128xf32, #tpu.memory_space<vmem>> -> memref<1x128xf32, #tpu.memory_space<vmem>>
        %dma_start3A_2410 = tpu.memref_squeeze %dma_start3A_2409 : memref<1x128xf32, #tpu.memory_space<vmem>> -> memref<128xf32, #tpu.memory_space<vmem>>
        %dma_start3A_2411 = arith.constant 0 : i32
        %dma_start3A_2412 = tpu.memref_slice %arg6[%run_scoped3A_2398, %dma_start3A_2411] : memref<16x128xi32, #tpu.memory_space<vmem>> -> memref<1x128xi32, #tpu.memory_space<vmem>>
        %dma_start3A_2413 = tpu.memref_squeeze %dma_start3A_2412 : memref<1x128xi32, #tpu.memory_space<vmem>> -> memref<128xi32, #tpu.memory_space<vmem>>
        %dma_start3A_2414 = arith.constant 0 : i32
        %dma_start3A_2415 = tpu.memref_slice %arg9[%dma_start3A_2414] : memref<1024xf32, #tpu.memory_space<vmem_shared>> -> memref<1024xf32, #tpu.memory_space<vmem_shared>>
        tpu.enqueue_indirect_dma source(%dma_start3A_2410 : memref<128xf32, #tpu.memory_space<vmem>>) target(%dma_start3A_2415 : memref<1024xf32, #tpu.memory_space<vmem_shared>>) offsets(%dma_start3A_2413 : memref<128xi32, #tpu.memory_space<vmem>>) semaphore(%run_scoped3A_2407 : memref<!tpu.dma_semaphore, #tpu.memory_space<semaphore_mem>>) {add = true}
        %dma_wait3A_2416 = arith.constant 0 : i32
        %dma_wait3A_2417 = tpu.memref_slice %arg7[%run_scoped3A_2397, %dma_wait3A_2416] : memref<16x128xf32, #tpu.memory_space<vmem>> -> memref<1x128xf32, #tpu.memory_space<vmem>>
        %dma_wait3A_2418 = tpu.memref_squeeze %dma_wait3A_2417 : memref<1x128xf32, #tpu.memory_space<vmem>> -> memref<128xf32, #tpu.memory_space<vmem>>
        %dma_wait3A_2419 = arith.constant 0 : i32
        %dma_wait3A_2420 = tpu.memref_slice %arg6[%run_scoped3A_2398, %dma_wait3A_2419] : memref<16x128xi32, #tpu.memory_space<vmem>> -> memref<1x128xi32, #tpu.memory_space<vmem>>
        %dma_wait3A_2421 = tpu.memref_squeeze %dma_wait3A_2420 : memref<1x128xi32, #tpu.memory_space<vmem>> -> memref<128xi32, #tpu.memory_space<vmem>>
        %dma_wait3A_2422 = arith.constant 0 : i32
        %dma_wait3A_2423 = tpu.memref_slice %arg9[%dma_wait3A_2422] : memref<1024xf32, #tpu.memory_space<vmem_shared>> -> memref<1024xf32, #tpu.memory_space<vmem_shared>>
        tpu.wait_indirect_dma semaphore(%run_scoped3A_2407 : memref<!tpu.dma_semaphore, #tpu.memory_space<semaphore_mem>>) src(%dma_wait3A_2418 : memref<128xf32, #tpu.memory_space<vmem>>) dst(%dma_wait3A_2423 : memref<1024xf32, #tpu.memory_space<vmem_shared>>)
        tpu.yield
      }) : () -> ()
      %run_scoped3A_2399 = arith.constant 15 : i32
      %run_scoped3A_2400 = arith.constant 15 : i32
      "tpu.region"() ({
        %run_scoped3A_2407 = tpu.sem_alloc : memref<!tpu.dma_semaphore, #tpu.memory_space<semaphore_mem>>
        %dma_start3A_2408 = arith.constant 0 : i32
        %dma_start3A_2409 = tpu.memref_slice %arg7[%run_scoped3A_2399, %dma_start3A_2408] : memref<16x128xf32, #tpu.memory_space<vmem>> -> memref<1x128xf32, #tpu.memory_space<vmem>>
        %dma_start3A_2410 = tpu.memref_squeeze %dma_start3A_2409 : memref<1x128xf32, #tpu.memory_space<vmem>> -> memref<128xf32, #tpu.memory_space<vmem>>
        %dma_start3A_2411 = arith.constant 0 : i32
        %dma_start3A_2412 = tpu.memref_slice %arg6[%run_scoped3A_2400, %dma_start3A_2411] : memref<16x128xi32, #tpu.memory_space<vmem>> -> memref<1x128xi32, #tpu.memory_space<vmem>>
        %dma_start3A_2413 = tpu.memref_squeeze %dma_start3A_2412 : memref<1x128xi32, #tpu.memory_space<vmem>> -> memref<128xi32, #tpu.memory_space<vmem>>
        %dma_start3A_2414 = arith.constant 0 : i32
        %dma_start3A_2415 = tpu.memref_slice %arg9[%dma_start3A_2414] : memref<1024xf32, #tpu.memory_space<vmem_shared>> -> memref<1024xf32, #tpu.memory_space<vmem_shared>>
        tpu.enqueue_indirect_dma source(%dma_start3A_2410 : memref<128xf32, #tpu.memory_space<vmem>>) target(%dma_start3A_2415 : memref<1024xf32, #tpu.memory_space<vmem_shared>>) offsets(%dma_start3A_2413 : memref<128xi32, #tpu.memory_space<vmem>>) semaphore(%run_scoped3A_2407 : memref<!tpu.dma_semaphore, #tpu.memory_space<semaphore_mem>>) {add = true}
        %dma_wait3A_2416 = arith.constant 0 : i32
        %dma_wait3A_2417 = tpu.memref_slice %arg7[%run_scoped3A_2399, %dma_wait3A_2416] : memref<16x128xf32, #tpu.memory_space<vmem>> -> memref<1x128xf32, #tpu.memory_space<vmem>>
        %dma_wait3A_2418 = tpu.memref_squeeze %dma_wait3A_2417 : memref<1x128xf32, #tpu.memory_space<vmem>> -> memref<128xf32, #tpu.memory_space<vmem>>
        %dma_wait3A_2419 = arith.constant 0 : i32
        %dma_wait3A_2420 = tpu.memref_slice %arg6[%run_scoped3A_2400, %dma_wait3A_2419] : memref<16x128xi32, #tpu.memory_space<vmem>> -> memref<1x128xi32, #tpu.memory_space<vmem>>
        %dma_wait3A_2421 = tpu.memref_squeeze %dma_wait3A_2420 : memref<1x128xi32, #tpu.memory_space<vmem>> -> memref<128xi32, #tpu.memory_space<vmem>>
        %dma_wait3A_2422 = arith.constant 0 : i32
        %dma_wait3A_2423 = tpu.memref_slice %arg9[%dma_wait3A_2422] : memref<1024xf32, #tpu.memory_space<vmem_shared>> -> memref<1024xf32, #tpu.memory_space<vmem_shared>>
        tpu.wait_indirect_dma semaphore(%run_scoped3A_2407 : memref<!tpu.dma_semaphore, #tpu.memory_space<semaphore_mem>>) src(%dma_wait3A_2418 : memref<128xf32, #tpu.memory_space<vmem>>) dst(%dma_wait3A_2423 : memref<1024xf32, #tpu.memory_space<vmem_shared>>)
        tpu.yield
      }) : () -> ()
      %barrier3A_2401 = arith.constant 0 : index
      tpu.barrier barrier_id(%barrier3A_2401)
      %eq3A_2402 = arith.constant 0 : i32
      %eq3A_2403 = arith.cmpi eq, %arg1, %eq3A_2402 : i32
      %convert_element_type3A_2404 = arith.extui %eq3A_2403 : i1 to i32
      %cond3A_2405 = arith.constant 0 : i32
      %cond3A_2406 = arith.cmpi ne, %convert_element_type3A_2404, %cond3A_2405 : i32
      scf.if %cond3A_2406 {
        "tpu.region"() ({
          %run_scoped3A_2407 = tpu.sem_alloc : memref<!tpu.dma_semaphore, #tpu.memory_space<semaphore_mem>>
          tpu.enqueue_dma source(%arg9 : memref<1024xf32, #tpu.memory_space<vmem_shared>>) target(%arg4 : memref<1024xf32, #tpu.memory_space<hbm>>) target_semaphore(%run_scoped3A_2407 : memref<!tpu.dma_semaphore, #tpu.memory_space<semaphore_mem>>)
          tpu.wait_dma2 semaphore(%run_scoped3A_2407 : memref<!tpu.dma_semaphore, #tpu.memory_space<semaphore_mem>>) src(%arg9 : memref<1024xf32, #tpu.memory_space<vmem_shared>>) dst(%arg4 : memref<1024xf32, #tpu.memory_space<hbm>>)
          tpu.yield
        }) : () -> ()
      } else {
      }
    } else {
    }
    return
  }
}

#map = affine_map<(d0, d1) -> (0, 0)>
#map1 = affine_map<(d0, d1) -> (0, 0, 0)>
module attributes {stable_mosaic.version = 14 : i64} {
  func.func @_sc_scatter_body(%arg0: i32, %arg1: i32, %arg2: memref<32768x384xf32, #tpu.memory_space<hbm>>, %arg3: memref<32x8x128xi32, #tpu.memory_space<hbm>>, %arg4: memref<40960x384xf32, #tpu.memory_space<hbm>>, %arg5: memref<8x128xi32, #tpu.memory_space<vmem>>, %arg6: memref<128x384xf32, #tpu.memory_space<vmem>>, %arg7: memref<128x384xf32, #tpu.memory_space<vmem>>, %arg8: memref<!tpu.dma_semaphore, #tpu.memory_space<semaphore_mem>>, %arg9: memref<!tpu.dma_semaphore, #tpu.memory_space<semaphore_mem>>) attributes {dimension_semantics = [#tpu.dimension_semantics<core_parallel>, #tpu.dimension_semantics<subcore_parallel>], iteration_bounds = array<i64: 2, 16>, scalar_prefetch = 0 : i64, scratch_operands = 5 : i64, tpu.core_type = #tpu.core_type<sc_vector_subcore>, window_params = [{transform_indices = #map}, {transform_indices = #map1}, {transform_indices = #map}]} {
    %mul3A = arith.constant 2 : i32
    %mul3A_0 = arith.muli %arg1, %mul3A : i32
    %add3A = arith.addi %mul3A_0, %arg0 : i32
    %mul3A_1 = arith.constant 1024 : i32
    %mul3A_2 = arith.muli %add3A, %mul3A_1 : i32
    "tpu.region"() ({
      %run_scoped3A = tpu.sem_alloc : memref<!tpu.dma_semaphore, #tpu.memory_space<semaphore_mem>>
      %dma_start3A_193 = arith.constant 0 : i32
      %dma_start3A_194 = arith.constant 0 : i32
      %dma_start3A_195 = tpu.memref_slice %arg3[%add3A, %dma_start3A_193, %dma_start3A_194] : memref<32x8x128xi32, #tpu.memory_space<hbm>> -> memref<1x8x128xi32, #tpu.memory_space<hbm>>
      %dma_start3A_196 = tpu.memref_squeeze %dma_start3A_195 : memref<1x8x128xi32, #tpu.memory_space<hbm>> -> memref<8x128xi32, #tpu.memory_space<hbm>>
      %dma_start3A_197 = arith.constant 0 : i32
      %dma_start3A_198 = arith.constant 0 : i32
      %dma_start3A_199 = tpu.memref_slice %arg3[%add3A, %dma_start3A_197, %dma_start3A_198] : memref<32x8x128xi32, #tpu.memory_space<hbm>> -> memref<1x8x128xi32, #tpu.memory_space<hbm>>
      %dma_start3A_200 = tpu.memref_squeeze %dma_start3A_199 : memref<1x8x128xi32, #tpu.memory_space<hbm>> -> memref<8x128xi32, #tpu.memory_space<hbm>>
      tpu.enqueue_dma source(%dma_start3A_200 : memref<8x128xi32, #tpu.memory_space<hbm>>) target(%arg5 : memref<8x128xi32, #tpu.memory_space<vmem>>) target_semaphore(%run_scoped3A : memref<!tpu.dma_semaphore, #tpu.memory_space<semaphore_mem>>)
      %dma_wait3A_201 = arith.constant 0 : i32
      %dma_wait3A_202 = arith.constant 0 : i32
      %dma_wait3A_203 = tpu.memref_slice %arg3[%add3A, %dma_wait3A_201, %dma_wait3A_202] : memref<32x8x128xi32, #tpu.memory_space<hbm>> -> memref<1x8x128xi32, #tpu.memory_space<hbm>>
      %dma_wait3A_204 = tpu.memref_squeeze %dma_wait3A_203 : memref<1x8x128xi32, #tpu.memory_space<hbm>> -> memref<8x128xi32, #tpu.memory_space<hbm>>
      %dma_wait3A_205 = arith.constant 0 : i32
      %dma_wait3A_206 = arith.constant 0 : i32
      %dma_wait3A_207 = tpu.memref_slice %arg3[%add3A, %dma_wait3A_205, %dma_wait3A_206] : memref<32x8x128xi32, #tpu.memory_space<hbm>> -> memref<1x8x128xi32, #tpu.memory_space<hbm>>
      %dma_wait3A_208 = tpu.memref_squeeze %dma_wait3A_207 : memref<1x8x128xi32, #tpu.memory_space<hbm>> -> memref<8x128xi32, #tpu.memory_space<hbm>>
      tpu.wait_dma2 semaphore(%run_scoped3A : memref<!tpu.dma_semaphore, #tpu.memory_space<semaphore_mem>>) src(%dma_wait3A_208 : memref<8x128xi32, #tpu.memory_space<hbm>>) dst(%arg5 : memref<8x128xi32, #tpu.memory_space<vmem>>)
      tpu.yield
    }) : () -> ()
    %add3A_3 = arith.constant 0 : i32
    %add3A_4 = arith.addi %mul3A_2, %add3A_3 : i32
    %dma_start3A = arith.constant 0 : i32
    %dma_start3A_5 = tpu.memref_slice %arg2[%add3A_4, %dma_start3A] : memref<32768x384xf32, #tpu.memory_space<hbm>> -> memref<128x384xf32, #tpu.memory_space<hbm>>
    %dma_start3A_6 = arith.constant 0 : i32
    %dma_start3A_7 = tpu.memref_slice %arg2[%add3A_4, %dma_start3A_6] : memref<32768x384xf32, #tpu.memory_space<hbm>> -> memref<128x384xf32, #tpu.memory_space<hbm>>
    tpu.enqueue_dma source(%dma_start3A_7 : memref<128x384xf32, #tpu.memory_space<hbm>>) target(%arg6 : memref<128x384xf32, #tpu.memory_space<vmem>>) target_semaphore(%arg8 : memref<!tpu.dma_semaphore, #tpu.memory_space<semaphore_mem>>)
    %add3A_8 = arith.constant 128 : i32
    %add3A_9 = arith.addi %mul3A_2, %add3A_8 : i32
    %dma_start3A_10 = arith.constant 0 : i32
    %dma_start3A_11 = tpu.memref_slice %arg2[%add3A_9, %dma_start3A_10] : memref<32768x384xf32, #tpu.memory_space<hbm>> -> memref<128x384xf32, #tpu.memory_space<hbm>>
    %dma_start3A_12 = arith.constant 0 : i32
    %dma_start3A_13 = tpu.memref_slice %arg2[%add3A_9, %dma_start3A_12] : memref<32768x384xf32, #tpu.memory_space<hbm>> -> memref<128x384xf32, #tpu.memory_space<hbm>>
    tpu.enqueue_dma source(%dma_start3A_13 : memref<128x384xf32, #tpu.memory_space<hbm>>) target(%arg7 : memref<128x384xf32, #tpu.memory_space<vmem>>) target_semaphore(%arg8 : memref<!tpu.dma_semaphore, #tpu.memory_space<semaphore_mem>>)
    %dma_wait3A = arith.constant 0 : i32
    %dma_wait3A_14 = tpu.memref_slice %arg2[%add3A_4, %dma_wait3A] : memref<32768x384xf32, #tpu.memory_space<hbm>> -> memref<128x384xf32, #tpu.memory_space<hbm>>
    %dma_wait3A_15 = arith.constant 0 : i32
    %dma_wait3A_16 = tpu.memref_slice %arg2[%add3A_4, %dma_wait3A_15] : memref<32768x384xf32, #tpu.memory_space<hbm>> -> memref<128x384xf32, #tpu.memory_space<hbm>>
    tpu.wait_dma2 semaphore(%arg8 : memref<!tpu.dma_semaphore, #tpu.memory_space<semaphore_mem>>) src(%dma_wait3A_16 : memref<128x384xf32, #tpu.memory_space<hbm>>) dst(%arg6 : memref<128x384xf32, #tpu.memory_space<vmem>>)
    %dma_start3A_17 = arith.constant 0 : i32
    %dma_start3A_18 = arith.constant 0 : i32
    %dma_start3A_19 = tpu.memref_slice %arg5[%dma_start3A_17, %dma_start3A_18] : memref<8x128xi32, #tpu.memory_space<vmem>> -> memref<1x128xi32, #tpu.memory_space<vmem>>
    %dma_start3A_20 = tpu.memref_squeeze %dma_start3A_19 : memref<1x128xi32, #tpu.memory_space<vmem>> -> memref<128xi32, #tpu.memory_space<vmem>>
    %dma_start3A_21 = arith.constant 0 : i32
    %dma_start3A_22 = arith.constant 0 : i32
    %dma_start3A_23 = tpu.memref_slice %arg4[%dma_start3A_21, %dma_start3A_22] : memref<40960x384xf32, #tpu.memory_space<hbm>> -> memref<40960x384xf32, #tpu.memory_space<hbm>>
    tpu.enqueue_indirect_dma source(%arg6 : memref<128x384xf32, #tpu.memory_space<vmem>>) target(%dma_start3A_23 : memref<40960x384xf32, #tpu.memory_space<hbm>>) offsets(%dma_start3A_20 : memref<128xi32, #tpu.memory_space<vmem>>) semaphore(%arg9 : memref<!tpu.dma_semaphore, #tpu.memory_space<semaphore_mem>>)
    %dma_wait3A_24 = arith.constant 0 : i32
    %dma_wait3A_25 = arith.constant 0 : i32
    %dma_wait3A_26 = tpu.memref_slice %arg5[%dma_wait3A_24, %dma_wait3A_25] : memref<8x128xi32, #tpu.memory_space<vmem>> -> memref<1x128xi32, #tpu.memory_space<vmem>>
    %dma_wait3A_27 = tpu.memref_squeeze %dma_wait3A_26 : memref<1x128xi32, #tpu.memory_space<vmem>> -> memref<128xi32, #tpu.memory_space<vmem>>
    %dma_wait3A_28 = arith.constant 0 : i32
    %dma_wait3A_29 = arith.constant 0 : i32
    %dma_wait3A_30 = tpu.memref_slice %arg4[%dma_wait3A_28, %dma_wait3A_29] : memref<40960x384xf32, #tpu.memory_space<hbm>> -> memref<40960x384xf32, #tpu.memory_space<hbm>>
    tpu.wait_indirect_dma semaphore(%arg9 : memref<!tpu.dma_semaphore, #tpu.memory_space<semaphore_mem>>) src(%arg6 : memref<128x384xf32, #tpu.memory_space<vmem>>) dst(%dma_wait3A_30 : memref<40960x384xf32, #tpu.memory_space<hbm>>)
    %add3A_31 = arith.constant 256 : i32
    %add3A_32 = arith.addi %mul3A_2, %add3A_31 : i32
    %dma_start3A_33 = arith.constant 0 : i32
    %dma_start3A_34 = tpu.memref_slice %arg2[%add3A_32, %dma_start3A_33] : memref<32768x384xf32, #tpu.memory_space<hbm>> -> memref<128x384xf32, #tpu.memory_space<hbm>>
    %dma_start3A_35 = arith.constant 0 : i32
    %dma_start3A_36 = tpu.memref_slice %arg2[%add3A_32, %dma_start3A_35] : memref<32768x384xf32, #tpu.memory_space<hbm>> -> memref<128x384xf32, #tpu.memory_space<hbm>>
    tpu.enqueue_dma source(%dma_start3A_36 : memref<128x384xf32, #tpu.memory_space<hbm>>) target(%arg6 : memref<128x384xf32, #tpu.memory_space<vmem>>) target_semaphore(%arg8 : memref<!tpu.dma_semaphore, #tpu.memory_space<semaphore_mem>>)
    %dma_wait3A_37 = arith.constant 0 : i32
    %dma_wait3A_38 = tpu.memref_slice %arg2[%add3A_9, %dma_wait3A_37] : memref<32768x384xf32, #tpu.memory_space<hbm>> -> memref<128x384xf32, #tpu.memory_space<hbm>>
    %dma_wait3A_39 = arith.constant 0 : i32
    %dma_wait3A_40 = tpu.memref_slice %arg2[%add3A_9, %dma_wait3A_39] : memref<32768x384xf32, #tpu.memory_space<hbm>> -> memref<128x384xf32, #tpu.memory_space<hbm>>
    tpu.wait_dma2 semaphore(%arg8 : memref<!tpu.dma_semaphore, #tpu.memory_space<semaphore_mem>>) src(%dma_wait3A_40 : memref<128x384xf32, #tpu.memory_space<hbm>>) dst(%arg7 : memref<128x384xf32, #tpu.memory_space<vmem>>)
    %dma_start3A_41 = arith.constant 1 : i32
    %dma_start3A_42 = arith.constant 0 : i32
    %dma_start3A_43 = tpu.memref_slice %arg5[%dma_start3A_41, %dma_start3A_42] : memref<8x128xi32, #tpu.memory_space<vmem>> -> memref<1x128xi32, #tpu.memory_space<vmem>>
    %dma_start3A_44 = tpu.memref_squeeze %dma_start3A_43 : memref<1x128xi32, #tpu.memory_space<vmem>> -> memref<128xi32, #tpu.memory_space<vmem>>
    %dma_start3A_45 = arith.constant 0 : i32
    %dma_start3A_46 = arith.constant 0 : i32
    %dma_start3A_47 = tpu.memref_slice %arg4[%dma_start3A_45, %dma_start3A_46] : memref<40960x384xf32, #tpu.memory_space<hbm>> -> memref<40960x384xf32, #tpu.memory_space<hbm>>
    tpu.enqueue_indirect_dma source(%arg7 : memref<128x384xf32, #tpu.memory_space<vmem>>) target(%dma_start3A_47 : memref<40960x384xf32, #tpu.memory_space<hbm>>) offsets(%dma_start3A_44 : memref<128xi32, #tpu.memory_space<vmem>>) semaphore(%arg9 : memref<!tpu.dma_semaphore, #tpu.memory_space<semaphore_mem>>)
    %dma_wait3A_48 = arith.constant 1 : i32
    %dma_wait3A_49 = arith.constant 0 : i32
    %dma_wait3A_50 = tpu.memref_slice %arg5[%dma_wait3A_48, %dma_wait3A_49] : memref<8x128xi32, #tpu.memory_space<vmem>> -> memref<1x128xi32, #tpu.memory_space<vmem>>
    %dma_wait3A_51 = tpu.memref_squeeze %dma_wait3A_50 : memref<1x128xi32, #tpu.memory_space<vmem>> -> memref<128xi32, #tpu.memory_space<vmem>>
    %dma_wait3A_52 = arith.constant 0 : i32
    %dma_wait3A_53 = arith.constant 0 : i32
    %dma_wait3A_54 = tpu.memref_slice %arg4[%dma_wait3A_52, %dma_wait3A_53] : memref<40960x384xf32, #tpu.memory_space<hbm>> -> memref<40960x384xf32, #tpu.memory_space<hbm>>
    tpu.wait_indirect_dma semaphore(%arg9 : memref<!tpu.dma_semaphore, #tpu.memory_space<semaphore_mem>>) src(%arg7 : memref<128x384xf32, #tpu.memory_space<vmem>>) dst(%dma_wait3A_54 : memref<40960x384xf32, #tpu.memory_space<hbm>>)
    %add3A_55 = arith.constant 384 : i32
    %add3A_56 = arith.addi %mul3A_2, %add3A_55 : i32
    %dma_start3A_57 = arith.constant 0 : i32
    %dma_start3A_58 = tpu.memref_slice %arg2[%add3A_56, %dma_start3A_57] : memref<32768x384xf32, #tpu.memory_space<hbm>> -> memref<128x384xf32, #tpu.memory_space<hbm>>
    %dma_start3A_59 = arith.constant 0 : i32
    %dma_start3A_60 = tpu.memref_slice %arg2[%add3A_56, %dma_start3A_59] : memref<32768x384xf32, #tpu.memory_space<hbm>> -> memref<128x384xf32, #tpu.memory_space<hbm>>
    tpu.enqueue_dma source(%dma_start3A_60 : memref<128x384xf32, #tpu.memory_space<hbm>>) target(%arg7 : memref<128x384xf32, #tpu.memory_space<vmem>>) target_semaphore(%arg8 : memref<!tpu.dma_semaphore, #tpu.memory_space<semaphore_mem>>)
    %dma_wait3A_61 = arith.constant 0 : i32
    %dma_wait3A_62 = tpu.memref_slice %arg2[%add3A_32, %dma_wait3A_61] : memref<32768x384xf32, #tpu.memory_space<hbm>> -> memref<128x384xf32, #tpu.memory_space<hbm>>
    %dma_wait3A_63 = arith.constant 0 : i32
    %dma_wait3A_64 = tpu.memref_slice %arg2[%add3A_32, %dma_wait3A_63] : memref<32768x384xf32, #tpu.memory_space<hbm>> -> memref<128x384xf32, #tpu.memory_space<hbm>>
    tpu.wait_dma2 semaphore(%arg8 : memref<!tpu.dma_semaphore, #tpu.memory_space<semaphore_mem>>) src(%dma_wait3A_64 : memref<128x384xf32, #tpu.memory_space<hbm>>) dst(%arg6 : memref<128x384xf32, #tpu.memory_space<vmem>>)
    %dma_start3A_65 = arith.constant 2 : i32
    %dma_start3A_66 = arith.constant 0 : i32
    %dma_start3A_67 = tpu.memref_slice %arg5[%dma_start3A_65, %dma_start3A_66] : memref<8x128xi32, #tpu.memory_space<vmem>> -> memref<1x128xi32, #tpu.memory_space<vmem>>
    %dma_start3A_68 = tpu.memref_squeeze %dma_start3A_67 : memref<1x128xi32, #tpu.memory_space<vmem>> -> memref<128xi32, #tpu.memory_space<vmem>>
    %dma_start3A_69 = arith.constant 0 : i32
    %dma_start3A_70 = arith.constant 0 : i32
    %dma_start3A_71 = tpu.memref_slice %arg4[%dma_start3A_69, %dma_start3A_70] : memref<40960x384xf32, #tpu.memory_space<hbm>> -> memref<40960x384xf32, #tpu.memory_space<hbm>>
    tpu.enqueue_indirect_dma source(%arg6 : memref<128x384xf32, #tpu.memory_space<vmem>>) target(%dma_start3A_71 : memref<40960x384xf32, #tpu.memory_space<hbm>>) offsets(%dma_start3A_68 : memref<128xi32, #tpu.memory_space<vmem>>) semaphore(%arg9 : memref<!tpu.dma_semaphore, #tpu.memory_space<semaphore_mem>>)
    %dma_wait3A_72 = arith.constant 2 : i32
    %dma_wait3A_73 = arith.constant 0 : i32
    %dma_wait3A_74 = tpu.memref_slice %arg5[%dma_wait3A_72, %dma_wait3A_73] : memref<8x128xi32, #tpu.memory_space<vmem>> -> memref<1x128xi32, #tpu.memory_space<vmem>>
    %dma_wait3A_75 = tpu.memref_squeeze %dma_wait3A_74 : memref<1x128xi32, #tpu.memory_space<vmem>> -> memref<128xi32, #tpu.memory_space<vmem>>
    %dma_wait3A_76 = arith.constant 0 : i32
    %dma_wait3A_77 = arith.constant 0 : i32
    %dma_wait3A_78 = tpu.memref_slice %arg4[%dma_wait3A_76, %dma_wait3A_77] : memref<40960x384xf32, #tpu.memory_space<hbm>> -> memref<40960x384xf32, #tpu.memory_space<hbm>>
    tpu.wait_indirect_dma semaphore(%arg9 : memref<!tpu.dma_semaphore, #tpu.memory_space<semaphore_mem>>) src(%arg6 : memref<128x384xf32, #tpu.memory_space<vmem>>) dst(%dma_wait3A_78 : memref<40960x384xf32, #tpu.memory_space<hbm>>)
    %add3A_79 = arith.constant 512 : i32
    %add3A_80 = arith.addi %mul3A_2, %add3A_79 : i32
    %dma_start3A_81 = arith.constant 0 : i32
    %dma_start3A_82 = tpu.memref_slice %arg2[%add3A_80, %dma_start3A_81] : memref<32768x384xf32, #tpu.memory_space<hbm>> -> memref<128x384xf32, #tpu.memory_space<hbm>>
    %dma_start3A_83 = arith.constant 0 : i32
    %dma_start3A_84 = tpu.memref_slice %arg2[%add3A_80, %dma_start3A_83] : memref<32768x384xf32, #tpu.memory_space<hbm>> -> memref<128x384xf32, #tpu.memory_space<hbm>>
    tpu.enqueue_dma source(%dma_start3A_84 : memref<128x384xf32, #tpu.memory_space<hbm>>) target(%arg6 : memref<128x384xf32, #tpu.memory_space<vmem>>) target_semaphore(%arg8 : memref<!tpu.dma_semaphore, #tpu.memory_space<semaphore_mem>>)
    %dma_wait3A_85 = arith.constant 0 : i32
    %dma_wait3A_86 = tpu.memref_slice %arg2[%add3A_56, %dma_wait3A_85] : memref<32768x384xf32, #tpu.memory_space<hbm>> -> memref<128x384xf32, #tpu.memory_space<hbm>>
    %dma_wait3A_87 = arith.constant 0 : i32
    %dma_wait3A_88 = tpu.memref_slice %arg2[%add3A_56, %dma_wait3A_87] : memref<32768x384xf32, #tpu.memory_space<hbm>> -> memref<128x384xf32, #tpu.memory_space<hbm>>
    tpu.wait_dma2 semaphore(%arg8 : memref<!tpu.dma_semaphore, #tpu.memory_space<semaphore_mem>>) src(%dma_wait3A_88 : memref<128x384xf32, #tpu.memory_space<hbm>>) dst(%arg7 : memref<128x384xf32, #tpu.memory_space<vmem>>)
    %dma_start3A_89 = arith.constant 3 : i32
    %dma_start3A_90 = arith.constant 0 : i32
    %dma_start3A_91 = tpu.memref_slice %arg5[%dma_start3A_89, %dma_start3A_90] : memref<8x128xi32, #tpu.memory_space<vmem>> -> memref<1x128xi32, #tpu.memory_space<vmem>>
    %dma_start3A_92 = tpu.memref_squeeze %dma_start3A_91 : memref<1x128xi32, #tpu.memory_space<vmem>> -> memref<128xi32, #tpu.memory_space<vmem>>
    %dma_start3A_93 = arith.constant 0 : i32
    %dma_start3A_94 = arith.constant 0 : i32
    %dma_start3A_95 = tpu.memref_slice %arg4[%dma_start3A_93, %dma_start3A_94] : memref<40960x384xf32, #tpu.memory_space<hbm>> -> memref<40960x384xf32, #tpu.memory_space<hbm>>
    tpu.enqueue_indirect_dma source(%arg7 : memref<128x384xf32, #tpu.memory_space<vmem>>) target(%dma_start3A_95 : memref<40960x384xf32, #tpu.memory_space<hbm>>) offsets(%dma_start3A_92 : memref<128xi32, #tpu.memory_space<vmem>>) semaphore(%arg9 : memref<!tpu.dma_semaphore, #tpu.memory_space<semaphore_mem>>)
    %dma_wait3A_96 = arith.constant 3 : i32
    %dma_wait3A_97 = arith.constant 0 : i32
    %dma_wait3A_98 = tpu.memref_slice %arg5[%dma_wait3A_96, %dma_wait3A_97] : memref<8x128xi32, #tpu.memory_space<vmem>> -> memref<1x128xi32, #tpu.memory_space<vmem>>
    %dma_wait3A_99 = tpu.memref_squeeze %dma_wait3A_98 : memref<1x128xi32, #tpu.memory_space<vmem>> -> memref<128xi32, #tpu.memory_space<vmem>>
    %dma_wait3A_100 = arith.constant 0 : i32
    %dma_wait3A_101 = arith.constant 0 : i32
    %dma_wait3A_102 = tpu.memref_slice %arg4[%dma_wait3A_100, %dma_wait3A_101] : memref<40960x384xf32, #tpu.memory_space<hbm>> -> memref<40960x384xf32, #tpu.memory_space<hbm>>
    tpu.wait_indirect_dma semaphore(%arg9 : memref<!tpu.dma_semaphore, #tpu.memory_space<semaphore_mem>>) src(%arg7 : memref<128x384xf32, #tpu.memory_space<vmem>>) dst(%dma_wait3A_102 : memref<40960x384xf32, #tpu.memory_space<hbm>>)
    %add3A_103 = arith.constant 640 : i32
    %add3A_104 = arith.addi %mul3A_2, %add3A_103 : i32
    %dma_start3A_105 = arith.constant 0 : i32
    %dma_start3A_106 = tpu.memref_slice %arg2[%add3A_104, %dma_start3A_105] : memref<32768x384xf32, #tpu.memory_space<hbm>> -> memref<128x384xf32, #tpu.memory_space<hbm>>
    %dma_start3A_107 = arith.constant 0 : i32
    %dma_start3A_108 = tpu.memref_slice %arg2[%add3A_104, %dma_start3A_107] : memref<32768x384xf32, #tpu.memory_space<hbm>> -> memref<128x384xf32, #tpu.memory_space<hbm>>
    tpu.enqueue_dma source(%dma_start3A_108 : memref<128x384xf32, #tpu.memory_space<hbm>>) target(%arg7 : memref<128x384xf32, #tpu.memory_space<vmem>>) target_semaphore(%arg8 : memref<!tpu.dma_semaphore, #tpu.memory_space<semaphore_mem>>)
    %dma_wait3A_109 = arith.constant 0 : i32
    %dma_wait3A_110 = tpu.memref_slice %arg2[%add3A_80, %dma_wait3A_109] : memref<32768x384xf32, #tpu.memory_space<hbm>> -> memref<128x384xf32, #tpu.memory_space<hbm>>
    %dma_wait3A_111 = arith.constant 0 : i32
    %dma_wait3A_112 = tpu.memref_slice %arg2[%add3A_80, %dma_wait3A_111] : memref<32768x384xf32, #tpu.memory_space<hbm>> -> memref<128x384xf32, #tpu.memory_space<hbm>>
    tpu.wait_dma2 semaphore(%arg8 : memref<!tpu.dma_semaphore, #tpu.memory_space<semaphore_mem>>) src(%dma_wait3A_112 : memref<128x384xf32, #tpu.memory_space<hbm>>) dst(%arg6 : memref<128x384xf32, #tpu.memory_space<vmem>>)
    %dma_start3A_113 = arith.constant 4 : i32
    %dma_start3A_114 = arith.constant 0 : i32
    %dma_start3A_115 = tpu.memref_slice %arg5[%dma_start3A_113, %dma_start3A_114] : memref<8x128xi32, #tpu.memory_space<vmem>> -> memref<1x128xi32, #tpu.memory_space<vmem>>
    %dma_start3A_116 = tpu.memref_squeeze %dma_start3A_115 : memref<1x128xi32, #tpu.memory_space<vmem>> -> memref<128xi32, #tpu.memory_space<vmem>>
    %dma_start3A_117 = arith.constant 0 : i32
    %dma_start3A_118 = arith.constant 0 : i32
    %dma_start3A_119 = tpu.memref_slice %arg4[%dma_start3A_117, %dma_start3A_118] : memref<40960x384xf32, #tpu.memory_space<hbm>> -> memref<40960x384xf32, #tpu.memory_space<hbm>>
    tpu.enqueue_indirect_dma source(%arg6 : memref<128x384xf32, #tpu.memory_space<vmem>>) target(%dma_start3A_119 : memref<40960x384xf32, #tpu.memory_space<hbm>>) offsets(%dma_start3A_116 : memref<128xi32, #tpu.memory_space<vmem>>) semaphore(%arg9 : memref<!tpu.dma_semaphore, #tpu.memory_space<semaphore_mem>>)
    %dma_wait3A_120 = arith.constant 4 : i32
    %dma_wait3A_121 = arith.constant 0 : i32
    %dma_wait3A_122 = tpu.memref_slice %arg5[%dma_wait3A_120, %dma_wait3A_121] : memref<8x128xi32, #tpu.memory_space<vmem>> -> memref<1x128xi32, #tpu.memory_space<vmem>>
    %dma_wait3A_123 = tpu.memref_squeeze %dma_wait3A_122 : memref<1x128xi32, #tpu.memory_space<vmem>> -> memref<128xi32, #tpu.memory_space<vmem>>
    %dma_wait3A_124 = arith.constant 0 : i32
    %dma_wait3A_125 = arith.constant 0 : i32
    %dma_wait3A_126 = tpu.memref_slice %arg4[%dma_wait3A_124, %dma_wait3A_125] : memref<40960x384xf32, #tpu.memory_space<hbm>> -> memref<40960x384xf32, #tpu.memory_space<hbm>>
    tpu.wait_indirect_dma semaphore(%arg9 : memref<!tpu.dma_semaphore, #tpu.memory_space<semaphore_mem>>) src(%arg6 : memref<128x384xf32, #tpu.memory_space<vmem>>) dst(%dma_wait3A_126 : memref<40960x384xf32, #tpu.memory_space<hbm>>)
    %add3A_127 = arith.constant 768 : i32
    %add3A_128 = arith.addi %mul3A_2, %add3A_127 : i32
    %dma_start3A_129 = arith.constant 0 : i32
    %dma_start3A_130 = tpu.memref_slice %arg2[%add3A_128, %dma_start3A_129] : memref<32768x384xf32, #tpu.memory_space<hbm>> -> memref<128x384xf32, #tpu.memory_space<hbm>>
    %dma_start3A_131 = arith.constant 0 : i32
    %dma_start3A_132 = tpu.memref_slice %arg2[%add3A_128, %dma_start3A_131] : memref<32768x384xf32, #tpu.memory_space<hbm>> -> memref<128x384xf32, #tpu.memory_space<hbm>>
    tpu.enqueue_dma source(%dma_start3A_132 : memref<128x384xf32, #tpu.memory_space<hbm>>) target(%arg6 : memref<128x384xf32, #tpu.memory_space<vmem>>) target_semaphore(%arg8 : memref<!tpu.dma_semaphore, #tpu.memory_space<semaphore_mem>>)
    %dma_wait3A_133 = arith.constant 0 : i32
    %dma_wait3A_134 = tpu.memref_slice %arg2[%add3A_104, %dma_wait3A_133] : memref<32768x384xf32, #tpu.memory_space<hbm>> -> memref<128x384xf32, #tpu.memory_space<hbm>>
    %dma_wait3A_135 = arith.constant 0 : i32
    %dma_wait3A_136 = tpu.memref_slice %arg2[%add3A_104, %dma_wait3A_135] : memref<32768x384xf32, #tpu.memory_space<hbm>> -> memref<128x384xf32, #tpu.memory_space<hbm>>
    tpu.wait_dma2 semaphore(%arg8 : memref<!tpu.dma_semaphore, #tpu.memory_space<semaphore_mem>>) src(%dma_wait3A_136 : memref<128x384xf32, #tpu.memory_space<hbm>>) dst(%arg7 : memref<128x384xf32, #tpu.memory_space<vmem>>)
    %dma_start3A_137 = arith.constant 5 : i32
    %dma_start3A_138 = arith.constant 0 : i32
    %dma_start3A_139 = tpu.memref_slice %arg5[%dma_start3A_137, %dma_start3A_138] : memref<8x128xi32, #tpu.memory_space<vmem>> -> memref<1x128xi32, #tpu.memory_space<vmem>>
    %dma_start3A_140 = tpu.memref_squeeze %dma_start3A_139 : memref<1x128xi32, #tpu.memory_space<vmem>> -> memref<128xi32, #tpu.memory_space<vmem>>
    %dma_start3A_141 = arith.constant 0 : i32
    %dma_start3A_142 = arith.constant 0 : i32
    %dma_start3A_143 = tpu.memref_slice %arg4[%dma_start3A_141, %dma_start3A_142] : memref<40960x384xf32, #tpu.memory_space<hbm>> -> memref<40960x384xf32, #tpu.memory_space<hbm>>
    tpu.enqueue_indirect_dma source(%arg7 : memref<128x384xf32, #tpu.memory_space<vmem>>) target(%dma_start3A_143 : memref<40960x384xf32, #tpu.memory_space<hbm>>) offsets(%dma_start3A_140 : memref<128xi32, #tpu.memory_space<vmem>>) semaphore(%arg9 : memref<!tpu.dma_semaphore, #tpu.memory_space<semaphore_mem>>)
    %dma_wait3A_144 = arith.constant 5 : i32
    %dma_wait3A_145 = arith.constant 0 : i32
    %dma_wait3A_146 = tpu.memref_slice %arg5[%dma_wait3A_144, %dma_wait3A_145] : memref<8x128xi32, #tpu.memory_space<vmem>> -> memref<1x128xi32, #tpu.memory_space<vmem>>
    %dma_wait3A_147 = tpu.memref_squeeze %dma_wait3A_146 : memref<1x128xi32, #tpu.memory_space<vmem>> -> memref<128xi32, #tpu.memory_space<vmem>>
    %dma_wait3A_148 = arith.constant 0 : i32
    %dma_wait3A_149 = arith.constant 0 : i32
    %dma_wait3A_150 = tpu.memref_slice %arg4[%dma_wait3A_148, %dma_wait3A_149] : memref<40960x384xf32, #tpu.memory_space<hbm>> -> memref<40960x384xf32, #tpu.memory_space<hbm>>
    tpu.wait_indirect_dma semaphore(%arg9 : memref<!tpu.dma_semaphore, #tpu.memory_space<semaphore_mem>>) src(%arg7 : memref<128x384xf32, #tpu.memory_space<vmem>>) dst(%dma_wait3A_150 : memref<40960x384xf32, #tpu.memory_space<hbm>>)
    %add3A_151 = arith.constant 896 : i32
    %add3A_152 = arith.addi %mul3A_2, %add3A_151 : i32
    %dma_start3A_153 = arith.constant 0 : i32
    %dma_start3A_154 = tpu.memref_slice %arg2[%add3A_152, %dma_start3A_153] : memref<32768x384xf32, #tpu.memory_space<hbm>> -> memref<128x384xf32, #tpu.memory_space<hbm>>
    %dma_start3A_155 = arith.constant 0 : i32
    %dma_start3A_156 = tpu.memref_slice %arg2[%add3A_152, %dma_start3A_155] : memref<32768x384xf32, #tpu.memory_space<hbm>> -> memref<128x384xf32, #tpu.memory_space<hbm>>
    tpu.enqueue_dma source(%dma_start3A_156 : memref<128x384xf32, #tpu.memory_space<hbm>>) target(%arg7 : memref<128x384xf32, #tpu.memory_space<vmem>>) target_semaphore(%arg8 : memref<!tpu.dma_semaphore, #tpu.memory_space<semaphore_mem>>)
    %dma_wait3A_157 = arith.constant 0 : i32
    %dma_wait3A_158 = tpu.memref_slice %arg2[%add3A_128, %dma_wait3A_157] : memref<32768x384xf32, #tpu.memory_space<hbm>> -> memref<128x384xf32, #tpu.memory_space<hbm>>
    %dma_wait3A_159 = arith.constant 0 : i32
    %dma_wait3A_160 = tpu.memref_slice %arg2[%add3A_128, %dma_wait3A_159] : memref<32768x384xf32, #tpu.memory_space<hbm>> -> memref<128x384xf32, #tpu.memory_space<hbm>>
    tpu.wait_dma2 semaphore(%arg8 : memref<!tpu.dma_semaphore, #tpu.memory_space<semaphore_mem>>) src(%dma_wait3A_160 : memref<128x384xf32, #tpu.memory_space<hbm>>) dst(%arg6 : memref<128x384xf32, #tpu.memory_space<vmem>>)
    %dma_start3A_161 = arith.constant 6 : i32
    %dma_start3A_162 = arith.constant 0 : i32
    %dma_start3A_163 = tpu.memref_slice %arg5[%dma_start3A_161, %dma_start3A_162] : memref<8x128xi32, #tpu.memory_space<vmem>> -> memref<1x128xi32, #tpu.memory_space<vmem>>
    %dma_start3A_164 = tpu.memref_squeeze %dma_start3A_163 : memref<1x128xi32, #tpu.memory_space<vmem>> -> memref<128xi32, #tpu.memory_space<vmem>>
    %dma_start3A_165 = arith.constant 0 : i32
    %dma_start3A_166 = arith.constant 0 : i32
    %dma_start3A_167 = tpu.memref_slice %arg4[%dma_start3A_165, %dma_start3A_166] : memref<40960x384xf32, #tpu.memory_space<hbm>> -> memref<40960x384xf32, #tpu.memory_space<hbm>>
    tpu.enqueue_indirect_dma source(%arg6 : memref<128x384xf32, #tpu.memory_space<vmem>>) target(%dma_start3A_167 : memref<40960x384xf32, #tpu.memory_space<hbm>>) offsets(%dma_start3A_164 : memref<128xi32, #tpu.memory_space<vmem>>) semaphore(%arg9 : memref<!tpu.dma_semaphore, #tpu.memory_space<semaphore_mem>>)
    %dma_wait3A_168 = arith.constant 0 : i32
    %dma_wait3A_169 = tpu.memref_slice %arg2[%add3A_152, %dma_wait3A_168] : memref<32768x384xf32, #tpu.memory_space<hbm>> -> memref<128x384xf32, #tpu.memory_space<hbm>>
    %dma_wait3A_170 = arith.constant 0 : i32
    %dma_wait3A_171 = tpu.memref_slice %arg2[%add3A_152, %dma_wait3A_170] : memref<32768x384xf32, #tpu.memory_space<hbm>> -> memref<128x384xf32, #tpu.memory_space<hbm>>
    tpu.wait_dma2 semaphore(%arg8 : memref<!tpu.dma_semaphore, #tpu.memory_space<semaphore_mem>>) src(%dma_wait3A_171 : memref<128x384xf32, #tpu.memory_space<hbm>>) dst(%arg7 : memref<128x384xf32, #tpu.memory_space<vmem>>)
    %dma_start3A_172 = arith.constant 7 : i32
    %dma_start3A_173 = arith.constant 0 : i32
    %dma_start3A_174 = tpu.memref_slice %arg5[%dma_start3A_172, %dma_start3A_173] : memref<8x128xi32, #tpu.memory_space<vmem>> -> memref<1x128xi32, #tpu.memory_space<vmem>>
    %dma_start3A_175 = tpu.memref_squeeze %dma_start3A_174 : memref<1x128xi32, #tpu.memory_space<vmem>> -> memref<128xi32, #tpu.memory_space<vmem>>
    %dma_start3A_176 = arith.constant 0 : i32
    %dma_start3A_177 = arith.constant 0 : i32
    %dma_start3A_178 = tpu.memref_slice %arg4[%dma_start3A_176, %dma_start3A_177] : memref<40960x384xf32, #tpu.memory_space<hbm>> -> memref<40960x384xf32, #tpu.memory_space<hbm>>
    tpu.enqueue_indirect_dma source(%arg7 : memref<128x384xf32, #tpu.memory_space<vmem>>) target(%dma_start3A_178 : memref<40960x384xf32, #tpu.memory_space<hbm>>) offsets(%dma_start3A_175 : memref<128xi32, #tpu.memory_space<vmem>>) semaphore(%arg9 : memref<!tpu.dma_semaphore, #tpu.memory_space<semaphore_mem>>)
    %dma_wait3A_179 = arith.constant 6 : i32
    %dma_wait3A_180 = arith.constant 0 : i32
    %dma_wait3A_181 = tpu.memref_slice %arg5[%dma_wait3A_179, %dma_wait3A_180] : memref<8x128xi32, #tpu.memory_space<vmem>> -> memref<1x128xi32, #tpu.memory_space<vmem>>
    %dma_wait3A_182 = tpu.memref_squeeze %dma_wait3A_181 : memref<1x128xi32, #tpu.memory_space<vmem>> -> memref<128xi32, #tpu.memory_space<vmem>>
    %dma_wait3A_183 = arith.constant 0 : i32
    %dma_wait3A_184 = arith.constant 0 : i32
    %dma_wait3A_185 = tpu.memref_slice %arg4[%dma_wait3A_183, %dma_wait3A_184] : memref<40960x384xf32, #tpu.memory_space<hbm>> -> memref<40960x384xf32, #tpu.memory_space<hbm>>
    tpu.wait_indirect_dma semaphore(%arg9 : memref<!tpu.dma_semaphore, #tpu.memory_space<semaphore_mem>>) src(%arg6 : memref<128x384xf32, #tpu.memory_space<vmem>>) dst(%dma_wait3A_185 : memref<40960x384xf32, #tpu.memory_space<hbm>>)
    %dma_wait3A_186 = arith.constant 7 : i32
    %dma_wait3A_187 = arith.constant 0 : i32
    %dma_wait3A_188 = tpu.memref_slice %arg5[%dma_wait3A_186, %dma_wait3A_187] : memref<8x128xi32, #tpu.memory_space<vmem>> -> memref<1x128xi32, #tpu.memory_space<vmem>>
    %dma_wait3A_189 = tpu.memref_squeeze %dma_wait3A_188 : memref<1x128xi32, #tpu.memory_space<vmem>> -> memref<128xi32, #tpu.memory_space<vmem>>
    %dma_wait3A_190 = arith.constant 0 : i32
    %dma_wait3A_191 = arith.constant 0 : i32
    %dma_wait3A_192 = tpu.memref_slice %arg4[%dma_wait3A_190, %dma_wait3A_191] : memref<40960x384xf32, #tpu.memory_space<hbm>> -> memref<40960x384xf32, #tpu.memory_space<hbm>>
    tpu.wait_indirect_dma semaphore(%arg9 : memref<!tpu.dma_semaphore, #tpu.memory_space<semaphore_mem>>) src(%arg7 : memref<128x384xf32, #tpu.memory_space<vmem>>) dst(%dma_wait3A_192 : memref<40960x384xf32, #tpu.memory_space<hbm>>)
    return
  }
}

module attributes {stable_mosaic.version = 14 : i64} {
  func.func @_route_kernel(%arg0: memref<256x128xi32, #tpu.memory_space<vmem>>, %arg1: memref<256x128xi32, #tpu.memory_space<vmem>>, %arg2: memref<2x128xi32, #tpu.memory_space<vmem>>) attributes {dimension_semantics = [], scalar_prefetch = 0 : i64, scratch_operands = 0 : i64, tpu.core_type = #tpu.core_type<tc>} {
    %get3A = arith.constant 0 : index
    %get3A_0 = arith.constant 0 : index
    %get3A_1 = vector.load %arg0[%get3A, %get3A_0] : memref<256x128xi32, #tpu.memory_space<vmem>>, vector<256x128xi32>
    %iota3A = tpu.iota {dimensions = array<i32: 0>} : vector<128x128xi32>
    %iota3A_2 = tpu.iota {dimensions = array<i32: 1>} : vector<128x128xi32>
    %lt3A = arith.cmpi slt, %iota3A, %iota3A_2 : vector<128x128xi32>
    %convert_element_type3A = arith.extui %lt3A : vector<128x128xi1> to vector<128x128xi32>
    %convert_element_type3A_3 = arith.sitofp %convert_element_type3A : vector<128x128xi32> to vector<128x128xf32>
    %iota3A_4 = tpu.iota {dimensions = array<i32: 0>} : vector<256x256xi32>
    %iota3A_5 = tpu.iota {dimensions = array<i32: 1>} : vector<256x256xi32>
    %lt3A_6 = arith.cmpi slt, %iota3A_5, %iota3A_4 : vector<256x256xi32>
    %convert_element_type3A_7 = arith.extui %lt3A_6 : vector<256x256xi1> to vector<256x256xi32>
    %convert_element_type3A_8 = arith.sitofp %convert_element_type3A_7 : vector<256x256xi32> to vector<256x256xf32>
    %iota3A_9 = tpu.iota {dimensions = array<i32: 1>} : vector<1x128xi32>
    %broadcast_in_dim3A = arith.constant 0 : i32
    %broadcast_in_dim3A_10 = vector.broadcast %broadcast_in_dim3A : i32 to vector<256x128xi32>
    %broadcast_in_dim3A_11 = arith.constant 0 : i32
    %broadcast_in_dim3A_12 = vector.broadcast %broadcast_in_dim3A_11 : i32 to vector<1x128xi32>
    %broadcast_in_dim3A_13 = arith.constant 0 : i32
    %broadcast_in_dim3A_14 = vector.broadcast %broadcast_in_dim3A_13 : i32 to vector<1x128xi32>
    %eq3A = arith.constant 0 : i32
    %eq3A_15 = vector.broadcast %eq3A : i32 to vector<256x128xi32>
    %eq3A_16 = arith.cmpi eq, %get3A_1, %eq3A_15 : vector<256x128xi32>
    %convert_element_type3A_17 = arith.extui %eq3A_16 : vector<256x128xi1> to vector<256x128xi32>
    %convert_element_type3A_18 = arith.sitofp %convert_element_type3A_17 : vector<256x128xi32> to vector<256x128xf32>
    %dot_general3A = arith.constant dense<0.000000e+00> : vector<256x128xf32>
    %dot_general3A_19 = tpu.matmul %convert_element_type3A_18, %convert_element_type3A_3, %dot_general3A {dimension_numbers = #tpu.dot_dimension_numbers<[1], [0], [0], [1], [0, 0, 1, 1], [], []>, transpose_lhs_hint = false} : vector<256x128xf32>, vector<128x128xf32>, vector<256x128xf32> -> vector<256x128xf32>
    %reduce_sum3A = arith.constant dense<0.000000e+00> : vector<256xf32>
    %reduce_sum3A_20 = vector.multi_reduction <add>, %convert_element_type3A_18, %reduce_sum3A [1] : vector<256x128xf32> to vector<256xf32>
    %broadcast_in_dim3A_21 = vector.shape_cast %reduce_sum3A_20 : vector<256xf32> to vector<256x1xf32>
    %dot_general3A_22 = arith.constant dense<0.000000e+00> : vector<256x1xf32>
    %dot_general3A_23 = tpu.matmul %convert_element_type3A_8, %broadcast_in_dim3A_21, %dot_general3A_22 {dimension_numbers = #tpu.dot_dimension_numbers<[1], [0], [0], [1], [0, 0, 1, 1], [], []>, transpose_lhs_hint = false} : vector<256x256xf32>, vector<256x1xf32>, vector<256x1xf32> -> vector<256x1xf32>
    %add3A = vector.broadcast %dot_general3A_23 : vector<256x1xf32> to vector<256x128xf32>
    %add3A_24 = arith.addf %dot_general3A_19, %add3A : vector<256x128xf32>
    %convert_element_type3A_25 = arith.fptosi %add3A_24 : vector<256x128xf32> to vector<256x128xi32>
    %reduce_sum3A_26 = vector.shape_cast %convert_element_type3A_18 : vector<256x128xf32> to vector<1x256x128xf32>
    %reduce_sum3A_27 = arith.constant dense<0.000000e+00> : vector<1xf32>
    %reduce_sum3A_28 = vector.multi_reduction <add>, %reduce_sum3A_26, %reduce_sum3A_27 [1, 2] : vector<1x256x128xf32> to vector<1xf32>
    %reduce_sum3A_29 = vector.shape_cast %reduce_sum3A_28 : vector<1xf32> to vector<1x1x1xf32>
    %reduce_sum3A_30 = vector.extract %reduce_sum3A_29[0, 0, 0] : f32 from vector<1x1x1xf32>
    %convert_element_type3A_31 = arith.fptosi %reduce_sum3A_30 : f32 to i32
    %add3A_32 = arith.constant 0 : i32
    %add3A_33 = vector.broadcast %add3A_32 : i32 to vector<256x128xi32>
    %add3A_34 = arith.addi %add3A_33, %convert_element_type3A_25 : vector<256x128xi32>
    %select_n3A = arith.select %eq3A_16, %add3A_34, %broadcast_in_dim3A_10 : vector<256x128xi1>, vector<256x128xi32>
    %add3A_35 = arith.constant 2048 : i32
    %add3A_36 = arith.addi %convert_element_type3A_31, %add3A_35 : i32
    %sub3A = arith.constant 1 : i32
    %sub3A_37 = arith.subi %add3A_36, %sub3A : i32
    %jit3A = arith.constant 2048 : i32
    %div3A = arith.divsi %sub3A_37, %jit3A : i32
    %sign3A = arith.constant 0 : i32
    %sign3A_38 = arith.cmpi sgt, %sub3A_37, %sign3A : i32
    %sign3A_39 = arith.extui %sign3A_38 : i1 to i32
    %sign3A_40 = arith.constant 0 : i32
    %sign3A_41 = arith.cmpi slt, %sub3A_37, %sign3A_40 : i32
    %sign3A_42 = arith.extui %sign3A_41 : i1 to i32
    %sign3A_43 = arith.subi %sign3A_39, %sign3A_42 : i32
    %sign3A_44 = arith.constant 0 : i32
    %sign3A_45 = arith.cmpi sgt, %jit3A, %sign3A_44 : i32
    %sign3A_46 = arith.extui %sign3A_45 : i1 to i32
    %sign3A_47 = arith.constant 0 : i32
    %sign3A_48 = arith.cmpi slt, %jit3A, %sign3A_47 : i32
    %sign3A_49 = arith.extui %sign3A_48 : i1 to i32
    %sign3A_50 = arith.subi %sign3A_46, %sign3A_49 : i32
    %ne3A = arith.cmpi ne, %sign3A_43, %sign3A_50 : i32
    %rem3A = arith.remsi %sub3A_37, %jit3A : i32
    %ne3A_51 = arith.constant 0 : i32
    %ne3A_52 = arith.cmpi ne, %rem3A, %ne3A_51 : i32
    %and3A = arith.andi %ne3A, %ne3A_52 : i1
    %sub3A_53 = arith.constant 1 : i32
    %sub3A_54 = arith.subi %div3A, %sub3A_53 : i32
    %select_n3A_55 = arith.select %and3A, %sub3A_54, %div3A : i32
    %add3A_56 = arith.constant 0 : i32
    %add3A_57 = arith.addi %add3A_56, %select_n3A_55 : i32
    %ge3A = vector.broadcast %add3A_57 : i32 to vector<1x128xi32>
    %ge3A_58 = arith.cmpi sge, %iota3A_9, %ge3A : vector<1x128xi32>
    %convert_element_type3A_59 = arith.extui %ge3A_58 : vector<1x128xi1> to vector<1x128xi32>
    %add3A_60 = arith.addi %broadcast_in_dim3A_12, %convert_element_type3A_59 : vector<1x128xi32>
    %ge3A_61 = arith.constant 0 : i32
    %ge3A_62 = vector.broadcast %ge3A_61 : i32 to vector<1x128xi32>
    %ge3A_63 = arith.cmpi sge, %iota3A_9, %ge3A_62 : vector<1x128xi32>
    %lt3A_64 = vector.broadcast %add3A_57 : i32 to vector<1x128xi32>
    %lt3A_65 = arith.cmpi slt, %iota3A_9, %lt3A_64 : vector<1x128xi32>
    %and3A_66 = arith.andi %ge3A_63, %lt3A_65 : vector<1x128xi1>
    %sub3A_67 = arith.constant 0 : i32
    %sub3A_68 = vector.broadcast %sub3A_67 : i32 to vector<1x128xi32>
    %sub3A_69 = arith.subi %iota3A_9, %sub3A_68 : vector<1x128xi32>
    %mul3A = arith.constant 2048 : i32
    %mul3A_70 = vector.broadcast %mul3A : i32 to vector<1x128xi32>
    %mul3A_71 = arith.muli %sub3A_69, %mul3A_70 : vector<1x128xi32>
    %sub3A_72 = vector.broadcast %convert_element_type3A_31 : i32 to vector<1x128xi32>
    %sub3A_73 = arith.subi %sub3A_72, %mul3A_71 : vector<1x128xi32>
    %jit3A_74 = arith.constant 0 : i32
    %jit3A_75 = arith.constant 2048 : i32
    %max3A = vector.broadcast %jit3A_74 : i32 to vector<1x128xi32>
    %max3A_76 = arith.maxsi %max3A, %sub3A_73 : vector<1x128xi32>
    %min3A = vector.broadcast %jit3A_75 : i32 to vector<1x128xi32>
    %min3A_77 = arith.minsi %min3A, %max3A_76 : vector<1x128xi32>
    %select_n3A_78 = arith.select %and3A_66, %min3A_77, %broadcast_in_dim3A_14 : vector<1x128xi1>, vector<1x128xi32>
    %mul3A_79 = arith.constant 2048 : i32
    %mul3A_80 = arith.muli %select_n3A_55, %mul3A_79 : i32
    %add3A_81 = arith.constant 0 : i32
    %add3A_82 = arith.addi %add3A_81, %mul3A_80 : i32
    %eq3A_83 = arith.constant 1 : i32
    %eq3A_84 = vector.broadcast %eq3A_83 : i32 to vector<256x128xi32>
    %eq3A_85 = arith.cmpi eq, %get3A_1, %eq3A_84 : vector<256x128xi32>
    %convert_element_type3A_86 = arith.extui %eq3A_85 : vector<256x128xi1> to vector<256x128xi32>
    %convert_element_type3A_87 = arith.sitofp %convert_element_type3A_86 : vector<256x128xi32> to vector<256x128xf32>
    %dot_general3A_88 = arith.constant dense<0.000000e+00> : vector<256x128xf32>
    %dot_general3A_89 = tpu.matmul %convert_element_type3A_87, %convert_element_type3A_3, %dot_general3A_88 {dimension_numbers = #tpu.dot_dimension_numbers<[1], [0], [0], [1], [0, 0, 1, 1], [], []>, transpose_lhs_hint = false} : vector<256x128xf32>, vector<128x128xf32>, vector<256x128xf32> -> vector<256x128xf32>
    %reduce_sum3A_90 = arith.constant dense<0.000000e+00> : vector<256xf32>
    %reduce_sum3A_91 = vector.multi_reduction <add>, %convert_element_type3A_87, %reduce_sum3A_90 [1] : vector<256x128xf32> to vector<256xf32>
    %broadcast_in_dim3A_92 = vector.shape_cast %reduce_sum3A_91 : vector<256xf32> to vector<256x1xf32>
    %dot_general3A_93 = arith.constant dense<0.000000e+00> : vector<256x1xf32>
    %dot_general3A_94 = tpu.matmul %convert_element_type3A_8, %broadcast_in_dim3A_92, %dot_general3A_93 {dimension_numbers = #tpu.dot_dimension_numbers<[1], [0], [0], [1], [0, 0, 1, 1], [], []>, transpose_lhs_hint = false} : vector<256x256xf32>, vector<256x1xf32>, vector<256x1xf32> -> vector<256x1xf32>
    %add3A_95 = vector.broadcast %dot_general3A_94 : vector<256x1xf32> to vector<256x128xf32>
    %add3A_96 = arith.addf %dot_general3A_89, %add3A_95 : vector<256x128xf32>
    %convert_element_type3A_97 = arith.fptosi %add3A_96 : vector<256x128xf32> to vector<256x128xi32>
    %reduce_sum3A_98 = vector.shape_cast %convert_element_type3A_87 : vector<256x128xf32> to vector<1x256x128xf32>
    %reduce_sum3A_99 = arith.constant dense<0.000000e+00> : vector<1xf32>
    %reduce_sum3A_100 = vector.multi_reduction <add>, %reduce_sum3A_98, %reduce_sum3A_99 [1, 2] : vector<1x256x128xf32> to vector<1xf32>
    %reduce_sum3A_101 = vector.shape_cast %reduce_sum3A_100 : vector<1xf32> to vector<1x1x1xf32>
    %reduce_sum3A_102 = vector.extract %reduce_sum3A_101[0, 0, 0] : f32 from vector<1x1x1xf32>
    %convert_element_type3A_103 = arith.fptosi %reduce_sum3A_102 : f32 to i32
    %add3A_104 = vector.broadcast %add3A_82 : i32 to vector<256x128xi32>
    %add3A_105 = arith.addi %add3A_104, %convert_element_type3A_97 : vector<256x128xi32>
    %select_n3A_106 = arith.select %eq3A_85, %add3A_105, %select_n3A : vector<256x128xi1>, vector<256x128xi32>
    %add3A_107 = arith.constant 2048 : i32
    %add3A_108 = arith.addi %convert_element_type3A_103, %add3A_107 : i32
    %sub3A_109 = arith.constant 1 : i32
    %sub3A_110 = arith.subi %add3A_108, %sub3A_109 : i32
    %jit3A_111 = arith.constant 2048 : i32
    %div3A_112 = arith.divsi %sub3A_110, %jit3A_111 : i32
    %sign3A_113 = arith.constant 0 : i32
    %sign3A_114 = arith.cmpi sgt, %sub3A_110, %sign3A_113 : i32
    %sign3A_115 = arith.extui %sign3A_114 : i1 to i32
    %sign3A_116 = arith.constant 0 : i32
    %sign3A_117 = arith.cmpi slt, %sub3A_110, %sign3A_116 : i32
    %sign3A_118 = arith.extui %sign3A_117 : i1 to i32
    %sign3A_119 = arith.subi %sign3A_115, %sign3A_118 : i32
    %sign3A_120 = arith.constant 0 : i32
    %sign3A_121 = arith.cmpi sgt, %jit3A_111, %sign3A_120 : i32
    %sign3A_122 = arith.extui %sign3A_121 : i1 to i32
    %sign3A_123 = arith.constant 0 : i32
    %sign3A_124 = arith.cmpi slt, %jit3A_111, %sign3A_123 : i32
    %sign3A_125 = arith.extui %sign3A_124 : i1 to i32
    %sign3A_126 = arith.subi %sign3A_122, %sign3A_125 : i32
    %ne3A_127 = arith.cmpi ne, %sign3A_119, %sign3A_126 : i32
    %rem3A_128 = arith.remsi %sub3A_110, %jit3A_111 : i32
    %ne3A_129 = arith.constant 0 : i32
    %ne3A_130 = arith.cmpi ne, %rem3A_128, %ne3A_129 : i32
    %and3A_131 = arith.andi %ne3A_127, %ne3A_130 : i1
    %sub3A_132 = arith.constant 1 : i32
    %sub3A_133 = arith.subi %div3A_112, %sub3A_132 : i32
    %select_n3A_134 = arith.select %and3A_131, %sub3A_133, %div3A_112 : i32
    %add3A_135 = arith.addi %add3A_57, %select_n3A_134 : i32
    %ge3A_136 = vector.broadcast %add3A_135 : i32 to vector<1x128xi32>
    %ge3A_137 = arith.cmpi sge, %iota3A_9, %ge3A_136 : vector<1x128xi32>
    %convert_element_type3A_138 = arith.extui %ge3A_137 : vector<1x128xi1> to vector<1x128xi32>
    %add3A_139 = arith.addi %add3A_60, %convert_element_type3A_138 : vector<1x128xi32>
    %ge3A_140 = vector.broadcast %add3A_57 : i32 to vector<1x128xi32>
    %ge3A_141 = arith.cmpi sge, %iota3A_9, %ge3A_140 : vector<1x128xi32>
    %lt3A_142 = vector.broadcast %add3A_135 : i32 to vector<1x128xi32>
    %lt3A_143 = arith.cmpi slt, %iota3A_9, %lt3A_142 : vector<1x128xi32>
    %and3A_144 = arith.andi %ge3A_141, %lt3A_143 : vector<1x128xi1>
    %sub3A_145 = vector.broadcast %add3A_57 : i32 to vector<1x128xi32>
    %sub3A_146 = arith.subi %iota3A_9, %sub3A_145 : vector<1x128xi32>
    %mul3A_147 = arith.constant 2048 : i32
    %mul3A_148 = vector.broadcast %mul3A_147 : i32 to vector<1x128xi32>
    %mul3A_149 = arith.muli %sub3A_146, %mul3A_148 : vector<1x128xi32>
    %sub3A_150 = vector.broadcast %convert_element_type3A_103 : i32 to vector<1x128xi32>
    %sub3A_151 = arith.subi %sub3A_150, %mul3A_149 : vector<1x128xi32>
    %jit3A_152 = arith.constant 0 : i32
    %jit3A_153 = arith.constant 2048 : i32
    %max3A_154 = vector.broadcast %jit3A_152 : i32 to vector<1x128xi32>
    %max3A_155 = arith.maxsi %max3A_154, %sub3A_151 : vector<1x128xi32>
    %min3A_156 = vector.broadcast %jit3A_153 : i32 to vector<1x128xi32>
    %min3A_157 = arith.minsi %min3A_156, %max3A_155 : vector<1x128xi32>
    %select_n3A_158 = arith.select %and3A_144, %min3A_157, %select_n3A_78 : vector<1x128xi1>, vector<1x128xi32>
    %mul3A_159 = arith.constant 2048 : i32
    %mul3A_160 = arith.muli %select_n3A_134, %mul3A_159 : i32
    %add3A_161 = arith.addi %add3A_82, %mul3A_160 : i32
    %eq3A_162 = arith.constant 2 : i32
    %eq3A_163 = vector.broadcast %eq3A_162 : i32 to vector<256x128xi32>
    %eq3A_164 = arith.cmpi eq, %get3A_1, %eq3A_163 : vector<256x128xi32>
    %convert_element_type3A_165 = arith.extui %eq3A_164 : vector<256x128xi1> to vector<256x128xi32>
    %convert_element_type3A_166 = arith.sitofp %convert_element_type3A_165 : vector<256x128xi32> to vector<256x128xf32>
    %dot_general3A_167 = arith.constant dense<0.000000e+00> : vector<256x128xf32>
    %dot_general3A_168 = tpu.matmul %convert_element_type3A_166, %convert_element_type3A_3, %dot_general3A_167 {dimension_numbers = #tpu.dot_dimension_numbers<[1], [0], [0], [1], [0, 0, 1, 1], [], []>, transpose_lhs_hint = false} : vector<256x128xf32>, vector<128x128xf32>, vector<256x128xf32> -> vector<256x128xf32>
    %reduce_sum3A_169 = arith.constant dense<0.000000e+00> : vector<256xf32>
    %reduce_sum3A_170 = vector.multi_reduction <add>, %convert_element_type3A_166, %reduce_sum3A_169 [1] : vector<256x128xf32> to vector<256xf32>
    %broadcast_in_dim3A_171 = vector.shape_cast %reduce_sum3A_170 : vector<256xf32> to vector<256x1xf32>
    %dot_general3A_172 = arith.constant dense<0.000000e+00> : vector<256x1xf32>
    %dot_general3A_173 = tpu.matmul %convert_element_type3A_8, %broadcast_in_dim3A_171, %dot_general3A_172 {dimension_numbers = #tpu.dot_dimension_numbers<[1], [0], [0], [1], [0, 0, 1, 1], [], []>, transpose_lhs_hint = false} : vector<256x256xf32>, vector<256x1xf32>, vector<256x1xf32> -> vector<256x1xf32>
    %add3A_174 = vector.broadcast %dot_general3A_173 : vector<256x1xf32> to vector<256x128xf32>
    %add3A_175 = arith.addf %dot_general3A_168, %add3A_174 : vector<256x128xf32>
    %convert_element_type3A_176 = arith.fptosi %add3A_175 : vector<256x128xf32> to vector<256x128xi32>
    %reduce_sum3A_177 = vector.shape_cast %convert_element_type3A_166 : vector<256x128xf32> to vector<1x256x128xf32>
    %reduce_sum3A_178 = arith.constant dense<0.000000e+00> : vector<1xf32>
    %reduce_sum3A_179 = vector.multi_reduction <add>, %reduce_sum3A_177, %reduce_sum3A_178 [1, 2] : vector<1x256x128xf32> to vector<1xf32>
    %reduce_sum3A_180 = vector.shape_cast %reduce_sum3A_179 : vector<1xf32> to vector<1x1x1xf32>
    %reduce_sum3A_181 = vector.extract %reduce_sum3A_180[0, 0, 0] : f32 from vector<1x1x1xf32>
    %convert_element_type3A_182 = arith.fptosi %reduce_sum3A_181 : f32 to i32
    %add3A_183 = vector.broadcast %add3A_161 : i32 to vector<256x128xi32>
    %add3A_184 = arith.addi %add3A_183, %convert_element_type3A_176 : vector<256x128xi32>
    %select_n3A_185 = arith.select %eq3A_164, %add3A_184, %select_n3A_106 : vector<256x128xi1>, vector<256x128xi32>
    %add3A_186 = arith.constant 2048 : i32
    %add3A_187 = arith.addi %convert_element_type3A_182, %add3A_186 : i32
    %sub3A_188 = arith.constant 1 : i32
    %sub3A_189 = arith.subi %add3A_187, %sub3A_188 : i32
    %jit3A_190 = arith.constant 2048 : i32
    %div3A_191 = arith.divsi %sub3A_189, %jit3A_190 : i32
    %sign3A_192 = arith.constant 0 : i32
    %sign3A_193 = arith.cmpi sgt, %sub3A_189, %sign3A_192 : i32
    %sign3A_194 = arith.extui %sign3A_193 : i1 to i32
    %sign3A_195 = arith.constant 0 : i32
    %sign3A_196 = arith.cmpi slt, %sub3A_189, %sign3A_195 : i32
    %sign3A_197 = arith.extui %sign3A_196 : i1 to i32
    %sign3A_198 = arith.subi %sign3A_194, %sign3A_197 : i32
    %sign3A_199 = arith.constant 0 : i32
    %sign3A_200 = arith.cmpi sgt, %jit3A_190, %sign3A_199 : i32
    %sign3A_201 = arith.extui %sign3A_200 : i1 to i32
    %sign3A_202 = arith.constant 0 : i32
    %sign3A_203 = arith.cmpi slt, %jit3A_190, %sign3A_202 : i32
    %sign3A_204 = arith.extui %sign3A_203 : i1 to i32
    %sign3A_205 = arith.subi %sign3A_201, %sign3A_204 : i32
    %ne3A_206 = arith.cmpi ne, %sign3A_198, %sign3A_205 : i32
    %rem3A_207 = arith.remsi %sub3A_189, %jit3A_190 : i32
    %ne3A_208 = arith.constant 0 : i32
    %ne3A_209 = arith.cmpi ne, %rem3A_207, %ne3A_208 : i32
    %and3A_210 = arith.andi %ne3A_206, %ne3A_209 : i1
    %sub3A_211 = arith.constant 1 : i32
    %sub3A_212 = arith.subi %div3A_191, %sub3A_211 : i32
    %select_n3A_213 = arith.select %and3A_210, %sub3A_212, %div3A_191 : i32
    %add3A_214 = arith.addi %add3A_135, %select_n3A_213 : i32
    %ge3A_215 = vector.broadcast %add3A_214 : i32 to vector<1x128xi32>
    %ge3A_216 = arith.cmpi sge, %iota3A_9, %ge3A_215 : vector<1x128xi32>
    %convert_element_type3A_217 = arith.extui %ge3A_216 : vector<1x128xi1> to vector<1x128xi32>
    %add3A_218 = arith.addi %add3A_139, %convert_element_type3A_217 : vector<1x128xi32>
    %ge3A_219 = vector.broadcast %add3A_135 : i32 to vector<1x128xi32>
    %ge3A_220 = arith.cmpi sge, %iota3A_9, %ge3A_219 : vector<1x128xi32>
    %lt3A_221 = vector.broadcast %add3A_214 : i32 to vector<1x128xi32>
    %lt3A_222 = arith.cmpi slt, %iota3A_9, %lt3A_221 : vector<1x128xi32>
    %and3A_223 = arith.andi %ge3A_220, %lt3A_222 : vector<1x128xi1>
    %sub3A_224 = vector.broadcast %add3A_135 : i32 to vector<1x128xi32>
    %sub3A_225 = arith.subi %iota3A_9, %sub3A_224 : vector<1x128xi32>
    %mul3A_226 = arith.constant 2048 : i32
    %mul3A_227 = vector.broadcast %mul3A_226 : i32 to vector<1x128xi32>
    %mul3A_228 = arith.muli %sub3A_225, %mul3A_227 : vector<1x128xi32>
    %sub3A_229 = vector.broadcast %convert_element_type3A_182 : i32 to vector<1x128xi32>
    %sub3A_230 = arith.subi %sub3A_229, %mul3A_228 : vector<1x128xi32>
    %jit3A_231 = arith.constant 0 : i32
    %jit3A_232 = arith.constant 2048 : i32
    %max3A_233 = vector.broadcast %jit3A_231 : i32 to vector<1x128xi32>
    %max3A_234 = arith.maxsi %max3A_233, %sub3A_230 : vector<1x128xi32>
    %min3A_235 = vector.broadcast %jit3A_232 : i32 to vector<1x128xi32>
    %min3A_236 = arith.minsi %min3A_235, %max3A_234 : vector<1x128xi32>
    %select_n3A_237 = arith.select %and3A_223, %min3A_236, %select_n3A_158 : vector<1x128xi1>, vector<1x128xi32>
    %mul3A_238 = arith.constant 2048 : i32
    %mul3A_239 = arith.muli %select_n3A_213, %mul3A_238 : i32
    %add3A_240 = arith.addi %add3A_161, %mul3A_239 : i32
    %eq3A_241 = arith.constant 3 : i32
    %eq3A_242 = vector.broadcast %eq3A_241 : i32 to vector<256x128xi32>
    %eq3A_243 = arith.cmpi eq, %get3A_1, %eq3A_242 : vector<256x128xi32>
    %convert_element_type3A_244 = arith.extui %eq3A_243 : vector<256x128xi1> to vector<256x128xi32>
    %convert_element_type3A_245 = arith.sitofp %convert_element_type3A_244 : vector<256x128xi32> to vector<256x128xf32>
    %dot_general3A_246 = arith.constant dense<0.000000e+00> : vector<256x128xf32>
    %dot_general3A_247 = tpu.matmul %convert_element_type3A_245, %convert_element_type3A_3, %dot_general3A_246 {dimension_numbers = #tpu.dot_dimension_numbers<[1], [0], [0], [1], [0, 0, 1, 1], [], []>, transpose_lhs_hint = false} : vector<256x128xf32>, vector<128x128xf32>, vector<256x128xf32> -> vector<256x128xf32>
    %reduce_sum3A_248 = arith.constant dense<0.000000e+00> : vector<256xf32>
    %reduce_sum3A_249 = vector.multi_reduction <add>, %convert_element_type3A_245, %reduce_sum3A_248 [1] : vector<256x128xf32> to vector<256xf32>
    %broadcast_in_dim3A_250 = vector.shape_cast %reduce_sum3A_249 : vector<256xf32> to vector<256x1xf32>
    %dot_general3A_251 = arith.constant dense<0.000000e+00> : vector<256x1xf32>
    %dot_general3A_252 = tpu.matmul %convert_element_type3A_8, %broadcast_in_dim3A_250, %dot_general3A_251 {dimension_numbers = #tpu.dot_dimension_numbers<[1], [0], [0], [1], [0, 0, 1, 1], [], []>, transpose_lhs_hint = false} : vector<256x256xf32>, vector<256x1xf32>, vector<256x1xf32> -> vector<256x1xf32>
    %add3A_253 = vector.broadcast %dot_general3A_252 : vector<256x1xf32> to vector<256x128xf32>
    %add3A_254 = arith.addf %dot_general3A_247, %add3A_253 : vector<256x128xf32>
    %convert_element_type3A_255 = arith.fptosi %add3A_254 : vector<256x128xf32> to vector<256x128xi32>
    %reduce_sum3A_256 = vector.shape_cast %convert_element_type3A_245 : vector<256x128xf32> to vector<1x256x128xf32>
    %reduce_sum3A_257 = arith.constant dense<0.000000e+00> : vector<1xf32>
    %reduce_sum3A_258 = vector.multi_reduction <add>, %reduce_sum3A_256, %reduce_sum3A_257 [1, 2] : vector<1x256x128xf32> to vector<1xf32>
    %reduce_sum3A_259 = vector.shape_cast %reduce_sum3A_258 : vector<1xf32> to vector<1x1x1xf32>
    %reduce_sum3A_260 = vector.extract %reduce_sum3A_259[0, 0, 0] : f32 from vector<1x1x1xf32>
    %convert_element_type3A_261 = arith.fptosi %reduce_sum3A_260 : f32 to i32
    %add3A_262 = vector.broadcast %add3A_240 : i32 to vector<256x128xi32>
    %add3A_263 = arith.addi %add3A_262, %convert_element_type3A_255 : vector<256x128xi32>
    %select_n3A_264 = arith.select %eq3A_243, %add3A_263, %select_n3A_185 : vector<256x128xi1>, vector<256x128xi32>
    %add3A_265 = arith.constant 2048 : i32
    %add3A_266 = arith.addi %convert_element_type3A_261, %add3A_265 : i32
    %sub3A_267 = arith.constant 1 : i32
    %sub3A_268 = arith.subi %add3A_266, %sub3A_267 : i32
    %jit3A_269 = arith.constant 2048 : i32
    %div3A_270 = arith.divsi %sub3A_268, %jit3A_269 : i32
    %sign3A_271 = arith.constant 0 : i32
    %sign3A_272 = arith.cmpi sgt, %sub3A_268, %sign3A_271 : i32
    %sign3A_273 = arith.extui %sign3A_272 : i1 to i32
    %sign3A_274 = arith.constant 0 : i32
    %sign3A_275 = arith.cmpi slt, %sub3A_268, %sign3A_274 : i32
    %sign3A_276 = arith.extui %sign3A_275 : i1 to i32
    %sign3A_277 = arith.subi %sign3A_273, %sign3A_276 : i32
    %sign3A_278 = arith.constant 0 : i32
    %sign3A_279 = arith.cmpi sgt, %jit3A_269, %sign3A_278 : i32
    %sign3A_280 = arith.extui %sign3A_279 : i1 to i32
    %sign3A_281 = arith.constant 0 : i32
    %sign3A_282 = arith.cmpi slt, %jit3A_269, %sign3A_281 : i32
    %sign3A_283 = arith.extui %sign3A_282 : i1 to i32
    %sign3A_284 = arith.subi %sign3A_280, %sign3A_283 : i32
    %ne3A_285 = arith.cmpi ne, %sign3A_277, %sign3A_284 : i32
    %rem3A_286 = arith.remsi %sub3A_268, %jit3A_269 : i32
    %ne3A_287 = arith.constant 0 : i32
    %ne3A_288 = arith.cmpi ne, %rem3A_286, %ne3A_287 : i32
    %and3A_289 = arith.andi %ne3A_285, %ne3A_288 : i1
    %sub3A_290 = arith.constant 1 : i32
    %sub3A_291 = arith.subi %div3A_270, %sub3A_290 : i32
    %select_n3A_292 = arith.select %and3A_289, %sub3A_291, %div3A_270 : i32
    %add3A_293 = arith.addi %add3A_214, %select_n3A_292 : i32
    %ge3A_294 = vector.broadcast %add3A_293 : i32 to vector<1x128xi32>
    %ge3A_295 = arith.cmpi sge, %iota3A_9, %ge3A_294 : vector<1x128xi32>
    %convert_element_type3A_296 = arith.extui %ge3A_295 : vector<1x128xi1> to vector<1x128xi32>
    %add3A_297 = arith.addi %add3A_218, %convert_element_type3A_296 : vector<1x128xi32>
    %ge3A_298 = vector.broadcast %add3A_214 : i32 to vector<1x128xi32>
    %ge3A_299 = arith.cmpi sge, %iota3A_9, %ge3A_298 : vector<1x128xi32>
    %lt3A_300 = vector.broadcast %add3A_293 : i32 to vector<1x128xi32>
    %lt3A_301 = arith.cmpi slt, %iota3A_9, %lt3A_300 : vector<1x128xi32>
    %and3A_302 = arith.andi %ge3A_299, %lt3A_301 : vector<1x128xi1>
    %sub3A_303 = vector.broadcast %add3A_214 : i32 to vector<1x128xi32>
    %sub3A_304 = arith.subi %iota3A_9, %sub3A_303 : vector<1x128xi32>
    %mul3A_305 = arith.constant 2048 : i32
    %mul3A_306 = vector.broadcast %mul3A_305 : i32 to vector<1x128xi32>
    %mul3A_307 = arith.muli %sub3A_304, %mul3A_306 : vector<1x128xi32>
    %sub3A_308 = vector.broadcast %convert_element_type3A_261 : i32 to vector<1x128xi32>
    %sub3A_309 = arith.subi %sub3A_308, %mul3A_307 : vector<1x128xi32>
    %jit3A_310 = arith.constant 0 : i32
    %jit3A_311 = arith.constant 2048 : i32
    %max3A_312 = vector.broadcast %jit3A_310 : i32 to vector<1x128xi32>
    %max3A_313 = arith.maxsi %max3A_312, %sub3A_309 : vector<1x128xi32>
    %min3A_314 = vector.broadcast %jit3A_311 : i32 to vector<1x128xi32>
    %min3A_315 = arith.minsi %min3A_314, %max3A_313 : vector<1x128xi32>
    %select_n3A_316 = arith.select %and3A_302, %min3A_315, %select_n3A_237 : vector<1x128xi1>, vector<1x128xi32>
    %swap3A = arith.constant 0 : index
    %swap3A_317 = arith.constant 0 : index
    %swap3A_318 = vector.load %arg1[%swap3A, %swap3A_317] : memref<256x128xi32, #tpu.memory_space<vmem>>, vector<256x128xi32>
    tpu.vector_store %arg1[%swap3A, %swap3A_317], %select_n3A_264 {strides = array<i32>} : memref<256x128xi32, #tpu.memory_space<vmem>>, vector<256x128xi32>,
    %min3A_319 = arith.constant 3 : i32
    %min3A_320 = vector.broadcast %min3A_319 : i32 to vector<1x128xi32>
    %min3A_321 = arith.minsi %add3A_297, %min3A_320 : vector<1x128xi32>
    %squeeze3A = vector.shape_cast %min3A_321 : vector<1x128xi32> to vector<128xi32>
    %swap3A_322 = arith.constant 0 : index
    %swap3A_323 = arith.constant 0 : index
    %swap3A_324 = vector.load %arg2[%swap3A_322, %swap3A_323] : memref<2x128xi32, #tpu.memory_space<vmem>>, vector<1x128xi32>
    %swap3A_325 = vector.shape_cast %swap3A_324 : vector<1x128xi32> to vector<128xi32>
    %swap3A_326 = vector.shape_cast %squeeze3A : vector<128xi32> to vector<1x128xi32>
    tpu.vector_store %arg2[%swap3A_322, %swap3A_323], %swap3A_326 {strides = array<i32>} : memref<2x128xi32, #tpu.memory_space<vmem>>, vector<1x128xi32>,
    %squeeze3A_327 = vector.shape_cast %select_n3A_316 : vector<1x128xi32> to vector<128xi32>
    %swap3A_328 = arith.constant 1 : index
    %swap3A_329 = arith.constant 0 : index
    %swap3A_330 = vector.load %arg2[%swap3A_328, %swap3A_329] : memref<2x128xi32, #tpu.memory_space<vmem>>, vector<1x128xi32>
    %swap3A_331 = vector.shape_cast %swap3A_330 : vector<1x128xi32> to vector<128xi32>
    %swap3A_332 = vector.shape_cast %squeeze3A_327 : vector<128xi32> to vector<1x128xi32>
    tpu.vector_store %arg2[%swap3A_328, %swap3A_329], %swap3A_332 {strides = array<i32>} : memref<2x128xi32, #tpu.memory_space<vmem>>, vector<1x128xi32>,
    return
  }
}

module attributes {stable_mosaic.version = 14 : i64} {
  func.func @_mlp_kernel(%arg0: i32, %arg1: memref<20xi32, #tpu.memory_space<smem>>, %arg2: memref<20xi32, #tpu.memory_space<smem>>, %arg3: memref<2048x384xf32, #tpu.memory_space<vmem>>, %arg4: memref<1x384x160xf32, #tpu.memory_space<vmem>>, %arg5: memref<1x1x160xf32, #tpu.memory_space<vmem>>, %arg6: memref<1x160x128xf32, #tpu.memory_space<vmem>>, %arg7: memref<1x1x128xf32, #tpu.memory_space<vmem>>, %arg8: memref<1x128x96xf32, #tpu.memory_space<vmem>>, %arg9: memref<1x1x96xf32, #tpu.memory_space<vmem>>, %arg10: memref<1x96x1xf32, #tpu.memory_space<vmem>>, %arg11: memref<1x1x1xf32, #tpu.memory_space<vmem>>, %arg12: memref<2048x1xf32, #tpu.memory_space<vmem>>) attributes {dimension_semantics = [#tpu.dimension_semantics<arbitrary>], iteration_bounds = array<i64: 20>, scalar_prefetch = 2 : i64, scratch_operands = 0 : i64, tpu.core_type = #tpu.core_type<tc>, window_params = [{transform_indices = @transform_0, window_bounds = array<i64: 2048, 384>}, {transform_indices = @transform_1, window_bounds = array<i64: 1, 384, 160>}, {transform_indices = @transform_2, window_bounds = array<i64: 1, 1, 160>}, {transform_indices = @transform_3, window_bounds = array<i64: 1, 160, 128>}, {transform_indices = @transform_4, window_bounds = array<i64: 1, 1, 128>}, {transform_indices = @transform_5, window_bounds = array<i64: 1, 128, 96>}, {transform_indices = @transform_6, window_bounds = array<i64: 1, 1, 96>}, {transform_indices = @transform_7, window_bounds = array<i64: 1, 96, 1>}, {transform_indices = @transform_8, window_bounds = array<i64: 1, 1, 1>}, {transform_indices = @transform_9, window_bounds = array<i64: 2048, 1>}]} {
    %get3A = arith.constant 0 : index
    %get3A_0 = arith.constant 0 : index
    %get3A_1 = vector.load %arg3[%get3A, %get3A_0] : memref<2048x384xf32, #tpu.memory_space<vmem>>, vector<2048x384xf32>
    %get3A_2 = arith.constant 0 : index
    %get3A_3 = arith.constant 0 : index
    %get3A_4 = arith.constant 0 : index
    %get3A_5 = vector.load %arg4[%get3A_2, %get3A_3, %get3A_4] : memref<1x384x160xf32, #tpu.memory_space<vmem>>, vector<1x384x160xf32>
    %get3A_6 = vector.shape_cast %get3A_5 : vector<1x384x160xf32> to vector<384x160xf32>
    %dot_general3A = arith.constant dense<0.000000e+00> : vector<2048x160xf32>
    %dot_general3A_7 = tpu.matmul %get3A_1, %get3A_6, %dot_general3A {dimension_numbers = #tpu.dot_dimension_numbers<[1], [0], [0], [1], [0, 0, 1, 1], [], []>, transpose_lhs_hint = false} : vector<2048x384xf32>, vector<384x160xf32>, vector<2048x160xf32> -> vector<2048x160xf32>
    %get3A_8 = arith.constant 0 : index
    %get3A_9 = arith.constant 0 : index
    %get3A_10 = arith.constant 0 : index
    %get3A_11 = vector.load %arg5[%get3A_8, %get3A_9, %get3A_10] : memref<1x1x160xf32, #tpu.memory_space<vmem>>, vector<1x1x160xf32>
    %get3A_12 = vector.shape_cast %get3A_11 : vector<1x1x160xf32> to vector<1x160xf32>
    %add3A = vector.broadcast %get3A_12 : vector<1x160xf32> to vector<2048x160xf32>
    %add3A_13 = arith.addf %dot_general3A_7, %add3A : vector<2048x160xf32>
    %gt3A = arith.constant 0.000000e+00 : f32
    %gt3A_14 = vector.broadcast %gt3A : f32 to vector<2048x160xf32>
    %gt3A_15 = arith.cmpf ogt, %add3A_13, %gt3A_14 : vector<2048x160xf32>
    %exp3A = math.exp %add3A_13 : vector<2048x160xf32>
    %sub3A = arith.constant 1.000000e+00 : f32
    %sub3A_16 = vector.broadcast %sub3A : f32 to vector<2048x160xf32>
    %sub3A_17 = arith.subf %exp3A, %sub3A_16 : vector<2048x160xf32>
    %select_n3A = arith.select %gt3A_15, %add3A_13, %sub3A_17 : vector<2048x160xi1>, vector<2048x160xf32>
    %get3A_18 = arith.constant 0 : index
    %get3A_19 = arith.constant 0 : index
    %get3A_20 = arith.constant 0 : index
    %get3A_21 = vector.load %arg6[%get3A_18, %get3A_19, %get3A_20] : memref<1x160x128xf32, #tpu.memory_space<vmem>>, vector<1x160x128xf32>
    %get3A_22 = vector.shape_cast %get3A_21 : vector<1x160x128xf32> to vector<160x128xf32>
    %dot_general3A_23 = arith.constant dense<0.000000e+00> : vector<2048x128xf32>
    %dot_general3A_24 = tpu.matmul %select_n3A, %get3A_22, %dot_general3A_23 {dimension_numbers = #tpu.dot_dimension_numbers<[1], [0], [0], [1], [0, 0, 1, 1], [], []>, transpose_lhs_hint = false} : vector<2048x160xf32>, vector<160x128xf32>, vector<2048x128xf32> -> vector<2048x128xf32>
    %get3A_25 = arith.constant 0 : index
    %get3A_26 = arith.constant 0 : index
    %get3A_27 = arith.constant 0 : index
    %get3A_28 = vector.load %arg7[%get3A_25, %get3A_26, %get3A_27] : memref<1x1x128xf32, #tpu.memory_space<vmem>>, vector<1x1x128xf32>
    %get3A_29 = vector.shape_cast %get3A_28 : vector<1x1x128xf32> to vector<1x128xf32>
    %add3A_30 = vector.broadcast %get3A_29 : vector<1x128xf32> to vector<2048x128xf32>
    %add3A_31 = arith.addf %dot_general3A_24, %add3A_30 : vector<2048x128xf32>
    %gt3A_32 = arith.constant 0.000000e+00 : f32
    %gt3A_33 = vector.broadcast %gt3A_32 : f32 to vector<2048x128xf32>
    %gt3A_34 = arith.cmpf ogt, %add3A_31, %gt3A_33 : vector<2048x128xf32>
    %exp3A_35 = math.exp %add3A_31 : vector<2048x128xf32>
    %sub3A_36 = arith.constant 1.000000e+00 : f32
    %sub3A_37 = vector.broadcast %sub3A_36 : f32 to vector<2048x128xf32>
    %sub3A_38 = arith.subf %exp3A_35, %sub3A_37 : vector<2048x128xf32>
    %select_n3A_39 = arith.select %gt3A_34, %add3A_31, %sub3A_38 : vector<2048x128xi1>, vector<2048x128xf32>
    %get3A_40 = arith.constant 0 : index
    %get3A_41 = arith.constant 0 : index
    %get3A_42 = arith.constant 0 : index
    %get3A_43 = vector.load %arg8[%get3A_40, %get3A_41, %get3A_42] : memref<1x128x96xf32, #tpu.memory_space<vmem>>, vector<1x128x96xf32>
    %get3A_44 = vector.shape_cast %get3A_43 : vector<1x128x96xf32> to vector<128x96xf32>
    %dot_general3A_45 = arith.constant dense<0.000000e+00> : vector<2048x96xf32>
    %dot_general3A_46 = tpu.matmul %select_n3A_39, %get3A_44, %dot_general3A_45 {dimension_numbers = #tpu.dot_dimension_numbers<[1], [0], [0], [1], [0, 0, 1, 1], [], []>, transpose_lhs_hint = false} : vector<2048x128xf32>, vector<128x96xf32>, vector<2048x96xf32> -> vector<2048x96xf32>
    %get3A_47 = arith.constant 0 : index
    %get3A_48 = arith.constant 0 : index
    %get3A_49 = arith.constant 0 : index
    %get3A_50 = vector.load %arg9[%get3A_47, %get3A_48, %get3A_49] : memref<1x1x96xf32, #tpu.memory_space<vmem>>, vector<1x1x96xf32>
    %get3A_51 = vector.shape_cast %get3A_50 : vector<1x1x96xf32> to vector<1x96xf32>
    %add3A_52 = vector.broadcast %get3A_51 : vector<1x96xf32> to vector<2048x96xf32>
    %add3A_53 = arith.addf %dot_general3A_46, %add3A_52 : vector<2048x96xf32>
    %gt3A_54 = arith.constant 0.000000e+00 : f32
    %gt3A_55 = vector.broadcast %gt3A_54 : f32 to vector<2048x96xf32>
    %gt3A_56 = arith.cmpf ogt, %add3A_53, %gt3A_55 : vector<2048x96xf32>
    %exp3A_57 = math.exp %add3A_53 : vector<2048x96xf32>
    %sub3A_58 = arith.constant 1.000000e+00 : f32
    %sub3A_59 = vector.broadcast %sub3A_58 : f32 to vector<2048x96xf32>
    %sub3A_60 = arith.subf %exp3A_57, %sub3A_59 : vector<2048x96xf32>
    %select_n3A_61 = arith.select %gt3A_56, %add3A_53, %sub3A_60 : vector<2048x96xi1>, vector<2048x96xf32>
    %get3A_62 = arith.constant 0 : index
    %get3A_63 = arith.constant 0 : index
    %get3A_64 = arith.constant 0 : index
    %get3A_65 = vector.load %arg10[%get3A_62, %get3A_63, %get3A_64] : memref<1x96x1xf32, #tpu.memory_space<vmem>>, vector<1x96x1xf32>
    %get3A_66 = vector.shape_cast %get3A_65 : vector<1x96x1xf32> to vector<96x1xf32>
    %dot_general3A_67 = arith.constant dense<0.000000e+00> : vector<2048x1xf32>
    %dot_general3A_68 = tpu.matmul %select_n3A_61, %get3A_66, %dot_general3A_67 {dimension_numbers = #tpu.dot_dimension_numbers<[1], [0], [0], [1], [0, 0, 1, 1], [], []>, transpose_lhs_hint = false} : vector<2048x96xf32>, vector<96x1xf32>, vector<2048x1xf32> -> vector<2048x1xf32>
    %get3A_69 = arith.constant 0 : index
    %get3A_70 = arith.constant 0 : index
    %get3A_71 = arith.constant 0 : index
    %get3A_72 = vector.load %arg11[%get3A_69, %get3A_70, %get3A_71] : memref<1x1x1xf32, #tpu.memory_space<vmem>>, vector<1x1x1xf32>
    %get3A_73 = vector.shape_cast %get3A_72 : vector<1x1x1xf32> to vector<1x1xf32>
    %add3A_74 = vector.broadcast %get3A_73 : vector<1x1xf32> to vector<2048x1xf32>
    %add3A_75 = arith.addf %dot_general3A_68, %add3A_74 : vector<2048x1xf32>
    %iota3A = tpu.iota {dimensions = array<i32: 0>} : vector<2048x1xi32>
    %get3A_76 = arith.index_cast %arg0 : i32 to index
    %get3A_77 = memref.load %arg2[%get3A_76] : memref<20xi32, #tpu.memory_space<smem>>
    %lt3A = vector.broadcast %get3A_77 : i32 to vector<2048x1xi32>
    %lt3A_78 = arith.cmpi slt, %iota3A, %lt3A : vector<2048x1xi32>
    %jit3A = arith.constant 0.000000e+00 : f32
    %broadcast_in_dim3A = vector.broadcast %jit3A : f32 to vector<2048x1xf32>
    %select_n3A_79 = arith.select %lt3A_78, %add3A_75, %broadcast_in_dim3A : vector<2048x1xi1>, vector<2048x1xf32>
    %swap3A = arith.constant 0 : index
    %swap3A_80 = arith.constant 0 : index
    %swap3A_81 = vector.load %arg12[%swap3A, %swap3A_80] : memref<2048x1xf32, #tpu.memory_space<vmem>>, vector<2048x1xf32>
    tpu.vector_store %arg12[%swap3A, %swap3A_80], %select_n3A_79 {strides = array<i32>} : memref<2048x1xf32, #tpu.memory_space<vmem>>, vector<2048x1xf32>,
    return
  }
  func.func @transform_0(%arg0: i32, %arg1: memref<20xi32, #tpu.memory_space<smem>>, %arg2: memref<20xi32, #tpu.memory_space<smem>>) -> (i32, i32) {
    %c0_i32 = arith.constant 0 : i32
    %c0_i32_0 = arith.constant 0 : i32
    return %arg0, %c0_i32 : i32, i32
  }
  func.func @transform_1(%arg0: i32, %arg1: memref<20xi32, #tpu.memory_space<smem>>, %arg2: memref<20xi32, #tpu.memory_space<smem>>) -> (i32, i32, i32) {
    %get3A = arith.index_cast %arg0 : i32 to index
    %get3A_0 = memref.load %arg1[%get3A] : memref<20xi32, #tpu.memory_space<smem>>
    %c0_i32 = arith.constant 0 : i32
    %c0_i32_1 = arith.constant 0 : i32
    %c0_i32_2 = arith.constant 0 : i32
    return %get3A_0, %c0_i32, %c0_i32_1 : i32, i32, i32
  }
  func.func @transform_2(%arg0: i32, %arg1: memref<20xi32, #tpu.memory_space<smem>>, %arg2: memref<20xi32, #tpu.memory_space<smem>>) -> (i32, i32, i32) {
    %get3A = arith.index_cast %arg0 : i32 to index
    %get3A_0 = memref.load %arg1[%get3A] : memref<20xi32, #tpu.memory_space<smem>>
    %c0_i32 = arith.constant 0 : i32
    %c0_i32_1 = arith.constant 0 : i32
    %c0_i32_2 = arith.constant 0 : i32
    return %get3A_0, %c0_i32, %c0_i32_1 : i32, i32, i32
  }
  func.func @transform_3(%arg0: i32, %arg1: memref<20xi32, #tpu.memory_space<smem>>, %arg2: memref<20xi32, #tpu.memory_space<smem>>) -> (i32, i32, i32) {
    %get3A = arith.index_cast %arg0 : i32 to index
    %get3A_0 = memref.load %arg1[%get3A] : memref<20xi32, #tpu.memory_space<smem>>
    %c0_i32 = arith.constant 0 : i32
    %c0_i32_1 = arith.constant 0 : i32
    %c0_i32_2 = arith.constant 0 : i32
    return %get3A_0, %c0_i32, %c0_i32_1 : i32, i32, i32
  }
  func.func @transform_4(%arg0: i32, %arg1: memref<20xi32, #tpu.memory_space<smem>>, %arg2: memref<20xi32, #tpu.memory_space<smem>>) -> (i32, i32, i32) {
    %get3A = arith.index_cast %arg0 : i32 to index
    %get3A_0 = memref.load %arg1[%get3A] : memref<20xi32, #tpu.memory_space<smem>>
    %c0_i32 = arith.constant 0 : i32
    %c0_i32_1 = arith.constant 0 : i32
    %c0_i32_2 = arith.constant 0 : i32
    return %get3A_0, %c0_i32, %c0_i32_1 : i32, i32, i32
  }
  func.func @transform_5(%arg0: i32, %arg1: memref<20xi32, #tpu.memory_space<smem>>, %arg2: memref<20xi32, #tpu.memory_space<smem>>) -> (i32, i32, i32) {
    %get3A = arith.index_cast %arg0 : i32 to index
    %get3A_0 = memref.load %arg1[%get3A] : memref<20xi32, #tpu.memory_space<smem>>
    %c0_i32 = arith.constant 0 : i32
    %c0_i32_1 = arith.constant 0 : i32
    %c0_i32_2 = arith.constant 0 : i32
    return %get3A_0, %c0_i32, %c0_i32_1 : i32, i32, i32
  }
  func.func @transform_6(%arg0: i32, %arg1: memref<20xi32, #tpu.memory_space<smem>>, %arg2: memref<20xi32, #tpu.memory_space<smem>>) -> (i32, i32, i32) {
    %get3A = arith.index_cast %arg0 : i32 to index
    %get3A_0 = memref.load %arg1[%get3A] : memref<20xi32, #tpu.memory_space<smem>>
    %c0_i32 = arith.constant 0 : i32
    %c0_i32_1 = arith.constant 0 : i32
    %c0_i32_2 = arith.constant 0 : i32
    return %get3A_0, %c0_i32, %c0_i32_1 : i32, i32, i32
  }
  func.func @transform_7(%arg0: i32, %arg1: memref<20xi32, #tpu.memory_space<smem>>, %arg2: memref<20xi32, #tpu.memory_space<smem>>) -> (i32, i32, i32) {
    %get3A = arith.index_cast %arg0 : i32 to index
    %get3A_0 = memref.load %arg1[%get3A] : memref<20xi32, #tpu.memory_space<smem>>
    %c0_i32 = arith.constant 0 : i32
    %c0_i32_1 = arith.constant 0 : i32
    %c0_i32_2 = arith.constant 0 : i32
    return %get3A_0, %c0_i32, %c0_i32_1 : i32, i32, i32
  }
  func.func @transform_8(%arg0: i32, %arg1: memref<20xi32, #tpu.memory_space<smem>>, %arg2: memref<20xi32, #tpu.memory_space<smem>>) -> (i32, i32, i32) {
    %get3A = arith.index_cast %arg0 : i32 to index
    %get3A_0 = memref.load %arg1[%get3A] : memref<20xi32, #tpu.memory_space<smem>>
    %c0_i32 = arith.constant 0 : i32
    %c0_i32_1 = arith.constant 0 : i32
    %c0_i32_2 = arith.constant 0 : i32
    return %get3A_0, %c0_i32, %c0_i32_1 : i32, i32, i32
  }
  func.func @transform_9(%arg0: i32, %arg1: memref<20xi32, #tpu.memory_space<smem>>, %arg2: memref<20xi32, #tpu.memory_space<smem>>) -> (i32, i32) {
    %c0_i32 = arith.constant 0 : i32
    %c0_i32_0 = arith.constant 0 : i32
    return %arg0, %c0_i32 : i32, i32
  }
}

</mosaic_0001>

<sc_bundles>
// kernel: kernel.6.cloned.1.call-start
scs
__scs_entry_jumppad:
0x0: {  	(pc) =	sbr.rel $0x88, $3  }
0x1: {  	(tag) =	ssettag $0x0;
	lr =	simm.s32 $0x1  }
0x2: {  	[smem:$0x3F97] =	sst lr;
	_ =	strace $0xD0000000  }
0x3: {  	_ = 	snop  }
0x4: {  	_ = 	snop  }
0x5: {  	_ = 	snop  }
0x6: {  	_ = 	snop  }
0x7: {  	_ = 	snop  }
__scs_overlays_trampoline_lowered:
0x8: {  	[smem:$0x3FA6] =	sst s0  }
0x9: {  	[smem:$0x3FA7] =	sst s1  }
0xa: {  	[smem:$0x3FA8] =	sst s2  }
0xb: {  	[smem:$0x3FA9] =	sst s3  }
0xc: {  	[smem:$0x3FAA] =	sst s4  }
0xd: {  	[smem:$0x3FAB] =	sst s5  }
0xe: {  	[smem:$0x3FAC] =	sst s6  }
0xf: {  	[smem:$0x3FAD] =	sst s7  }
0x10: {  	[smem:$0x3FAE] =	sst s8  }
0x11: {  	[smem:$0x3FAF] =	sst s9;
	s0 =	simm.s32 @!p0 $0x0  }
0x12: {  	s1 =	sld [smem:$0x3F95];
	s0 =	simm.s32 @p0 $0x1  }
0x13: {  	[smem:$0x3FB0] =	sst s0;
	s0 =	simm.s32 @!p1 $0x0  }
0x14: {  	s2 =	sld [smem:$0x3F94];
	s0 =	simm.s32 @p1 $0x1  }
0x15: {  	[smem:$0x3FB1] =	sst s0;
	s0 =	simm.s32 @!p2 $0x0  }
0x16: {  	s3 =	sld [smem:$0x3FDB];
	s0 =	simm.s32 @p2 $0x1  }
0x17: {  	s4 =	simm.s32 $0x1BF5;
	[smem:$0x3FB3] =	sst s0  }
0x18: {  	s0 =	sld [smem:$0x3F96];
	_ =	swait.ge [sflag:s4], $0x0  }
0x19: {  	s7 =	sld [smem:$0x3F97]  }
0x1a: {  	s8 =	sadd.s32 $0xFFFFE003, lr  }
0x1b: {  	s9 =	sadd.s32 $0xFFFFFEF7, lr;
	s5 =	simm.s32 $0xFFFFFFFF;
	p2 =	slt.u32 s8, $0xFFFFF086  }
0x1c: {  	p1 =	slt.u32 s9, $0xF7A;
	s5 =	simm.s32 @!p2 $0x0  }
0x1d: {  	s5 =	simm.s32 @p1 $0x1;
	p0 =	seq.s32 s7, s2  }
0x1e: {  	s7 =	smul.u32 @!p0 $0xF7A, s2;
	p2 =	seq.s32 @!p0 s5, $0x0  }
0x1f: {  	s9 =	smul.u32 $0xF7A, s1;
	s8 =	simm.s32 @!p0 $0x1BF5;
	p2 =	por !p2, p0  }
0x20: {  	[sflag:s8] =	ssyncset.s32 @!p0 $0xFFFFF086;
	s6 =	sadd.s32 @!p0 s3, s7;
	s7 =	simm.s32 @!p0 $0x108  }
0x21: {  	s3 =	sadd.s32 s3, s9;
	s6 =	sadd.s32 @!p0 $0x88, s6;
	s7 =	simm.s32 @p2 $0x1082  }
0x22: {  	[simem:s7], [sflag:s8] =	dma.local @!p0 [hbm:s6], $0xF7A  }
0x23: {  	s9 =	sor.u32 $0xD0000000, s2;
	s6 =	simm.s32 $0x108;
	_ =	swait.ge @!p0 [sflag:s8], $0x0  }
0x24: {  	s3 =	sadd.s32 $0x88, s3;
	s6 =	simm.s32 @!p1 $0x1082;
	[sflag:s4] =	ssyncset.s32 $0xFFFFF086  }
0x25: {  	[simem:s6], [sflag:s4] =	dma.local [hbm:s3], $0xF7A  }
0x26: {  	[smem:$0x3F97] =	sst s1;
	(tag) =	ssettag s2;
	_ =	strace s9  }
0x27: {  	s1 =	sld [smem:$0x3FA7]  }
0x28: {  	s2 =	sld [smem:$0x3FA8]  }
0x29: {  	s4 =	sld [smem:$0x3FAA]  }
0x2a: {  	p0 =	seq.s32 s5, $0x0;
	s5 =	sld [smem:$0x3FAB]  }
0x2b: {  	s6 =	sld [smem:$0x3FAC]  }
0x2c: {  	s7 =	sld [smem:$0x3FAD]  }
0x2d: {  	s3 =	simm.s32 $0x108;
	s8 =	sld [smem:$0x3FAE]  }
0x2e: {  	s3 =	simm.s32 @!p0 $0x1082;
	s9 =	sld [smem:$0x3FAF]  }
0x2f: {  	lr =	sadd.s32 s0, s3;
	s0 =	sld [smem:$0x3FA6]  }
0x30: {  	s3 =	sld [smem:$0x3FA9]  }
0x31: {  	[smem:$0x3FB2] =	sst s10  }
0x32: {  	s10 =	sld [smem:$0x3FB0];
	_ =	sdelay $0x3  }
0x33: {  	p0 =	seq.s32 s10, $0x1;
	s10 =	sld [smem:$0x3FB2];
	_ =	sdelay $0x3  }
0x34: {  	[smem:$0x3FB2] =	sst s10  }
0x35: {  	s10 =	sld [smem:$0x3FB1];
	_ =	sdelay $0x3  }
0x36: {  	p1 =	seq.s32 s10, $0x1;
	s10 =	sld [smem:$0x3FB2];
	_ =	sdelay $0x3  }
0x37: {  	[smem:$0x3FB2] =	sst s10  }
0x38: {  	s10 =	sld [smem:$0x3FB3]  }
0x39: {  	_ = 	snop;
	(pc) =	sbr.ind lr, $3  }
0x3a: {  	_ = 	snop  }
0x3b: {  	_ = 	snop  }
0x3c: {  	p2 =	seq.s32 s10, $0x1;
	s10 =	sld [smem:$0x3FB2]  }
0x3d: {  	_ =	shalt  }
0x3e: {  	_ =	shalt  }
0x3f: {  	_ =	shalt  }
0x40: {  	_ =	shalt  }
0x41: {  	_ =	shalt  }
0x42: {  	_ =	shalt  }
0x43: {  	_ =	shalt  }
0x44: {  	_ =	shalt  }
0x45: {  	_ =	shalt  }
0x46: {  	_ =	shalt  }
0x47: {  	_ =	shalt  }
0x48: {  	_ =	shalt  }
0x49: {  	_ =	shalt  }
0x4a: {  	_ =	shalt  }
0x4b: {  	_ =	shalt  }
0x4c: {  	_ =	shalt  }
0x4d: {  	_ =	shalt  }
0x4e: {  	_ =	shalt  }
0x4f: {  	_ =	shalt  }
0x50: {  	_ =	shalt  }
0x51: {  	_ =	shalt  }
0x52: {  	_ =	shalt  }
0x53: {  	_ =	shalt  }
0x54: {  	_ =	shalt  }
0x55: {  	_ =	shalt  }
0x56: {  	_ =	shalt  }
0x57: {  	_ =	shalt  }
0x58: {  	_ =	shalt  }
0x59: {  	_ =	shalt  }
0x5a: {  	_ =	shalt  }
0x5b: {  	_ =	shalt  }
0x5c: {  	_ =	shalt  }
0x5d: {  	_ =	shalt  }
0x5e: {  	_ =	shalt  }
0x5f: {  	_ =	shalt  }
0x60: {  	_ =	shalt  }
0x61: {  	_ =	shalt  }
0x62: {  	_ =	shalt  }
0x63: {  	_ =	shalt  }
0x64: {  	_ =	shalt  }
0x65: {  	_ =	shalt  }
0x66: {  	_ =	shalt  }
0x67: {  	_ =	shalt  }
0x68: {  	_ =	shalt  }
0x69: {  	_ =	shalt  }
0x6a: {  	_ =	shalt  }
0x6b: {  	_ =	shalt  }
0x6c: {  	_ =	shalt  }
0x6d: {  	_ =	shalt  }
0x6e: {  	_ =	shalt  }
0x6f: {  	_ =	shalt  }
0x70: {  	_ =	shalt  }
0x71: {  	_ =	shalt  }
0x72: {  	_ =	shalt  }
0x73: {  	_ =	shalt  }
0x74: {  	_ =	shalt  }
0x75: {  	_ =	shalt  }
0x76: {  	_ =	shalt  }
0x77: {  	_ =	shalt  }
0x78: {  	_ =	shalt  }
0x79: {  	_ =	shalt  }
0x7a: {  	_ =	shalt  }
0x7b: {  	_ =	shalt  }
0x7c: {  	_ =	shalt  }
0x7d: {  	_ =	shalt  }
0x7e: {  	_ =	shalt  }
0x7f: {  	_ =	shalt  }
0x80: {  	_ =	shalt  }
0x81: {  	_ =	shalt  }
0x82: {  	_ =	shalt  }
0x83: {  	_ =	shalt  }
0x84: {  	_ =	shalt  }
0x85: {  	_ =	shalt  }
0x86: {  	_ =	shalt  }
0x87: {  	_ =	shalt  }
.Lfunc_end0:
.L_simem_size_0:
called_computation_lowered:
.L_overlay_start_0:
0x88: {  	s2 =	sld [smem:$0x3FD9]  }
0x89: {  	s3 =	sld [smem:$0x3FFE];
	_ =	sdelay $0x1  }
0x8a: {  	s1 =	srdreg.scid  }
0x8b: {  	s0 =	sand.u32 $0x1, s1  }
0x8c: {  	s17 =	sshll.u32 s0, $0xA;
	s2 =	sadd.s32 s3, s2  }
0x8d: {  	s2 =	sadd.s32 s2, s17  }
0x8e: {  	[smem:$0x3FBE] =	sst s2  }
0x8f: {  	_ = 	snop  }
0x90: {  	s2 =	sld [smem:$0x3FC8];
	(tm) =	ssettm $0x1  }
0x91: {  	s18 =	sld [smem:$0x3FFB];
	_ =	sdelay $0x3  }
0x92: {  	_ =	strace s18  }
0x93: {  	s3 =	sld [smem:$0x3FFC];
	_ =	sdelay $0x3  }
0x94: {  	_ =	strace s3  }
0x95: {  	s3 =	sld [smem:$0x3FFD];
	_ =	sdelay $0x3  }
0x96: {  	_ =	strace s3  }
0x97: {  	_ =	strace $0x8FFFFFFF  }
0x98: {  	s19 =	sld [smem:$0x3FDB];
	_ =	sdelay $0x1  }
0x99: {  	s4 =	simm.s32 $_scs_section_size  }
0x9a: {  	s5 =	simm.s32 $_size__tile_overlayer_lowered;
	s6 =	simm.s32 $_tile_overlayer_lowered  }
0x9b: {  	s22 =	simm.s32 $0x1BFF;
	s21 =	sshll.u32 s6, $0x1;
	s3 =	sadd.s32 s4, s19  }
0x9c: {  	s7 =	simm.s32 $0x0;
	s20 =	sshll.u32 s5, $0x1;
	s5 =	sadd.s32 s21, s3  }
0x9d: {  	[timem:s7], [sflag:s22] =	dma.local [hbm:s5], s20  }
0x9e: {  	_ =	swait.ge [sflag:s22], s20  }
0x9f: {  	s4 =	ssub.s32 $0x0, s20;
	[sflag:s22] =	ssyncset.done $0x0  }
0xa0: {  	[sflag:s22] =	ssyncadd.s32 s4;
	_ =	sdelay $0x1  }
0xa1: {  	s23 =	simm.s32 $0x1B8B  }
0xa2: {  	_ =	swait.ge [sflag:s23], $0x1  }
0xa3: {  	[sflag:s23] =	ssyncset.done $0x0  }
0xa4: {  	s25 =	simm.s32 $0x1B8E;
	s24 =	sld [smem:$0x3FFE];
	[sflag:s23] =	ssyncadd.s32 $0xFFFFFFFF  }
0xa5: {  	s26 =	simm.s32 $execute0_lowered;
	[smem:$0x3FD2] =	sst s25  }
0xa6: {  	s5 =	sshll.u32 s26, $0x1;
	_ =	strace $0x80000046;
	[dreg:$0x1] =	wrdreg $0xFFFFFFFF  }
0xa7: {  	s28 =	simm.s32 $_size_execute0_lowered;
	s3 =	sadd.s32 s3, s5;
	[dreg:$0x0] =	wrdreg $0x0  }
0xa8: {  	s5 =	sshll.u32 s28, $0x1;
	[dreg:$0x2] =	wrdreg s3  }
0xa9: {  	[dreg:$0x3] =	wrdreg s5  }
0xaa: {  	[dreg:$0x4] =	wrdreg $0xC0  }
0xab: {  	_ =	task [dreg:s7], $0x5FFFF  }
0xac: {  	[dreg:$0x1] =	wrdreg $0xFFFFFFFF  }
0xad: {  	[dreg:$0x0] =	wrdreg $0x60  }
0xae: {  	[dreg:$0x2] =	wrdreg s2  }
0xaf: {  	[dreg:$0x3] =	wrdreg s24  }
0xb0: {  	[dreg:$0x4] =	wrdreg $0x9  }
0xb1: {  	_ =	task.clear_ibuf [dreg:s7], $0x5FFFF;
	_ =	strace $0x90000046  }
0xb2: {  	s29 =	simm.s32 $0x9;
	_ =	strace $0x80000048  }
0xb3: {  	_ =	swait.ge [sflag:s29], $0x1  }
0xb4: {  	[sflag:s29] =	ssyncadd.s32 $0xFFFFFFFF  }
0xb5: {  	_ =	strace $0x90000048  }
0xb6: {  	_ =	sfence  }
0xb7: {  	s30 =	sld [smem:$0x0];
	_ =	sdelay $0x2  }
0xb8: {  	s31 =	sshll.u32 s1, $0xD;
	s1 =	sshrl.u32 s1, $0x2  }
0xb9: {  	s3 =	sand.u32 $0x4000, s31;
	s1 =	sadd.s32 s1, s30  }
0xba: {  	s0 =	sor.u32 s3, s0;
	s1 =	sshll.u32 s1, $0x11  }
0xbb: {  	s0 =	sor.u32 s1, s0  }
0xbc: {  	s0 =	sadd.s32 $0x8F2B, s0  }
0xbd: {  	[sflag:s0] =	ssyncadd.remote.s32 $0x1  }
0xbe: {  	_ =	sfence.sel $0xFFFF  }
0xbf: {  	[dreg:$0x0] =	wrdreg $0xFFFFFFFF;
	(pc) =	sbr.abs _section_cstart, $3  }
0xc0: {  	[dreg:$0x1] =	wrdreg $0xFFFFFFFF  }
0xc1: {  	_ =	task.clear_ibuf [dreg:s7], $0x2FFFF;
	_ =	strace $0x9FFFFFFF  }
0xc2: {  	(tm) =	ssettm $0x7FFFFFFF  }
0xc3: {  	_ =	shalt  }
tec
execute0_lowered:
.L_overlay_start_1:
0x0: {  	(tag) =	ssettag $0x1  }
0x1: {  	s0 =	srdreg.scid  }
0x2: {  	s2 =	stileid.u32;
	s0 =	sand.u32 $0x1, s0  }
0x3: {  	s1 =	rddreg [dreg:$0x0];
	s2 =	sshll.u32 s2, $0x8;
	s3 =	sshll.u32 s0, $0x7  }
0x4: {  	s5 =	rddreg [dreg:$0x1];
	s10 =	simm.s32 $0x1;
	s3 =	sor.u32 s3, s2  }
0x5: {  	s2 =	simm.s32 $0x0;
	s4 =	smul.u32 $0x180, s3;
	s6 =	sadd.s32 s3, s5  }
0x6: {  	[smem:$0x7FF] =	sst s2;
	s3 =	smul.u32 $0xC00, s3;
	s6 =	sadd.s32 $0x1A00, s6  }
0x7: {  	_ =	strace $0x80000047;
	s7 =	sadd.s32 s1, s4;
	[dreg:$0x3] =	wrdreg s6  }
0x8: {  	s3 =	sshrl.u32 s3, $0x3;
	s4 =	sadd.s32 $0x1800, s7;
	[dreg:$0xb] =	wrdreg s7  }
0x9: {  	s26 =	sadd.s32 $0x3000, s7;
	s1 =	sadd.s32 s1, s3;
	[dreg:$0x4] =	wrdreg s4  }
0xa: {  	s18 =	simm.s32 $0x2;
	[dreg:$0x5] =	wrdreg s26;
	s3 =	sadd.s32 $0x4800, s1  }
0xb: {  	s0 =	ssub.s32 $0x2, s0;
	s28 =	sadd.s32 $0x6000, s1;
	[dreg:$0x6] =	wrdreg s3  }
0xc: {  	s29 =	sshrl.u32 s0, $0x1;
	s30 =	sadd.s32 $0x7800, s1;
	[dreg:$0x7] =	wrdreg s28  }
0xd: {  	v2 =	vlaneseq.u32;
	s0 =	ssub.s32 s0, s29;
	s31 =	sadd.s32 $0x9000, s1;
	[dreg:$0x8] =	wrdreg s30  }
0xe: {  	vm0 =	vmmov $0xffff;
	vm1 =	vmmov $0xff;
	v1 =	vshrl.u32 v2, $0x3;
	s6 =	smax.u32 s0, $0x1;
	s1 =	sadd.s32 $0xA800, s1;
	[dreg:$0x9] =	wrdreg s31  }
0xf: {  	v0 =	vand.u32 $0x7, v2;
	v2 =	vor.u32 $0x8, v2;
	v1 =	vmul.u32 $0x8, v1;
	s4 =	sadd.s32 $0x2A00, s5;
	s5 =	sadd.s32 $0x2B00, s5;
	[dreg:$0xa] =	wrdreg s1  }
.LBB2_1:
0x10: {  	s28 =	rddreg [dreg:$0x3];
	s3 =	simm.s32 $0x3  }
0x11: {  	[tilespmem:s2], [sflag:$0x3] =	stream.linear.gather [hbm4b:s28+s2], $0x400, $0x38;
	[tilespmem:$0x18400] =	vst v63  }
0x12: {  	_ =	swait.ge [sflag:s3], $0x400  }
0x13: {  	[sflag:s3] =	ssyncset.done $0x0  }
0x14: {  	s9 =	simm.s32 $0x400;
	s29 =	rddreg [dreg:$0xb];
	[sflag:s3] =	ssyncadd.s32 $0xFFFFFC00  }
0x15: {  	[tilespmem:s9], [sflag:$0x1] =	stream.linear.gather [hbm4b:s29+s2], $0xC000, $0x38;
	[tilespmem:$0x18400] =	vst v63  }
0x16: {  	s0 =	simm.s32 $0xC400;
	s7 =	rddreg [dreg:$0x4]  }
0x17: {  	[tilespmem:s0], [sflag:$0x1] =	stream.linear.gather [hbm4b:s7+s2], $0xC000, $0x38;
	[tilespmem:$0x18400] =	vst v63  }
0x18: {  	_ =	swait.ge [sflag:s10], $0xC000  }
0x19: {  	[sflag:s10] =	ssyncset.done $0x0  }
0x1a: {  	[sflag:s10] =	ssyncadd.s32 $0xFFFF4000  }
0x1b: {  	v3 =	vld [tilespmem:$0x0];
	_ =	sdelay $0x4  }
0x1c: {  	v4 =	vshrl.u32 v3, $0x3  }
0x1d: {  	v4 =	vmul.u32 $0x18, v4  }
0x1e: {  	v3 =	vand.u32 $0x7, v3  }
0x1f: {  	v3 =	vor.u32 v3, v4  }
0x20: {  	v4 =	vperm.xlane v3, v0;
	_ =	sdelay $0x1  }
0x21: {  	v4 =	vadd.s32 v1, v4;
	_ =	sdelay $0x1  }
0x22: {  	v3 =	vperm.xlane v3, v2;
	_ =	sdelay $0x1  }
0x23: {  	v3 =	vadd.s32 v1, v3  }
0x24: {  	[hbm4b:s4+s2] =	stream.indirect_vreg.scatter [tilespmem:s9], [sflag:$0x2], $0x80, v4, vm0, $0xb8;
	[tilespmem:$0x18400] =	vst v63  }
0x25: {  	s8 =	simm.s32 $0xC00  }
0x26: {  	[hbm4b:s5+s2] =	stream.indirect_vreg.scatter [tilespmem:s8], [sflag:$0x2], $0x80, v4, vm1, $0xb8;
	[tilespmem:$0x18400] =	vst v63  }
0x27: {  	s11 =	simm.s32 $0x1000  }
0x28: {  	[hbm4b:s4+s2] =	stream.indirect_vreg.scatter [tilespmem:s11], [sflag:$0x2], $0x80, v3, vm0, $0xb8;
	[tilespmem:$0x18400] =	vst v63  }
0x29: {  	s12 =	simm.s32 $0x1800  }
0x2a: {  	[hbm4b:s5+s2] =	stream.indirect_vreg.scatter [tilespmem:s12], [sflag:$0x2], $0x80, v3, vm1, $0xb8;
	[tilespmem:$0x18400] =	vst v63  }
0x2b: {  	v3 =	vld [tilespmem:$0x10];
	_ =	sdelay $0x4  }
0x2c: {  	v57 =	vshrl.u32 v3, $0x3  }
0x2d: {  	v4 =	vmul.u32 $0x18, v57  }
0x2e: {  	v3 =	vand.u32 $0x7, v3  }
0x2f: {  	v3 =	vor.u32 v3, v4  }
0x30: {  	v4 =	vperm.xlane v3, v0;
	_ =	sdelay $0x1  }
0x31: {  	v4 =	vadd.s32 v1, v4;
	_ =	sdelay $0x1  }
0x32: {  	v3 =	vperm.xlane v3, v2;
	_ =	sdelay $0x1  }
0x33: {  	s13 =	simm.s32 $0x1C00;
	v3 =	vadd.s32 v1, v3  }
0x34: {  	[hbm4b:s4+s2] =	stream.indirect_vreg.scatter [tilespmem:s13], [sflag:$0x2], $0x80, v4, vm0, $0xb8;
	[tilespmem:$0x18400] =	vst v63  }
0x35: {  	s14 =	simm.s32 $0x2400  }
0x36: {  	[hbm4b:s5+s2] =	stream.indirect_vreg.scatter [tilespmem:s14], [sflag:$0x2], $0x80, v4, vm1, $0xb8;
	[tilespmem:$0x18400] =	vst v63  }
0x37: {  	s15 =	simm.s32 $0x2800  }
0x38: {  	[hbm4b:s4+s2] =	stream.indirect_vreg.scatter [tilespmem:s15], [sflag:$0x2], $0x80, v3, vm0, $0xb8;
	[tilespmem:$0x18400] =	vst v63  }
0x39: {  	s16 =	simm.s32 $0x3000  }
0x3a: {  	[hbm4b:s5+s2] =	stream.indirect_vreg.scatter [tilespmem:s16], [sflag:$0x2], $0x80, v3, vm1, $0xb8;
	[tilespmem:$0x18400] =	vst v63  }
0x3b: {  	v3 =	vld [tilespmem:$0x20];
	_ =	sdelay $0x4  }
0x3c: {  	v58 =	vshrl.u32 v3, $0x3  }
0x3d: {  	v4 =	vmul.u32 $0x18, v58  }
0x3e: {  	v3 =	vand.u32 $0x7, v3  }
0x3f: {  	v3 =	vor.u32 v3, v4  }
0x40: {  	v4 =	vperm.xlane v3, v0;
	_ =	sdelay $0x1  }
0x41: {  	v4 =	vadd.s32 v1, v4;
	_ =	sdelay $0x1  }
0x42: {  	v3 =	vperm.xlane v3, v2;
	_ =	sdelay $0x1  }
0x43: {  	s17 =	simm.s32 $0x3400;
	v3 =	vadd.s32 v1, v3  }
0x44: {  	[hbm4b:s4+s2] =	stream.indirect_vreg.scatter [tilespmem:s17], [sflag:$0x2], $0x80, v4, vm0, $0xb8;
	[tilespmem:$0x18400] =	vst v63  }
0x45: {  	s19 =	simm.s32 $0x3C00  }
0x46: {  	[hbm4b:s5+s2] =	stream.indirect_vreg.scatter [tilespmem:s19], [sflag:$0x2], $0x80, v4, vm1, $0xb8;
	[tilespmem:$0x18400] =	vst v63  }
0x47: {  	s20 =	simm.s32 $0x4000  }
0x48: {  	[hbm4b:s4+s2] =	stream.indirect_vreg.scatter [tilespmem:s20], [sflag:$0x2], $0x80, v3, vm0, $0xb8;
	[tilespmem:$0x18400] =	vst v63  }
0x49: {  	s21 =	simm.s32 $0x4800  }
0x4a: {  	[hbm4b:s5+s2] =	stream.indirect_vreg.scatter [tilespmem:s21], [sflag:$0x2], $0x80, v3, vm1, $0xb8;
	[tilespmem:$0x18400] =	vst v63  }
0x4b: {  	v3 =	vld [tilespmem:$0x30];
	_ =	sdelay $0x4  }
0x4c: {  	v59 =	vshrl.u32 v3, $0x3  }
0x4d: {  	v4 =	vmul.u32 $0x18, v59  }
0x4e: {  	v3 =	vand.u32 $0x7, v3  }
0x4f: {  	v3 =	vor.u32 v3, v4  }
0x50: {  	v4 =	vperm.xlane v3, v0;
	_ =	sdelay $0x1  }
0x51: {  	v4 =	vadd.s32 v1, v4;
	_ =	sdelay $0x1  }
0x52: {  	v3 =	vperm.xlane v3, v2;
	_ =	sdelay $0x1  }
0x53: {  	s22 =	simm.s32 $0x4C00;
	v3 =	vadd.s32 v1, v3  }
0x54: {  	[hbm4b:s4+s2] =	stream.indirect_vreg.scatter [tilespmem:s22], [sflag:$0x2], $0x80, v4, vm0, $0xb8;
	[tilespmem:$0x18400] =	vst v63  }
0x55: {  	s23 =	simm.s32 $0x5400  }
0x56: {  	[hbm4b:s5+s2] =	stream.indirect_vreg.scatter [tilespmem:s23], [sflag:$0x2], $0x80, v4, vm1, $0xb8;
	[tilespmem:$0x18400] =	vst v63  }
0x57: {  	s24 =	simm.s32 $0x5800  }
0x58: {  	[hbm4b:s4+s2] =	stream.indirect_vreg.scatter [tilespmem:s24], [sflag:$0x2], $0x80, v3, vm0, $0xb8;
	[tilespmem:$0x18400] =	vst v63  }
0x59: {  	s25 =	simm.s32 $0x6000  }
0x5a: {  	[hbm4b:s5+s2] =	stream.indirect_vreg.scatter [tilespmem:s25], [sflag:$0x2], $0x80, v3, vm1, $0xb8;
	[tilespmem:$0x18400] =	vst v63  }
0x5b: {  	v3 =	vld [tilespmem:$0x40];
	_ =	sdelay $0x4  }
0x5c: {  	v60 =	vshrl.u32 v3, $0x3  }
0x5d: {  	v4 =	vmul.u32 $0x18, v60  }
0x5e: {  	v3 =	vand.u32 $0x7, v3  }
0x5f: {  	v3 =	vor.u32 v3, v4  }
0x60: {  	v4 =	vperm.xlane v3, v0;
	_ =	sdelay $0x1  }
0x61: {  	v4 =	vadd.s32 v1, v4;
	_ =	sdelay $0x1  }
0x62: {  	v3 =	vperm.xlane v3, v2;
	_ =	sdelay $0x1  }
0x63: {  	s26 =	simm.s32 $0x6400;
	v3 =	vadd.s32 v1, v3  }
0x64: {  	[hbm4b:s4+s2] =	stream.indirect_vreg.scatter [tilespmem:s26], [sflag:$0x2], $0x80, v4, vm0, $0xb8;
	[tilespmem:$0x18400] =	vst v63  }
0x65: {  	s28 =	simm.s32 $0x6C00  }
0x66: {  	[hbm4b:s5+s2] =	stream.indirect_vreg.scatter [tilespmem:s28], [sflag:$0x2], $0x80, v4, vm1, $0xb8;
	[tilespmem:$0x18400] =	vst v63  }
0x67: {  	s29 =	simm.s32 $0x7000  }
0x68: {  	[hbm4b:s4+s2] =	stream.indirect_vreg.scatter [tilespmem:s29], [sflag:$0x2], $0x80, v3, vm0, $0xb8;
	[tilespmem:$0x18400] =	vst v63  }
0x69: {  	s30 =	simm.s32 $0x7800  }
0x6a: {  	[hbm4b:s5+s2] =	stream.indirect_vreg.scatter [tilespmem:s30], [sflag:$0x2], $0x80, v3, vm1, $0xb8;
	[tilespmem:$0x18400] =	vst v63  }
0x6b: {  	v3 =	vld [tilespmem:$0x50];
	_ =	sdelay $0x4  }
0x6c: {  	v61 =	vshrl.u32 v3, $0x3  }
0x6d: {  	v4 =	vmul.u32 $0x18, v61  }
0x6e: {  	v3 =	vand.u32 $0x7, v3  }
0x6f: {  	v3 =	vor.u32 v3, v4  }
0x70: {  	v4 =	vperm.xlane v3, v0;
	_ =	sdelay $0x1  }
0x71: {  	v4 =	vadd.s32 v1, v4;
	_ =	sdelay $0x1  }
0x72: {  	v3 =	vperm.xlane v3, v2;
	_ =	sdelay $0x1  }
0x73: {  	s31 =	simm.s32 $0x7C00;
	v3 =	vadd.s32 v1, v3  }
0x74: {  	[hbm4b:s4+s2] =	stream.indirect_vreg.scatter [tilespmem:s31], [sflag:$0x2], $0x80, v4, vm0, $0xb8;
	[tilespmem:$0x18400] =	vst v63  }
0x75: {  	s1 =	simm.s32 $0x8400  }
0x76: {  	[hbm4b:s5+s2] =	stream.indirect_vreg.scatter [tilespmem:s1], [sflag:$0x2], $0x80, v4, vm1, $0xb8;
	[tilespmem:$0x18400] =	vst v63  }
0x77: {  	s7 =	simm.s32 $0x8800  }
0x78: {  	[hbm4b:s4+s2] =	stream.indirect_vreg.scatter [tilespmem:s7], [sflag:$0x2], $0x80, v3, vm0, $0xb8;
	[tilespmem:$0x18400] =	vst v63  }
0x79: {  	s8 =	simm.s32 $0x9000  }
0x7a: {  	[hbm4b:s5+s2] =	stream.indirect_vreg.scatter [tilespmem:s8], [sflag:$0x2], $0x80, v3, vm1, $0xb8;
	[tilespmem:$0x18400] =	vst v63  }
0x7b: {  	v3 =	vld [tilespmem:$0x60];
	_ =	sdelay $0x4  }
0x7c: {  	v62 =	vshrl.u32 v3, $0x3  }
0x7d: {  	v4 =	vmul.u32 $0x18, v62  }
0x7e: {  	v3 =	vand.u32 $0x7, v3  }
0x7f: {  	v3 =	vor.u32 v3, v4  }
0x80: {  	v4 =	vperm.xlane v3, v0;
	_ =	sdelay $0x1  }
0x81: {  	v4 =	vadd.s32 v1, v4;
	_ =	sdelay $0x1  }
0x82: {  	v3 =	vperm.xlane v3, v2;
	_ =	sdelay $0x1  }
0x83: {  	s12 =	simm.s32 $0x9400;
	v3 =	vadd.s32 v1, v3  }
0x84: {  	[hbm4b:s4+s2] =	stream.indirect_vreg.scatter [tilespmem:s12], [sflag:$0x2], $0x80, v4, vm0, $0xb8;
	[tilespmem:$0x18400] =	vst v63  }
0x85: {  	s13 =	simm.s32 $0x9C00  }
0x86: {  	[hbm4b:s5+s2] =	stream.indirect_vreg.scatter [tilespmem:s13], [sflag:$0x2], $0x80, v4, vm1, $0xb8;
	[tilespmem:$0x18400] =	vst v63  }
0x87: {  	s15 =	simm.s32 $0xA000  }
0x88: {  	[hbm4b:s4+s2] =	stream.indirect_vreg.scatter [tilespmem:s15], [sflag:$0x2], $0x80, v3, vm0, $0xb8;
	[tilespmem:$0x18400] =	vst v63  }
0x89: {  	s16 =	simm.s32 $0xA800  }
0x8a: {  	[hbm4b:s5+s2] =	stream.indirect_vreg.scatter [tilespmem:s16], [sflag:$0x2], $0x80, v3, vm1, $0xb8;
	[tilespmem:$0x18400] =	vst v63  }
0x8b: {  	v3 =	vld [tilespmem:$0x70];
	_ =	sdelay $0x4  }
0x8c: {  	v63 =	vshrl.u32 v3, $0x3  }
0x8d: {  	v4 =	vmul.u32 $0x18, v63  }
0x8e: {  	v3 =	vand.u32 $0x7, v3  }
0x8f: {  	v3 =	vor.u32 v3, v4  }
0x90: {  	v4 =	vperm.xlane v3, v0;
	_ =	sdelay $0x1  }
0x91: {  	v4 =	vadd.s32 v1, v4;
	_ =	sdelay $0x1  }
0x92: {  	v3 =	vperm.xlane v3, v2;
	_ =	sdelay $0x1  }
0x93: {  	s19 =	simm.s32 $0xAC00;
	v3 =	vadd.s32 v1, v3  }
0x94: {  	[hbm4b:s4+s2] =	stream.indirect_vreg.scatter [tilespmem:s19], [sflag:$0x2], $0x80, v4, vm0, $0xb8;
	[tilespmem:$0x18400] =	vst v63  }
0x95: {  	s20 =	simm.s32 $0xB400  }
0x96: {  	[hbm4b:s5+s2] =	stream.indirect_vreg.scatter [tilespmem:s20], [sflag:$0x2], $0x80, v4, vm1, $0xb8;
	[tilespmem:$0x18400] =	vst v63  }
0x97: {  	s22 =	simm.s32 $0xB800  }
0x98: {  	[hbm4b:s4+s2] =	stream.indirect_vreg.scatter [tilespmem:s22], [sflag:$0x2], $0x80, v3, vm0, $0xb8;
	[tilespmem:$0x18400] =	vst v63  }
0x99: {  	s23 =	simm.s32 $0xC000  }
0x9a: {  	[hbm4b:s5+s2] =	stream.indirect_vreg.scatter [tilespmem:s23], [sflag:$0x2], $0x80, v3, vm1, $0xb8;
	[tilespmem:$0x18400] =	vst v63  }
0x9b: {  	_ =	swait.ge [sflag:s18], $0xC000  }
0x9c: {  	[sflag:s18] =	ssyncset.done $0x0  }
0x9d: {  	s25 =	rddreg [dreg:$0x5];
	[sflag:s18] =	ssyncadd.s32 $0xFFFF4000  }
0x9e: {  	[tilespmem:s9], [sflag:$0x1] =	stream.linear.gather [hbm4b:s25+s2], $0xC000, $0x38;
	[tilespmem:$0x18400] =	vst v63  }
0x9f: {  	_ =	swait.ge [sflag:s10], $0xC000  }
0xa0: {  	[sflag:s10] =	ssyncset.done $0x0  }
0xa1: {  	[sflag:s10] =	ssyncadd.s32 $0xFFFF4000  }
0xa2: {  	v3 =	vld [tilespmem:$0x80];
	_ =	sdelay $0x4  }
0xa3: {  	v8 =	vshrl.u32 v3, $0x3  }
0xa4: {  	v4 =	vmul.u32 $0x18, v8  }
0xa5: {  	v3 =	vand.u32 $0x7, v3  }
0xa6: {  	v3 =	vor.u32 v3, v4  }
0xa7: {  	v4 =	vperm.xlane v3, v0;
	_ =	sdelay $0x1  }
0xa8: {  	v4 =	vadd.s32 v1, v4;
	_ =	sdelay $0x1  }
0xa9: {  	v3 =	vperm.xlane v3, v2;
	_ =	sdelay $0x1  }
0xaa: {  	s0 =	simm.s32 $0xC400;
	v3 =	vadd.s32 v1, v3  }
0xab: {  	[hbm4b:s4+s2] =	stream.indirect_vreg.scatter [tilespmem:s0], [sflag:$0x2], $0x80, v4, vm0, $0xb8;
	[tilespmem:$0x18400] =	vst v63  }
0xac: {  	s1 =	simm.s32 $0xCC00  }
0xad: {  	[hbm4b:s5+s2] =	stream.indirect_vreg.scatter [tilespmem:s1], [sflag:$0x2], $0x80, v4, vm1, $0xb8;
	[tilespmem:$0x18400] =	vst v63  }
0xae: {  	s26 =	simm.s32 $0xD000  }
0xaf: {  	[hbm4b:s4+s2] =	stream.indirect_vreg.scatter [tilespmem:s26], [sflag:$0x2], $0x80, v3, vm0, $0xb8;
	[tilespmem:$0x18400] =	vst v63  }
0xb0: {  	s28 =	simm.s32 $0xD800  }
0xb1: {  	[hbm4b:s5+s2] =	stream.indirect_vreg.scatter [tilespmem:s28], [sflag:$0x2], $0x80, v3, vm1, $0xb8;
	[tilespmem:$0x18400] =	vst v63  }
0xb2: {  	v3 =	vld [tilespmem:$0x90];
	_ =	sdelay $0x4  }
0xb3: {  	v9 =	vshrl.u32 v3, $0x3  }
0xb4: {  	v4 =	vmul.u32 $0x18, v9  }
0xb5: {  	v3 =	vand.u32 $0x7, v3  }
0xb6: {  	v3 =	vor.u32 v3, v4  }
0xb7: {  	v4 =	vperm.xlane v3, v0;
	_ =	sdelay $0x1  }
0xb8: {  	v4 =	vadd.s32 v1, v4;
	_ =	sdelay $0x1  }
0xb9: {  	v3 =	vperm.xlane v3, v2;
	_ =	sdelay $0x1  }
0xba: {  	s30 =	simm.s32 $0xDC00;
	v3 =	vadd.s32 v1, v3  }
0xbb: {  	[hbm4b:s4+s2] =	stream.indirect_vreg.scatter [tilespmem:s30], [sflag:$0x2], $0x80, v4, vm0, $0xb8;
	[tilespmem:$0x18400] =	vst v63  }
0xbc: {  	s31 =	simm.s32 $0xE400  }
0xbd: {  	[hbm4b:s5+s2] =	stream.indirect_vreg.scatter [tilespmem:s31], [sflag:$0x2], $0x80, v4, vm1, $0xb8;
	[tilespmem:$0x18400] =	vst v63  }
0xbe: {  	s7 =	simm.s32 $0xE800  }
0xbf: {  	[hbm4b:s4+s2] =	stream.indirect_vreg.scatter [tilespmem:s7], [sflag:$0x2], $0x80, v3, vm0, $0xb8;
	[tilespmem:$0x18400] =	vst v63  }
0xc0: {  	s8 =	simm.s32 $0xF000  }
0xc1: {  	[hbm4b:s5+s2] =	stream.indirect_vreg.scatter [tilespmem:s8], [sflag:$0x2], $0x80, v3, vm1, $0xb8;
	[tilespmem:$0x18400] =	vst v63  }
0xc2: {  	v3 =	vld [tilespmem:$0xA0];
	_ =	sdelay $0x4  }
0xc3: {  	v10 =	vshrl.u32 v3, $0x3  }
0xc4: {  	v4 =	vmul.u32 $0x18, v10  }
0xc5: {  	v3 =	vand.u32 $0x7, v3  }
0xc6: {  	v3 =	vor.u32 v3, v4  }
0xc7: {  	v4 =	vperm.xlane v3, v0;
	_ =	sdelay $0x1  }
0xc8: {  	v4 =	vadd.s32 v1, v4;
	_ =	sdelay $0x1  }
0xc9: {  	v3 =	vperm.xlane v3, v2;
	_ =	sdelay $0x1  }
0xca: {  	s12 =	simm.s32 $0xF400;
	v3 =	vadd.s32 v1, v3  }
0xcb: {  	[hbm4b:s4+s2] =	stream.indirect_vreg.scatter [tilespmem:s12], [sflag:$0x2], $0x80, v4, vm0, $0xb8;
	[tilespmem:$0x18400] =	vst v63  }
0xcc: {  	s13 =	simm.s32 $0xFC00  }
0xcd: {  	[hbm4b:s5+s2] =	stream.indirect_vreg.scatter [tilespmem:s13], [sflag:$0x2], $0x80, v4, vm1, $0xb8;
	[tilespmem:$0x18400] =	vst v63  }
0xce: {  	s15 =	simm.s32 $0x10000  }
0xcf: {  	[hbm4b:s4+s2] =	stream.indirect_vreg.scatter [tilespmem:s15], [sflag:$0x2], $0x80, v3, vm0, $0xb8;
	[tilespmem:$0x18400] =	vst v63  }
0xd0: {  	s16 =	simm.s32 $0x10800  }
0xd1: {  	[hbm4b:s5+s2] =	stream.indirect_vreg.scatter [tilespmem:s16], [sflag:$0x2], $0x80, v3, vm1, $0xb8;
	[tilespmem:$0x18400] =	vst v63  }
0xd2: {  	v3 =	vld [tilespmem:$0xB0];
	_ =	sdelay $0x4  }
0xd3: {  	v11 =	vshrl.u32 v3, $0x3  }
0xd4: {  	v4 =	vmul.u32 $0x18, v11  }
0xd5: {  	v3 =	vand.u32 $0x7, v3  }
0xd6: {  	v3 =	vor.u32 v3, v4  }
0xd7: {  	v4 =	vperm.xlane v3, v0;
	_ =	sdelay $0x1  }
0xd8: {  	v4 =	vadd.s32 v1, v4;
	_ =	sdelay $0x1  }
0xd9: {  	v3 =	vperm.xlane v3, v2;
	_ =	sdelay $0x1  }
0xda: {  	s19 =	simm.s32 $0x10C00;
	v3 =	vadd.s32 v1, v3  }
0xdb: {  	[hbm4b:s4+s2] =	stream.indirect_vreg.scatter [tilespmem:s19], [sflag:$0x2], $0x80, v4, vm0, $0xb8;
	[tilespmem:$0x18400] =	vst v63  }
0xdc: {  	s20 =	simm.s32 $0x11400  }
0xdd: {  	[hbm4b:s5+s2] =	stream.indirect_vreg.scatter [tilespmem:s20], [sflag:$0x2], $0x80, v4, vm1, $0xb8;
	[tilespmem:$0x18400] =	vst v63  }
0xde: {  	s22 =	simm.s32 $0x11800  }
0xdf: {  	[hbm4b:s4+s2] =	stream.indirect_vreg.scatter [tilespmem:s22], [sflag:$0x2], $0x80, v3, vm0, $0xb8;
	[tilespmem:$0x18400] =	vst v63  }
0xe0: {  	s23 =	simm.s32 $0x12000  }
0xe1: {  	[hbm4b:s5+s2] =	stream.indirect_vreg.scatter [tilespmem:s23], [sflag:$0x2], $0x80, v3, vm1, $0xb8;
	[tilespmem:$0x18400] =	vst v63  }
0xe2: {  	v3 =	vld [tilespmem:$0xC0];
	_ =	sdelay $0x4  }
0xe3: {  	v12 =	vshrl.u32 v3, $0x3  }
0xe4: {  	v4 =	vmul.u32 $0x18, v12  }
0xe5: {  	v3 =	vand.u32 $0x7, v3  }
0xe6: {  	v3 =	vor.u32 v3, v4  }
0xe7: {  	v4 =	vperm.xlane v3, v0;
	_ =	sdelay $0x1  }
0xe8: {  	v4 =	vadd.s32 v1, v4;
	_ =	sdelay $0x1  }
0xe9: {  	v3 =	vperm.xlane v3, v2;
	_ =	sdelay $0x1  }
0xea: {  	s25 =	simm.s32 $0x12400;
	v3 =	vadd.s32 v1, v3  }
0xeb: {  	[hbm4b:s4+s2] =	stream.indirect_vreg.scatter [tilespmem:s25], [sflag:$0x2], $0x80, v4, vm0, $0xb8;
	[tilespmem:$0x18400] =	vst v63  }
0xec: {  	s26 =	simm.s32 $0x12C00  }
0xed: {  	[hbm4b:s5+s2] =	stream.indirect_vreg.scatter [tilespmem:s26], [sflag:$0x2], $0x80, v4, vm1, $0xb8;
	[tilespmem:$0x18400] =	vst v63  }
0xee: {  	s28 =	simm.s32 $0x13000  }
0xef: {  	[hbm4b:s4+s2] =	stream.indirect_vreg.scatter [tilespmem:s28], [sflag:$0x2], $0x80, v3, vm0, $0xb8;
	[tilespmem:$0x18400] =	vst v63  }
0xf0: {  	s30 =	simm.s32 $0x13800  }
0xf1: {  	[hbm4b:s5+s2] =	stream.indirect_vreg.scatter [tilespmem:s30], [sflag:$0x2], $0x80, v3, vm1, $0xb8;
	[tilespmem:$0x18400] =	vst v63  }
0xf2: {  	v3 =	vld [tilespmem:$0xD0];
	_ =	sdelay $0x4  }
0xf3: {  	v13 =	vshrl.u32 v3, $0x3  }
0xf4: {  	v4 =	vmul.u32 $0x18, v13  }
0xf5: {  	v3 =	vand.u32 $0x7, v3  }
0xf6: {  	v3 =	vor.u32 v3, v4  }
0xf7: {  	v4 =	vperm.xlane v3, v0;
	_ =	sdelay $0x1  }
0xf8: {  	v4 =	vadd.s32 v1, v4;
	_ =	sdelay $0x1  }
0xf9: {  	v3 =	vperm.xlane v3, v2;
	_ =	sdelay $0x1  }
0xfa: {  	s31 =	simm.s32 $0x13C00;
	v3 =	vadd.s32 v1, v3  }
0xfb: {  	[hbm4b:s4+s2] =	stream.indirect_vreg.scatter [tilespmem:s31], [sflag:$0x2], $0x80, v4, vm0, $0xb8;
	[tilespmem:$0x18400] =	vst v63  }
0xfc: {  	s7 =	simm.s32 $0x14400  }
0xfd: {  	[hbm4b:s5+s2] =	stream.indirect_vreg.scatter [tilespmem:s7], [sflag:$0x2], $0x80, v4, vm1, $0xb8;
	[tilespmem:$0x18400] =	vst v63  }
0xfe: {  	s8 =	simm.s32 $0x14800  }
0xff: {  	[hbm4b:s4+s2] =	stream.indirect_vreg.scatter [tilespmem:s8], [sflag:$0x2], $0x80, v3, vm0, $0xb8;
	[tilespmem:$0x18400] =	vst v63  }
0x100: {  	s12 =	simm.s32 $0x15000  }
0x101: {  	[hbm4b:s5+s2] =	stream.indirect_vreg.scatter [tilespmem:s12], [sflag:$0x2], $0x80, v3, vm1, $0xb8;
	[tilespmem:$0x18400] =	vst v63  }
0x102: {  	v3 =	vld [tilespmem:$0xE0];
	_ =	sdelay $0x4  }
0x103: {  	v14 =	vshrl.u32 v3, $0x3  }
0x104: {  	v4 =	vmul.u32 $0x18, v14  }
0x105: {  	v3 =	vand.u32 $0x7, v3  }
0x106: {  	v3 =	vor.u32 v3, v4  }
0x107: {  	v4 =	vperm.xlane v3, v0;
	_ =	sdelay $0x1  }
0x108: {  	v4 =	vadd.s32 v1, v4;
	_ =	sdelay $0x1  }
0x109: {  	v3 =	vperm.xlane v3, v2;
	_ =	sdelay $0x1  }
0x10a: {  	s13 =	simm.s32 $0x15400;
	v3 =	vadd.s32 v1, v3  }
0x10b: {  	[hbm4b:s4+s2] =	stream.indirect_vreg.scatter [tilespmem:s13], [sflag:$0x2], $0x80, v4, vm0, $0xb8;
	[tilespmem:$0x18400] =	vst v63  }
0x10c: {  	s15 =	simm.s32 $0x15C00  }
0x10d: {  	[hbm4b:s5+s2] =	stream.indirect_vreg.scatter [tilespmem:s15], [sflag:$0x2], $0x80, v4, vm1, $0xb8;
	[tilespmem:$0x18400] =	vst v63  }
0x10e: {  	s16 =	simm.s32 $0x16000  }
0x10f: {  	[hbm4b:s4+s2] =	stream.indirect_vreg.scatter [tilespmem:s16], [sflag:$0x2], $0x80, v3, vm0, $0xb8;
	[tilespmem:$0x18400] =	vst v63  }
0x110: {  	s19 =	simm.s32 $0x16800  }
0x111: {  	[hbm4b:s5+s2] =	stream.indirect_vreg.scatter [tilespmem:s19], [sflag:$0x2], $0x80, v3, vm1, $0xb8;
	[tilespmem:$0x18400] =	vst v63  }
0x112: {  	v3 =	vld [tilespmem:$0xF0];
	_ =	sdelay $0x4  }
0x113: {  	v15 =	vshrl.u32 v3, $0x3  }
0x114: {  	v4 =	vmul.u32 $0x18, v15  }
0x115: {  	v3 =	vand.u32 $0x7, v3  }
0x116: {  	v3 =	vor.u32 v3, v4  }
0x117: {  	v4 =	vperm.xlane v3, v0;
	_ =	sdelay $0x1  }
0x118: {  	v4 =	vadd.s32 v1, v4;
	_ =	sdelay $0x1  }
0x119: {  	v3 =	vperm.xlane v3, v2;
	_ =	sdelay $0x1  }
0x11a: {  	s20 =	simm.s32 $0x16C00;
	v3 =	vadd.s32 v1, v3  }
0x11b: {  	[hbm4b:s4+s2] =	stream.indirect_vreg.scatter [tilespmem:s20], [sflag:$0x2], $0x80, v4, vm0, $0xb8;
	[tilespmem:$0x18400] =	vst v63  }
0x11c: {  	s22 =	simm.s32 $0x17400  }
0x11d: {  	[hbm4b:s5+s2] =	stream.indirect_vreg.scatter [tilespmem:s22], [sflag:$0x2], $0x80, v4, vm1, $0xb8;
	[tilespmem:$0x18400] =	vst v63  }
0x11e: {  	s23 =	simm.s32 $0x17800  }
0x11f: {  	[hbm4b:s4+s2] =	stream.indirect_vreg.scatter [tilespmem:s23], [sflag:$0x2], $0x80, v3, vm0, $0xb8;
	[tilespmem:$0x18400] =	vst v63  }
0x120: {  	s25 =	simm.s32 $0x18000  }
0x121: {  	[hbm4b:s5+s2] =	stream.indirect_vreg.scatter [tilespmem:s25], [sflag:$0x2], $0x80, v3, vm1, $0xb8;
	[tilespmem:$0x18400] =	vst v63  }
0x122: {  	_ =	swait.ge [sflag:s18], $0xC000  }
0x123: {  	[sflag:s18] =	ssyncset.done $0x0  }
0x124: {  	s26 =	rddreg [dreg:$0x6];
	[sflag:s18] =	ssyncadd.s32 $0xFFFF4000  }
0x125: {  	[tilespmem:s0], [sflag:$0x1] =	stream.linear.gather [hbm4b:s26+s2], $0xC000, $0x38;
	[tilespmem:$0x18400] =	vst v63  }
0x126: {  	_ =	swait.ge [sflag:s10], $0xC000  }
0x127: {  	[sflag:s10] =	ssyncset.done $0x0  }
0x128: {  	[sflag:s10] =	ssyncadd.s32 $0xFFFF4000  }
0x129: {  	v3 =	vld [tilespmem:$0x100];
	_ =	sdelay $0x4  }
0x12a: {  	v16 =	vshrl.u32 v3, $0x3  }
0x12b: {  	v4 =	vmul.u32 $0x18, v16  }
0x12c: {  	v3 =	vand.u32 $0x7, v3  }
0x12d: {  	v3 =	vor.u32 v3, v4  }
0x12e: {  	v4 =	vperm.xlane v3, v0;
	_ =	sdelay $0x1  }
0x12f: {  	v4 =	vadd.s32 v1, v4;
	_ =	sdelay $0x1  }
0x130: {  	v3 =	vperm.xlane v3, v2;
	_ =	sdelay $0x1  }
0x131: {  	v3 =	vadd.s32 v1, v3  }
0x132: {  	[hbm4b:s4+s2] =	stream.indirect_vreg.scatter [tilespmem:s9], [sflag:$0x2], $0x80, v4, vm0, $0xb8;
	[tilespmem:$0x18400] =	vst v63  }
0x133: {  	s0 =	simm.s32 $0xC00  }
0x134: {  	[hbm4b:s5+s2] =	stream.indirect_vreg.scatter [tilespmem:s0], [sflag:$0x2], $0x80, v4, vm1, $0xb8;
	[tilespmem:$0x18400] =	vst v63  }
0x135: {  	s7 =	simm.s32 $0x1000  }
0x136: {  	[hbm4b:s4+s2] =	stream.indirect_vreg.scatter [tilespmem:s7], [sflag:$0x2], $0x80, v3, vm0, $0xb8;
	[tilespmem:$0x18400] =	vst v63  }
0x137: {  	s3 =	simm.s32 $0x1800  }
0x138: {  	[hbm4b:s5+s2] =	stream.indirect_vreg.scatter [tilespmem:s3], [sflag:$0x2], $0x80, v3, vm1, $0xb8;
	[tilespmem:$0x18400] =	vst v63  }
0x139: {  	v3 =	vld [tilespmem:$0x110];
	_ =	sdelay $0x4  }
0x13a: {  	v17 =	vshrl.u32 v3, $0x3  }
0x13b: {  	v4 =	vmul.u32 $0x18, v17  }
0x13c: {  	v3 =	vand.u32 $0x7, v3  }
0x13d: {  	v3 =	vor.u32 v3, v4  }
0x13e: {  	v4 =	vperm.xlane v3, v0;
	_ =	sdelay $0x1  }
0x13f: {  	v4 =	vadd.s32 v1, v4;
	_ =	sdelay $0x1  }
0x140: {  	v3 =	vperm.xlane v3, v2;
	_ =	sdelay $0x1  }
0x141: {  	s3 =	simm.s32 $0x1C00;
	v3 =	vadd.s32 v1, v3  }
0x142: {  	[hbm4b:s4+s2] =	stream.indirect_vreg.scatter [tilespmem:s3], [sflag:$0x2], $0x80, v4, vm0, $0xb8;
	[tilespmem:$0x18400] =	vst v63  }
0x143: {  	s7 =	simm.s32 $0x2400  }
0x144: {  	[hbm4b:s5+s2] =	stream.indirect_vreg.scatter [tilespmem:s7], [sflag:$0x2], $0x80, v4, vm1, $0xb8;
	[tilespmem:$0x18400] =	vst v63  }
0x145: {  	s8 =	simm.s32 $0x2800  }
0x146: {  	[hbm4b:s4+s2] =	stream.indirect_vreg.scatter [tilespmem:s8], [sflag:$0x2], $0x80, v3, vm0, $0xb8;
	[tilespmem:$0x18400] =	vst v63  }
0x147: {  	s11 =	simm.s32 $0x3000  }
0x148: {  	[hbm4b:s5+s2] =	stream.indirect_vreg.scatter [tilespmem:s11], [sflag:$0x2], $0x80, v3, vm1, $0xb8;
	[tilespmem:$0x18400] =	vst v63  }
0x149: {  	v3 =	vld [tilespmem:$0x120];
	_ =	sdelay $0x4  }
0x14a: {  	v18 =	vshrl.u32 v3, $0x3  }
0x14b: {  	v4 =	vmul.u32 $0x18, v18  }
0x14c: {  	v3 =	vand.u32 $0x7, v3  }
0x14d: {  	v3 =	vor.u32 v3, v4  }
0x14e: {  	v4 =	vperm.xlane v3, v0;
	_ =	sdelay $0x1  }
0x14f: {  	v4 =	vadd.s32 v1, v4;
	_ =	sdelay $0x1  }
0x150: {  	v3 =	vperm.xlane v3, v2;
	_ =	sdelay $0x1  }
0x151: {  	s11 =	simm.s32 $0x3400;
	v3 =	vadd.s32 v1, v3  }
0x152: {  	[hbm4b:s4+s2] =	stream.indirect_vreg.scatter [tilespmem:s11], [sflag:$0x2], $0x80, v4, vm0, $0xb8;
	[tilespmem:$0x18400] =	vst v63  }
0x153: {  	s12 =	simm.s32 $0x3C00  }
0x154: {  	[hbm4b:s5+s2] =	stream.indirect_vreg.scatter [tilespmem:s12], [sflag:$0x2], $0x80, v4, vm1, $0xb8;
	[tilespmem:$0x18400] =	vst v63  }
0x155: {  	s13 =	simm.s32 $0x4000  }
0x156: {  	[hbm4b:s4+s2] =	stream.indirect_vreg.scatter [tilespmem:s13], [sflag:$0x2], $0x80, v3, vm0, $0xb8;
	[tilespmem:$0x18400] =	vst v63  }
0x157: {  	s14 =	simm.s32 $0x4800  }
0x158: {  	[hbm4b:s5+s2] =	stream.indirect_vreg.scatter [tilespmem:s14], [sflag:$0x2], $0x80, v3, vm1, $0xb8;
	[tilespmem:$0x18400] =	vst v63  }
0x159: {  	v3 =	vld [tilespmem:$0x130];
	_ =	sdelay $0x4  }
0x15a: {  	v19 =	vshrl.u32 v3, $0x3  }
0x15b: {  	v4 =	vmul.u32 $0x18, v19  }
0x15c: {  	v3 =	vand.u32 $0x7, v3  }
0x15d: {  	v3 =	vor.u32 v3, v4  }
0x15e: {  	v4 =	vperm.xlane v3, v0;
	_ =	sdelay $0x1  }
0x15f: {  	v4 =	vadd.s32 v1, v4;
	_ =	sdelay $0x1  }
0x160: {  	v3 =	vperm.xlane v3, v2;
	_ =	sdelay $0x1  }
0x161: {  	s14 =	simm.s32 $0x4C00;
	v3 =	vadd.s32 v1, v3  }
0x162: {  	[hbm4b:s4+s2] =	stream.indirect_vreg.scatter [tilespmem:s14], [sflag:$0x2], $0x80, v4, vm0, $0xb8;
	[tilespmem:$0x18400] =	vst v63  }
0x163: {  	s15 =	simm.s32 $0x5400  }
0x164: {  	[hbm4b:s5+s2] =	stream.indirect_vreg.scatter [tilespmem:s15], [sflag:$0x2], $0x80, v4, vm1, $0xb8;
	[tilespmem:$0x18400] =	vst v63  }
0x165: {  	s16 =	simm.s32 $0x5800  }
0x166: {  	[hbm4b:s4+s2] =	stream.indirect_vreg.scatter [tilespmem:s16], [sflag:$0x2], $0x80, v3, vm0, $0xb8;
	[tilespmem:$0x18400] =	vst v63  }
0x167: {  	s17 =	simm.s32 $0x6000  }
0x168: {  	[hbm4b:s5+s2] =	stream.indirect_vreg.scatter [tilespmem:s17], [sflag:$0x2], $0x80, v3, vm1, $0xb8;
	[tilespmem:$0x18400] =	vst v63  }
0x169: {  	v3 =	vld [tilespmem:$0x140];
	_ =	sdelay $0x4  }
0x16a: {  	v20 =	vshrl.u32 v3, $0x3  }
0x16b: {  	v4 =	vmul.u32 $0x18, v20  }
0x16c: {  	v3 =	vand.u32 $0x7, v3  }
0x16d: {  	v3 =	vor.u32 v3, v4  }
0x16e: {  	v4 =	vperm.xlane v3, v0;
	_ =	sdelay $0x1  }
0x16f: {  	v4 =	vadd.s32 v1, v4;
	_ =	sdelay $0x1  }
0x170: {  	v3 =	vperm.xlane v3, v2;
	_ =	sdelay $0x1  }
0x171: {  	s17 =	simm.s32 $0x6400;
	v3 =	vadd.s32 v1, v3  }
0x172: {  	[hbm4b:s4+s2] =	stream.indirect_vreg.scatter [tilespmem:s17], [sflag:$0x2], $0x80, v4, vm0, $0xb8;
	[tilespmem:$0x18400] =	vst v63  }
0x173: {  	s19 =	simm.s32 $0x6C00  }
0x174: {  	[hbm4b:s5+s2] =	stream.indirect_vreg.scatter [tilespmem:s19], [sflag:$0x2], $0x80, v4, vm1, $0xb8;
	[tilespmem:$0x18400] =	vst v63  }
0x175: {  	s20 =	simm.s32 $0x7000  }
0x176: {  	[hbm4b:s4+s2] =	stream.indirect_vreg.scatter [tilespmem:s20], [sflag:$0x2], $0x80, v3, vm0, $0xb8;
	[tilespmem:$0x18400] =	vst v63  }
0x177: {  	s21 =	simm.s32 $0x7800  }
0x178: {  	[hbm4b:s5+s2] =	stream.indirect_vreg.scatter [tilespmem:s21], [sflag:$0x2], $0x80, v3, vm1, $0xb8;
	[tilespmem:$0x18400] =	vst v63  }
0x179: {  	v3 =	vld [tilespmem:$0x150];
	_ =	sdelay $0x4  }
0x17a: {  	v21 =	vshrl.u32 v3, $0x3  }
0x17b: {  	v4 =	vmul.u32 $0x18, v21  }
0x17c: {  	v3 =	vand.u32 $0x7, v3  }
0x17d: {  	v3 =	vor.u32 v3, v4  }
0x17e: {  	v4 =	vperm.xlane v3, v0;
	_ =	sdelay $0x1  }
0x17f: {  	v4 =	vadd.s32 v1, v4;
	_ =	sdelay $0x1  }
0x180: {  	v3 =	vperm.xlane v3, v2;
	_ =	sdelay $0x1  }
0x181: {  	s21 =	simm.s32 $0x7C00;
	v3 =	vadd.s32 v1, v3  }
0x182: {  	[hbm4b:s4+s2] =	stream.indirect_vreg.scatter [tilespmem:s21], [sflag:$0x2], $0x80, v4, vm0, $0xb8;
	[tilespmem:$0x18400] =	vst v63  }
0x183: {  	s22 =	simm.s32 $0x8400  }
0x184: {  	[hbm4b:s5+s2] =	stream.indirect_vreg.scatter [tilespmem:s22], [sflag:$0x2], $0x80, v4, vm1, $0xb8;
	[tilespmem:$0x18400] =	vst v63  }
0x185: {  	s23 =	simm.s32 $0x8800  }
0x186: {  	[hbm4b:s4+s2] =	stream.indirect_vreg.scatter [tilespmem:s23], [sflag:$0x2], $0x80, v3, vm0, $0xb8;
	[tilespmem:$0x18400] =	vst v63  }
0x187: {  	s24 =	simm.s32 $0x9000  }
0x188: {  	[hbm4b:s5+s2] =	stream.indirect_vreg.scatter [tilespmem:s24], [sflag:$0x2], $0x80, v3, vm1, $0xb8;
	[tilespmem:$0x18400] =	vst v63  }
0x189: {  	v3 =	vld [tilespmem:$0x160];
	_ =	sdelay $0x4  }
0x18a: {  	v22 =	vshrl.u32 v3, $0x3  }
0x18b: {  	v4 =	vmul.u32 $0x18, v22  }
0x18c: {  	v3 =	vand.u32 $0x7, v3  }
0x18d: {  	v3 =	vor.u32 v3, v4  }
0x18e: {  	v4 =	vperm.xlane v3, v0;
	_ =	sdelay $0x1  }
0x18f: {  	v4 =	vadd.s32 v1, v4;
	_ =	sdelay $0x1  }
0x190: {  	v3 =	vperm.xlane v3, v2;
	_ =	sdelay $0x1  }
0x191: {  	s24 =	simm.s32 $0x9400;
	v3 =	vadd.s32 v1, v3  }
0x192: {  	[hbm4b:s4+s2] =	stream.indirect_vreg.scatter [tilespmem:s24], [sflag:$0x2], $0x80, v4, vm0, $0xb8;
	[tilespmem:$0x18400] =	vst v63  }
0x193: {  	s25 =	simm.s32 $0x9C00  }
0x194: {  	[hbm4b:s5+s2] =	stream.indirect_vreg.scatter [tilespmem:s25], [sflag:$0x2], $0x80, v4, vm1, $0xb8;
	[tilespmem:$0x18400] =	vst v63  }
0x195: {  	s26 =	simm.s32 $0xA000  }
0x196: {  	[hbm4b:s4+s2] =	stream.indirect_vreg.scatter [tilespmem:s26], [sflag:$0x2], $0x80, v3, vm0, $0xb8;
	[tilespmem:$0x18400] =	vst v63  }
0x197: {  	s29 =	simm.s32 $0xA800  }
0x198: {  	[hbm4b:s5+s2] =	stream.indirect_vreg.scatter [tilespmem:s29], [sflag:$0x2], $0x80, v3, vm1, $0xb8;
	[tilespmem:$0x18400] =	vst v63  }
0x199: {  	v3 =	vld [tilespmem:$0x170];
	_ =	sdelay $0x4  }
0x19a: {  	v23 =	vshrl.u32 v3, $0x3  }
0x19b: {  	v4 =	vmul.u32 $0x18, v23  }
0x19c: {  	v3 =	vand.u32 $0x7, v3  }
0x19d: {  	v3 =	vor.u32 v3, v4  }
0x19e: {  	v4 =	vperm.xlane v3, v0;
	_ =	sdelay $0x1  }
0x19f: {  	v4 =	vadd.s32 v1, v4;
	_ =	sdelay $0x1  }
0x1a0: {  	v3 =	vperm.xlane v3, v2;
	_ =	sdelay $0x1  }
0x1a1: {  	s30 =	simm.s32 $0xAC00;
	v3 =	vadd.s32 v1, v3  }
0x1a2: {  	[hbm4b:s4+s2] =	stream.indirect_vreg.scatter [tilespmem:s30], [sflag:$0x2], $0x80, v4, vm0, $0xb8;
	[tilespmem:$0x18400] =	vst v63  }
0x1a3: {  	s31 =	simm.s32 $0xB400  }
0x1a4: {  	[hbm4b:s5+s2] =	stream.indirect_vreg.scatter [tilespmem:s31], [sflag:$0x2], $0x80, v4, vm1, $0xb8;
	[tilespmem:$0x18400] =	vst v63  }
0x1a5: {  	s29 =	simm.s32 $0xB800  }
0x1a6: {  	[hbm4b:s4+s2] =	stream.indirect_vreg.scatter [tilespmem:s29], [sflag:$0x2], $0x80, v3, vm0, $0xb8;
	[tilespmem:$0x18400] =	vst v63  }
0x1a7: {  	s28 =	simm.s32 $0xC000  }
0x1a8: {  	[hbm4b:s5+s2] =	stream.indirect_vreg.scatter [tilespmem:s28], [sflag:$0x2], $0x80, v3, vm1, $0xb8;
	[tilespmem:$0x18400] =	vst v63  }
0x1a9: {  	_ =	swait.ge [sflag:s18], $0xC000  }
0x1aa: {  	[sflag:s18] =	ssyncset.done $0x0  }
0x1ab: {  	s28 =	rddreg [dreg:$0x7];
	[sflag:s18] =	ssyncadd.s32 $0xFFFF4000  }
0x1ac: {  	[tilespmem:s9], [sflag:$0x1] =	stream.linear.gather [hbm4b:s28+s2], $0xC000, $0x38;
	[tilespmem:$0x18400] =	vst v63  }
0x1ad: {  	_ =	swait.ge [sflag:s10], $0xC000  }
0x1ae: {  	[sflag:s10] =	ssyncset.done $0x0  }
0x1af: {  	[sflag:s10] =	ssyncadd.s32 $0xFFFF4000  }
0x1b0: {  	v3 =	vld [tilespmem:$0x180];
	_ =	sdelay $0x4  }
0x1b1: {  	v24 =	vshrl.u32 v3, $0x3  }
0x1b2: {  	v4 =	vmul.u32 $0x18, v24  }
0x1b3: {  	v3 =	vand.u32 $0x7, v3  }
0x1b4: {  	v3 =	vor.u32 v3, v4  }
0x1b5: {  	v4 =	vperm.xlane v3, v0;
	_ =	sdelay $0x1  }
0x1b6: {  	v4 =	vadd.s32 v1, v4;
	_ =	sdelay $0x1  }
0x1b7: {  	v3 =	vperm.xlane v3, v2;
	_ =	sdelay $0x1  }
0x1b8: {  	s1 =	simm.s32 $0xC400;
	v3 =	vadd.s32 v1, v3  }
0x1b9: {  	[hbm4b:s4+s2] =	stream.indirect_vreg.scatter [tilespmem:s1], [sflag:$0x2], $0x80, v4, vm0, $0xb8;
	[tilespmem:$0x18400] =	vst v63  }
0x1ba: {  	s28 =	simm.s32 $0xCC00  }
0x1bb: {  	[hbm4b:s5+s2] =	stream.indirect_vreg.scatter [tilespmem:s28], [sflag:$0x2], $0x80, v4, vm1, $0xb8;
	[tilespmem:$0x18400] =	vst v63  }
0x1bc: {  	s28 =	simm.s32 $0xD000  }
0x1bd: {  	[hbm4b:s4+s2] =	stream.indirect_vreg.scatter [tilespmem:s28], [sflag:$0x2], $0x80, v3, vm0, $0xb8;
	[tilespmem:$0x18400] =	vst v63  }
0x1be: {  	s28 =	simm.s32 $0xD800  }
0x1bf: {  	[hbm4b:s5+s2] =	stream.indirect_vreg.scatter [tilespmem:s28], [sflag:$0x2], $0x80, v3, vm1, $0xb8;
	[tilespmem:$0x18400] =	vst v63  }
0x1c0: {  	v3 =	vld [tilespmem:$0x190];
	_ =	sdelay $0x4  }
0x1c1: {  	v25 =	vshrl.u32 v3, $0x3  }
0x1c2: {  	v4 =	vmul.u32 $0x18, v25  }
0x1c3: {  	v3 =	vand.u32 $0x7, v3  }
0x1c4: {  	v3 =	vor.u32 v3, v4  }
0x1c5: {  	v4 =	vperm.xlane v3, v0;
	_ =	sdelay $0x1  }
0x1c6: {  	v4 =	vadd.s32 v1, v4;
	_ =	sdelay $0x1  }
0x1c7: {  	v3 =	vperm.xlane v3, v2;
	_ =	sdelay $0x1  }
0x1c8: {  	s28 =	simm.s32 $0xDC00;
	v3 =	vadd.s32 v1, v3  }
0x1c9: {  	[hbm4b:s4+s2] =	stream.indirect_vreg.scatter [tilespmem:s28], [sflag:$0x2], $0x80, v4, vm0, $0xb8;
	[tilespmem:$0x18400] =	vst v63  }
0x1ca: {  	s28 =	simm.s32 $0xE400  }
0x1cb: {  	[hbm4b:s5+s2] =	stream.indirect_vreg.scatter [tilespmem:s28], [sflag:$0x2], $0x80, v4, vm1, $0xb8;
	[tilespmem:$0x18400] =	vst v63  }
0x1cc: {  	s28 =	simm.s32 $0xE800  }
0x1cd: {  	[hbm4b:s4+s2] =	stream.indirect_vreg.scatter [tilespmem:s28], [sflag:$0x2], $0x80, v3, vm0, $0xb8;
	[tilespmem:$0x18400] =	vst v63  }
0x1ce: {  	s28 =	simm.s32 $0xF000  }
0x1cf: {  	[hbm4b:s5+s2] =	stream.indirect_vreg.scatter [tilespmem:s28], [sflag:$0x2], $0x80, v3, vm1, $0xb8;
	[tilespmem:$0x18400] =	vst v63  }
0x1d0: {  	v3 =	vld [tilespmem:$0x1A0];
	_ =	sdelay $0x4  }
0x1d1: {  	v26 =	vshrl.u32 v3, $0x3  }
0x1d2: {  	v4 =	vmul.u32 $0x18, v26  }
0x1d3: {  	v3 =	vand.u32 $0x7, v3  }
0x1d4: {  	v3 =	vor.u32 v3, v4  }
0x1d5: {  	v4 =	vperm.xlane v3, v0;
	_ =	sdelay $0x1  }
0x1d6: {  	v4 =	vadd.s32 v1, v4;
	_ =	sdelay $0x1  }
0x1d7: {  	v3 =	vperm.xlane v3, v2;
	_ =	sdelay $0x1  }
0x1d8: {  	s28 =	simm.s32 $0xF400;
	v3 =	vadd.s32 v1, v3  }
0x1d9: {  	[hbm4b:s4+s2] =	stream.indirect_vreg.scatter [tilespmem:s28], [sflag:$0x2], $0x80, v4, vm0, $0xb8;
	[tilespmem:$0x18400] =	vst v63  }
0x1da: {  	s28 =	simm.s32 $0xFC00  }
0x1db: {  	[hbm4b:s5+s2] =	stream.indirect_vreg.scatter [tilespmem:s28], [sflag:$0x2], $0x80, v4, vm1, $0xb8;
	[tilespmem:$0x18400] =	vst v63  }
0x1dc: {  	s28 =	simm.s32 $0x10000  }
0x1dd: {  	[hbm4b:s4+s2] =	stream.indirect_vreg.scatter [tilespmem:s28], [sflag:$0x2], $0x80, v3, vm0, $0xb8;
	[tilespmem:$0x18400] =	vst v63  }
0x1de: {  	s28 =	simm.s32 $0x10800  }
0x1df: {  	[hbm4b:s5+s2] =	stream.indirect_vreg.scatter [tilespmem:s28], [sflag:$0x2], $0x80, v3, vm1, $0xb8;
	[tilespmem:$0x18400] =	vst v63  }
0x1e0: {  	v3 =	vld [tilespmem:$0x1B0];
	_ =	sdelay $0x4  }
0x1e1: {  	v27 =	vshrl.u32 v3, $0x3  }
0x1e2: {  	v4 =	vmul.u32 $0x18, v27  }
0x1e3: {  	v3 =	vand.u32 $0x7, v3  }
0x1e4: {  	v3 =	vor.u32 v3, v4  }
0x1e5: {  	v4 =	vperm.xlane v3, v0;
	_ =	sdelay $0x1  }
0x1e6: {  	v4 =	vadd.s32 v1, v4;
	_ =	sdelay $0x1  }
0x1e7: {  	v3 =	vperm.xlane v3, v2;
	_ =	sdelay $0x1  }
0x1e8: {  	s28 =	simm.s32 $0x10C00;
	v3 =	vadd.s32 v1, v3  }
0x1e9: {  	[hbm4b:s4+s2] =	stream.indirect_vreg.scatter [tilespmem:s28], [sflag:$0x2], $0x80, v4, vm0, $0xb8;
	[tilespmem:$0x18400] =	vst v63  }
0x1ea: {  	s28 =	simm.s32 $0x11400  }
0x1eb: {  	[hbm4b:s5+s2] =	stream.indirect_vreg.scatter [tilespmem:s28], [sflag:$0x2], $0x80, v4, vm1, $0xb8;
	[tilespmem:$0x18400] =	vst v63  }
0x1ec: {  	s28 =	simm.s32 $0x11800  }
0x1ed: {  	[hbm4b:s4+s2] =	stream.indirect_vreg.scatter [tilespmem:s28], [sflag:$0x2], $0x80, v3, vm0, $0xb8;
	[tilespmem:$0x18400] =	vst v63  }
0x1ee: {  	s28 =	simm.s32 $0x12000  }
0x1ef: {  	[hbm4b:s5+s2] =	stream.indirect_vreg.scatter [tilespmem:s28], [sflag:$0x2], $0x80, v3, vm1, $0xb8;
	[tilespmem:$0x18400] =	vst v63  }
0x1f0: {  	v3 =	vld [tilespmem:$0x1C0];
	_ =	sdelay $0x4  }
0x1f1: {  	v28 =	vshrl.u32 v3, $0x3  }
0x1f2: {  	v4 =	vmul.u32 $0x18, v28  }
0x1f3: {  	v3 =	vand.u32 $0x7, v3  }
0x1f4: {  	v3 =	vor.u32 v3, v4  }
0x1f5: {  	v4 =	vperm.xlane v3, v0;
	_ =	sdelay $0x1  }
0x1f6: {  	v4 =	vadd.s32 v1, v4;
	_ =	sdelay $0x1  }
0x1f7: {  	v3 =	vperm.xlane v3, v2;
	_ =	sdelay $0x1  }
0x1f8: {  	s28 =	simm.s32 $0x12400;
	v3 =	vadd.s32 v1, v3  }
0x1f9: {  	[hbm4b:s4+s2] =	stream.indirect_vreg.scatter [tilespmem:s28], [sflag:$0x2], $0x80, v4, vm0, $0xb8;
	[tilespmem:$0x18400] =	vst v63  }
0x1fa: {  	s28 =	simm.s32 $0x12C00  }
0x1fb: {  	[hbm4b:s5+s2] =	stream.indirect_vreg.scatter [tilespmem:s28], [sflag:$0x2], $0x80, v4, vm1, $0xb8;
	[tilespmem:$0x18400] =	vst v63  }
0x1fc: {  	s28 =	simm.s32 $0x13000  }
0x1fd: {  	[hbm4b:s4+s2] =	stream.indirect_vreg.scatter [tilespmem:s28], [sflag:$0x2], $0x80, v3, vm0, $0xb8;
	[tilespmem:$0x18400] =	vst v63  }
0x1fe: {  	s28 =	simm.s32 $0x13800  }
0x1ff: {  	[hbm4b:s5+s2] =	stream.indirect_vreg.scatter [tilespmem:s28], [sflag:$0x2], $0x80, v3, vm1, $0xb8;
	[tilespmem:$0x18400] =	vst v63  }
0x200: {  	v3 =	vld [tilespmem:$0x1D0];
	_ =	sdelay $0x4  }
0x201: {  	v29 =	vshrl.u32 v3, $0x3  }
0x202: {  	v4 =	vmul.u32 $0x18, v29  }
0x203: {  	v3 =	vand.u32 $0x7, v3  }
0x204: {  	v3 =	vor.u32 v3, v4  }
0x205: {  	v4 =	vperm.xlane v3, v0;
	_ =	sdelay $0x1  }
0x206: {  	v4 =	vadd.s32 v1, v4;
	_ =	sdelay $0x1  }
0x207: {  	v3 =	vperm.xlane v3, v2;
	_ =	sdelay $0x1  }
0x208: {  	s28 =	simm.s32 $0x13C00;
	v3 =	vadd.s32 v1, v3  }
0x209: {  	[hbm4b:s4+s2] =	stream.indirect_vreg.scatter [tilespmem:s28], [sflag:$0x2], $0x80, v4, vm0, $0xb8;
	[tilespmem:$0x18400] =	vst v63  }
0x20a: {  	s28 =	simm.s32 $0x14400  }
0x20b: {  	[hbm4b:s5+s2] =	stream.indirect_vreg.scatter [tilespmem:s28], [sflag:$0x2], $0x80, v4, vm1, $0xb8;
	[tilespmem:$0x18400] =	vst v63  }
0x20c: {  	s28 =	simm.s32 $0x14800  }
0x20d: {  	[hbm4b:s4+s2] =	stream.indirect_vreg.scatter [tilespmem:s28], [sflag:$0x2], $0x80, v3, vm0, $0xb8;
	[tilespmem:$0x18400] =	vst v63  }
0x20e: {  	s28 =	simm.s32 $0x15000  }
0x20f: {  	[hbm4b:s5+s2] =	stream.indirect_vreg.scatter [tilespmem:s28], [sflag:$0x2], $0x80, v3, vm1, $0xb8;
	[tilespmem:$0x18400] =	vst v63  }
0x210: {  	v3 =	vld [tilespmem:$0x1E0];
	_ =	sdelay $0x4  }
0x211: {  	v30 =	vshrl.u32 v3, $0x3  }
0x212: {  	v4 =	vmul.u32 $0x18, v30  }
0x213: {  	v3 =	vand.u32 $0x7, v3  }
0x214: {  	v3 =	vor.u32 v3, v4  }
0x215: {  	v4 =	vperm.xlane v3, v0;
	_ =	sdelay $0x1  }
0x216: {  	v4 =	vadd.s32 v1, v4;
	_ =	sdelay $0x1  }
0x217: {  	v3 =	vperm.xlane v3, v2;
	_ =	sdelay $0x1  }
0x218: {  	s28 =	simm.s32 $0x15400;
	v3 =	vadd.s32 v1, v3  }
0x219: {  	[hbm4b:s4+s2] =	stream.indirect_vreg.scatter [tilespmem:s28], [sflag:$0x2], $0x80, v4, vm0, $0xb8;
	[tilespmem:$0x18400] =	vst v63  }
0x21a: {  	s28 =	simm.s32 $0x15C00  }
0x21b: {  	[hbm4b:s5+s2] =	stream.indirect_vreg.scatter [tilespmem:s28], [sflag:$0x2], $0x80, v4, vm1, $0xb8;
	[tilespmem:$0x18400] =	vst v63  }
0x21c: {  	s28 =	simm.s32 $0x16000  }
0x21d: {  	[hbm4b:s4+s2] =	stream.indirect_vreg.scatter [tilespmem:s28], [sflag:$0x2], $0x80, v3, vm0, $0xb8;
	[tilespmem:$0x18400] =	vst v63  }
0x21e: {  	s28 =	simm.s32 $0x16800  }
0x21f: {  	[hbm4b:s5+s2] =	stream.indirect_vreg.scatter [tilespmem:s28], [sflag:$0x2], $0x80, v3, vm1, $0xb8;
	[tilespmem:$0x18400] =	vst v63  }
0x220: {  	v3 =	vld [tilespmem:$0x1F0];
	_ =	sdelay $0x4  }
0x221: {  	v31 =	vshrl.u32 v3, $0x3  }
0x222: {  	v4 =	vmul.u32 $0x18, v31  }
0x223: {  	v3 =	vand.u32 $0x7, v3  }
0x224: {  	v3 =	vor.u32 v3, v4  }
0x225: {  	v4 =	vperm.xlane v3, v0;
	_ =	sdelay $0x1  }
0x226: {  	v4 =	vadd.s32 v1, v4;
	_ =	sdelay $0x1  }
0x227: {  	v3 =	vperm.xlane v3, v2;
	_ =	sdelay $0x1  }
0x228: {  	s28 =	simm.s32 $0x16C00;
	v3 =	vadd.s32 v1, v3  }
0x229: {  	[hbm4b:s4+s2] =	stream.indirect_vreg.scatter [tilespmem:s28], [sflag:$0x2], $0x80, v4, vm0, $0xb8;
	[tilespmem:$0x18400] =	vst v63  }
0x22a: {  	s28 =	simm.s32 $0x17400  }
0x22b: {  	[hbm4b:s5+s2] =	stream.indirect_vreg.scatter [tilespmem:s28], [sflag:$0x2], $0x80, v4, vm1, $0xb8;
	[tilespmem:$0x18400] =	vst v63  }
0x22c: {  	s28 =	simm.s32 $0x17800  }
0x22d: {  	[hbm4b:s4+s2] =	stream.indirect_vreg.scatter [tilespmem:s28], [sflag:$0x2], $0x80, v3, vm0, $0xb8;
	[tilespmem:$0x18400] =	vst v63  }
0x22e: {  	s28 =	simm.s32 $0x18000  }
0x22f: {  	[hbm4b:s5+s2] =	stream.indirect_vreg.scatter [tilespmem:s28], [sflag:$0x2], $0x80, v3, vm1, $0xb8;
	[tilespmem:$0x18400] =	vst v63  }
0x230: {  	_ =	swait.ge [sflag:s18], $0xC000  }
0x231: {  	[sflag:s18] =	ssyncset.done $0x0  }
0x232: {  	s1 =	simm.s32 $0xC400;
	s28 =	rddreg [dreg:$0x8];
	[sflag:s18] =	ssyncadd.s32 $0xFFFF4000  }
0x233: {  	[tilespmem:s1], [sflag:$0x1] =	stream.linear.gather [hbm4b:s28+s2], $0xC000, $0x38;
	[tilespmem:$0x18400] =	vst v63  }
0x234: {  	_ =	swait.ge [sflag:s10], $0xC000  }
0x235: {  	[sflag:s10] =	ssyncset.done $0x0  }
0x236: {  	[sflag:s10] =	ssyncadd.s32 $0xFFFF4000  }
0x237: {  	v3 =	vld [tilespmem:$0x200];
	_ =	sdelay $0x4  }
0x238: {  	v32 =	vshrl.u32 v3, $0x3  }
0x239: {  	v4 =	vmul.u32 $0x18, v32  }
0x23a: {  	v3 =	vand.u32 $0x7, v3  }
0x23b: {  	v3 =	vor.u32 v3, v4  }
0x23c: {  	v4 =	vperm.xlane v3, v0;
	_ =	sdelay $0x1  }
0x23d: {  	v4 =	vadd.s32 v1, v4;
	_ =	sdelay $0x1  }
0x23e: {  	v3 =	vperm.xlane v3, v2;
	_ =	sdelay $0x1  }
0x23f: {  	v3 =	vadd.s32 v1, v3  }
0x240: {  	[hbm4b:s4+s2] =	stream.indirect_vreg.scatter [tilespmem:s9], [sflag:$0x2], $0x80, v4, vm0, $0xb8;
	[tilespmem:$0x18400] =	vst v63  }
0x241: {  	_ = 	snop  }
0x242: {  	[hbm4b:s5+s2] =	stream.indirect_vreg.scatter [tilespmem:s0], [sflag:$0x2], $0x80, v4, vm1, $0xb8;
	[tilespmem:$0x18400] =	vst v63  }
0x243: {  	s28 =	simm.s32 $0x1000  }
0x244: {  	[hbm4b:s4+s2] =	stream.indirect_vreg.scatter [tilespmem:s28], [sflag:$0x2], $0x80, v3, vm0, $0xb8;
	[tilespmem:$0x18400] =	vst v63  }
0x245: {  	s28 =	simm.s32 $0x1800  }
0x246: {  	[hbm4b:s5+s2] =	stream.indirect_vreg.scatter [tilespmem:s28], [sflag:$0x2], $0x80, v3, vm1, $0xb8;
	[tilespmem:$0x18400] =	vst v63  }
0x247: {  	v3 =	vld [tilespmem:$0x210];
	_ =	sdelay $0x4  }
0x248: {  	v33 =	vshrl.u32 v3, $0x3  }
0x249: {  	v4 =	vmul.u32 $0x18, v33  }
0x24a: {  	v3 =	vand.u32 $0x7, v3  }
0x24b: {  	v3 =	vor.u32 v3, v4  }
0x24c: {  	v4 =	vperm.xlane v3, v0;
	_ =	sdelay $0x1  }
0x24d: {  	v4 =	vadd.s32 v1, v4;
	_ =	sdelay $0x1  }
0x24e: {  	v3 =	vperm.xlane v3, v2;
	_ =	sdelay $0x1  }
0x24f: {  	v3 =	vadd.s32 v1, v3  }
0x250: {  	[hbm4b:s4+s2] =	stream.indirect_vreg.scatter [tilespmem:s3], [sflag:$0x2], $0x80, v4, vm0, $0xb8;
	[tilespmem:$0x18400] =	vst v63  }
0x251: {  	_ = 	snop  }
0x252: {  	[hbm4b:s5+s2] =	stream.indirect_vreg.scatter [tilespmem:s7], [sflag:$0x2], $0x80, v4, vm1, $0xb8;
	[tilespmem:$0x18400] =	vst v63  }
0x253: {  	_ = 	snop  }
0x254: {  	[hbm4b:s4+s2] =	stream.indirect_vreg.scatter [tilespmem:s8], [sflag:$0x2], $0x80, v3, vm0, $0xb8;
	[tilespmem:$0x18400] =	vst v63  }
0x255: {  	s8 =	simm.s32 $0x3000  }
0x256: {  	[hbm4b:s5+s2] =	stream.indirect_vreg.scatter [tilespmem:s8], [sflag:$0x2], $0x80, v3, vm1, $0xb8;
	[tilespmem:$0x18400] =	vst v63  }
0x257: {  	v3 =	vld [tilespmem:$0x220];
	_ =	sdelay $0x4  }
0x258: {  	v34 =	vshrl.u32 v3, $0x3  }
0x259: {  	v4 =	vmul.u32 $0x18, v34  }
0x25a: {  	v3 =	vand.u32 $0x7, v3  }
0x25b: {  	v3 =	vor.u32 v3, v4  }
0x25c: {  	v4 =	vperm.xlane v3, v0;
	_ =	sdelay $0x1  }
0x25d: {  	v4 =	vadd.s32 v1, v4;
	_ =	sdelay $0x1  }
0x25e: {  	v3 =	vperm.xlane v3, v2;
	_ =	sdelay $0x1  }
0x25f: {  	v3 =	vadd.s32 v1, v3  }
0x260: {  	[hbm4b:s4+s2] =	stream.indirect_vreg.scatter [tilespmem:s11], [sflag:$0x2], $0x80, v4, vm0, $0xb8;
	[tilespmem:$0x18400] =	vst v63  }
0x261: {  	_ = 	snop  }
0x262: {  	[hbm4b:s5+s2] =	stream.indirect_vreg.scatter [tilespmem:s12], [sflag:$0x2], $0x80, v4, vm1, $0xb8;
	[tilespmem:$0x18400] =	vst v63  }
0x263: {  	_ = 	snop  }
0x264: {  	[hbm4b:s4+s2] =	stream.indirect_vreg.scatter [tilespmem:s13], [sflag:$0x2], $0x80, v3, vm0, $0xb8;
	[tilespmem:$0x18400] =	vst v63  }
0x265: {  	s13 =	simm.s32 $0x4800  }
0x266: {  	[hbm4b:s5+s2] =	stream.indirect_vreg.scatter [tilespmem:s13], [sflag:$0x2], $0x80, v3, vm1, $0xb8;
	[tilespmem:$0x18400] =	vst v63  }
0x267: {  	v3 =	vld [tilespmem:$0x230];
	_ =	sdelay $0x4  }
0x268: {  	v35 =	vshrl.u32 v3, $0x3  }
0x269: {  	v4 =	vmul.u32 $0x18, v35  }
0x26a: {  	v3 =	vand.u32 $0x7, v3  }
0x26b: {  	v3 =	vor.u32 v3, v4  }
0x26c: {  	v4 =	vperm.xlane v3, v0;
	_ =	sdelay $0x1  }
0x26d: {  	v4 =	vadd.s32 v1, v4;
	_ =	sdelay $0x1  }
0x26e: {  	v3 =	vperm.xlane v3, v2;
	_ =	sdelay $0x1  }
0x26f: {  	v3 =	vadd.s32 v1, v3  }
0x270: {  	[hbm4b:s4+s2] =	stream.indirect_vreg.scatter [tilespmem:s14], [sflag:$0x2], $0x80, v4, vm0, $0xb8;
	[tilespmem:$0x18400] =	vst v63  }
0x271: {  	_ = 	snop  }
0x272: {  	[hbm4b:s5+s2] =	stream.indirect_vreg.scatter [tilespmem:s15], [sflag:$0x2], $0x80, v4, vm1, $0xb8;
	[tilespmem:$0x18400] =	vst v63  }
0x273: {  	_ = 	snop  }
0x274: {  	[hbm4b:s4+s2] =	stream.indirect_vreg.scatter [tilespmem:s16], [sflag:$0x2], $0x80, v3, vm0, $0xb8;
	[tilespmem:$0x18400] =	vst v63  }
0x275: {  	s15 =	simm.s32 $0x6000  }
0x276: {  	[hbm4b:s5+s2] =	stream.indirect_vreg.scatter [tilespmem:s15], [sflag:$0x2], $0x80, v3, vm1, $0xb8;
	[tilespmem:$0x18400] =	vst v63  }
0x277: {  	v3 =	vld [tilespmem:$0x240];
	_ =	sdelay $0x4  }
0x278: {  	v36 =	vshrl.u32 v3, $0x3  }
0x279: {  	v4 =	vmul.u32 $0x18, v36  }
0x27a: {  	v3 =	vand.u32 $0x7, v3  }
0x27b: {  	v3 =	vor.u32 v3, v4  }
0x27c: {  	v4 =	vperm.xlane v3, v0;
	_ =	sdelay $0x1  }
0x27d: {  	v4 =	vadd.s32 v1, v4;
	_ =	sdelay $0x1  }
0x27e: {  	v3 =	vperm.xlane v3, v2;
	_ =	sdelay $0x1  }
0x27f: {  	v3 =	vadd.s32 v1, v3  }
0x280: {  	[hbm4b:s4+s2] =	stream.indirect_vreg.scatter [tilespmem:s17], [sflag:$0x2], $0x80, v4, vm0, $0xb8;
	[tilespmem:$0x18400] =	vst v63  }
0x281: {  	_ = 	snop  }
0x282: {  	[hbm4b:s5+s2] =	stream.indirect_vreg.scatter [tilespmem:s19], [sflag:$0x2], $0x80, v4, vm1, $0xb8;
	[tilespmem:$0x18400] =	vst v63  }
0x283: {  	_ = 	snop  }
0x284: {  	[hbm4b:s4+s2] =	stream.indirect_vreg.scatter [tilespmem:s20], [sflag:$0x2], $0x80, v3, vm0, $0xb8;
	[tilespmem:$0x18400] =	vst v63  }
0x285: {  	s16 =	simm.s32 $0x7800  }
0x286: {  	[hbm4b:s5+s2] =	stream.indirect_vreg.scatter [tilespmem:s16], [sflag:$0x2], $0x80, v3, vm1, $0xb8;
	[tilespmem:$0x18400] =	vst v63  }
0x287: {  	v3 =	vld [tilespmem:$0x250];
	_ =	sdelay $0x4  }
0x288: {  	v37 =	vshrl.u32 v3, $0x3  }
0x289: {  	v4 =	vmul.u32 $0x18, v37  }
0x28a: {  	v3 =	vand.u32 $0x7, v3  }
0x28b: {  	v3 =	vor.u32 v3, v4  }
0x28c: {  	v4 =	vperm.xlane v3, v0;
	_ =	sdelay $0x1  }
0x28d: {  	v4 =	vadd.s32 v1, v4;
	_ =	sdelay $0x1  }
0x28e: {  	v3 =	vperm.xlane v3, v2;
	_ =	sdelay $0x1  }
0x28f: {  	v3 =	vadd.s32 v1, v3  }
0x290: {  	[hbm4b:s4+s2] =	stream.indirect_vreg.scatter [tilespmem:s21], [sflag:$0x2], $0x80, v4, vm0, $0xb8;
	[tilespmem:$0x18400] =	vst v63  }
0x291: {  	_ = 	snop  }
0x292: {  	[hbm4b:s5+s2] =	stream.indirect_vreg.scatter [tilespmem:s22], [sflag:$0x2], $0x80, v4, vm1, $0xb8;
	[tilespmem:$0x18400] =	vst v63  }
0x293: {  	_ = 	snop  }
0x294: {  	[hbm4b:s4+s2] =	stream.indirect_vreg.scatter [tilespmem:s23], [sflag:$0x2], $0x80, v3, vm0, $0xb8;
	[tilespmem:$0x18400] =	vst v63  }
0x295: {  	s17 =	simm.s32 $0x9000  }
0x296: {  	[hbm4b:s5+s2] =	stream.indirect_vreg.scatter [tilespmem:s17], [sflag:$0x2], $0x80, v3, vm1, $0xb8;
	[tilespmem:$0x18400] =	vst v63  }
0x297: {  	v3 =	vld [tilespmem:$0x260];
	_ =	sdelay $0x4  }
0x298: {  	v38 =	vshrl.u32 v3, $0x3  }
0x299: {  	v4 =	vmul.u32 $0x18, v38  }
0x29a: {  	v3 =	vand.u32 $0x7, v3  }
0x29b: {  	v3 =	vor.u32 v3, v4  }
0x29c: {  	v4 =	vperm.xlane v3, v0;
	_ =	sdelay $0x1  }
0x29d: {  	v4 =	vadd.s32 v1, v4;
	_ =	sdelay $0x1  }
0x29e: {  	v3 =	vperm.xlane v3, v2;
	_ =	sdelay $0x1  }
0x29f: {  	v3 =	vadd.s32 v1, v3  }
0x2a0: {  	[hbm4b:s4+s2] =	stream.indirect_vreg.scatter [tilespmem:s24], [sflag:$0x2], $0x80, v4, vm0, $0xb8;
	[tilespmem:$0x18400] =	vst v63  }
0x2a1: {  	_ = 	snop  }
0x2a2: {  	[hbm4b:s5+s2] =	stream.indirect_vreg.scatter [tilespmem:s25], [sflag:$0x2], $0x80, v4, vm1, $0xb8;
	[tilespmem:$0x18400] =	vst v63  }
0x2a3: {  	_ = 	snop  }
0x2a4: {  	[hbm4b:s4+s2] =	stream.indirect_vreg.scatter [tilespmem:s26], [sflag:$0x2], $0x80, v3, vm0, $0xb8;
	[tilespmem:$0x18400] =	vst v63  }
0x2a5: {  	s19 =	simm.s32 $0xA800  }
0x2a6: {  	[hbm4b:s5+s2] =	stream.indirect_vreg.scatter [tilespmem:s19], [sflag:$0x2], $0x80, v3, vm1, $0xb8;
	[tilespmem:$0x18400] =	vst v63  }
0x2a7: {  	v3 =	vld [tilespmem:$0x270];
	_ =	sdelay $0x4  }
0x2a8: {  	v39 =	vshrl.u32 v3, $0x3  }
0x2a9: {  	v4 =	vmul.u32 $0x18, v39  }
0x2aa: {  	v3 =	vand.u32 $0x7, v3  }
0x2ab: {  	v3 =	vor.u32 v3, v4  }
0x2ac: {  	v4 =	vperm.xlane v3, v0;
	_ =	sdelay $0x1  }
0x2ad: {  	v4 =	vadd.s32 v1, v4;
	_ =	sdelay $0x1  }
0x2ae: {  	v3 =	vperm.xlane v3, v2;
	_ =	sdelay $0x1  }
0x2af: {  	v3 =	vadd.s32 v1, v3  }
0x2b0: {  	[hbm4b:s4+s2] =	stream.indirect_vreg.scatter [tilespmem:s30], [sflag:$0x2], $0x80, v4, vm0, $0xb8;
	[tilespmem:$0x18400] =	vst v63  }
0x2b1: {  	_ = 	snop  }
0x2b2: {  	[hbm4b:s5+s2] =	stream.indirect_vreg.scatter [tilespmem:s31], [sflag:$0x2], $0x80, v4, vm1, $0xb8;
	[tilespmem:$0x18400] =	vst v63  }
0x2b3: {  	_ = 	snop  }
0x2b4: {  	[hbm4b:s4+s2] =	stream.indirect_vreg.scatter [tilespmem:s29], [sflag:$0x2], $0x80, v3, vm0, $0xb8;
	[tilespmem:$0x18400] =	vst v63  }
0x2b5: {  	s20 =	simm.s32 $0xC000  }
0x2b6: {  	[hbm4b:s5+s2] =	stream.indirect_vreg.scatter [tilespmem:s20], [sflag:$0x2], $0x80, v3, vm1, $0xb8;
	[tilespmem:$0x18400] =	vst v63  }
0x2b7: {  	_ =	swait.ge [sflag:s18], $0xC000  }
0x2b8: {  	[sflag:s18] =	ssyncset.done $0x0  }
0x2b9: {  	s21 =	rddreg [dreg:$0x9];
	[sflag:s18] =	ssyncadd.s32 $0xFFFF4000  }
0x2ba: {  	[tilespmem:s9], [sflag:$0x1] =	stream.linear.gather [hbm4b:s21+s2], $0xC000, $0x38;
	[tilespmem:$0x18400] =	vst v63  }
0x2bb: {  	_ =	swait.ge [sflag:s10], $0xC000  }
0x2bc: {  	[sflag:s10] =	ssyncset.done $0x0  }
0x2bd: {  	[sflag:s10] =	ssyncadd.s32 $0xFFFF4000  }
0x2be: {  	v3 =	vld [tilespmem:$0x280];
	_ =	sdelay $0x4  }
0x2bf: {  	v40 =	vshrl.u32 v3, $0x3  }
0x2c0: {  	v4 =	vmul.u32 $0x18, v40  }
0x2c1: {  	v3 =	vand.u32 $0x7, v3  }
0x2c2: {  	v3 =	vor.u32 v3, v4  }
0x2c3: {  	v4 =	vperm.xlane v3, v0;
	_ =	sdelay $0x1  }
0x2c4: {  	v4 =	vadd.s32 v1, v4;
	_ =	sdelay $0x1  }
0x2c5: {  	v3 =	vperm.xlane v3, v2;
	_ =	sdelay $0x1  }
0x2c6: {  	v3 =	vadd.s32 v1, v3  }
0x2c7: {  	[hbm4b:s4+s2] =	stream.indirect_vreg.scatter [tilespmem:s1], [sflag:$0x2], $0x80, v4, vm0, $0xb8;
	[tilespmem:$0x18400] =	vst v63  }
0x2c8: {  	s22 =	simm.s32 $0xCC00  }
0x2c9: {  	[hbm4b:s5+s2] =	stream.indirect_vreg.scatter [tilespmem:s22], [sflag:$0x2], $0x80, v4, vm1, $0xb8;
	[tilespmem:$0x18400] =	vst v63  }
0x2ca: {  	s23 =	simm.s32 $0xD000  }
0x2cb: {  	[hbm4b:s4+s2] =	stream.indirect_vreg.scatter [tilespmem:s23], [sflag:$0x2], $0x80, v3, vm0, $0xb8;
	[tilespmem:$0x18400] =	vst v63  }
0x2cc: {  	s24 =	simm.s32 $0xD800  }
0x2cd: {  	[hbm4b:s5+s2] =	stream.indirect_vreg.scatter [tilespmem:s24], [sflag:$0x2], $0x80, v3, vm1, $0xb8;
	[tilespmem:$0x18400] =	vst v63  }
0x2ce: {  	v3 =	vld [tilespmem:$0x290];
	_ =	sdelay $0x4  }
0x2cf: {  	v41 =	vshrl.u32 v3, $0x3  }
0x2d0: {  	v4 =	vmul.u32 $0x18, v41  }
0x2d1: {  	v3 =	vand.u32 $0x7, v3  }
0x2d2: {  	v3 =	vor.u32 v3, v4  }
0x2d3: {  	v4 =	vperm.xlane v3, v0;
	_ =	sdelay $0x1  }
0x2d4: {  	v4 =	vadd.s32 v1, v4;
	_ =	sdelay $0x1  }
0x2d5: {  	v3 =	vperm.xlane v3, v2;
	_ =	sdelay $0x1  }
0x2d6: {  	s3 =	simm.s32 $0xDC00;
	v3 =	vadd.s32 v1, v3  }
0x2d7: {  	[hbm4b:s4+s2] =	stream.indirect_vreg.scatter [tilespmem:s3], [sflag:$0x2], $0x80, v4, vm0, $0xb8;
	[tilespmem:$0x18400] =	vst v63  }
0x2d8: {  	s1 =	simm.s32 $0xE400  }
0x2d9: {  	[hbm4b:s5+s2] =	stream.indirect_vreg.scatter [tilespmem:s1], [sflag:$0x2], $0x80, v4, vm1, $0xb8;
	[tilespmem:$0x18400] =	vst v63  }
0x2da: {  	s25 =	simm.s32 $0xE800  }
0x2db: {  	[hbm4b:s4+s2] =	stream.indirect_vreg.scatter [tilespmem:s25], [sflag:$0x2], $0x80, v3, vm0, $0xb8;
	[tilespmem:$0x18400] =	vst v63  }
0x2dc: {  	s26 =	simm.s32 $0xF000  }
0x2dd: {  	[hbm4b:s5+s2] =	stream.indirect_vreg.scatter [tilespmem:s26], [sflag:$0x2], $0x80, v3, vm1, $0xb8;
	[tilespmem:$0x18400] =	vst v63  }
0x2de: {  	v3 =	vld [tilespmem:$0x2A0];
	_ =	sdelay $0x4  }
0x2df: {  	v42 =	vshrl.u32 v3, $0x3  }
0x2e0: {  	v4 =	vmul.u32 $0x18, v42  }
0x2e1: {  	v3 =	vand.u32 $0x7, v3  }
0x2e2: {  	v3 =	vor.u32 v3, v4  }
0x2e3: {  	v4 =	vperm.xlane v3, v0;
	_ =	sdelay $0x1  }
0x2e4: {  	v4 =	vadd.s32 v1, v4;
	_ =	sdelay $0x1  }
0x2e5: {  	v3 =	vperm.xlane v3, v2;
	_ =	sdelay $0x1  }
0x2e6: {  	s28 =	simm.s32 $0xF400;
	v3 =	vadd.s32 v1, v3  }
0x2e7: {  	[hbm4b:s4+s2] =	stream.indirect_vreg.scatter [tilespmem:s28], [sflag:$0x2], $0x80, v4, vm0, $0xb8;
	[tilespmem:$0x18400] =	vst v63  }
0x2e8: {  	s29 =	simm.s32 $0xFC00  }
0x2e9: {  	[hbm4b:s5+s2] =	stream.indirect_vreg.scatter [tilespmem:s29], [sflag:$0x2], $0x80, v4, vm1, $0xb8;
	[tilespmem:$0x18400] =	vst v63  }
0x2ea: {  	s30 =	simm.s32 $0x10000  }
0x2eb: {  	[hbm4b:s4+s2] =	stream.indirect_vreg.scatter [tilespmem:s30], [sflag:$0x2], $0x80, v3, vm0, $0xb8;
	[tilespmem:$0x18400] =	vst v63  }
0x2ec: {  	s31 =	simm.s32 $0x10800  }
0x2ed: {  	[hbm4b:s5+s2] =	stream.indirect_vreg.scatter [tilespmem:s31], [sflag:$0x2], $0x80, v3, vm1, $0xb8;
	[tilespmem:$0x18400] =	vst v63  }
0x2ee: {  	v3 =	vld [tilespmem:$0x2B0];
	_ =	sdelay $0x4  }
0x2ef: {  	v43 =	vshrl.u32 v3, $0x3  }
0x2f0: {  	v4 =	vmul.u32 $0x18, v43  }
0x2f1: {  	v3 =	vand.u32 $0x7, v3  }
0x2f2: {  	v3 =	vor.u32 v3, v4  }
0x2f3: {  	v4 =	vperm.xlane v3, v0;
	_ =	sdelay $0x1  }
0x2f4: {  	v4 =	vadd.s32 v1, v4;
	_ =	sdelay $0x1  }
0x2f5: {  	v3 =	vperm.xlane v3, v2;
	_ =	sdelay $0x1  }
0x2f6: {  	s15 =	simm.s32 $0x10C00;
	v3 =	vadd.s32 v1, v3  }
0x2f7: {  	[hbm4b:s4+s2] =	stream.indirect_vreg.scatter [tilespmem:s15], [sflag:$0x2], $0x80, v4, vm0, $0xb8;
	[tilespmem:$0x18400] =	vst v63  }
0x2f8: {  	s16 =	simm.s32 $0x11400  }
0x2f9: {  	[hbm4b:s5+s2] =	stream.indirect_vreg.scatter [tilespmem:s16], [sflag:$0x2], $0x80, v4, vm1, $0xb8;
	[tilespmem:$0x18400] =	vst v63  }
0x2fa: {  	s17 =	simm.s32 $0x11800  }
0x2fb: {  	[hbm4b:s4+s2] =	stream.indirect_vreg.scatter [tilespmem:s17], [sflag:$0x2], $0x80, v3, vm0, $0xb8;
	[tilespmem:$0x18400] =	vst v63  }
0x2fc: {  	s19 =	simm.s32 $0x12000  }
0x2fd: {  	[hbm4b:s5+s2] =	stream.indirect_vreg.scatter [tilespmem:s19], [sflag:$0x2], $0x80, v3, vm1, $0xb8;
	[tilespmem:$0x18400] =	vst v63  }
0x2fe: {  	v3 =	vld [tilespmem:$0x2C0];
	_ =	sdelay $0x4  }
0x2ff: {  	v44 =	vshrl.u32 v3, $0x3  }
0x300: {  	v4 =	vmul.u32 $0x18, v44  }
0x301: {  	v3 =	vand.u32 $0x7, v3  }
0x302: {  	v3 =	vor.u32 v3, v4  }
0x303: {  	v4 =	vperm.xlane v3, v0;
	_ =	sdelay $0x1  }
0x304: {  	v4 =	vadd.s32 v1, v4;
	_ =	sdelay $0x1  }
0x305: {  	v3 =	vperm.xlane v3, v2;
	_ =	sdelay $0x1  }
0x306: {  	s20 =	simm.s32 $0x12400;
	v3 =	vadd.s32 v1, v3  }
0x307: {  	[hbm4b:s4+s2] =	stream.indirect_vreg.scatter [tilespmem:s20], [sflag:$0x2], $0x80, v4, vm0, $0xb8;
	[tilespmem:$0x18400] =	vst v63  }
0x308: {  	s21 =	simm.s32 $0x12C00  }
0x309: {  	[hbm4b:s5+s2] =	stream.indirect_vreg.scatter [tilespmem:s21], [sflag:$0x2], $0x80, v4, vm1, $0xb8;
	[tilespmem:$0x18400] =	vst v63  }
0x30a: {  	s22 =	simm.s32 $0x13000  }
0x30b: {  	[hbm4b:s4+s2] =	stream.indirect_vreg.scatter [tilespmem:s22], [sflag:$0x2], $0x80, v3, vm0, $0xb8;
	[tilespmem:$0x18400] =	vst v63  }
0x30c: {  	s23 =	simm.s32 $0x13800  }
0x30d: {  	[hbm4b:s5+s2] =	stream.indirect_vreg.scatter [tilespmem:s23], [sflag:$0x2], $0x80, v3, vm1, $0xb8;
	[tilespmem:$0x18400] =	vst v63  }
0x30e: {  	v3 =	vld [tilespmem:$0x2D0];
	_ =	sdelay $0x4  }
0x30f: {  	v45 =	vshrl.u32 v3, $0x3  }
0x310: {  	v4 =	vmul.u32 $0x18, v45  }
0x311: {  	v3 =	vand.u32 $0x7, v3  }
0x312: {  	v3 =	vor.u32 v3, v4  }
0x313: {  	v4 =	vperm.xlane v3, v0;
	_ =	sdelay $0x1  }
0x314: {  	v4 =	vadd.s32 v1, v4;
	_ =	sdelay $0x1  }
0x315: {  	v3 =	vperm.xlane v3, v2;
	_ =	sdelay $0x1  }
0x316: {  	s24 =	simm.s32 $0x13C00;
	v3 =	vadd.s32 v1, v3  }
0x317: {  	[hbm4b:s4+s2] =	stream.indirect_vreg.scatter [tilespmem:s24], [sflag:$0x2], $0x80, v4, vm0, $0xb8;
	[tilespmem:$0x18400] =	vst v63  }
0x318: {  	s25 =	simm.s32 $0x14400  }
0x319: {  	[hbm4b:s5+s2] =	stream.indirect_vreg.scatter [tilespmem:s25], [sflag:$0x2], $0x80, v4, vm1, $0xb8;
	[tilespmem:$0x18400] =	vst v63  }
0x31a: {  	s26 =	simm.s32 $0x14800  }
0x31b: {  	[hbm4b:s4+s2] =	stream.indirect_vreg.scatter [tilespmem:s26], [sflag:$0x2], $0x80, v3, vm0, $0xb8;
	[tilespmem:$0x18400] =	vst v63  }
0x31c: {  	s28 =	simm.s32 $0x15000  }
0x31d: {  	[hbm4b:s5+s2] =	stream.indirect_vreg.scatter [tilespmem:s28], [sflag:$0x2], $0x80, v3, vm1, $0xb8;
	[tilespmem:$0x18400] =	vst v63  }
0x31e: {  	v3 =	vld [tilespmem:$0x2E0];
	_ =	sdelay $0x4  }
0x31f: {  	v46 =	vshrl.u32 v3, $0x3  }
0x320: {  	v4 =	vmul.u32 $0x18, v46  }
0x321: {  	v3 =	vand.u32 $0x7, v3  }
0x322: {  	v3 =	vor.u32 v3, v4  }
0x323: {  	v4 =	vperm.xlane v3, v0;
	_ =	sdelay $0x1  }
0x324: {  	v4 =	vadd.s32 v1, v4;
	_ =	sdelay $0x1  }
0x325: {  	v3 =	vperm.xlane v3, v2;
	_ =	sdelay $0x1  }
0x326: {  	s29 =	simm.s32 $0x15400;
	v3 =	vadd.s32 v1, v3  }
0x327: {  	[hbm4b:s4+s2] =	stream.indirect_vreg.scatter [tilespmem:s29], [sflag:$0x2], $0x80, v4, vm0, $0xb8;
	[tilespmem:$0x18400] =	vst v63  }
0x328: {  	s30 =	simm.s32 $0x15C00  }
0x329: {  	[hbm4b:s5+s2] =	stream.indirect_vreg.scatter [tilespmem:s30], [sflag:$0x2], $0x80, v4, vm1, $0xb8;
	[tilespmem:$0x18400] =	vst v63  }
0x32a: {  	s31 =	simm.s32 $0x16000  }
0x32b: {  	[hbm4b:s4+s2] =	stream.indirect_vreg.scatter [tilespmem:s31], [sflag:$0x2], $0x80, v3, vm0, $0xb8;
	[tilespmem:$0x18400] =	vst v63  }
0x32c: {  	s28 =	simm.s32 $0x16800  }
0x32d: {  	[hbm4b:s5+s2] =	stream.indirect_vreg.scatter [tilespmem:s28], [sflag:$0x2], $0x80, v3, vm1, $0xb8;
	[tilespmem:$0x18400] =	vst v63  }
0x32e: {  	v3 =	vld [tilespmem:$0x2F0];
	_ =	sdelay $0x4  }
0x32f: {  	v47 =	vshrl.u32 v3, $0x3  }
0x330: {  	v4 =	vmul.u32 $0x18, v47  }
0x331: {  	v3 =	vand.u32 $0x7, v3  }
0x332: {  	v3 =	vor.u32 v3, v4  }
0x333: {  	v4 =	vperm.xlane v3, v0;
	_ =	sdelay $0x1  }
0x334: {  	v4 =	vadd.s32 v1, v4;
	_ =	sdelay $0x1  }
0x335: {  	v3 =	vperm.xlane v3, v2;
	_ =	sdelay $0x1  }
0x336: {  	s30 =	simm.s32 $0x16C00;
	v3 =	vadd.s32 v1, v3  }
0x337: {  	[hbm4b:s4+s2] =	stream.indirect_vreg.scatter [tilespmem:s30], [sflag:$0x2], $0x80, v4, vm0, $0xb8;
	[tilespmem:$0x18400] =	vst v63  }
0x338: {  	s31 =	simm.s32 $0x17400  }
0x339: {  	[hbm4b:s5+s2] =	stream.indirect_vreg.scatter [tilespmem:s31], [sflag:$0x2], $0x80, v4, vm1, $0xb8;
	[tilespmem:$0x18400] =	vst v63  }
0x33a: {  	s28 =	simm.s32 $0x17800  }
0x33b: {  	[hbm4b:s4+s2] =	stream.indirect_vreg.scatter [tilespmem:s28], [sflag:$0x2], $0x80, v3, vm0, $0xb8;
	[tilespmem:$0x18400] =	vst v63  }
0x33c: {  	s28 =	simm.s32 $0x18000  }
0x33d: {  	[hbm4b:s5+s2] =	stream.indirect_vreg.scatter [tilespmem:s28], [sflag:$0x2], $0x80, v3, vm1, $0xb8;
	[tilespmem:$0x18400] =	vst v63  }
0x33e: {  	_ =	swait.ge [sflag:s18], $0xC000  }
0x33f: {  	[sflag:s18] =	ssyncset.done $0x0  }
0x340: {  	s0 =	simm.s32 $0xC400;
	s28 =	rddreg [dreg:$0xa];
	[sflag:s18] =	ssyncadd.s32 $0xFFFF4000  }
0x341: {  	[tilespmem:s0], [sflag:$0x1] =	stream.linear.gather [hbm4b:s28+s2], $0xC000, $0x38;
	[tilespmem:$0x18400] =	vst v63  }
0x342: {  	_ =	swait.ge [sflag:s10], $0xC000  }
0x343: {  	[sflag:s10] =	ssyncset.done $0x0  }
0x344: {  	[sflag:s10] =	ssyncadd.s32 $0xFFFF4000  }
0x345: {  	v3 =	vld [tilespmem:$0x300];
	_ =	sdelay $0x4  }
0x346: {  	v48 =	vshrl.u32 v3, $0x3  }
0x347: {  	v4 =	vmul.u32 $0x18, v48  }
0x348: {  	v3 =	vand.u32 $0x7, v3  }
0x349: {  	v3 =	vor.u32 v3, v4  }
0x34a: {  	v4 =	vperm.xlane v3, v0;
	_ =	sdelay $0x1  }
0x34b: {  	v4 =	vadd.s32 v1, v4;
	_ =	sdelay $0x1  }
0x34c: {  	v3 =	vperm.xlane v3, v2;
	_ =	sdelay $0x1  }
0x34d: {  	v3 =	vadd.s32 v1, v3  }
0x34e: {  	[hbm4b:s4+s2] =	stream.indirect_vreg.scatter [tilespmem:s9], [sflag:$0x2], $0x80, v4, vm0, $0xb8;
	[tilespmem:$0x18400] =	vst v63  }
0x34f: {  	s28 =	simm.s32 $0xC00  }
0x350: {  	[hbm4b:s5+s2] =	stream.indirect_vreg.scatter [tilespmem:s28], [sflag:$0x2], $0x80, v4, vm1, $0xb8;
	[tilespmem:$0x18400] =	vst v63  }
0x351: {  	s28 =	simm.s32 $0x1000  }
0x352: {  	[hbm4b:s4+s2] =	stream.indirect_vreg.scatter [tilespmem:s28], [sflag:$0x2], $0x80, v3, vm0, $0xb8;
	[tilespmem:$0x18400] =	vst v63  }
0x353: {  	s28 =	simm.s32 $0x1800  }
0x354: {  	[hbm4b:s5+s2] =	stream.indirect_vreg.scatter [tilespmem:s28], [sflag:$0x2], $0x80, v3, vm1, $0xb8;
	[tilespmem:$0x18400] =	vst v63  }
0x355: {  	v3 =	vld [tilespmem:$0x310];
	_ =	sdelay $0x4  }
0x356: {  	v49 =	vshrl.u32 v3, $0x3  }
0x357: {  	v4 =	vmul.u32 $0x18, v49  }
0x358: {  	v3 =	vand.u32 $0x7, v3  }
0x359: {  	v3 =	vor.u32 v3, v4  }
0x35a: {  	v4 =	vperm.xlane v3, v0;
	_ =	sdelay $0x1  }
0x35b: {  	v4 =	vadd.s32 v1, v4;
	_ =	sdelay $0x1  }
0x35c: {  	v3 =	vperm.xlane v3, v2;
	_ =	sdelay $0x1  }
0x35d: {  	s28 =	simm.s32 $0x1C00;
	v3 =	vadd.s32 v1, v3  }
0x35e: {  	[hbm4b:s4+s2] =	stream.indirect_vreg.scatter [tilespmem:s28], [sflag:$0x2], $0x80, v4, vm0, $0xb8;
	[tilespmem:$0x18400] =	vst v63  }
0x35f: {  	s28 =	simm.s32 $0x2400  }
0x360: {  	[hbm4b:s5+s2] =	stream.indirect_vreg.scatter [tilespmem:s28], [sflag:$0x2], $0x80, v4, vm1, $0xb8;
	[tilespmem:$0x18400] =	vst v63  }
0x361: {  	s28 =	simm.s32 $0x2800  }
0x362: {  	[hbm4b:s4+s2] =	stream.indirect_vreg.scatter [tilespmem:s28], [sflag:$0x2], $0x80, v3, vm0, $0xb8;
	[tilespmem:$0x18400] =	vst v63  }
0x363: {  	s28 =	simm.s32 $0x3000  }
0x364: {  	[hbm4b:s5+s2] =	stream.indirect_vreg.scatter [tilespmem:s28], [sflag:$0x2], $0x80, v3, vm1, $0xb8;
	[tilespmem:$0x18400] =	vst v63  }
0x365: {  	v3 =	vld [tilespmem:$0x320];
	_ =	sdelay $0x4  }
0x366: {  	v50 =	vshrl.u32 v3, $0x3  }
0x367: {  	v4 =	vmul.u32 $0x18, v50  }
0x368: {  	v3 =	vand.u32 $0x7, v3  }
0x369: {  	v3 =	vor.u32 v3, v4  }
0x36a: {  	v4 =	vperm.xlane v3, v0;
	_ =	sdelay $0x1  }
0x36b: {  	v4 =	vadd.s32 v1, v4;
	_ =	sdelay $0x1  }
0x36c: {  	v3 =	vperm.xlane v3, v2;
	_ =	sdelay $0x1  }
0x36d: {  	s28 =	simm.s32 $0x3400;
	v3 =	vadd.s32 v1, v3  }
0x36e: {  	[hbm4b:s4+s2] =	stream.indirect_vreg.scatter [tilespmem:s28], [sflag:$0x2], $0x80, v4, vm0, $0xb8;
	[tilespmem:$0x18400] =	vst v63  }
0x36f: {  	s28 =	simm.s32 $0x3C00  }
0x370: {  	[hbm4b:s5+s2] =	stream.indirect_vreg.scatter [tilespmem:s28], [sflag:$0x2], $0x80, v4, vm1, $0xb8;
	[tilespmem:$0x18400] =	vst v63  }
0x371: {  	s28 =	simm.s32 $0x4000  }
0x372: {  	[hbm4b:s4+s2] =	stream.indirect_vreg.scatter [tilespmem:s28], [sflag:$0x2], $0x80, v3, vm0, $0xb8;
	[tilespmem:$0x18400] =	vst v63  }
0x373: {  	s28 =	simm.s32 $0x4800  }
0x374: {  	[hbm4b:s5+s2] =	stream.indirect_vreg.scatter [tilespmem:s28], [sflag:$0x2], $0x80, v3, vm1, $0xb8;
	[tilespmem:$0x18400] =	vst v63  }
0x375: {  	v3 =	vld [tilespmem:$0x330];
	_ =	sdelay $0x4  }
0x376: {  	v51 =	vshrl.u32 v3, $0x3  }
0x377: {  	v4 =	vmul.u32 $0x18, v51  }
0x378: {  	v3 =	vand.u32 $0x7, v3  }
0x379: {  	v3 =	vor.u32 v3, v4  }
0x37a: {  	v4 =	vperm.xlane v3, v0;
	_ =	sdelay $0x1  }
0x37b: {  	v4 =	vadd.s32 v1, v4;
	_ =	sdelay $0x1  }
0x37c: {  	v3 =	vperm.xlane v3, v2;
	_ =	sdelay $0x1  }
0x37d: {  	s28 =	simm.s32 $0x4C00;
	v3 =	vadd.s32 v1, v3  }
0x37e: {  	[hbm4b:s4+s2] =	stream.indirect_vreg.scatter [tilespmem:s28], [sflag:$0x2], $0x80, v4, vm0, $0xb8;
	[tilespmem:$0x18400] =	vst v63  }
0x37f: {  	s28 =	simm.s32 $0x5400  }
0x380: {  	[hbm4b:s5+s2] =	stream.indirect_vreg.scatter [tilespmem:s28], [sflag:$0x2], $0x80, v4, vm1, $0xb8;
	[tilespmem:$0x18400] =	vst v63  }
0x381: {  	s28 =	simm.s32 $0x5800  }
0x382: {  	[hbm4b:s4+s2] =	stream.indirect_vreg.scatter [tilespmem:s28], [sflag:$0x2], $0x80, v3, vm0, $0xb8;
	[tilespmem:$0x18400] =	vst v63  }
0x383: {  	s28 =	simm.s32 $0x6000  }
0x384: {  	[hbm4b:s5+s2] =	stream.indirect_vreg.scatter [tilespmem:s28], [sflag:$0x2], $0x80, v3, vm1, $0xb8;
	[tilespmem:$0x18400] =	vst v63  }
0x385: {  	v3 =	vld [tilespmem:$0x340];
	_ =	sdelay $0x4  }
0x386: {  	v52 =	vshrl.u32 v3, $0x3  }
0x387: {  	v4 =	vmul.u32 $0x18, v52  }
0x388: {  	v3 =	vand.u32 $0x7, v3  }
0x389: {  	v3 =	vor.u32 v3, v4  }
0x38a: {  	v4 =	vperm.xlane v3, v0;
	_ =	sdelay $0x1  }
0x38b: {  	v4 =	vadd.s32 v1, v4;
	_ =	sdelay $0x1  }
0x38c: {  	v3 =	vperm.xlane v3, v2;
	_ =	sdelay $0x1  }
0x38d: {  	s28 =	simm.s32 $0x6400;
	v3 =	vadd.s32 v1, v3  }
0x38e: {  	[hbm4b:s4+s2] =	stream.indirect_vreg.scatter [tilespmem:s28], [sflag:$0x2], $0x80, v4, vm0, $0xb8;
	[tilespmem:$0x18400] =	vst v63  }
0x38f: {  	s28 =	simm.s32 $0x6C00  }
0x390: {  	[hbm4b:s5+s2] =	stream.indirect_vreg.scatter [tilespmem:s28], [sflag:$0x2], $0x80, v4, vm1, $0xb8;
	[tilespmem:$0x18400] =	vst v63  }
0x391: {  	s28 =	simm.s32 $0x7000  }
0x392: {  	[hbm4b:s4+s2] =	stream.indirect_vreg.scatter [tilespmem:s28], [sflag:$0x2], $0x80, v3, vm0, $0xb8;
	[tilespmem:$0x18400] =	vst v63  }
0x393: {  	s28 =	simm.s32 $0x7800  }
0x394: {  	[hbm4b:s5+s2] =	stream.indirect_vreg.scatter [tilespmem:s28], [sflag:$0x2], $0x80, v3, vm1, $0xb8;
	[tilespmem:$0x18400] =	vst v63  }
0x395: {  	v3 =	vld [tilespmem:$0x350];
	_ =	sdelay $0x4  }
0x396: {  	v53 =	vshrl.u32 v3, $0x3  }
0x397: {  	v4 =	vmul.u32 $0x18, v53  }
0x398: {  	v3 =	vand.u32 $0x7, v3  }
0x399: {  	v3 =	vor.u32 v3, v4  }
0x39a: {  	v4 =	vperm.xlane v3, v0;
	_ =	sdelay $0x1  }
0x39b: {  	v4 =	vadd.s32 v1, v4;
	_ =	sdelay $0x1  }
0x39c: {  	v3 =	vperm.xlane v3, v2;
	_ =	sdelay $0x1  }
0x39d: {  	s28 =	simm.s32 $0x7C00;
	v3 =	vadd.s32 v1, v3  }
0x39e: {  	[hbm4b:s4+s2] =	stream.indirect_vreg.scatter [tilespmem:s28], [sflag:$0x2], $0x80, v4, vm0, $0xb8;
	[tilespmem:$0x18400] =	vst v63  }
0x39f: {  	s28 =	simm.s32 $0x8400  }
0x3a0: {  	[hbm4b:s5+s2] =	stream.indirect_vreg.scatter [tilespmem:s28], [sflag:$0x2], $0x80, v4, vm1, $0xb8;
	[tilespmem:$0x18400] =	vst v63  }
0x3a1: {  	s28 =	simm.s32 $0x8800  }
0x3a2: {  	[hbm4b:s4+s2] =	stream.indirect_vreg.scatter [tilespmem:s28], [sflag:$0x2], $0x80, v3, vm0, $0xb8;
	[tilespmem:$0x18400] =	vst v63  }
0x3a3: {  	s28 =	simm.s32 $0x9000  }
0x3a4: {  	[hbm4b:s5+s2] =	stream.indirect_vreg.scatter [tilespmem:s28], [sflag:$0x2], $0x80, v3, vm1, $0xb8;
	[tilespmem:$0x18400] =	vst v63  }
0x3a5: {  	v3 =	vld [tilespmem:$0x360];
	_ =	sdelay $0x4  }
0x3a6: {  	v54 =	vshrl.u32 v3, $0x3  }
0x3a7: {  	v4 =	vmul.u32 $0x18, v54  }
0x3a8: {  	v3 =	vand.u32 $0x7, v3  }
0x3a9: {  	v3 =	vor.u32 v3, v4  }
0x3aa: {  	v4 =	vperm.xlane v3, v0;
	_ =	sdelay $0x1  }
0x3ab: {  	v4 =	vadd.s32 v1, v4;
	_ =	sdelay $0x1  }
0x3ac: {  	v3 =	vperm.xlane v3, v2;
	_ =	sdelay $0x1  }
0x3ad: {  	s28 =	simm.s32 $0x9400;
	v3 =	vadd.s32 v1, v3  }
0x3ae: {  	[hbm4b:s4+s2] =	stream.indirect_vreg.scatter [tilespmem:s28], [sflag:$0x2], $0x80, v4, vm0, $0xb8;
	[tilespmem:$0x18400] =	vst v63  }
0x3af: {  	s28 =	simm.s32 $0x9C00  }
0x3b0: {  	[hbm4b:s5+s2] =	stream.indirect_vreg.scatter [tilespmem:s28], [sflag:$0x2], $0x80, v4, vm1, $0xb8;
	[tilespmem:$0x18400] =	vst v63  }
0x3b1: {  	s28 =	simm.s32 $0xA000  }
0x3b2: {  	[hbm4b:s4+s2] =	stream.indirect_vreg.scatter [tilespmem:s28], [sflag:$0x2], $0x80, v3, vm0, $0xb8;
	[tilespmem:$0x18400] =	vst v63  }
0x3b3: {  	s28 =	simm.s32 $0xA800  }
0x3b4: {  	[hbm4b:s5+s2] =	stream.indirect_vreg.scatter [tilespmem:s28], [sflag:$0x2], $0x80, v3, vm1, $0xb8;
	[tilespmem:$0x18400] =	vst v63  }
0x3b5: {  	v3 =	vld [tilespmem:$0x370];
	_ =	sdelay $0x4  }
0x3b6: {  	v55 =	vshrl.u32 v3, $0x3  }
0x3b7: {  	v4 =	vmul.u32 $0x18, v55  }
0x3b8: {  	v3 =	vand.u32 $0x7, v3  }
0x3b9: {  	v3 =	vor.u32 v3, v4  }
0x3ba: {  	v4 =	vperm.xlane v3, v0;
	_ =	sdelay $0x1  }
0x3bb: {  	v4 =	vadd.s32 v1, v4;
	_ =	sdelay $0x1  }
0x3bc: {  	v3 =	vperm.xlane v3, v2;
	_ =	sdelay $0x1  }
0x3bd: {  	s28 =	simm.s32 $0xAC00;
	v3 =	vadd.s32 v1, v3  }
0x3be: {  	[hbm4b:s4+s2] =	stream.indirect_vreg.scatter [tilespmem:s28], [sflag:$0x2], $0x80, v4, vm0, $0xb8;
	[tilespmem:$0x18400] =	vst v63  }
0x3bf: {  	s28 =	simm.s32 $0xB400  }
0x3c0: {  	[hbm4b:s5+s2] =	stream.indirect_vreg.scatter [tilespmem:s28], [sflag:$0x2], $0x80, v4, vm1, $0xb8;
	[tilespmem:$0x18400] =	vst v63  }
0x3c1: {  	s28 =	simm.s32 $0xB800  }
0x3c2: {  	[hbm4b:s4+s2] =	stream.indirect_vreg.scatter [tilespmem:s28], [sflag:$0x2], $0x80, v3, vm0, $0xb8;
	[tilespmem:$0x18400] =	vst v63  }
0x3c3: {  	s28 =	simm.s32 $0xC000  }
0x3c4: {  	[hbm4b:s5+s2] =	stream.indirect_vreg.scatter [tilespmem:s28], [sflag:$0x2], $0x80, v3, vm1, $0xb8;
	[tilespmem:$0x18400] =	vst v63  }
0x3c5: {  	_ =	swait.ge [sflag:s10], $0xC000  }
0x3c6: {  	[sflag:s10] =	ssyncset.done $0x0  }
0x3c7: {  	[sflag:s10] =	ssyncadd.s32 $0xFFFF4000  }
0x3c8: {  	v3 =	vld [tilespmem:$0x380];
	_ =	sdelay $0x4  }
0x3c9: {  	v56 =	vshrl.u32 v3, $0x3  }
0x3ca: {  	v4 =	vmul.u32 $0x18, v56  }
0x3cb: {  	v3 =	vand.u32 $0x7, v3  }
0x3cc: {  	v3 =	vor.u32 v3, v4  }
0x3cd: {  	v4 =	vperm.xlane v3, v0;
	_ =	sdelay $0x1  }
0x3ce: {  	v4 =	vadd.s32 v1, v4;
	_ =	sdelay $0x1  }
0x3cf: {  	v3 =	vperm.xlane v3, v2;
	_ =	sdelay $0x1  }
0x3d0: {  	v3 =	vadd.s32 v1, v3  }
0x3d1: {  	[hbm4b:s4+s2] =	stream.indirect_vreg.scatter [tilespmem:s0], [sflag:$0x2], $0x80, v4, vm0, $0xb8;
	[tilespmem:$0x18400] =	vst v63  }
0x3d2: {  	s8 =	simm.s32 $0xCC00  }
0x3d3: {  	[hbm4b:s5+s2] =	stream.indirect_vreg.scatter [tilespmem:s8], [sflag:$0x2], $0x80, v4, vm1, $0xb8;
	[tilespmem:$0x18400] =	vst v63  }
0x3d4: {  	s7 =	simm.s32 $0xD000  }
0x3d5: {  	[hbm4b:s4+s2] =	stream.indirect_vreg.scatter [tilespmem:s7], [sflag:$0x2], $0x80, v3, vm0, $0xb8;
	[tilespmem:$0x18400] =	vst v63  }
0x3d6: {  	s9 =	simm.s32 $0xD800  }
0x3d7: {  	[hbm4b:s5+s2] =	stream.indirect_vreg.scatter [tilespmem:s9], [sflag:$0x2], $0x80, v3, vm1, $0xb8;
	[tilespmem:$0x18400] =	vst v63  }
0x3d8: {  	v3 =	vld [tilespmem:$0x390];
	_ =	sdelay $0x4  }
0x3d9: {  	v57 =	vshrl.u32 v3, $0x3  }
0x3da: {  	v4 =	vmul.u32 $0x18, v57  }
0x3db: {  	v3 =	vand.u32 $0x7, v3  }
0x3dc: {  	v3 =	vor.u32 v3, v4  }
0x3dd: {  	v4 =	vperm.xlane v3, v0;
	_ =	sdelay $0x1  }
0x3de: {  	v4 =	vadd.s32 v1, v4;
	_ =	sdelay $0x1  }
0x3df: {  	v3 =	vperm.xlane v3, v2;
	_ =	sdelay $0x1  }
0x3e0: {  	v3 =	vadd.s32 v1, v3  }
0x3e1: {  	[hbm4b:s4+s2] =	stream.indirect_vreg.scatter [tilespmem:s3], [sflag:$0x2], $0x80, v4, vm0, $0xb8;
	[tilespmem:$0x18400] =	vst v63  }
0x3e2: {  	_ = 	snop  }
0x3e3: {  	[hbm4b:s5+s2] =	stream.indirect_vreg.scatter [tilespmem:s1], [sflag:$0x2], $0x80, v4, vm1, $0xb8;
	[tilespmem:$0x18400] =	vst v63  }
0x3e4: {  	s11 =	simm.s32 $0xE800  }
0x3e5: {  	[hbm4b:s4+s2] =	stream.indirect_vreg.scatter [tilespmem:s11], [sflag:$0x2], $0x80, v3, vm0, $0xb8;
	[tilespmem:$0x18400] =	vst v63  }
0x3e6: {  	s11 =	simm.s32 $0xF000  }
0x3e7: {  	[hbm4b:s5+s2] =	stream.indirect_vreg.scatter [tilespmem:s11], [sflag:$0x2], $0x80, v3, vm1, $0xb8;
	[tilespmem:$0x18400] =	vst v63  }
0x3e8: {  	v3 =	vld [tilespmem:$0x3A0];
	_ =	sdelay $0x4  }
0x3e9: {  	v58 =	vshrl.u32 v3, $0x3  }
0x3ea: {  	v4 =	vmul.u32 $0x18, v58  }
0x3eb: {  	v3 =	vand.u32 $0x7, v3  }
0x3ec: {  	v3 =	vor.u32 v3, v4  }
0x3ed: {  	v4 =	vperm.xlane v3, v0;
	_ =	sdelay $0x1  }
0x3ee: {  	v4 =	vadd.s32 v1, v4;
	_ =	sdelay $0x1  }
0x3ef: {  	v3 =	vperm.xlane v3, v2;
	_ =	sdelay $0x1  }
0x3f0: {  	s12 =	simm.s32 $0xF400;
	v3 =	vadd.s32 v1, v3  }
0x3f1: {  	[hbm4b:s4+s2] =	stream.indirect_vreg.scatter [tilespmem:s12], [sflag:$0x2], $0x80, v4, vm0, $0xb8;
	[tilespmem:$0x18400] =	vst v63  }
0x3f2: {  	s13 =	simm.s32 $0xFC00  }
0x3f3: {  	[hbm4b:s5+s2] =	stream.indirect_vreg.scatter [tilespmem:s13], [sflag:$0x2], $0x80, v4, vm1, $0xb8;
	[tilespmem:$0x18400] =	vst v63  }
0x3f4: {  	s14 =	simm.s32 $0x10000  }
0x3f5: {  	[hbm4b:s4+s2] =	stream.indirect_vreg.scatter [tilespmem:s14], [sflag:$0x2], $0x80, v3, vm0, $0xb8;
	[tilespmem:$0x18400] =	vst v63  }
0x3f6: {  	s14 =	simm.s32 $0x10800  }
0x3f7: {  	[hbm4b:s5+s2] =	stream.indirect_vreg.scatter [tilespmem:s14], [sflag:$0x2], $0x80, v3, vm1, $0xb8;
	[tilespmem:$0x18400] =	vst v63  }
0x3f8: {  	v3 =	vld [tilespmem:$0x3B0];
	_ =	sdelay $0x4  }
0x3f9: {  	v59 =	vshrl.u32 v3, $0x3  }
0x3fa: {  	v4 =	vmul.u32 $0x18, v59  }
0x3fb: {  	v3 =	vand.u32 $0x7, v3  }
0x3fc: {  	v3 =	vor.u32 v3, v4  }
0x3fd: {  	v4 =	vperm.xlane v3, v0;
	_ =	sdelay $0x1  }
0x3fe: {  	v4 =	vadd.s32 v1, v4;
	_ =	sdelay $0x1  }
0x3ff: {  	v3 =	vperm.xlane v3, v2;
	_ =	sdelay $0x1  }
0x400: {  	s15 =	simm.s32 $0x10C00;
	v3 =	vadd.s32 v1, v3  }
0x401: {  	[hbm4b:s4+s2] =	stream.indirect_vreg.scatter [tilespmem:s15], [sflag:$0x2], $0x80, v4, vm0, $0xb8;
	[tilespmem:$0x18400] =	vst v63  }
0x402: {  	s16 =	simm.s32 $0x11400  }
0x403: {  	[hbm4b:s5+s2] =	stream.indirect_vreg.scatter [tilespmem:s16], [sflag:$0x2], $0x80, v4, vm1, $0xb8;
	[tilespmem:$0x18400] =	vst v63  }
0x404: {  	s17 =	simm.s32 $0x11800  }
0x405: {  	[hbm4b:s4+s2] =	stream.indirect_vreg.scatter [tilespmem:s17], [sflag:$0x2], $0x80, v3, vm0, $0xb8;
	[tilespmem:$0x18400] =	vst v63  }
0x406: {  	s17 =	simm.s32 $0x12000  }
0x407: {  	[hbm4b:s5+s2] =	stream.indirect_vreg.scatter [tilespmem:s17], [sflag:$0x2], $0x80, v3, vm1, $0xb8;
	[tilespmem:$0x18400] =	vst v63  }
0x408: {  	v3 =	vld [tilespmem:$0x3C0];
	_ =	sdelay $0x4  }
0x409: {  	v60 =	vshrl.u32 v3, $0x3  }
0x40a: {  	v4 =	vmul.u32 $0x18, v60  }
0x40b: {  	v3 =	vand.u32 $0x7, v3  }
0x40c: {  	v3 =	vor.u32 v3, v4  }
0x40d: {  	v4 =	vperm.xlane v3, v0;
	_ =	sdelay $0x1  }
0x40e: {  	v4 =	vadd.s32 v1, v4;
	_ =	sdelay $0x1  }
0x40f: {  	v3 =	vperm.xlane v3, v2;
	_ =	sdelay $0x1  }
0x410: {  	s19 =	simm.s32 $0x12400;
	v3 =	vadd.s32 v1, v3  }
0x411: {  	[hbm4b:s4+s2] =	stream.indirect_vreg.scatter [tilespmem:s19], [sflag:$0x2], $0x80, v4, vm0, $0xb8;
	[tilespmem:$0x18400] =	vst v63  }
0x412: {  	s20 =	simm.s32 $0x12C00  }
0x413: {  	[hbm4b:s5+s2] =	stream.indirect_vreg.scatter [tilespmem:s20], [sflag:$0x2], $0x80, v4, vm1, $0xb8;
	[tilespmem:$0x18400] =	vst v63  }
0x414: {  	s21 =	simm.s32 $0x13000  }
0x415: {  	[hbm4b:s4+s2] =	stream.indirect_vreg.scatter [tilespmem:s21], [sflag:$0x2], $0x80, v3, vm0, $0xb8;
	[tilespmem:$0x18400] =	vst v63  }
0x416: {  	s21 =	simm.s32 $0x13800  }
0x417: {  	[hbm4b:s5+s2] =	stream.indirect_vreg.scatter [tilespmem:s21], [sflag:$0x2], $0x80, v3, vm1, $0xb8;
	[tilespmem:$0x18400] =	vst v63  }
0x418: {  	v3 =	vld [tilespmem:$0x3D0];
	_ =	sdelay $0x4  }
0x419: {  	v61 =	vshrl.u32 v3, $0x3  }
0x41a: {  	v4 =	vmul.u32 $0x18, v61  }
0x41b: {  	v3 =	vand.u32 $0x7, v3  }
0x41c: {  	v3 =	vor.u32 v3, v4  }
0x41d: {  	v4 =	vperm.xlane v3, v0;
	_ =	sdelay $0x1  }
0x41e: {  	v4 =	vadd.s32 v1, v4;
	_ =	sdelay $0x1  }
0x41f: {  	v3 =	vperm.xlane v3, v2;
	_ =	sdelay $0x1  }
0x420: {  	s22 =	simm.s32 $0x13C00;
	v3 =	vadd.s32 v1, v3  }
0x421: {  	[hbm4b:s4+s2] =	stream.indirect_vreg.scatter [tilespmem:s22], [sflag:$0x2], $0x80, v4, vm0, $0xb8;
	[tilespmem:$0x18400] =	vst v63  }
0x422: {  	s23 =	simm.s32 $0x14400  }
0x423: {  	[hbm4b:s5+s2] =	stream.indirect_vreg.scatter [tilespmem:s23], [sflag:$0x2], $0x80, v4, vm1, $0xb8;
	[tilespmem:$0x18400] =	vst v63  }
0x424: {  	s24 =	simm.s32 $0x14800  }
0x425: {  	[hbm4b:s4+s2] =	stream.indirect_vreg.scatter [tilespmem:s24], [sflag:$0x2], $0x80, v3, vm0, $0xb8;
	[tilespmem:$0x18400] =	vst v63  }
0x426: {  	s28 =	simm.s32 $0x15000  }
0x427: {  	[hbm4b:s5+s2] =	stream.indirect_vreg.scatter [tilespmem:s28], [sflag:$0x2], $0x80, v3, vm1, $0xb8;
	[tilespmem:$0x18400] =	vst v63  }
0x428: {  	v3 =	vld [tilespmem:$0x3E0];
	_ =	sdelay $0x4  }
0x429: {  	v62 =	vshrl.u32 v3, $0x3  }
0x42a: {  	v4 =	vmul.u32 $0x18, v62  }
0x42b: {  	v3 =	vand.u32 $0x7, v3  }
0x42c: {  	v3 =	vor.u32 v3, v4  }
0x42d: {  	v4 =	vperm.xlane v3, v0;
	_ =	sdelay $0x1  }
0x42e: {  	v4 =	vadd.s32 v1, v4;
	_ =	sdelay $0x1  }
0x42f: {  	v3 =	vperm.xlane v3, v2;
	_ =	sdelay $0x1  }
0x430: {  	s25 =	simm.s32 $0x15400;
	v3 =	vadd.s32 v1, v3  }
0x431: {  	[hbm4b:s4+s2] =	stream.indirect_vreg.scatter [tilespmem:s25], [sflag:$0x2], $0x80, v4, vm0, $0xb8;
	[tilespmem:$0x18400] =	vst v63  }
0x432: {  	s26 =	simm.s32 $0x15C00  }
0x433: {  	[hbm4b:s5+s2] =	stream.indirect_vreg.scatter [tilespmem:s26], [sflag:$0x2], $0x80, v4, vm1, $0xb8;
	[tilespmem:$0x18400] =	vst v63  }
0x434: {  	s29 =	simm.s32 $0x16000  }
0x435: {  	[hbm4b:s4+s2] =	stream.indirect_vreg.scatter [tilespmem:s29], [sflag:$0x2], $0x80, v3, vm0, $0xb8;
	[tilespmem:$0x18400] =	vst v63  }
0x436: {  	s29 =	simm.s32 $0x16800  }
0x437: {  	[hbm4b:s5+s2] =	stream.indirect_vreg.scatter [tilespmem:s29], [sflag:$0x2], $0x80, v3, vm1, $0xb8;
	[tilespmem:$0x18400] =	vst v63  }
0x438: {  	v3 =	vld [tilespmem:$0x3F0];
	_ =	sdelay $0x4  }
0x439: {  	v63 =	vshrl.u32 v3, $0x3  }
0x43a: {  	v4 =	vmul.u32 $0x18, v63  }
0x43b: {  	v3 =	vand.u32 $0x7, v3  }
0x43c: {  	v3 =	vor.u32 v3, v4  }
0x43d: {  	v4 =	vperm.xlane v3, v0;
	_ =	sdelay $0x1  }
0x43e: {  	v4 =	vadd.s32 v1, v4;
	_ =	sdelay $0x1  }
0x43f: {  	v3 =	vperm.xlane v3, v2;
	_ =	sdelay $0x1  }
0x440: {  	s30 =	simm.s32 $0x16C00;
	v3 =	vadd.s32 v1, v3  }
0x441: {  	[hbm4b:s4+s2] =	stream.indirect_vreg.scatter [tilespmem:s30], [sflag:$0x2], $0x80, v4, vm0, $0xb8;
	[tilespmem:$0x18400] =	vst v63  }
0x442: {  	s31 =	simm.s32 $0x17400  }
0x443: {  	[hbm4b:s5+s2] =	stream.indirect_vreg.scatter [tilespmem:s31], [sflag:$0x2], $0x80, v4, vm1, $0xb8;
	[tilespmem:$0x18400] =	vst v63  }
0x444: {  	s30 =	simm.s32 $0x17800  }
0x445: {  	[hbm4b:s4+s2] =	stream.indirect_vreg.scatter [tilespmem:s30], [sflag:$0x2], $0x80, v3, vm0, $0xb8;
	[tilespmem:$0x18400] =	vst v63  }
0x446: {  	s31 =	simm.s32 $0x18000  }
0x447: {  	[hbm4b:s5+s2] =	stream.indirect_vreg.scatter [tilespmem:s31], [sflag:$0x2], $0x80, v3, vm1, $0xb8;
	[tilespmem:$0x18400] =	vst v63  }
0x448: {  	p0 =	sne.s32 s6, $0x1;
	_ =	swait.ge [sflag:s18], $0xC000  }
.Ltmp0:
0x449: {  	[sflag:s18] =	ssyncset.done $0x0;
	(pc) =	sbr.rel @p0 .LBB2_1-.Ltmp0, $4  }
0x44a: {  	[sflag:s18] =	ssyncadd.s32 $0xFFFF4000  }
0x44b: {  	_ =	swait.ge [sflag:s18], $0xC000  }
0x44c: {  	[sflag:s18] =	ssyncset.done $0x0  }
0x44d: {  	s6 =	sadd.s32 $0xFFFFFFFF, s6;
	[sflag:s18] =	ssyncadd.s32 $0xFFFF4000  }
0x44e: {  	_ =	sfence.sel $0x180000  }
0x44f: {  	[bflag:$0x0] =	sbarrier.arrive $0xFFFF  }
0x450: {  	_ =	strace $0x90000047  }
0x451: {  	s0 =	stileid.u32;
	[bflag:$0x2] =	sbarrier.arrive $0xFFFF  }
0x452: {  	p0 =	sne.s32 s0, $0x0;
	s0 =	rddreg [dreg:$0x2]  }
0x453: {  	s0 =	sadd.s32 @!p0 $0x100000, s0  }
0x454: {  	[sflag:s0] =	ssyncadd.tile.s32 @!p0 $0x1;
	_ =	shalt  }
.Lfunc_end2:
_tile_overlayer_lowered:
.L_overlay_start_2:
0x455: {  	(tag) =	ssettag $0x2  }
0x456: {  	s0 =	rddreg [dreg:$0x0];
	s2 =	stileid.u32  }
0x457: {  	s1 =	rddreg [dreg:$0x1];
	p0 =	sne.s32 s2, $0x0  }
0x458: {  	s3 =	rddreg [dreg:$0x2];
	[bflag:$0x3] =	sbarrier.arrive $0xFFFF;
	s2 =	simm.s32 @!p0 $0x1C03  }
0x459: {  	[timem:s3], [sflag:s2] =	dma.local @!p0 [hbm:s0], s1  }
0x45a: {  	s0 =	simm.s32 @!p0 $0x3  }
0x45b: {  	_ =	swait.ge @!p0 [sflag:s0], s1  }
0x45c: {  	s1 =	ssub.s32 @!p0 $0x0, s1;
	[sflag:s0] =	ssyncset.done @!p0 $0x0  }
0x45d: {  	[sflag:s0] =	ssyncadd.s32 @!p0 s1  }
0x45e: {  	[bflag:$0x3] =	sbarrier.arrive $0xFFFF  }
0x45f: {  	_ =	shalt  }

// kernel: kernel.9.cloned.1.call-start
scs
__scs_entry_jumppad:
0x0: {  	(pc) =	sbr.rel $0x88, $3  }
0x1: {  	(tag) =	ssettag $0x0;
	lr =	simm.s32 $0x1  }
0x2: {  	[smem:$0x3F97] =	sst lr;
	_ =	strace $0xD0000000  }
0x3: {  	_ = 	snop  }
0x4: {  	_ = 	snop  }
0x5: {  	_ = 	snop  }
0x6: {  	_ = 	snop  }
0x7: {  	_ = 	snop  }
__scs_overlays_trampoline_lowered:
0x8: {  	[smem:$0x3FA6] =	sst s0  }
0x9: {  	[smem:$0x3FA7] =	sst s1  }
0xa: {  	[smem:$0x3FA8] =	sst s2  }
0xb: {  	[smem:$0x3FA9] =	sst s3  }
0xc: {  	[smem:$0x3FAA] =	sst s4  }
0xd: {  	[smem:$0x3FAB] =	sst s5  }
0xe: {  	[smem:$0x3FAC] =	sst s6  }
0xf: {  	[smem:$0x3FAD] =	sst s7  }
0x10: {  	[smem:$0x3FAE] =	sst s8  }
0x11: {  	[smem:$0x3FAF] =	sst s9;
	s0 =	simm.s32 @!p0 $0x0  }
0x12: {  	s1 =	sld [smem:$0x3F95];
	s0 =	simm.s32 @p0 $0x1  }
0x13: {  	[smem:$0x3FB0] =	sst s0;
	s0 =	simm.s32 @!p1 $0x0  }
0x14: {  	s2 =	sld [smem:$0x3F94];
	s0 =	simm.s32 @p1 $0x1  }
0x15: {  	[smem:$0x3FB1] =	sst s0;
	s0 =	simm.s32 @!p2 $0x0  }
0x16: {  	s3 =	sld [smem:$0x3FDB];
	s0 =	simm.s32 @p2 $0x1  }
0x17: {  	s4 =	simm.s32 $0x1BF5;
	[smem:$0x3FB3] =	sst s0  }
0x18: {  	s0 =	sld [smem:$0x3F96];
	_ =	swait.ge [sflag:s4], $0x0  }
0x19: {  	s7 =	sld [smem:$0x3F97]  }
0x1a: {  	s8 =	sadd.s32 $0xFFFFE003, lr  }
0x1b: {  	s9 =	sadd.s32 $0xFFFFFEF7, lr;
	s5 =	simm.s32 $0xFFFFFFFF;
	p2 =	slt.u32 s8, $0xFFFFF086  }
0x1c: {  	p1 =	slt.u32 s9, $0xF7A;
	s5 =	simm.s32 @!p2 $0x0  }
0x1d: {  	s5 =	simm.s32 @p1 $0x1;
	p0 =	seq.s32 s7, s2  }
0x1e: {  	s7 =	smul.u32 @!p0 $0xF7A, s2;
	p2 =	seq.s32 @!p0 s5, $0x0  }
0x1f: {  	s9 =	smul.u32 $0xF7A, s1;
	s8 =	simm.s32 @!p0 $0x1BF5;
	p2 =	por !p2, p0  }
0x20: {  	[sflag:s8] =	ssyncset.s32 @!p0 $0xFFFFF086;
	s6 =	sadd.s32 @!p0 s3, s7;
	s7 =	simm.s32 @!p0 $0x108  }
0x21: {  	s3 =	sadd.s32 s3, s9;
	s6 =	sadd.s32 @!p0 $0x88, s6;
	s7 =	simm.s32 @p2 $0x1082  }
0x22: {  	[simem:s7], [sflag:s8] =	dma.local @!p0 [hbm:s6], $0xF7A  }
0x23: {  	s9 =	sor.u32 $0xD0000000, s2;
	s6 =	simm.s32 $0x108;
	_ =	swait.ge @!p0 [sflag:s8], $0x0  }
0x24: {  	s3 =	sadd.s32 $0x88, s3;
	s6 =	simm.s32 @!p1 $0x1082;
	[sflag:s4] =	ssyncset.s32 $0xFFFFF086  }
0x25: {  	[simem:s6], [sflag:s4] =	dma.local [hbm:s3], $0xF7A  }
0x26: {  	[smem:$0x3F97] =	sst s1;
	(tag) =	ssettag s2;
	_ =	strace s9  }
0x27: {  	s1 =	sld [smem:$0x3FA7]  }
0x28: {  	s2 =	sld [smem:$0x3FA8]  }
0x29: {  	s4 =	sld [smem:$0x3FAA]  }
0x2a: {  	p0 =	seq.s32 s5, $0x0;
	s5 =	sld [smem:$0x3FAB]  }
0x2b: {  	s6 =	sld [smem:$0x3FAC]  }
0x2c: {  	s7 =	sld [smem:$0x3FAD]  }
0x2d: {  	s3 =	simm.s32 $0x108;
	s8 =	sld [smem:$0x3FAE]  }
0x2e: {  	s3 =	simm.s32 @!p0 $0x1082;
	s9 =	sld [smem:$0x3FAF]  }
0x2f: {  	lr =	sadd.s32 s0, s3;
	s0 =	sld [smem:$0x3FA6]  }
0x30: {  	s3 =	sld [smem:$0x3FA9]  }
0x31: {  	[smem:$0x3FB2] =	sst s10  }
0x32: {  	s10 =	sld [smem:$0x3FB0];
	_ =	sdelay $0x3  }
0x33: {  	p0 =	seq.s32 s10, $0x1;
	s10 =	sld [smem:$0x3FB2];
	_ =	sdelay $0x3  }
0x34: {  	[smem:$0x3FB2] =	sst s10  }
0x35: {  	s10 =	sld [smem:$0x3FB1];
	_ =	sdelay $0x3  }
0x36: {  	p1 =	seq.s32 s10, $0x1;
	s10 =	sld [smem:$0x3FB2];
	_ =	sdelay $0x3  }
0x37: {  	[smem:$0x3FB2] =	sst s10  }
0x38: {  	s10 =	sld [smem:$0x3FB3]  }
0x39: {  	_ = 	snop;
	(pc) =	sbr.ind lr, $3  }
0x3a: {  	_ = 	snop  }
0x3b: {  	_ = 	snop  }
0x3c: {  	p2 =	seq.s32 s10, $0x1;
	s10 =	sld [smem:$0x3FB2]  }
0x3d: {  	_ =	shalt  }
0x3e: {  	_ =	shalt  }
0x3f: {  	_ =	shalt  }
0x40: {  	_ =	shalt  }
0x41: {  	_ =	shalt  }
0x42: {  	_ =	shalt  }
0x43: {  	_ =	shalt  }
0x44: {  	_ =	shalt  }
0x45: {  	_ =	shalt  }
0x46: {  	_ =	shalt  }
0x47: {  	_ =	shalt  }
0x48: {  	_ =	shalt  }
0x49: {  	_ =	shalt  }
0x4a: {  	_ =	shalt  }
0x4b: {  	_ =	shalt  }
0x4c: {  	_ =	shalt  }
0x4d: {  	_ =	shalt  }
0x4e: {  	_ =	shalt  }
0x4f: {  	_ =	shalt  }
0x50: {  	_ =	shalt  }
0x51: {  	_ =	shalt  }
0x52: {  	_ =	shalt  }
0x53: {  	_ =	shalt  }
0x54: {  	_ =	shalt  }
0x55: {  	_ =	shalt  }
0x56: {  	_ =	shalt  }
0x57: {  	_ =	shalt  }
0x58: {  	_ =	shalt  }
0x59: {  	_ =	shalt  }
0x5a: {  	_ =	shalt  }
0x5b: {  	_ =	shalt  }
0x5c: {  	_ =	shalt  }
0x5d: {  	_ =	shalt  }
0x5e: {  	_ =	shalt  }
0x5f: {  	_ =	shalt  }
0x60: {  	_ =	shalt  }
0x61: {  	_ =	shalt  }
0x62: {  	_ =	shalt  }
0x63: {  	_ =	shalt  }
0x64: {  	_ =	shalt  }
0x65: {  	_ =	shalt  }
0x66: {  	_ =	shalt  }
0x67: {  	_ =	shalt  }
0x68: {  	_ =	shalt  }
0x69: {  	_ =	shalt  }
0x6a: {  	_ =	shalt  }
0x6b: {  	_ =	shalt  }
0x6c: {  	_ =	shalt  }
0x6d: {  	_ =	shalt  }
0x6e: {  	_ =	shalt  }
0x6f: {  	_ =	shalt  }
0x70: {  	_ =	shalt  }
0x71: {  	_ =	shalt  }
0x72: {  	_ =	shalt  }
0x73: {  	_ =	shalt  }
0x74: {  	_ =	shalt  }
0x75: {  	_ =	shalt  }
0x76: {  	_ =	shalt  }
0x77: {  	_ =	shalt  }
0x78: {  	_ =	shalt  }
0x79: {  	_ =	shalt  }
0x7a: {  	_ =	shalt  }
0x7b: {  	_ =	shalt  }
0x7c: {  	_ =	shalt  }
0x7d: {  	_ =	shalt  }
0x7e: {  	_ =	shalt  }
0x7f: {  	_ =	shalt  }
0x80: {  	_ =	shalt  }
0x81: {  	_ =	shalt  }
0x82: {  	_ =	shalt  }
0x83: {  	_ =	shalt  }
0x84: {  	_ =	shalt  }
0x85: {  	_ =	shalt  }
0x86: {  	_ =	shalt  }
0x87: {  	_ =	shalt  }
.Lfunc_end0:
.L_simem_size_0:
called_computation.1_lowered:
.L_overlay_start_0:
0x88: {  	s2 =	sld [smem:$0x3FD9]  }
0x89: {  	s3 =	sld [smem:$0x3FFE];
	_ =	sdelay $0x1  }
0x8a: {  	s1 =	srdreg.scid  }
0x8b: {  	s0 =	sand.u32 $0x1, s1  }
0x8c: {  	s17 =	sshll.u32 s0, $0xA;
	s2 =	sadd.s32 s3, s2  }
0x8d: {  	s2 =	sadd.s32 s2, s17  }
0x8e: {  	[smem:$0x3FBE] =	sst s2  }
0x8f: {  	_ = 	snop  }
0x90: {  	s2 =	sld [smem:$0x3FD0];
	(tm) =	ssettm $0x1  }
0x91: {  	s18 =	sld [smem:$0x3FFB];
	_ =	sdelay $0x3  }
0x92: {  	_ =	strace s18  }
0x93: {  	s3 =	sld [smem:$0x3FFC];
	_ =	sdelay $0x3  }
0x94: {  	_ =	strace s3  }
0x95: {  	s3 =	sld [smem:$0x3FFD];
	_ =	sdelay $0x3  }
0x96: {  	_ =	strace s3  }
0x97: {  	_ =	strace $0x8FFFFFFF  }
0x98: {  	s19 =	sld [smem:$0x3FDB];
	_ =	sdelay $0x1  }
0x99: {  	s4 =	simm.s32 $_scs_section_size  }
0x9a: {  	s5 =	simm.s32 $_size__tile_overlayer_lowered;
	s6 =	simm.s32 $_tile_overlayer_lowered  }
0x9b: {  	s22 =	simm.s32 $0x1BFF;
	s21 =	sshll.u32 s6, $0x1;
	s3 =	sadd.s32 s4, s19  }
0x9c: {  	s7 =	simm.s32 $0x0;
	s20 =	sshll.u32 s5, $0x1;
	s5 =	sadd.s32 s21, s3  }
0x9d: {  	[timem:s7], [sflag:s22] =	dma.local [hbm:s5], s20  }
0x9e: {  	_ =	swait.ge [sflag:s22], s20  }
0x9f: {  	s4 =	ssub.s32 $0x0, s20;
	[sflag:s22] =	ssyncset.done $0x0  }
0xa0: {  	[sflag:s22] =	ssyncadd.s32 s4;
	_ =	sdelay $0x1  }
0xa1: {  	s23 =	simm.s32 $0x1B8B  }
0xa2: {  	_ =	swait.ge [sflag:s23], $0x1  }
0xa3: {  	[sflag:s23] =	ssyncset.done $0x0  }
0xa4: {  	s25 =	simm.s32 $0x1B8E;
	s24 =	sld [smem:$0x3FFE];
	[sflag:s23] =	ssyncadd.s32 $0xFFFFFFFF  }
0xa5: {  	s26 =	simm.s32 $execute0_lowered;
	[smem:$0x3FD2] =	sst s25  }
0xa6: {  	s5 =	sshll.u32 s26, $0x1;
	_ =	strace $0x80000049;
	[dreg:$0x1] =	wrdreg $0xFFFFFFFF  }
0xa7: {  	s28 =	simm.s32 $_size_execute0_lowered;
	s3 =	sadd.s32 s3, s5;
	[dreg:$0x0] =	wrdreg $0x0  }
0xa8: {  	s5 =	sshll.u32 s28, $0x1;
	[dreg:$0x2] =	wrdreg s3  }
0xa9: {  	[dreg:$0x3] =	wrdreg s5  }
0xaa: {  	[dreg:$0x4] =	wrdreg $0xC0  }
0xab: {  	_ =	task [dreg:s7], $0x5FFFF  }
0xac: {  	[dreg:$0x1] =	wrdreg $0xFFFFFFFF  }
0xad: {  	[dreg:$0x0] =	wrdreg $0x60  }
0xae: {  	[dreg:$0x2] =	wrdreg s24  }
0xaf: {  	[dreg:$0x3] =	wrdreg s2  }
0xb0: {  	[dreg:$0x4] =	wrdreg $0x1C000  }
0xb1: {  	[dreg:$0x5] =	wrdreg $0x9  }
0xb2: {  	_ =	task.clear_ibuf [dreg:s7], $0x6FFFF;
	_ =	strace $0x90000049  }
0xb3: {  	s29 =	simm.s32 $0x9;
	_ =	strace $0x8000004B  }
0xb4: {  	_ =	swait.ge [sflag:s29], $0x1  }
0xb5: {  	[sflag:s29] =	ssyncadd.s32 $0xFFFFFFFF  }
0xb6: {  	_ =	strace $0x9000004B  }
0xb7: {  	_ =	sfence  }
0xb8: {  	s30 =	sld [smem:$0x0];
	_ =	sdelay $0x2  }
0xb9: {  	s31 =	sshll.u32 s1, $0xD;
	s1 =	sshrl.u32 s1, $0x2  }
0xba: {  	s3 =	sand.u32 $0x4000, s31;
	s1 =	sadd.s32 s1, s30  }
0xbb: {  	s0 =	sor.u32 s3, s0;
	s1 =	sshll.u32 s1, $0x11  }
0xbc: {  	s0 =	sor.u32 s1, s0  }
0xbd: {  	s0 =	sadd.s32 $0x8F2B, s0  }
0xbe: {  	[sflag:s0] =	ssyncadd.remote.s32 $0x1  }
0xbf: {  	_ =	sfence.sel $0xFFFF  }
0xc0: {  	[dreg:$0x0] =	wrdreg $0xFFFFFFFF;
	(pc) =	sbr.abs _section_cstart, $3  }
0xc1: {  	[dreg:$0x1] =	wrdreg $0xFFFFFFFF  }
0xc2: {  	_ =	task.clear_ibuf [dreg:s7], $0x2FFFF;
	_ =	strace $0x9FFFFFFF  }
0xc3: {  	(tm) =	ssettm $0x7FFFFFFF  }
tec
execute0_lowered:
.L_overlay_start_1:
0x0: {  	(tag) =	ssettag $0x1  }
0x1: {  	s3 =	srdreg.scid  }
0x2: {  	s3 =	sand.u32 $0x1, s3  }
0x3: {  	p1 =	seq.s32 s3, $0x1  }
.Ltmp0:
0x4: {  	s4 =	rddreg [dreg:$0x0];
	(pc) =	sbr.rel @p1 .LBB2_4-.Ltmp0, $4  }
0x5: {  	s1 =	rddreg [dreg:$0x1]  }
0x6: {  	s2 =	rddreg [dreg:$0x2];
	s6 =	simm.s32 $0x0  }
0x7: {  	s5 =	stileid.u32;
	[smem:$0x7FF] =	sst s6  }
0x8: {  	s0 =	rddreg [dreg:$0x3];
	p0 =	sne.s32 s5, $0x0;
	_ =	strace $0x8000004A  }
0x9: {  	s3 =	sadd.s32 $0x1A00, s4;
	s7 =	sshll.u32 s5, $0x8  }
0xa: {  	s3 =	sadd.s32 s3, s7  }
0xb: {  	[tilespmem:s6], [sflag:$0x2] =	stream.linear.gather [hbm4b:s3+s6], $0x800, $0x38;
	[tilespmem:$0x1C40] =	vst v63  }
0xc: {  	s3 =	simm.s32 $0x2  }
0xd: {  	_ =	swait.ge [sflag:s3], $0x800  }
0xe: {  	s22 =	sadd.s32 $0x2A00, s4;
	[sflag:s3] =	ssyncset.done $0x0  }
0xf: {  	s4 =	simm.s32 $0x80;
	s20 =	simm.s32 $0x1000;
	[sflag:s3] =	ssyncadd.s32 $0xFFFFF800  }
0x10: {  	[tilespmem:s20], [sflag:$0x1] =	stream.indirect.gather [hbm4b:s22+s4], $0x1, s6, s4, $0xb8;
	[tilespmem:$0x1C40] =	vst v63  }
0x11: {  	s19 =	simm.s32 $0x1080  }
0x12: {  	[tilespmem:s19], [sflag:$0x1] =	stream.indirect.gather [hbm4b:s22+s4], $0x1, s4, s4, $0xb8;
	[tilespmem:$0x1C40] =	vst v63  }
0x13: {  	s30 =	simm.s32 $0x100;
	s18 =	simm.s32 $0x1100  }
0x14: {  	[tilespmem:s18], [sflag:$0x1] =	stream.indirect.gather [hbm4b:s22+s4], $0x1, s30, s4, $0xb8;
	[tilespmem:$0x1C40] =	vst v63  }
0x15: {  	s31 =	simm.s32 $0x180;
	s17 =	simm.s32 $0x1180  }
0x16: {  	[tilespmem:s17], [sflag:$0x1] =	stream.indirect.gather [hbm4b:s22+s4], $0x1, s31, s4, $0xb8;
	[tilespmem:$0x1C40] =	vst v63  }
0x17: {  	s16 =	simm.s32 $0x1200;
	s7 =	simm.s32 $0x200  }
0x18: {  	[tilespmem:s16], [sflag:$0x1] =	stream.indirect.gather [hbm4b:s22+s4], $0x1, s7, s4, $0xb8;
	[tilespmem:$0x1C40] =	vst v63  }
0x19: {  	s8 =	simm.s32 $0x280;
	s15 =	simm.s32 $0x1280  }
0x1a: {  	[tilespmem:s15], [sflag:$0x1] =	stream.indirect.gather [hbm4b:s22+s4], $0x1, s8, s4, $0xb8;
	[tilespmem:$0x1C40] =	vst v63  }
0x1b: {  	s9 =	simm.s32 $0x300;
	s14 =	simm.s32 $0x1300  }
0x1c: {  	[tilespmem:s14], [sflag:$0x1] =	stream.indirect.gather [hbm4b:s22+s4], $0x1, s9, s4, $0xb8;
	[tilespmem:$0x1C40] =	vst v63  }
0x1d: {  	s10 =	simm.s32 $0x380;
	s13 =	simm.s32 $0x1380  }
0x1e: {  	[tilespmem:s13], [sflag:$0x1] =	stream.indirect.gather [hbm4b:s22+s4], $0x1, s10, s4, $0xb8;
	[tilespmem:$0x1C40] =	vst v63  }
0x1f: {  	s11 =	simm.s32 $0x400;
	s12 =	simm.s32 $0x1400  }
0x20: {  	[tilespmem:s12], [sflag:$0x1] =	stream.indirect.gather [hbm4b:s22+s4], $0x1, s11, s4, $0xb8;
	[tilespmem:$0x1C40] =	vst v63  }
0x21: {  	s21 =	simm.s32 $0x480;
	s11 =	simm.s32 $0x1480  }
0x22: {  	[tilespmem:s11], [sflag:$0x1] =	stream.indirect.gather [hbm4b:s22+s4], $0x1, s21, s4, $0xb8;
	[tilespmem:$0x1C40] =	vst v63  }
0x23: {  	s23 =	simm.s32 $0x500;
	s10 =	simm.s32 $0x1500  }
0x24: {  	[tilespmem:s10], [sflag:$0x1] =	stream.indirect.gather [hbm4b:s22+s4], $0x1, s23, s4, $0xb8;
	[tilespmem:$0x1C40] =	vst v63  }
0x25: {  	s24 =	simm.s32 $0x580;
	s9 =	simm.s32 $0x1580  }
0x26: {  	[tilespmem:s9], [sflag:$0x1] =	stream.indirect.gather [hbm4b:s22+s4], $0x1, s24, s4, $0xb8;
	[tilespmem:$0x1C40] =	vst v63  }
0x27: {  	s25 =	simm.s32 $0x600;
	s8 =	simm.s32 $0x1600  }
0x28: {  	[tilespmem:s8], [sflag:$0x1] =	stream.indirect.gather [hbm4b:s22+s4], $0x1, s25, s4, $0xb8;
	[tilespmem:$0x1C40] =	vst v63  }
0x29: {  	s26 =	simm.s32 $0x680;
	s7 =	simm.s32 $0x1680  }
0x2a: {  	[tilespmem:s7], [sflag:$0x1] =	stream.indirect.gather [hbm4b:s22+s4], $0x1, s26, s4, $0xb8;
	[tilespmem:$0x1C40] =	vst v63  }
0x2b: {  	s6 =	simm.s32 $0x1700;
	s21 =	simm.s32 $0x700  }
0x2c: {  	[tilespmem:s6], [sflag:$0x1] =	stream.indirect.gather [hbm4b:s22+s4], $0x1, s21, s4, $0xb8;
	[tilespmem:$0x1C40] =	vst v63  }
0x2d: {  	s21 =	sshll.u32 s5, $0xB  }
0x2e: {  	v0 =	vmov s21  }
0x2f: {  	s23 =	simm.s32 $0x780;
	s28 =	sor.u32 $0x20, s21;
	v0 =	vshrl.u32 v0, $0x5  }
0x30: {  	s5 =	simm.s32 $0x1780;
	s29 =	sor.u32 $0x30, s21;
	s30 =	sor.u32 $0x40, s21;
	v1 =	vmov s28;
	v0 =	vbroadcast v0, $0x0  }
0x31: {  	[tilespmem:s5], [sflag:$0x1] =	stream.indirect.gather [hbm4b:s22+s4], $0x1, s23, s4, $0xb8;
	v2 =	vmov s29;
	v1 =	vshrl.u32 v1, $0x5;
	[tilespmem:$0x1C40] =	vst v63  }
0x32: {  	s31 =	sor.u32 $0x50, s21;
	v3 =	vmov s30;
	v2 =	vshrl.u32 v2, $0x5;
	v1 =	vbroadcast v1, $0x0;
	[tilespmem:$0x800] =	vst v0  }
0x33: {  	v58 =	vmov s31;
	s23 =	sor.u32 $0x60, s21;
	v3 =	vshrl.u32 v3, $0x5;
	v2 =	vbroadcast v2, $0x0;
	[tilespmem:$0x810] =	vst v0  }
0x34: {  	s24 =	sor.u32 $0x70, s21;
	v59 =	vmov s23;
	v3 =	vbroadcast v3, $0x0;
	v0 =	vshrl.u32 v58, $0x5;
	[tilespmem:$0x820] =	vst v1  }
0x35: {  	s25 =	sor.u32 $0x80, s21;
	v60 =	vmov s24;
	[tilespmem:$0x830] =	vst v2;
	v1 =	vshrl.u32 v59, $0x5;
	v0 =	vbroadcast v0, $0x0  }
0x36: {  	s26 =	sor.u32 $0x90, s21;
	v61 =	vmov s25;
	[tilespmem:$0x840] =	vst v3;
	v2 =	vshrl.u32 v60, $0x5;
	v1 =	vbroadcast v1, $0x0  }
0x37: {  	v62 =	vmov s26;
	s28 =	sor.u32 $0xA0, s21;
	v3 =	vshrl.u32 v61, $0x5;
	v2 =	vbroadcast v2, $0x0;
	[tilespmem:$0x850] =	vst v0  }
0x38: {  	s29 =	sor.u32 $0xB0, s21;
	v63 =	vmov s28;
	v3 =	vbroadcast v3, $0x0;
	v0 =	vshrl.u32 v62, $0x5;
	[tilespmem:$0x860] =	vst v1  }
0x39: {  	s30 =	sor.u32 $0xC0, s21;
	v6 =	vmov s29;
	[tilespmem:$0x870] =	vst v2;
	v1 =	vshrl.u32 v63, $0x5;
	v0 =	vbroadcast v0, $0x0  }
0x3a: {  	s31 =	sor.u32 $0xD0, s21;
	v7 =	vmov s30;
	[tilespmem:$0x880] =	vst v3;
	v2 =	vshrl.u32 v6, $0x5;
	v1 =	vbroadcast v1, $0x0  }
0x3b: {  	v8 =	vmov s31;
	s23 =	sor.u32 $0xE0, s21;
	v3 =	vshrl.u32 v7, $0x5;
	v2 =	vbroadcast v2, $0x0;
	[tilespmem:$0x890] =	vst v0  }
0x3c: {  	s24 =	sor.u32 $0xF0, s21;
	v9 =	vmov s23;
	v3 =	vbroadcast v3, $0x0;
	v0 =	vshrl.u32 v8, $0x5;
	[tilespmem:$0x8A0] =	vst v1  }
0x3d: {  	s25 =	sor.u32 $0x100, s21;
	v10 =	vmov s24;
	[tilespmem:$0x8B0] =	vst v2;
	v1 =	vshrl.u32 v9, $0x5;
	v0 =	vbroadcast v0, $0x0  }
0x3e: {  	s26 =	sor.u32 $0x110, s21;
	v11 =	vmov s25;
	[tilespmem:$0x8C0] =	vst v3;
	v2 =	vshrl.u32 v10, $0x5;
	v1 =	vbroadcast v1, $0x0  }
0x3f: {  	v12 =	vmov s26;
	s28 =	sor.u32 $0x120, s21;
	v3 =	vshrl.u32 v11, $0x5;
	v2 =	vbroadcast v2, $0x0;
	[tilespmem:$0x8D0] =	vst v0  }
0x40: {  	s29 =	sor.u32 $0x130, s21;
	v13 =	vmov s28;
	v3 =	vbroadcast v3, $0x0;
	v0 =	vshrl.u32 v12, $0x5;
	[tilespmem:$0x8E0] =	vst v1  }
0x41: {  	s30 =	sor.u32 $0x140, s21;
	v14 =	vmov s29;
	[tilespmem:$0x8F0] =	vst v2;
	v1 =	vshrl.u32 v13, $0x5;
	v0 =	vbroadcast v0, $0x0  }
0x42: {  	s31 =	sor.u32 $0x150, s21;
	v15 =	vmov s30;
	[tilespmem:$0x900] =	vst v3;
	v2 =	vshrl.u32 v14, $0x5;
	v1 =	vbroadcast v1, $0x0  }
0x43: {  	v16 =	vmov s31;
	s23 =	sor.u32 $0x160, s21;
	v3 =	vshrl.u32 v15, $0x5;
	v2 =	vbroadcast v2, $0x0;
	[tilespmem:$0x910] =	vst v0  }
0x44: {  	s24 =	sor.u32 $0x170, s21;
	v17 =	vmov s23;
	v3 =	vbroadcast v3, $0x0;
	v0 =	vshrl.u32 v16, $0x5;
	[tilespmem:$0x920] =	vst v1  }
0x45: {  	s25 =	sor.u32 $0x180, s21;
	v18 =	vmov s24;
	[tilespmem:$0x930] =	vst v2;
	v1 =	vshrl.u32 v17, $0x5;
	v0 =	vbroadcast v0, $0x0  }
0x46: {  	s26 =	sor.u32 $0x190, s21;
	v19 =	vmov s25;
	[tilespmem:$0x940] =	vst v3;
	v2 =	vshrl.u32 v18, $0x5;
	v1 =	vbroadcast v1, $0x0  }
0x47: {  	v20 =	vmov s26;
	s28 =	sor.u32 $0x1A0, s21;
	v3 =	vshrl.u32 v19, $0x5;
	v2 =	vbroadcast v2, $0x0;
	[tilespmem:$0x950] =	vst v0  }
0x48: {  	s29 =	sor.u32 $0x1B0, s21;
	v21 =	vmov s28;
	v3 =	vbroadcast v3, $0x0;
	v0 =	vshrl.u32 v20, $0x5;
	[tilespmem:$0x960] =	vst v1  }
0x49: {  	s30 =	sor.u32 $0x1C0, s21;
	v22 =	vmov s29;
	[tilespmem:$0x970] =	vst v2;
	v1 =	vshrl.u32 v21, $0x5;
	v0 =	vbroadcast v0, $0x0  }
0x4a: {  	s31 =	sor.u32 $0x1D0, s21;
	v23 =	vmov s30;
	[tilespmem:$0x980] =	vst v3;
	v2 =	vshrl.u32 v22, $0x5;
	v1 =	vbroadcast v1, $0x0  }
0x4b: {  	v24 =	vmov s31;
	s23 =	sor.u32 $0x1E0, s21;
	v3 =	vshrl.u32 v23, $0x5;
	v2 =	vbroadcast v2, $0x0;
	[tilespmem:$0x990] =	vst v0  }
0x4c: {  	s24 =	sor.u32 $0x1F0, s21;
	v25 =	vmov s23;
	v3 =	vbroadcast v3, $0x0;
	v0 =	vshrl.u32 v24, $0x5;
	[tilespmem:$0x9A0] =	vst v1  }
0x4d: {  	s25 =	sor.u32 $0x200, s21;
	v26 =	vmov s24;
	[tilespmem:$0x9B0] =	vst v2;
	v1 =	vshrl.u32 v25, $0x5;
	v0 =	vbroadcast v0, $0x0  }
0x4e: {  	s26 =	sor.u32 $0x210, s21;
	v27 =	vmov s25;
	[tilespmem:$0x9C0] =	vst v3;
	v2 =	vshrl.u32 v26, $0x5;
	v1 =	vbroadcast v1, $0x0  }
0x4f: {  	v28 =	vmov s26;
	s28 =	sor.u32 $0x220, s21;
	v3 =	vshrl.u32 v27, $0x5;
	v2 =	vbroadcast v2, $0x0;
	[tilespmem:$0x9D0] =	vst v0  }
0x50: {  	s29 =	sor.u32 $0x230, s21;
	v29 =	vmov s28;
	v3 =	vbroadcast v3, $0x0;
	v0 =	vshrl.u32 v28, $0x5;
	[tilespmem:$0x9E0] =	vst v1  }
0x51: {  	s30 =	sor.u32 $0x240, s21;
	v30 =	vmov s29;
	[tilespmem:$0x9F0] =	vst v2;
	v1 =	vshrl.u32 v29, $0x5;
	v0 =	vbroadcast v0, $0x0  }
0x52: {  	s31 =	sor.u32 $0x250, s21;
	v31 =	vmov s30;
	[tilespmem:$0xA00] =	vst v3;
	v2 =	vshrl.u32 v30, $0x5;
	v1 =	vbroadcast v1, $0x0  }
0x53: {  	v32 =	vmov s31;
	s23 =	sor.u32 $0x260, s21;
	v3 =	vshrl.u32 v31, $0x5;
	v2 =	vbroadcast v2, $0x0;
	[tilespmem:$0xA10] =	vst v0  }
0x54: {  	s24 =	sor.u32 $0x270, s21;
	v33 =	vmov s23;
	v3 =	vbroadcast v3, $0x0;
	v0 =	vshrl.u32 v32, $0x5;
	[tilespmem:$0xA20] =	vst v1  }
0x55: {  	s25 =	sor.u32 $0x280, s21;
	v34 =	vmov s24;
	[tilespmem:$0xA30] =	vst v2;
	v1 =	vshrl.u32 v33, $0x5;
	v0 =	vbroadcast v0, $0x0  }
0x56: {  	s26 =	sor.u32 $0x290, s21;
	v35 =	vmov s25;
	[tilespmem:$0xA40] =	vst v3;
	v2 =	vshrl.u32 v34, $0x5;
	v1 =	vbroadcast v1, $0x0  }
0x57: {  	v36 =	vmov s26;
	s28 =	sor.u32 $0x2A0, s21;
	v3 =	vshrl.u32 v35, $0x5;
	v2 =	vbroadcast v2, $0x0;
	[tilespmem:$0xA50] =	vst v0  }
0x58: {  	s29 =	sor.u32 $0x2B0, s21;
	v37 =	vmov s28;
	v3 =	vbroadcast v3, $0x0;
	v0 =	vshrl.u32 v36, $0x5;
	[tilespmem:$0xA60] =	vst v1  }
0x59: {  	s30 =	sor.u32 $0x2C0, s21;
	v38 =	vmov s29;
	[tilespmem:$0xA70] =	vst v2;
	v1 =	vshrl.u32 v37, $0x5;
	v0 =	vbroadcast v0, $0x0  }
0x5a: {  	s31 =	sor.u32 $0x2D0, s21;
	v39 =	vmov s30;
	[tilespmem:$0xA80] =	vst v3;
	v2 =	vshrl.u32 v38, $0x5;
	v1 =	vbroadcast v1, $0x0  }
0x5b: {  	v40 =	vmov s31;
	s23 =	sor.u32 $0x2E0, s21;
	v3 =	vshrl.u32 v39, $0x5;
	v2 =	vbroadcast v2, $0x0;
	[tilespmem:$0xA90] =	vst v0  }
0x5c: {  	s24 =	sor.u32 $0x2F0, s21;
	v41 =	vmov s23;
	v3 =	vbroadcast v3, $0x0;
	v0 =	vshrl.u32 v40, $0x5;
	[tilespmem:$0xAA0] =	vst v1  }
0x5d: {  	s25 =	sor.u32 $0x300, s21;
	v42 =	vmov s24;
	[tilespmem:$0xAB0] =	vst v2;
	v1 =	vshrl.u32 v41, $0x5;
	v0 =	vbroadcast v0, $0x0  }
0x5e: {  	s26 =	sor.u32 $0x310, s21;
	v43 =	vmov s25;
	[tilespmem:$0xAC0] =	vst v3;
	v2 =	vshrl.u32 v42, $0x5;
	v1 =	vbroadcast v1, $0x0  }
0x5f: {  	v44 =	vmov s26;
	s28 =	sor.u32 $0x320, s21;
	v3 =	vshrl.u32 v43, $0x5;
	v2 =	vbroadcast v2, $0x0;
	[tilespmem:$0xAD0] =	vst v0  }
0x60: {  	s29 =	sor.u32 $0x330, s21;
	v45 =	vmov s28;
	v3 =	vbroadcast v3, $0x0;
	v0 =	vshrl.u32 v44, $0x5;
	[tilespmem:$0xAE0] =	vst v1  }
0x61: {  	s30 =	sor.u32 $0x340, s21;
	v46 =	vmov s29;
	[tilespmem:$0xAF0] =	vst v2;
	v1 =	vshrl.u32 v45, $0x5;
	v0 =	vbroadcast v0, $0x0  }
0x62: {  	s31 =	sor.u32 $0x350, s21;
	v47 =	vmov s30;
	[tilespmem:$0xB00] =	vst v3;
	v2 =	vshrl.u32 v46, $0x5;
	v1 =	vbroadcast v1, $0x0  }
0x63: {  	v48 =	vmov s31;
	s23 =	sor.u32 $0x360, s21;
	v3 =	vshrl.u32 v47, $0x5;
	v2 =	vbroadcast v2, $0x0;
	[tilespmem:$0xB10] =	vst v0  }
0x64: {  	s24 =	sor.u32 $0x370, s21;
	v49 =	vmov s23;
	v3 =	vbroadcast v3, $0x0;
	v0 =	vshrl.u32 v48, $0x5;
	[tilespmem:$0xB20] =	vst v1  }
0x65: {  	s25 =	sor.u32 $0x380, s21;
	v50 =	vmov s24;
	[tilespmem:$0xB30] =	vst v2;
	v1 =	vshrl.u32 v49, $0x5;
	v0 =	vbroadcast v0, $0x0  }
0x66: {  	s26 =	sor.u32 $0x390, s21;
	v51 =	vmov s25;
	[tilespmem:$0xB40] =	vst v3;
	v2 =	vshrl.u32 v50, $0x5;
	v1 =	vbroadcast v1, $0x0  }
0x67: {  	v52 =	vmov s26;
	s28 =	sor.u32 $0x3A0, s21;
	v3 =	vshrl.u32 v51, $0x5;
	v2 =	vbroadcast v2, $0x0;
	[tilespmem:$0xB50] =	vst v0  }
0x68: {  	s29 =	sor.u32 $0x3B0, s21;
	v53 =	vmov s28;
	v3 =	vbroadcast v3, $0x0;
	v0 =	vshrl.u32 v52, $0x5;
	[tilespmem:$0xB60] =	vst v1  }
0x69: {  	s30 =	sor.u32 $0x3C0, s21;
	v54 =	vmov s29;
	[tilespmem:$0xB70] =	vst v2;
	v1 =	vshrl.u32 v53, $0x5;
	v0 =	vbroadcast v0, $0x0  }
0x6a: {  	s31 =	sor.u32 $0x3D0, s21;
	v55 =	vmov s30;
	[tilespmem:$0xB80] =	vst v3;
	v2 =	vshrl.u32 v54, $0x5;
	v1 =	vbroadcast v1, $0x0  }
0x6b: {  	v56 =	vmov s31;
	s23 =	sor.u32 $0x3E0, s21;
	v3 =	vshrl.u32 v55, $0x5;
	v2 =	vbroadcast v2, $0x0;
	[tilespmem:$0xB90] =	vst v0  }
0x6c: {  	s24 =	sor.u32 $0x3F0, s21;
	v57 =	vmov s23;
	v3 =	vbroadcast v3, $0x0;
	v0 =	vshrl.u32 v56, $0x5;
	[tilespmem:$0xBA0] =	vst v1  }
0x6d: {  	s25 =	sor.u32 $0x400, s21;
	v58 =	vmov s24;
	[tilespmem:$0xBB0] =	vst v2;
	v1 =	vshrl.u32 v57, $0x5;
	v0 =	vbroadcast v0, $0x0  }
0x6e: {  	s26 =	sor.u32 $0x410, s21;
	v59 =	vmov s25;
	[tilespmem:$0xBC0] =	vst v3;
	v2 =	vshrl.u32 v58, $0x5;
	v1 =	vbroadcast v1, $0x0  }
0x6f: {  	v60 =	vmov s26;
	s28 =	sor.u32 $0x420, s21;
	v3 =	vshrl.u32 v59, $0x5;
	v2 =	vbroadcast v2, $0x0;
	[tilespmem:$0xBD0] =	vst v0  }
0x70: {  	s29 =	sor.u32 $0x430, s21;
	v61 =	vmov s28;
	v3 =	vbroadcast v3, $0x0;
	v0 =	vshrl.u32 v60, $0x5;
	[tilespmem:$0xBE0] =	vst v1  }
0x71: {  	s30 =	sor.u32 $0x440, s21;
	v62 =	vmov s29;
	[tilespmem:$0xBF0] =	vst v2;
	v1 =	vshrl.u32 v61, $0x5;
	v0 =	vbroadcast v0, $0x0  }
0x72: {  	s31 =	sor.u32 $0x450, s21;
	v63 =	vmov s30;
	[tilespmem:$0xC00] =	vst v3;
	v2 =	vshrl.u32 v62, $0x5;
	v1 =	vbroadcast v1, $0x0  }
0x73: {  	v6 =	vmov s31;
	s23 =	sor.u32 $0x460, s21;
	v3 =	vshrl.u32 v63, $0x5;
	v2 =	vbroadcast v2, $0x0;
	[tilespmem:$0xC10] =	vst v0  }
0x74: {  	s24 =	sor.u32 $0x470, s21;
	v7 =	vmov s23;
	v3 =	vbroadcast v3, $0x0;
	v0 =	vshrl.u32 v6, $0x5;
	[tilespmem:$0xC20] =	vst v1  }
0x75: {  	s25 =	sor.u32 $0x480, s21;
	v8 =	vmov s24;
	[tilespmem:$0xC30] =	vst v2;
	v1 =	vshrl.u32 v7, $0x5;
	v0 =	vbroadcast v0, $0x0  }
0x76: {  	s26 =	sor.u32 $0x490, s21;
	v9 =	vmov s25;
	[tilespmem:$0xC40] =	vst v3;
	v2 =	vshrl.u32 v8, $0x5;
	v1 =	vbroadcast v1, $0x0  }
0x77: {  	s28 =	sor.u32 $0x4A0, s21;
	v10 =	vmov s26;
	v3 =	vshrl.u32 v9, $0x5;
	v2 =	vbroadcast v2, $0x0;
	[tilespmem:$0xC50] =	vst v0  }
0x78: {  	s29 =	sor.u32 $0x4B0, s21;
	v11 =	vmov s28;
	v3 =	vbroadcast v3, $0x0;
	v0 =	vshrl.u32 v10, $0x5;
	[tilespmem:$0xC60] =	vst v1  }
0x79: {  	s30 =	sor.u32 $0x4C0, s21;
	v12 =	vmov s29;
	[tilespmem:$0xC70] =	vst v2;
	v1 =	vshrl.u32 v11, $0x5;
	v0 =	vbroadcast v0, $0x0  }
0x7a: {  	s31 =	sor.u32 $0x4D0, s21;
	v13 =	vmov s30;
	[tilespmem:$0xC80] =	vst v3;
	v2 =	vshrl.u32 v12, $0x5;
	v1 =	vbroadcast v1, $0x0  }
0x7b: {  	s23 =	sor.u32 $0x4E0, s21;
	v14 =	vmov s31;
	v3 =	vshrl.u32 v13, $0x5;
	v2 =	vbroadcast v2, $0x0;
	[tilespmem:$0xC90] =	vst v0  }
0x7c: {  	s24 =	sor.u32 $0x4F0, s21;
	v15 =	vmov s23;
	v3 =	vbroadcast v3, $0x0;
	v0 =	vshrl.u32 v14, $0x5;
	[tilespmem:$0xCA0] =	vst v1  }
0x7d: {  	s25 =	sor.u32 $0x500, s21;
	v16 =	vmov s24;
	[tilespmem:$0xCB0] =	vst v2;
	v1 =	vshrl.u32 v15, $0x5;
	v0 =	vbroadcast v0, $0x0  }
0x7e: {  	s26 =	sor.u32 $0x510, s21;
	v17 =	vmov s25;
	[tilespmem:$0xCC0] =	vst v3;
	v2 =	vshrl.u32 v16, $0x5;
	v1 =	vbroadcast v1, $0x0  }
0x7f: {  	s28 =	sor.u32 $0x520, s21;
	v18 =	vmov s26;
	v3 =	vshrl.u32 v17, $0x5;
	v2 =	vbroadcast v2, $0x0;
	[tilespmem:$0xCD0] =	vst v0  }
0x80: {  	s29 =	sor.u32 $0x530, s21;
	v19 =	vmov s28;
	v3 =	vbroadcast v3, $0x0;
	v0 =	vshrl.u32 v18, $0x5;
	[tilespmem:$0xCE0] =	vst v1  }
0x81: {  	s30 =	sor.u32 $0x540, s21;
	v20 =	vmov s29;
	[tilespmem:$0xCF0] =	vst v2;
	v1 =	vshrl.u32 v19, $0x5;
	v0 =	vbroadcast v0, $0x0  }
0x82: {  	s31 =	sor.u32 $0x550, s21;
	v21 =	vmov s30;
	[tilespmem:$0xD00] =	vst v3;
	v2 =	vshrl.u32 v20, $0x5;
	v1 =	vbroadcast v1, $0x0  }
0x83: {  	s23 =	sor.u32 $0x560, s21;
	v22 =	vmov s31;
	v3 =	vshrl.u32 v21, $0x5;
	v2 =	vbroadcast v2, $0x0;
	[tilespmem:$0xD10] =	vst v0  }
0x84: {  	s24 =	sor.u32 $0x570, s21;
	v23 =	vmov s23;
	v3 =	vbroadcast v3, $0x0;
	v0 =	vshrl.u32 v22, $0x5;
	[tilespmem:$0xD20] =	vst v1  }
0x85: {  	s25 =	sor.u32 $0x580, s21;
	v24 =	vmov s24;
	[tilespmem:$0xD30] =	vst v2;
	v1 =	vshrl.u32 v23, $0x5;
	v0 =	vbroadcast v0, $0x0  }
0x86: {  	s26 =	sor.u32 $0x590, s21;
	v25 =	vmov s25;
	[tilespmem:$0xD40] =	vst v3;
	v2 =	vshrl.u32 v24, $0x5;
	v1 =	vbroadcast v1, $0x0  }
0x87: {  	s28 =	sor.u32 $0x5A0, s21;
	v26 =	vmov s26;
	v3 =	vshrl.u32 v25, $0x5;
	v2 =	vbroadcast v2, $0x0;
	[tilespmem:$0xD50] =	vst v0  }
0x88: {  	s29 =	sor.u32 $0x5B0, s21;
	v27 =	vmov s28;
	v3 =	vbroadcast v3, $0x0;
	v0 =	vshrl.u32 v26, $0x5;
	[tilespmem:$0xD60] =	vst v1  }
0x89: {  	s30 =	sor.u32 $0x5C0, s21;
	v28 =	vmov s29;
	[tilespmem:$0xD70] =	vst v2;
	v1 =	vshrl.u32 v27, $0x5;
	v0 =	vbroadcast v0, $0x0  }
0x8a: {  	s31 =	sor.u32 $0x5D0, s21;
	v29 =	vmov s30;
	[tilespmem:$0xD80] =	vst v3;
	v2 =	vshrl.u32 v28, $0x5;
	v1 =	vbroadcast v1, $0x0  }
0x8b: {  	s23 =	sor.u32 $0x5E0, s21;
	v30 =	vmov s31;
	v3 =	vshrl.u32 v29, $0x5;
	v2 =	vbroadcast v2, $0x0;
	[tilespmem:$0xD90] =	vst v0  }
0x8c: {  	s24 =	sor.u32 $0x5F0, s21;
	v31 =	vmov s23;
	v3 =	vbroadcast v3, $0x0;
	v0 =	vshrl.u32 v30, $0x5;
	[tilespmem:$0xDA0] =	vst v1  }
0x8d: {  	s25 =	sor.u32 $0x600, s21;
	v32 =	vmov s24;
	[tilespmem:$0xDB0] =	vst v2;
	v1 =	vshrl.u32 v31, $0x5;
	v0 =	vbroadcast v0, $0x0  }
0x8e: {  	s26 =	sor.u32 $0x610, s21;
	v33 =	vmov s25;
	[tilespmem:$0xDC0] =	vst v3;
	v2 =	vshrl.u32 v32, $0x5;
	v1 =	vbroadcast v1, $0x0  }
0x8f: {  	s28 =	sor.u32 $0x620, s21;
	v34 =	vmov s26;
	v3 =	vshrl.u32 v33, $0x5;
	v2 =	vbroadcast v2, $0x0;
	[tilespmem:$0xDD0] =	vst v0  }
0x90: {  	s29 =	sor.u32 $0x630, s21;
	v35 =	vmov s28;
	v3 =	vbroadcast v3, $0x0;
	v0 =	vshrl.u32 v34, $0x5;
	[tilespmem:$0xDE0] =	vst v1  }
0x91: {  	s30 =	sor.u32 $0x640, s21;
	v36 =	vmov s29;
	[tilespmem:$0xDF0] =	vst v2;
	v1 =	vshrl.u32 v35, $0x5;
	v0 =	vbroadcast v0, $0x0  }
0x92: {  	s31 =	sor.u32 $0x650, s21;
	v37 =	vmov s30;
	[tilespmem:$0xE00] =	vst v3;
	v2 =	vshrl.u32 v36, $0x5;
	v1 =	vbroadcast v1, $0x0  }
0x93: {  	s23 =	sor.u32 $0x660, s21;
	v38 =	vmov s31;
	v3 =	vshrl.u32 v37, $0x5;
	v2 =	vbroadcast v2, $0x0;
	[tilespmem:$0xE10] =	vst v0  }
0x94: {  	s24 =	sor.u32 $0x670, s21;
	v39 =	vmov s23;
	v3 =	vbroadcast v3, $0x0;
	v0 =	vshrl.u32 v38, $0x5;
	[tilespmem:$0xE20] =	vst v1  }
0x95: {  	s25 =	sor.u32 $0x680, s21;
	v40 =	vmov s24;
	[tilespmem:$0xE30] =	vst v2;
	v1 =	vshrl.u32 v39, $0x5;
	v0 =	vbroadcast v0, $0x0  }
0x96: {  	s26 =	sor.u32 $0x690, s21;
	v41 =	vmov s25;
	[tilespmem:$0xE40] =	vst v3;
	v2 =	vshrl.u32 v40, $0x5;
	v1 =	vbroadcast v1, $0x0  }
0x97: {  	s28 =	sor.u32 $0x6A0, s21;
	v42 =	vmov s26;
	v3 =	vshrl.u32 v41, $0x5;
	v2 =	vbroadcast v2, $0x0;
	[tilespmem:$0xE50] =	vst v0  }
0x98: {  	s29 =	sor.u32 $0x6B0, s21;
	v43 =	vmov s28;
	v3 =	vbroadcast v3, $0x0;
	v0 =	vshrl.u32 v42, $0x5;
	[tilespmem:$0xE60] =	vst v1  }
0x99: {  	s30 =	sor.u32 $0x6C0, s21;
	v44 =	vmov s29;
	[tilespmem:$0xE70] =	vst v2;
	v1 =	vshrl.u32 v43, $0x5;
	v0 =	vbroadcast v0, $0x0  }
0x9a: {  	s31 =	sor.u32 $0x6D0, s21;
	v45 =	vmov s30;
	[tilespmem:$0xE80] =	vst v3;
	v2 =	vshrl.u32 v44, $0x5;
	v1 =	vbroadcast v1, $0x0  }
0x9b: {  	s23 =	sor.u32 $0x6E0, s21;
	v46 =	vmov s31;
	v3 =	vshrl.u32 v45, $0x5;
	v2 =	vbroadcast v2, $0x0;
	[tilespmem:$0xE90] =	vst v0  }
0x9c: {  	s24 =	sor.u32 $0x6F0, s21;
	v47 =	vmov s23;
	v3 =	vbroadcast v3, $0x0;
	v0 =	vshrl.u32 v46, $0x5;
	[tilespmem:$0xEA0] =	vst v1  }
0x9d: {  	s25 =	sor.u32 $0x700, s21;
	v48 =	vmov s24;
	[tilespmem:$0xEB0] =	vst v2;
	v1 =	vshrl.u32 v47, $0x5;
	v0 =	vbroadcast v0, $0x0  }
0x9e: {  	s26 =	sor.u32 $0x710, s21;
	v49 =	vmov s25;
	[tilespmem:$0xEC0] =	vst v3;
	v2 =	vshrl.u32 v48, $0x5;
	v1 =	vbroadcast v1, $0x0  }
0x9f: {  	s28 =	sor.u32 $0x720, s21;
	v50 =	vmov s26;
	v3 =	vshrl.u32 v49, $0x5;
	v2 =	vbroadcast v2, $0x0;
	[tilespmem:$0xED0] =	vst v0  }
0xa0: {  	s29 =	sor.u32 $0x730, s21;
	v51 =	vmov s28;
	v3 =	vbroadcast v3, $0x0;
	v0 =	vshrl.u32 v50, $0x5;
	[tilespmem:$0xEE0] =	vst v1  }
0xa1: {  	s30 =	sor.u32 $0x740, s21;
	v52 =	vmov s29;
	[tilespmem:$0xEF0] =	vst v2;
	v1 =	vshrl.u32 v51, $0x5;
	v0 =	vbroadcast v0, $0x0  }
0xa2: {  	s31 =	sor.u32 $0x750, s21;
	v53 =	vmov s30;
	[tilespmem:$0xF00] =	vst v3;
	v2 =	vshrl.u32 v52, $0x5;
	v1 =	vbroadcast v1, $0x0  }
0xa3: {  	s23 =	sor.u32 $0x760, s21;
	v54 =	vmov s31;
	v3 =	vshrl.u32 v53, $0x5;
	v2 =	vbroadcast v2, $0x0;
	[tilespmem:$0xF10] =	vst v0  }
0xa4: {  	s24 =	sor.u32 $0x770, s21;
	v55 =	vmov s23;
	v3 =	vbroadcast v3, $0x0;
	v0 =	vshrl.u32 v54, $0x5;
	[tilespmem:$0xF20] =	vst v1  }
0xa5: {  	s25 =	sor.u32 $0x780, s21;
	v56 =	vmov s24;
	[tilespmem:$0xF30] =	vst v2;
	v1 =	vshrl.u32 v55, $0x5;
	v0 =	vbroadcast v0, $0x0  }
0xa6: {  	s26 =	sor.u32 $0x790, s21;
	v57 =	vmov s25;
	[tilespmem:$0xF40] =	vst v3;
	v2 =	vshrl.u32 v56, $0x5;
	v1 =	vbroadcast v1, $0x0  }
0xa7: {  	s28 =	sor.u32 $0x7A0, s21;
	v58 =	vmov s26;
	v3 =	vshrl.u32 v57, $0x5;
	v2 =	vbroadcast v2, $0x0;
	[tilespmem:$0xF50] =	vst v0  }
0xa8: {  	s29 =	sor.u32 $0x7B0, s21;
	v59 =	vmov s28;
	v3 =	vbroadcast v3, $0x0;
	v0 =	vshrl.u32 v58, $0x5;
	[tilespmem:$0xF60] =	vst v1  }
0xa9: {  	s30 =	sor.u32 $0x7C0, s21;
	v60 =	vmov s29;
	[tilespmem:$0xF70] =	vst v2;
	v1 =	vshrl.u32 v59, $0x5;
	v0 =	vbroadcast v0, $0x0  }
0xaa: {  	s31 =	sor.u32 $0x7D0, s21;
	v61 =	vmov s30;
	[tilespmem:$0xF80] =	vst v3;
	v2 =	vshrl.u32 v60, $0x5;
	v1 =	vbroadcast v1, $0x0  }
0xab: {  	s21 =	sor.u32 $0x7E0, s21;
	v62 =	vmov s31;
	v3 =	vshrl.u32 v61, $0x5;
	v2 =	vbroadcast v2, $0x0;
	[tilespmem:$0xF90] =	vst v0  }
0xac: {  	v63 =	vmov s21;
	v3 =	vbroadcast v3, $0x0;
	v0 =	vshrl.u32 v62, $0x5;
	[tilespmem:$0xFA0] =	vst v1  }
.Ltmp1:
0xad: {  	[tilespmem:$0xFB0] =	vst v2;
	v1 =	vshrl.u32 v63, $0x5;
	v0 =	vbroadcast v0, $0x0;
	(pc) =	sbr.rel @p0 .LBB2_3-.Ltmp1, $4  }
0xae: {  	[tilespmem:$0xFC0] =	vst v3;
	v1 =	vbroadcast v1, $0x0  }
0xaf: {  	[tilespmem:$0xFD0] =	vst v0  }
0xb0: {  	[tilespmem:$0xFE0] =	vst v1  }
0xb1: {  	[tilespmem:$0xFF0] =	vst v1  }
0xb2: {  	v0 =	vimm.f32 $0.0e+00  }
0xb3: {  	[tilespmem:$0x1800] =	vst v0  }
0xb4: {  	[tilespmem:$0x1810] =	vst v0  }
0xb5: {  	[tilespmem:$0x1820] =	vst v0  }
0xb6: {  	[tilespmem:$0x1830] =	vst v0  }
0xb7: {  	[tilespmem:$0x1840] =	vst v0  }
0xb8: {  	[tilespmem:$0x1850] =	vst v0  }
0xb9: {  	[tilespmem:$0x1860] =	vst v0  }
0xba: {  	[tilespmem:$0x1870] =	vst v0  }
0xbb: {  	[tilespmem:$0x1880] =	vst v0  }
0xbc: {  	[tilespmem:$0x1890] =	vst v0  }
0xbd: {  	[tilespmem:$0x18A0] =	vst v0  }
0xbe: {  	[tilespmem:$0x18B0] =	vst v0  }
0xbf: {  	[tilespmem:$0x18C0] =	vst v0  }
0xc0: {  	[tilespmem:$0x18D0] =	vst v0  }
0xc1: {  	[tilespmem:$0x18E0] =	vst v0  }
0xc2: {  	[tilespmem:$0x18F0] =	vst v0  }
0xc3: {  	[tilespmem:$0x1900] =	vst v0  }
0xc4: {  	[tilespmem:$0x1910] =	vst v0  }
0xc5: {  	[tilespmem:$0x1920] =	vst v0  }
0xc6: {  	[tilespmem:$0x1930] =	vst v0  }
0xc7: {  	[tilespmem:$0x1940] =	vst v0  }
0xc8: {  	[tilespmem:$0x1950] =	vst v0  }
0xc9: {  	[tilespmem:$0x1960] =	vst v0  }
0xca: {  	[tilespmem:$0x1970] =	vst v0  }
0xcb: {  	[tilespmem:$0x1980] =	vst v0  }
0xcc: {  	[tilespmem:$0x1990] =	vst v0  }
0xcd: {  	[tilespmem:$0x19A0] =	vst v0  }
0xce: {  	[tilespmem:$0x19B0] =	vst v0  }
0xcf: {  	[tilespmem:$0x19C0] =	vst v0  }
0xd0: {  	[tilespmem:$0x19D0] =	vst v0  }
0xd1: {  	[tilespmem:$0x19E0] =	vst v0  }
0xd2: {  	[tilespmem:$0x19F0] =	vst v0  }
0xd3: {  	[tilespmem:$0x1A00] =	vst v0  }
0xd4: {  	[tilespmem:$0x1A10] =	vst v0  }
0xd5: {  	[tilespmem:$0x1A20] =	vst v0  }
0xd6: {  	[tilespmem:$0x1A30] =	vst v0  }
0xd7: {  	[tilespmem:$0x1A40] =	vst v0  }
0xd8: {  	[tilespmem:$0x1A50] =	vst v0  }
0xd9: {  	[tilespmem:$0x1A60] =	vst v0  }
0xda: {  	[tilespmem:$0x1A70] =	vst v0  }
0xdb: {  	[tilespmem:$0x1A80] =	vst v0  }
0xdc: {  	[tilespmem:$0x1A90] =	vst v0  }
0xdd: {  	[tilespmem:$0x1AA0] =	vst v0  }
0xde: {  	[tilespmem:$0x1AB0] =	vst v0  }
0xdf: {  	[tilespmem:$0x1AC0] =	vst v0  }
0xe0: {  	[tilespmem:$0x1AD0] =	vst v0  }
0xe1: {  	[tilespmem:$0x1AE0] =	vst v0  }
0xe2: {  	[tilespmem:$0x1AF0] =	vst v0  }
0xe3: {  	[tilespmem:$0x1B00] =	vst v0  }
0xe4: {  	[tilespmem:$0x1B10] =	vst v0  }
0xe5: {  	[tilespmem:$0x1B20] =	vst v0  }
0xe6: {  	[tilespmem:$0x1B30] =	vst v0  }
0xe7: {  	[tilespmem:$0x1B40] =	vst v0  }
0xe8: {  	[tilespmem:$0x1B50] =	vst v0  }
0xe9: {  	[tilespmem:$0x1B60] =	vst v0  }
0xea: {  	[tilespmem:$0x1B70] =	vst v0  }
0xeb: {  	[tilespmem:$0x1B80] =	vst v0  }
0xec: {  	[tilespmem:$0x1B90] =	vst v0  }
0xed: {  	[tilespmem:$0x1BA0] =	vst v0  }
0xee: {  	[tilespmem:$0x1BB0] =	vst v0  }
0xef: {  	[tilespmem:$0x1BC0] =	vst v0  }
0xf0: {  	[tilespmem:$0x1BD0] =	vst v0  }
0xf1: {  	[tilespmem:$0x1BE0] =	vst v0  }
0xf2: {  	s21 =	simm.s32 $0x1800;
	[tilespmem:$0x1BF0] =	vst v0  }
0xf3: {  	[spmem:s2] =	stream.linear.scatter [tilespmem:s21], [sflag:$0x2], $0x400, $0x38;
	[tilespmem:$0x1C40] =	vst v63  }
0xf4: {  	_ =	swait.ge [sflag:s3], $0x400  }
0xf5: {  	[sflag:s3] =	ssyncset.done $0x0  }
0xf6: {  	[sflag:s3] =	ssyncadd.s32 $0xFFFFFC00  }
.LBB2_3:
0xf7: {  	s21 =	simm.s32 $0x1  }
0xf8: {  	_ =	swait.ge [sflag:s21], $0x80  }
0xf9: {  	[sflag:s21] =	ssyncset.done $0x0  }
0xfa: {  	[sflag:s21] =	ssyncadd.s32 $0xFFFFFF80  }
0xfb: {  	_ =	swait.ge [sflag:s21], $0x80  }
0xfc: {  	[sflag:s21] =	ssyncset.done $0x0  }
0xfd: {  	[sflag:s21] =	ssyncadd.s32 $0xFFFFFF80  }
0xfe: {  	_ =	swait.ge [sflag:s21], $0x80  }
0xff: {  	[sflag:s21] =	ssyncset.done $0x0  }
0x100: {  	[sflag:s21] =	ssyncadd.s32 $0xFFFFFF80  }
0x101: {  	_ =	swait.ge [sflag:s21], $0x80  }
0x102: {  	[sflag:s21] =	ssyncset.done $0x0  }
0x103: {  	[sflag:s21] =	ssyncadd.s32 $0xFFFFFF80  }
0x104: {  	_ =	swait.ge [sflag:s21], $0x80  }
0x105: {  	[sflag:s21] =	ssyncset.done $0x0  }
0x106: {  	[sflag:s21] =	ssyncadd.s32 $0xFFFFFF80  }
0x107: {  	_ =	swait.ge [sflag:s21], $0x80  }
0x108: {  	[sflag:s21] =	ssyncset.done $0x0  }
0x109: {  	[sflag:s21] =	ssyncadd.s32 $0xFFFFFF80  }
0x10a: {  	_ =	swait.ge [sflag:s21], $0x80  }
0x10b: {  	[sflag:s21] =	ssyncset.done $0x0  }
0x10c: {  	[sflag:s21] =	ssyncadd.s32 $0xFFFFFF80  }
0x10d: {  	_ =	swait.ge [sflag:s21], $0x80  }
0x10e: {  	[sflag:s21] =	ssyncset.done $0x0  }
0x10f: {  	[sflag:s21] =	ssyncadd.s32 $0xFFFFFF80  }
0x110: {  	_ =	swait.ge [sflag:s21], $0x80  }
0x111: {  	[sflag:s21] =	ssyncset.done $0x0  }
0x112: {  	[sflag:s21] =	ssyncadd.s32 $0xFFFFFF80  }
0x113: {  	_ =	swait.ge [sflag:s21], $0x80  }
0x114: {  	[sflag:s21] =	ssyncset.done $0x0  }
0x115: {  	[sflag:s21] =	ssyncadd.s32 $0xFFFFFF80  }
0x116: {  	_ =	swait.ge [sflag:s21], $0x80  }
0x117: {  	[sflag:s21] =	ssyncset.done $0x0  }
0x118: {  	[sflag:s21] =	ssyncadd.s32 $0xFFFFFF80  }
0x119: {  	_ =	swait.ge [sflag:s21], $0x80  }
0x11a: {  	[sflag:s21] =	ssyncset.done $0x0  }
0x11b: {  	[sflag:s21] =	ssyncadd.s32 $0xFFFFFF80  }
0x11c: {  	_ =	swait.ge [sflag:s21], $0x80  }
0x11d: {  	[sflag:s21] =	ssyncset.done $0x0  }
0x11e: {  	[sflag:s21] =	ssyncadd.s32 $0xFFFFFF80  }
0x11f: {  	_ =	swait.ge [sflag:s21], $0x80  }
0x120: {  	[sflag:s21] =	ssyncset.done $0x0  }
0x121: {  	[sflag:s21] =	ssyncadd.s32 $0xFFFFFF80  }
0x122: {  	_ =	swait.ge [sflag:s21], $0x80  }
0x123: {  	[sflag:s21] =	ssyncset.done $0x0  }
0x124: {  	[sflag:s21] =	ssyncadd.s32 $0xFFFFFF80  }
0x125: {  	_ =	swait.ge [sflag:s21], $0x80  }
0x126: {  	[sflag:s21] =	ssyncset.done $0x0  }
0x127: {  	[sflag:s21] =	ssyncadd.s32 $0xFFFFFF80  }
0x128: {  	s28 =	simm.s32 $0x800;
	[bflag:$0x0] =	sbarrier.arrive $0xFFFF  }
0x129: {  	[spmem:s2] =	stream.indirect.scatter.add.f32 [tilespmem:s20], [sflag:$0x2], $0x1, s28, s4, $0xb8;
	[tilespmem:$0x1C40] =	vst v63  }
0x12a: {  	_ =	swait.ge [sflag:s3], $0x80  }
0x12b: {  	[sflag:s3] =	ssyncset.done $0x0  }
0x12c: {  	s29 =	simm.s32 $0x880;
	[sflag:s3] =	ssyncadd.s32 $0xFFFFFF80  }
0x12d: {  	[spmem:s2] =	stream.indirect.scatter.add.f32 [tilespmem:s19], [sflag:$0x2], $0x1, s29, s4, $0xb8;
	[tilespmem:$0x1C40] =	vst v63  }
0x12e: {  	_ =	swait.ge [sflag:s3], $0x80  }
0x12f: {  	[sflag:s3] =	ssyncset.done $0x0  }
0x130: {  	s30 =	simm.s32 $0x900;
	[sflag:s3] =	ssyncadd.s32 $0xFFFFFF80  }
0x131: {  	[spmem:s2] =	stream.indirect.scatter.add.f32 [tilespmem:s18], [sflag:$0x2], $0x1, s30, s4, $0xb8;
	[tilespmem:$0x1C40] =	vst v63  }
0x132: {  	_ =	swait.ge [sflag:s3], $0x80  }
0x133: {  	[sflag:s3] =	ssyncset.done $0x0  }
0x134: {  	s31 =	simm.s32 $0x980;
	[sflag:s3] =	ssyncadd.s32 $0xFFFFFF80  }
0x135: {  	[spmem:s2] =	stream.indirect.scatter.add.f32 [tilespmem:s17], [sflag:$0x2], $0x1, s31, s4, $0xb8;
	[tilespmem:$0x1C40] =	vst v63  }
0x136: {  	_ =	swait.ge [sflag:s3], $0x80  }
0x137: {  	[sflag:s3] =	ssyncset.done $0x0  }
0x138: {  	s19 =	simm.s32 $0xA00;
	[sflag:s3] =	ssyncadd.s32 $0xFFFFFF80  }
0x139: {  	[spmem:s2] =	stream.indirect.scatter.add.f32 [tilespmem:s16], [sflag:$0x2], $0x1, s19, s4, $0xb8;
	[tilespmem:$0x1C40] =	vst v63  }
0x13a: {  	_ =	swait.ge [sflag:s3], $0x80  }
0x13b: {  	[sflag:s3] =	ssyncset.done $0x0  }
0x13c: {  	s20 =	simm.s32 $0xA80;
	[sflag:s3] =	ssyncadd.s32 $0xFFFFFF80  }
0x13d: {  	[spmem:s2] =	stream.indirect.scatter.add.f32 [tilespmem:s15], [sflag:$0x2], $0x1, s20, s4, $0xb8;
	[tilespmem:$0x1C40] =	vst v63  }
0x13e: {  	_ =	swait.ge [sflag:s3], $0x80  }
0x13f: {  	[sflag:s3] =	ssyncset.done $0x0  }
0x140: {  	s21 =	simm.s32 $0xB00;
	[sflag:s3] =	ssyncadd.s32 $0xFFFFFF80  }
0x141: {  	[spmem:s2] =	stream.indirect.scatter.add.f32 [tilespmem:s14], [sflag:$0x2], $0x1, s21, s4, $0xb8;
	[tilespmem:$0x1C40] =	vst v63  }
0x142: {  	_ =	swait.ge [sflag:s3], $0x80  }
0x143: {  	[sflag:s3] =	ssyncset.done $0x0  }
0x144: {  	s22 =	simm.s32 $0xB80;
	[sflag:s3] =	ssyncadd.s32 $0xFFFFFF80  }
0x145: {  	[spmem:s2] =	stream.indirect.scatter.add.f32 [tilespmem:s13], [sflag:$0x2], $0x1, s22, s4, $0xb8;
	[tilespmem:$0x1C40] =	vst v63  }
0x146: {  	_ =	swait.ge [sflag:s3], $0x80  }
0x147: {  	[sflag:s3] =	ssyncset.done $0x0  }
0x148: {  	s23 =	simm.s32 $0xC00;
	[sflag:s3] =	ssyncadd.s32 $0xFFFFFF80  }
0x149: {  	[spmem:s2] =	stream.indirect.scatter.add.f32 [tilespmem:s12], [sflag:$0x2], $0x1, s23, s4, $0xb8;
	[tilespmem:$0x1C40] =	vst v63  }
0x14a: {  	_ =	swait.ge [sflag:s3], $0x80  }
0x14b: {  	[sflag:s3] =	ssyncset.done $0x0  }
0x14c: {  	s24 =	simm.s32 $0xC80;
	[sflag:s3] =	ssyncadd.s32 $0xFFFFFF80  }
0x14d: {  	[spmem:s2] =	stream.indirect.scatter.add.f32 [tilespmem:s11], [sflag:$0x2], $0x1, s24, s4, $0xb8;
	[tilespmem:$0x1C40] =	vst v63  }
0x14e: {  	_ =	swait.ge [sflag:s3], $0x80  }
0x14f: {  	[sflag:s3] =	ssyncset.done $0x0  }
0x150: {  	s25 =	simm.s32 $0xD00;
	[sflag:s3] =	ssyncadd.s32 $0xFFFFFF80  }
0x151: {  	[spmem:s2] =	stream.indirect.scatter.add.f32 [tilespmem:s10], [sflag:$0x2], $0x1, s25, s4, $0xb8;
	[tilespmem:$0x1C40] =	vst v63  }
0x152: {  	_ =	swait.ge [sflag:s3], $0x80  }
0x153: {  	[sflag:s3] =	ssyncset.done $0x0  }
0x154: {  	s26 =	simm.s32 $0xD80;
	[sflag:s3] =	ssyncadd.s32 $0xFFFFFF80  }
0x155: {  	[spmem:s2] =	stream.indirect.scatter.add.f32 [tilespmem:s9], [sflag:$0x2], $0x1, s26, s4, $0xb8;
	[tilespmem:$0x1C40] =	vst v63  }
0x156: {  	_ =	swait.ge [sflag:s3], $0x80  }
0x157: {  	[sflag:s3] =	ssyncset.done $0x0  }
0x158: {  	s28 =	simm.s32 $0xE00;
	[sflag:s3] =	ssyncadd.s32 $0xFFFFFF80  }
0x159: {  	[spmem:s2] =	stream.indirect.scatter.add.f32 [tilespmem:s8], [sflag:$0x2], $0x1, s28, s4, $0xb8;
	[tilespmem:$0x1C40] =	vst v63  }
0x15a: {  	_ =	swait.ge [sflag:s3], $0x80  }
0x15b: {  	[sflag:s3] =	ssyncset.done $0x0  }
0x15c: {  	s29 =	simm.s32 $0xE80;
	[sflag:s3] =	ssyncadd.s32 $0xFFFFFF80  }
0x15d: {  	[spmem:s2] =	stream.indirect.scatter.add.f32 [tilespmem:s7], [sflag:$0x2], $0x1, s29, s4, $0xb8;
	[tilespmem:$0x1C40] =	vst v63  }
0x15e: {  	_ =	swait.ge [sflag:s3], $0x80  }
0x15f: {  	[sflag:s3] =	ssyncset.done $0x0  }
0x160: {  	s30 =	simm.s32 $0xF00;
	[sflag:s3] =	ssyncadd.s32 $0xFFFFFF80  }
0x161: {  	[spmem:s2] =	stream.indirect.scatter.add.f32 [tilespmem:s6], [sflag:$0x2], $0x1, s30, s4, $0xb8;
	[tilespmem:$0x1C40] =	vst v63  }
0x162: {  	_ =	swait.ge [sflag:s3], $0x80  }
0x163: {  	[sflag:s3] =	ssyncset.done $0x0  }
0x164: {  	s31 =	simm.s32 $0xF80;
	[sflag:s3] =	ssyncadd.s32 $0xFFFFFF80  }
0x165: {  	[spmem:s2] =	stream.indirect.scatter.add.f32 [tilespmem:s5], [sflag:$0x2], $0x1, s31, s4, $0xb8;
	[tilespmem:$0x1C40] =	vst v63  }
0x166: {  	_ =	swait.ge [sflag:s3], $0x80  }
0x167: {  	[sflag:s3] =	ssyncset.done $0x0  }
0x168: {  	[sflag:s3] =	ssyncadd.s32 $0xFFFFFF80  }
0x169: {  	s2 =	sshrl.u32 @!p0 s2, $0x3;
	s3 =	simm.s32 @!p0 $0x1C02;
	[bflag:$0x0] =	sbarrier.arrive $0xFFFF  }
0x16a: {  	[hbm:s1], [sflag:s3] =	dma.local @!p0 [spmem:s2], $0x80  }
0x16b: {  	s1 =	simm.s32 @!p0 $0x2  }
0x16c: {  	_ =	swait.ge @!p0 [sflag:s1], $0x80  }
0x16d: {  	[sflag:s1] =	ssyncset.done @!p0 $0x0  }
0x16e: {  	[sflag:s1] =	ssyncadd.s32 @!p0 $0xFFFFFF80  }
.LBB2_4:
0x16f: {  	_ =	sfence.sel $0x180000  }
0x170: {  	[bflag:$0x0] =	sbarrier.arrive $0xFFFF  }
0x171: {  	_ =	strace $0x9000004A  }
0x172: {  	s0 =	sadd.s32 @!p0 $0x100000, s0;
	[bflag:$0x2] =	sbarrier.arrive $0xFFFF  }
0x173: {  	[sflag:s0] =	ssyncadd.tile.s32 @!p0 $0x1;
	_ =	shalt  }
.Lfunc_end2:
_tile_overlayer_lowered:
.L_overlay_start_2:
0x174: {  	(tag) =	ssettag $0x2  }
0x175: {  	s0 =	rddreg [dreg:$0x0];
	s2 =	stileid.u32  }
0x176: {  	s1 =	rddreg [dreg:$0x1];
	p0 =	sne.s32 s2, $0x0  }
0x177: {  	s3 =	rddreg [dreg:$0x2];
	[bflag:$0x3] =	sbarrier.arrive $0xFFFF;
	s2 =	simm.s32 @!p0 $0x1C02  }
0x178: {  	[timem:s3], [sflag:s2] =	dma.local @!p0 [hbm:s0], s1  }
0x179: {  	s0 =	simm.s32 @!p0 $0x2  }
0x17a: {  	_ =	swait.ge @!p0 [sflag:s0], s1  }
0x17b: {  	s1 =	ssub.s32 @!p0 $0x0, s1;
	[sflag:s0] =	ssyncset.done @!p0 $0x0  }
0x17c: {  	[sflag:s0] =	ssyncadd.s32 @!p0 s1  }
0x17d: {  	[bflag:$0x3] =	sbarrier.arrive $0xFFFF  }
0x17e: {  	_ =	shalt  }

</sc_bundles>
